<compile_context>
chip_gen: v7x
topology: tpu7x:2x2x1
jax: 0.10.2.dev20260603
libtpu: 0.0.44.dev20260713+nightly
codegen_flags: <defaults>
</compile_context>

<pallas_src>
import functools

import jax
import jax.numpy as jnp
from jax import lax
from jax.experimental import pallas as pl
from jax.experimental.pallas import tpu as pltpu
from jax.experimental.pallas import tpu_sc as plsc

N = 10000
E = 320000
D_IN = 128
D_HID = 256
D_OUT = 128

NSC = 2
NTILE = 16
NPAD = 10240
HIST_W = 128
K = 80


def _mesh():
    return plsc.VectorSubcoreMesh(core_axis_name="c", subcore_axis_name="s")


_EPW = E // (NSC * NTILE)
_HROWS = NPAD // NTILE


@functools.partial(
    pl.kernel,
    mesh=_mesh(),
    out_type=jax.ShapeDtypeStruct((NSC, NPAD, HIST_W), jnp.float32),
    scratch_types=[
        pltpu.VMEM((4, K), jnp.int32),
        pltpu.VMEM((K, HIST_W), jnp.float32),
        pltpu.VMEM_SHARED((NPAD, HIST_W), jnp.float32),
    ] + [pltpu.SemaphoreType.DMA] * 8,
)
def _sc_hist(idx, ones_hbm, zeros_hbm, out, didx, ones_v, hist, *sems):
    NB = 4
    c = lax.axis_index("c")
    s = lax.axis_index("s")
    w = s * NSC + c
    hrow = pl.multiple_of(s * _HROWS, 8)
    pltpu.sync_copy(ones_hbm, ones_v)
    pltpu.sync_copy(zeros_hbm.at[pl.ds(hrow, _HROWS)],
                    hist.at[pl.ds(hrow, _HROWS)])
    plsc.subcore_barrier()
    base = 2 * E + w * _EPW
    nit = _EPW // K
    sss = sems[:NB]
    sis = sems[NB:]

    def fire_idx(chunk, b):
        off = pl.multiple_of(base + chunk * K, 8)
        pltpu.async_copy(idx.at[pl.ds(off, K)], didx.at[b], sis[b])

    def wait_idx(chunk, b):
        off = pl.multiple_of(base + chunk * K, 8)
        pltpu.make_async_copy(idx.at[pl.ds(off, K)], didx.at[b],
                              sis[b]).wait()

    def fire_scatter(b):
        pltpu.async_copy(ones_v, hist.at[didx.at[b]], sss[b], add=True)

    def wait_scatter(b):
        pltpu.make_async_copy(ones_v, hist.at[didx.at[b]], sss[b]).wait()

    for b in range(NB):
        fire_idx(b, b)

    def body(step, carry):
        base_c = step * NB
        for b in range(NB):
            chunk = base_c + b

            @pl.when(chunk < nit)
            def _(b=b, chunk=chunk):
                wait_idx(chunk, b)
                fire_scatter(b)
        for b in range(NB):
            nxt = base_c + NB + b

            @pl.when(nxt < nit)
            def _(b=b, nxt=nxt):
                wait_scatter(b)
                fire_idx(nxt, b)
        return carry

    lax.fori_loop(0, (nit + NB - 1) // NB, body, 0)
    for b in range(NB):
        wait_scatter(b)
    plsc.subcore_barrier()
    pltpu.sync_copy(hist.at[pl.ds(hrow, _HROWS)],
                    out.at[c, pl.ds(hrow, _HROWS)])


def _make_sc_edge(dh, feature_split):
    ept = E // NTILE if feature_split else E // (NSC * NTILE)
    nit = ept // K
    rpt = NPAD // NTILE
    NB = 4

    @functools.partial(
        pl.kernel,
        mesh=_mesh(),
        out_type=jax.ShapeDtypeStruct((NSC, NPAD, dh), jnp.float32),
        scratch_types=[
            pltpu.VMEM((NB, K), jnp.int32),
            pltpu.VMEM((NB, K), jnp.int32),
            pltpu.VMEM((NB, K, dh), jnp.float32),
            pltpu.VMEM_SHARED((NPAD, dh), jnp.float32),
        ] + [pltpu.SemaphoreType.DMA] * (3 * NB),
    )
    def edge_k(g, idx, out, sidx, didx, rows, acc, *sems):
        c = lax.axis_index("c")
        s = lax.axis_index("s")
        arow = pl.multiple_of(s * rpt, 8)
        if feature_split:
            grow = pl.multiple_of(c * NPAD + s * rpt, 8)
            sbase = c * E + s * ept
            dbase = 2 * E + s * ept
        else:
            grow = arow
            sbase = c * (E // 2) + s * ept
            dbase = 2 * E + c * (E // 2) + s * ept
        pltpu.sync_copy(g.at[pl.ds(grow, rpt)], acc.at[pl.ds(arow, rpt)])
        plsc.subcore_barrier()
        sgs = sems[:NB]
        sss = sems[NB:2 * NB]
        sis = sems[2 * NB:]

        def fire_idx(chunk, b):
            soff = pl.multiple_of(sbase + chunk * K, 8)
            doff = pl.multiple_of(dbase + chunk * K, 8)
            pltpu.async_copy(idx.at[pl.ds(soff, K)], sidx.at[b], sis[b])
            pltpu.async_copy(idx.at[pl.ds(doff, K)], didx.at[b], sis[b])

        def wait_idx(chunk, b):
            soff = pl.multiple_of(sbase + chunk * K, 8)
            doff = pl.multiple_of(dbase + chunk * K, 8)
            pltpu.make_async_copy(idx.at[pl.ds(soff, K)], sidx.at[b],
                                  sis[b]).wait()
            pltpu.make_async_copy(idx.at[pl.ds(doff, K)], didx.at[b],
                                  sis[b]).wait()

        def fire_gather(b):
            pltpu.async_copy(g.at[sidx.at[b]], rows.at[b], sgs[b])

        def wait_gather(b):
            pltpu.make_async_copy(g.at[sidx.at[b]], rows.at[b], sgs[b]).wait()

        def fire_scatter(b):
            pltpu.async_copy(rows.at[b], acc.at[didx.at[b]], sss[b], add=True)

        def wait_scatter(b):
            pltpu.make_async_copy(rows.at[b], acc.at[didx.at[b]],
                                  sss[b]).wait()

        rings = (nit + NB - 1) // NB

        for b in range(NB):
            fire_idx(b, b)
        for b in range(NB):
            wait_idx(b, b)
            fire_gather(b)

        def body(step, carry):
            base_c = step * NB
            for b in range(NB):
                chunk = base_c + b

                @pl.when(chunk < nit)
                def _(b=b):
                    wait_gather(b)
                    fire_scatter(b)
            for b in range(NB):
                nxt = base_c + NB + b

                @pl.when(nxt < nit)
                def _(b=b, nxt=nxt):
                    wait_scatter(b)
                    fire_idx(nxt, b)
            for b in range(NB):
                nxt = base_c + NB + b

                @pl.when(nxt < nit)
                def _(b=b, nxt=nxt):
                    wait_idx(nxt, b)
                    fire_gather(b)
            return carry

        lax.fori_loop(0, rings, body, 0)
        for b in range(NB):
            wait_scatter(b)
        plsc.subcore_barrier()
        pltpu.sync_copy(acc.at[pl.ds(arow, rpt)],
                        out.at[c, pl.ds(arow, rpt)])

    return edge_k


_sc_edge_l1 = _make_sc_edge(D_HID // 2, feature_split=True)
_sc_edge_l2 = _make_sc_edge(D_OUT, feature_split=False)


R = 2048
G = NPAD // R


def _tc_pre_body(x_ref, w1_ref, dinv_ref, out_ref):
    h = jnp.dot(x_ref[...], w1_ref[...],
                preferred_element_type=jnp.float32,
                precision=lax.Precision.HIGHEST)
    g = h * dinv_ref[...]
    hw = D_HID // 2
    out_ref[0] = g[:, :hw]
    out_ref[1] = g[:, hw:]


def _tc_mid_body(s1_ref, dinv_ref, b1_ref, w2_ref, out_ref):
    dinv = dinv_ref[...]
    hw = D_HID // 2
    x2a = jnp.maximum(s1_ref[0] * dinv + b1_ref[0, :hw], 0.0)
    x2b = jnp.maximum(s1_ref[1] * dinv + b1_ref[0, hw:], 0.0)
    h2 = (jnp.dot(x2a, w2_ref[:hw], preferred_element_type=jnp.float32,
                  precision=lax.Precision.HIGHEST)
          + jnp.dot(x2b, w2_ref[hw:], preferred_element_type=jnp.float32,
                    precision=lax.Precision.HIGHEST))
    out_ref[...] = h2 * dinv


def _tc_post_body(s2_ref, g2_ref, dinv_ref, b2_ref, out_ref):
    s2 = s2_ref[0] + s2_ref[1] - g2_ref[...]
    out_ref[...] = jnp.maximum(s2 * dinv_ref[...] + b2_ref[0], 0.0)


_tc_pre = pl.pallas_call(
    _tc_pre_body,
    grid=(G,),
    in_specs=[
        pl.BlockSpec((R, D_IN), lambda r: (r, 0)),
        pl.BlockSpec((D_IN, D_HID), lambda r: (0, 0)),
        pl.BlockSpec((R, 1), lambda r: (r, 0)),
    ],
    out_specs=pl.BlockSpec((NSC, R, D_HID // 2), lambda r: (0, r, 0)),
    out_shape=jax.ShapeDtypeStruct((NSC, NPAD, D_HID // 2), jnp.float32),
)
_tc_mid = pl.pallas_call(
    _tc_mid_body,
    grid=(G,),
    in_specs=[
        pl.BlockSpec((NSC, R, D_HID // 2), lambda r: (0, r, 0)),
        pl.BlockSpec((R, 1), lambda r: (r, 0)),
        pl.BlockSpec((1, D_HID), lambda r: (0, 0)),
        pl.BlockSpec((D_HID, D_OUT), lambda r: (0, 0)),
    ],
    out_specs=pl.BlockSpec((R, D_OUT), lambda r: (r, 0)),
    out_shape=jax.ShapeDtypeStruct((NPAD, D_OUT), jnp.float32),
)
_tc_post = pl.pallas_call(
    _tc_post_body,
    grid=(G,),
    in_specs=[
        pl.BlockSpec((NSC, R, D_OUT), lambda r: (0, r, 0)),
        pl.BlockSpec((R, D_OUT), lambda r: (r, 0)),
        pl.BlockSpec((R, 1), lambda r: (r, 0)),
        pl.BlockSpec((1, D_OUT), lambda r: (0, 0)),
    ],
    out_specs=pl.BlockSpec((R, D_OUT), lambda r: (r, 0)),
    out_shape=jax.ShapeDtypeStruct((NPAD, D_OUT), jnp.float32),
)


def kernel(x, edge_index, W1, b1, W2, b2):
    ei = edge_index.astype(jnp.int32)
    src = ei[0]
    dst = ei[1]
    idx = jnp.concatenate([src, src + NPAD, dst])
    ones_c = jnp.ones((K, HIST_W), jnp.float32)
    zeros_c = jnp.zeros((NPAD, HIST_W), jnp.float32)

    hist = _sc_hist(idx, ones_c, zeros_c)
    deg = 1.0 + hist[0, :, 0] + hist[1, :, 0]
    dinv = lax.rsqrt(deg)[:, None]

    x_pad = jnp.zeros((NPAD, D_IN), x.dtype).at[:N].set(x)
    g1 = _tc_pre(x_pad, W1, dinv)
    s1 = _sc_edge_l1(g1.reshape(2 * NPAD, D_HID // 2), idx)
    g2 = _tc_mid(s1, dinv, b1.reshape(1, -1), W2)
    s2 = _sc_edge_l2(g2, idx)
    return _tc_post(s2, g2, dinv, b2.reshape(1, -1))[:N]

# --- scband reference (transcript-rebuilt; emitter-appended) ---
"""Pipeline reference for scband-model-18622978195581 (READ-ONLY COPY).

The authoritative reference and input builder live on the scoring server;
editing this copy changes nothing except your own understanding.
"""

import jax, jax.numpy as jnp
import numpy as np

N_NODES = 10000
N_EDGES = 320000
D_IN = 128
D_HID = 256  # 2 * out_channels
D_OUT = 128


def _gcn_layer(x, edge_index, W, b, num_nodes):
    # Linear transform first (GCNConv semantics)
    x = x @ W
    src = edge_index[0]
    dst = edge_index[1]
    # add self loops
    loop = jnp.arange(num_nodes, dtype=edge_index.dtype)
    src = jnp.concatenate([src, loop])
    dst = jnp.concatenate([dst, loop])
    # symmetric normalization D^{-1/2} (A+I) D^{-1/2}
    deg = jnp.zeros((num_nodes,), dtype=x.dtype).at[dst].add(1.0)
    dinv = jax.lax.rsqrt(jnp.maximum(deg, 1.0))
    norm = dinv[src] * dinv[dst]
    msgs = x[src] * norm[:, None]
    out = jnp.zeros((num_nodes, x.shape[1]), dtype=x.dtype).at[dst].add(msgs)
    return out + b


def setup_inputs(seed: int = 0) -> dict:
    key = jax.random.key(seed)
    k1, k2, k3, k4, k5, k6 = jax.random.split(key, 6)
    x = jax.random.normal(k1, (N_NODES, D_IN), dtype=jnp.float32)
    edge_index = jax.random.randint(k2, (2, N_EDGES), 0, N_NODES, dtype=jnp.int64)
    s1 = 1.0 / np.sqrt(D_IN)
    s2 = 1.0 / np.sqrt(D_HID)
    W1 = jax.random.uniform(k3, (D_IN, D_HID), dtype=jnp.float32, minval=-s1, maxval=s1)
    b1 = jnp.zeros((D_HID,), dtype=jnp.float32)
    W2 = jax.random.uniform(k5, (D_HID, D_OUT), dtype=jnp.float32, minval=-s2, maxval=s2)
    b2 = jnp.zeros((D_OUT,), dtype=jnp.float32)
    return {"x": x, "edge_index": edge_index, "W1": W1, "b1": b1, "W2": W2, "b2": b2}


def reference(x, edge_index, W1, b1, W2, b2):
    # Model.forward -> Encoder.forward: k=2 GCN layers, activation after each
    h = _gcn_layer(x, edge_index, W1, b1, N_NODES)
    h = jax.nn.relu(h)
    h = _gcn_layer(h, edge_index, W2, b2, N_NODES)
    h = jax.nn.relu(h)
    return h

if __name__ == "__main__":
    import jax
    _d = setup_inputs()
    print(jax.jit(kernel)(*tuple(_d.values())))

</pallas_src>

<mosaic_0001>
#map = affine_map<(d0, d1) -> (0)>
#map1 = affine_map<(d0, d1) -> (0, 0)>
#map2 = affine_map<(d0, d1) -> (0, 0, 0)>
module attributes {stable_mosaic.version = 14 : i64} {
  func.func @_sc_hist(%arg0: i32, %arg1: i32, %arg2: memref<960000xi32, #tpu.memory_space<hbm>>, %arg3: memref<80x128xf32, #tpu.memory_space<hbm>>, %arg4: memref<10240x128xf32, #tpu.memory_space<hbm>>, %arg5: memref<2x10240x128xf32, #tpu.memory_space<hbm>>, %arg6: memref<4x80xi32, #tpu.memory_space<vmem>>, %arg7: memref<80x128xf32, #tpu.memory_space<vmem>>, %arg8: memref<10240x128xf32, #tpu.memory_space<vmem_shared>>, %arg9: memref<!tpu.dma_semaphore, #tpu.memory_space<semaphore_mem>>, %arg10: memref<!tpu.dma_semaphore, #tpu.memory_space<semaphore_mem>>, %arg11: memref<!tpu.dma_semaphore, #tpu.memory_space<semaphore_mem>>, %arg12: memref<!tpu.dma_semaphore, #tpu.memory_space<semaphore_mem>>, %arg13: memref<!tpu.dma_semaphore, #tpu.memory_space<semaphore_mem>>, %arg14: memref<!tpu.dma_semaphore, #tpu.memory_space<semaphore_mem>>, %arg15: memref<!tpu.dma_semaphore, #tpu.memory_space<semaphore_mem>>, %arg16: memref<!tpu.dma_semaphore, #tpu.memory_space<semaphore_mem>>) attributes {dimension_semantics = [#tpu.dimension_semantics<core_parallel>, #tpu.dimension_semantics<subcore_parallel>], iteration_bounds = array<i64: 2, 16>, scalar_prefetch = 0 : i64, scratch_operands = 11 : i64, tpu.core_type = #tpu.core_type<sc_vector_subcore>, window_params = [{transform_indices = #map}, {transform_indices = #map1}, {transform_indices = #map1}, {transform_indices = #map2}]} {
    %mul3A = arith.constant 2 : i32
    %mul3A_0 = arith.muli %arg1, %mul3A : i32
    %add3A = arith.addi %mul3A_0, %arg0 : i32
    %mul3A_1 = arith.constant 640 : i32
    %mul3A_2 = arith.muli %arg1, %mul3A_1 : i32
    %multiple_of3A = tpu.assume_multiple %mul3A_2, 8 : i32
    "tpu.region"() ({
      %run_scoped3A = tpu.sem_alloc : memref<!tpu.dma_semaphore, #tpu.memory_space<semaphore_mem>>
      tpu.enqueue_dma source(%arg3 : memref<80x128xf32, #tpu.memory_space<hbm>>) target(%arg7 : memref<80x128xf32, #tpu.memory_space<vmem>>) target_semaphore(%run_scoped3A : memref<!tpu.dma_semaphore, #tpu.memory_space<semaphore_mem>>)
      tpu.wait_dma2 semaphore(%run_scoped3A : memref<!tpu.dma_semaphore, #tpu.memory_space<semaphore_mem>>) src(%arg3 : memref<80x128xf32, #tpu.memory_space<hbm>>) dst(%arg7 : memref<80x128xf32, #tpu.memory_space<vmem>>)
      tpu.yield
    }) : () -> ()
    "tpu.region"() ({
      %run_scoped3A = tpu.sem_alloc : memref<!tpu.dma_semaphore, #tpu.memory_space<semaphore_mem>>
      %dma_start3A_87 = arith.constant 0 : i32
      %dma_start3A_88 = tpu.memref_slice %arg8[%multiple_of3A, %dma_start3A_87] : memref<10240x128xf32, #tpu.memory_space<vmem_shared>> -> memref<640x128xf32, #tpu.memory_space<vmem_shared>>
      %dma_start3A_89 = arith.constant 0 : i32
      %dma_start3A_90 = tpu.memref_slice %arg4[%multiple_of3A, %dma_start3A_89] : memref<10240x128xf32, #tpu.memory_space<hbm>> -> memref<640x128xf32, #tpu.memory_space<hbm>>
      tpu.enqueue_dma source(%dma_start3A_90 : memref<640x128xf32, #tpu.memory_space<hbm>>) target(%dma_start3A_88 : memref<640x128xf32, #tpu.memory_space<vmem_shared>>) target_semaphore(%run_scoped3A : memref<!tpu.dma_semaphore, #tpu.memory_space<semaphore_mem>>)
      %dma_wait3A_91 = arith.constant 0 : i32
      %dma_wait3A_92 = tpu.memref_slice %arg8[%multiple_of3A, %dma_wait3A_91] : memref<10240x128xf32, #tpu.memory_space<vmem_shared>> -> memref<640x128xf32, #tpu.memory_space<vmem_shared>>
      %dma_wait3A_93 = arith.constant 0 : i32
      %dma_wait3A_94 = tpu.memref_slice %arg4[%multiple_of3A, %dma_wait3A_93] : memref<10240x128xf32, #tpu.memory_space<hbm>> -> memref<640x128xf32, #tpu.memory_space<hbm>>
      tpu.wait_dma2 semaphore(%run_scoped3A : memref<!tpu.dma_semaphore, #tpu.memory_space<semaphore_mem>>) src(%dma_wait3A_94 : memref<640x128xf32, #tpu.memory_space<hbm>>) dst(%dma_wait3A_92 : memref<640x128xf32, #tpu.memory_space<vmem_shared>>)
      tpu.yield
    }) : () -> ()
    %barrier3A = arith.constant 0 : index
    tpu.barrier barrier_id(%barrier3A)
    %mul3A_3 = arith.constant 10000 : i32
    %mul3A_4 = arith.muli %add3A, %mul3A_3 : i32
    %add3A_5 = arith.constant 640000 : i32
    %add3A_6 = arith.addi %add3A_5, %mul3A_4 : i32
    %add3A_7 = arith.constant 0 : i32
    %add3A_8 = arith.addi %add3A_6, %add3A_7 : i32
    %multiple_of3A_9 = tpu.assume_multiple %add3A_8, 8 : i32
    %dma_start3A = arith.constant 0 : i32
    %dma_start3A_10 = arith.constant 0 : i32
    %dma_start3A_11 = tpu.memref_slice %arg6[%dma_start3A, %dma_start3A_10] : memref<4x80xi32, #tpu.memory_space<vmem>> -> memref<1x80xi32, #tpu.memory_space<vmem>>
    %dma_start3A_12 = tpu.memref_squeeze %dma_start3A_11 : memref<1x80xi32, #tpu.memory_space<vmem>> -> memref<80xi32, #tpu.memory_space<vmem>>
    %dma_start3A_13 = tpu.memref_slice %arg2[%multiple_of3A_9] : memref<960000xi32, #tpu.memory_space<hbm>> -> memref<80xi32, #tpu.memory_space<hbm>>
    %dma_start3A_14 = arith.constant 0 : i32
    %dma_start3A_15 = tpu.memref_slice %arg6[%dma_start3A, %dma_start3A_14] : memref<4x80xi32, #tpu.memory_space<vmem>> -> memref<1x80xi32, #tpu.memory_space<vmem>>
    %dma_start3A_16 = tpu.memref_squeeze %dma_start3A_15 : memref<1x80xi32, #tpu.memory_space<vmem>> -> memref<80xi32, #tpu.memory_space<vmem>>
    %dma_start3A_17 = tpu.memref_slice %arg2[%multiple_of3A_9] : memref<960000xi32, #tpu.memory_space<hbm>> -> memref<80xi32, #tpu.memory_space<hbm>>
    tpu.enqueue_dma source(%dma_start3A_17 : memref<80xi32, #tpu.memory_space<hbm>>) target(%dma_start3A_16 : memref<80xi32, #tpu.memory_space<vmem>>) target_semaphore(%arg13 : memref<!tpu.dma_semaphore, #tpu.memory_space<semaphore_mem>>)
    %add3A_18 = arith.constant 80 : i32
    %add3A_19 = arith.addi %add3A_6, %add3A_18 : i32
    %multiple_of3A_20 = tpu.assume_multiple %add3A_19, 8 : i32
    %dma_start3A_21 = arith.constant 1 : i32
    %dma_start3A_22 = arith.constant 0 : i32
    %dma_start3A_23 = tpu.memref_slice %arg6[%dma_start3A_21, %dma_start3A_22] : memref<4x80xi32, #tpu.memory_space<vmem>> -> memref<1x80xi32, #tpu.memory_space<vmem>>
    %dma_start3A_24 = tpu.memref_squeeze %dma_start3A_23 : memref<1x80xi32, #tpu.memory_space<vmem>> -> memref<80xi32, #tpu.memory_space<vmem>>
    %dma_start3A_25 = tpu.memref_slice %arg2[%multiple_of3A_20] : memref<960000xi32, #tpu.memory_space<hbm>> -> memref<80xi32, #tpu.memory_space<hbm>>
    %dma_start3A_26 = arith.constant 0 : i32
    %dma_start3A_27 = tpu.memref_slice %arg6[%dma_start3A_21, %dma_start3A_26] : memref<4x80xi32, #tpu.memory_space<vmem>> -> memref<1x80xi32, #tpu.memory_space<vmem>>
    %dma_start3A_28 = tpu.memref_squeeze %dma_start3A_27 : memref<1x80xi32, #tpu.memory_space<vmem>> -> memref<80xi32, #tpu.memory_space<vmem>>
    %dma_start3A_29 = tpu.memref_slice %arg2[%multiple_of3A_20] : memref<960000xi32, #tpu.memory_space<hbm>> -> memref<80xi32, #tpu.memory_space<hbm>>
    tpu.enqueue_dma source(%dma_start3A_29 : memref<80xi32, #tpu.memory_space<hbm>>) target(%dma_start3A_28 : memref<80xi32, #tpu.memory_space<vmem>>) target_semaphore(%arg14 : memref<!tpu.dma_semaphore, #tpu.memory_space<semaphore_mem>>)
    %add3A_30 = arith.constant 160 : i32
    %add3A_31 = arith.addi %add3A_6, %add3A_30 : i32
    %multiple_of3A_32 = tpu.assume_multiple %add3A_31, 8 : i32
    %dma_start3A_33 = arith.constant 2 : i32
    %dma_start3A_34 = arith.constant 0 : i32
    %dma_start3A_35 = tpu.memref_slice %arg6[%dma_start3A_33, %dma_start3A_34] : memref<4x80xi32, #tpu.memory_space<vmem>> -> memref<1x80xi32, #tpu.memory_space<vmem>>
    %dma_start3A_36 = tpu.memref_squeeze %dma_start3A_35 : memref<1x80xi32, #tpu.memory_space<vmem>> -> memref<80xi32, #tpu.memory_space<vmem>>
    %dma_start3A_37 = tpu.memref_slice %arg2[%multiple_of3A_32] : memref<960000xi32, #tpu.memory_space<hbm>> -> memref<80xi32, #tpu.memory_space<hbm>>
    %dma_start3A_38 = arith.constant 0 : i32
    %dma_start3A_39 = tpu.memref_slice %arg6[%dma_start3A_33, %dma_start3A_38] : memref<4x80xi32, #tpu.memory_space<vmem>> -> memref<1x80xi32, #tpu.memory_space<vmem>>
    %dma_start3A_40 = tpu.memref_squeeze %dma_start3A_39 : memref<1x80xi32, #tpu.memory_space<vmem>> -> memref<80xi32, #tpu.memory_space<vmem>>
    %dma_start3A_41 = tpu.memref_slice %arg2[%multiple_of3A_32] : memref<960000xi32, #tpu.memory_space<hbm>> -> memref<80xi32, #tpu.memory_space<hbm>>
    tpu.enqueue_dma source(%dma_start3A_41 : memref<80xi32, #tpu.memory_space<hbm>>) target(%dma_start3A_40 : memref<80xi32, #tpu.memory_space<vmem>>) target_semaphore(%arg15 : memref<!tpu.dma_semaphore, #tpu.memory_space<semaphore_mem>>)
    %add3A_42 = arith.constant 240 : i32
    %add3A_43 = arith.addi %add3A_6, %add3A_42 : i32
    %multiple_of3A_44 = tpu.assume_multiple %add3A_43, 8 : i32
    %dma_start3A_45 = arith.constant 3 : i32
    %dma_start3A_46 = arith.constant 0 : i32
    %dma_start3A_47 = tpu.memref_slice %arg6[%dma_start3A_45, %dma_start3A_46] : memref<4x80xi32, #tpu.memory_space<vmem>> -> memref<1x80xi32, #tpu.memory_space<vmem>>
    %dma_start3A_48 = tpu.memref_squeeze %dma_start3A_47 : memref<1x80xi32, #tpu.memory_space<vmem>> -> memref<80xi32, #tpu.memory_space<vmem>>
    %dma_start3A_49 = tpu.memref_slice %arg2[%multiple_of3A_44] : memref<960000xi32, #tpu.memory_space<hbm>> -> memref<80xi32, #tpu.memory_space<hbm>>
    %dma_start3A_50 = arith.constant 0 : i32
    %dma_start3A_51 = tpu.memref_slice %arg6[%dma_start3A_45, %dma_start3A_50] : memref<4x80xi32, #tpu.memory_space<vmem>> -> memref<1x80xi32, #tpu.memory_space<vmem>>
    %dma_start3A_52 = tpu.memref_squeeze %dma_start3A_51 : memref<1x80xi32, #tpu.memory_space<vmem>> -> memref<80xi32, #tpu.memory_space<vmem>>
    %dma_start3A_53 = tpu.memref_slice %arg2[%multiple_of3A_44] : memref<960000xi32, #tpu.memory_space<hbm>> -> memref<80xi32, #tpu.memory_space<hbm>>
    tpu.enqueue_dma source(%dma_start3A_53 : memref<80xi32, #tpu.memory_space<hbm>>) target(%dma_start3A_52 : memref<80xi32, #tpu.memory_space<vmem>>) target_semaphore(%arg16 : memref<!tpu.dma_semaphore, #tpu.memory_space<semaphore_mem>>)
    %scan3A = arith.constant 0 : i32
    %scan3A_54 = arith.constant 0 : i32
    %scan3A_55 = arith.constant 32 : i32
    %scan3A_56 = arith.addi %scan3A_54, %scan3A_55 : i32
    %scan3A_57 = arith.constant 1 : i32
    scf.for %scan3A_87 = %scan3A_54 to %scan3A_56 step %scan3A_57  : i32 {
      %mul3A_88 = arith.constant 4 : i32
      %mul3A_89 = arith.muli %scan3A_87, %mul3A_88 : i32
      %add3A_90 = arith.constant 0 : i32
      %add3A_91 = arith.addi %mul3A_89, %add3A_90 : i32
      %lt3A = arith.constant 125 : i32
      %lt3A_92 = arith.cmpi slt, %add3A_91, %lt3A : i32
      %convert_element_type3A = arith.extui %lt3A_92 : i1 to i32
      %cond3A = arith.constant 0 : i32
      %cond3A_93 = arith.cmpi ne, %convert_element_type3A, %cond3A : i32
      scf.if %cond3A_93 {
        %mul3A_151 = arith.constant 80 : i32
        %mul3A_152 = arith.muli %add3A_91, %mul3A_151 : i32
        %add3A_153 = arith.addi %add3A_6, %mul3A_152 : i32
        %multiple_of3A_154 = tpu.assume_multiple %add3A_153, 8 : i32
        %dma_wait3A_155 = arith.constant 0 : i32
        %dma_wait3A_156 = arith.constant 0 : i32
        %dma_wait3A_157 = tpu.memref_slice %arg6[%dma_wait3A_155, %dma_wait3A_156] : memref<4x80xi32, #tpu.memory_space<vmem>> -> memref<1x80xi32, #tpu.memory_space<vmem>>
        %dma_wait3A_158 = tpu.memref_squeeze %dma_wait3A_157 : memref<1x80xi32, #tpu.memory_space<vmem>> -> memref<80xi32, #tpu.memory_space<vmem>>
        %dma_wait3A_159 = tpu.memref_slice %arg2[%multiple_of3A_154] : memref<960000xi32, #tpu.memory_space<hbm>> -> memref<80xi32, #tpu.memory_space<hbm>>
        %dma_wait3A_160 = arith.constant 0 : i32
        %dma_wait3A_161 = tpu.memref_slice %arg6[%dma_wait3A_155, %dma_wait3A_160] : memref<4x80xi32, #tpu.memory_space<vmem>> -> memref<1x80xi32, #tpu.memory_space<vmem>>
        %dma_wait3A_162 = tpu.memref_squeeze %dma_wait3A_161 : memref<1x80xi32, #tpu.memory_space<vmem>> -> memref<80xi32, #tpu.memory_space<vmem>>
        %dma_wait3A_163 = tpu.memref_slice %arg2[%multiple_of3A_154] : memref<960000xi32, #tpu.memory_space<hbm>> -> memref<80xi32, #tpu.memory_space<hbm>>
        tpu.wait_dma2 semaphore(%arg13 : memref<!tpu.dma_semaphore, #tpu.memory_space<semaphore_mem>>) src(%dma_wait3A_163 : memref<80xi32, #tpu.memory_space<hbm>>) dst(%dma_wait3A_162 : memref<80xi32, #tpu.memory_space<vmem>>)
        %dma_start3A_164 = arith.constant 0 : i32
        %dma_start3A_165 = arith.constant 0 : i32
        %dma_start3A_166 = tpu.memref_slice %arg6[%dma_start3A_164, %dma_start3A_165] : memref<4x80xi32, #tpu.memory_space<vmem>> -> memref<1x80xi32, #tpu.memory_space<vmem>>
        %dma_start3A_167 = tpu.memref_squeeze %dma_start3A_166 : memref<1x80xi32, #tpu.memory_space<vmem>> -> memref<80xi32, #tpu.memory_space<vmem>>
        %dma_start3A_168 = arith.constant 0 : i32
        %dma_start3A_169 = arith.constant 0 : i32
        %dma_start3A_170 = tpu.memref_slice %arg8[%dma_start3A_168, %dma_start3A_169] : memref<10240x128xf32, #tpu.memory_space<vmem_shared>> -> memref<10240x128xf32, #tpu.memory_space<vmem_shared>>
        tpu.enqueue_indirect_dma source(%arg7 : memref<80x128xf32, #tpu.memory_space<vmem>>) target(%dma_start3A_170 : memref<10240x128xf32, #tpu.memory_space<vmem_shared>>) offsets(%dma_start3A_167 : memref<80xi32, #tpu.memory_space<vmem>>) semaphore(%arg9 : memref<!tpu.dma_semaphore, #tpu.memory_space<semaphore_mem>>) {add = true}
      } else {
      }
      %add3A_94 = arith.constant 1 : i32
      %add3A_95 = arith.addi %mul3A_89, %add3A_94 : i32
      %lt3A_96 = arith.constant 125 : i32
      %lt3A_97 = arith.cmpi slt, %add3A_95, %lt3A_96 : i32
      %convert_element_type3A_98 = arith.extui %lt3A_97 : i1 to i32
      %cond3A_99 = arith.constant 0 : i32
      %cond3A_100 = arith.cmpi ne, %convert_element_type3A_98, %cond3A_99 : i32
      scf.if %cond3A_100 {
        %mul3A_151 = arith.constant 80 : i32
        %mul3A_152 = arith.muli %add3A_95, %mul3A_151 : i32
        %add3A_153 = arith.addi %add3A_6, %mul3A_152 : i32
        %multiple_of3A_154 = tpu.assume_multiple %add3A_153, 8 : i32
        %dma_wait3A_155 = arith.constant 1 : i32
        %dma_wait3A_156 = arith.constant 0 : i32
        %dma_wait3A_157 = tpu.memref_slice %arg6[%dma_wait3A_155, %dma_wait3A_156] : memref<4x80xi32, #tpu.memory_space<vmem>> -> memref<1x80xi32, #tpu.memory_space<vmem>>
        %dma_wait3A_158 = tpu.memref_squeeze %dma_wait3A_157 : memref<1x80xi32, #tpu.memory_space<vmem>> -> memref<80xi32, #tpu.memory_space<vmem>>
        %dma_wait3A_159 = tpu.memref_slice %arg2[%multiple_of3A_154] : memref<960000xi32, #tpu.memory_space<hbm>> -> memref<80xi32, #tpu.memory_space<hbm>>
        %dma_wait3A_160 = arith.constant 0 : i32
        %dma_wait3A_161 = tpu.memref_slice %arg6[%dma_wait3A_155, %dma_wait3A_160] : memref<4x80xi32, #tpu.memory_space<vmem>> -> memref<1x80xi32, #tpu.memory_space<vmem>>
        %dma_wait3A_162 = tpu.memref_squeeze %dma_wait3A_161 : memref<1x80xi32, #tpu.memory_space<vmem>> -> memref<80xi32, #tpu.memory_space<vmem>>
        %dma_wait3A_163 = tpu.memref_slice %arg2[%multiple_of3A_154] : memref<960000xi32, #tpu.memory_space<hbm>> -> memref<80xi32, #tpu.memory_space<hbm>>
        tpu.wait_dma2 semaphore(%arg14 : memref<!tpu.dma_semaphore, #tpu.memory_space<semaphore_mem>>) src(%dma_wait3A_163 : memref<80xi32, #tpu.memory_space<hbm>>) dst(%dma_wait3A_162 : memref<80xi32, #tpu.memory_space<vmem>>)
        %dma_start3A_164 = arith.constant 1 : i32
        %dma_start3A_165 = arith.constant 0 : i32
        %dma_start3A_166 = tpu.memref_slice %arg6[%dma_start3A_164, %dma_start3A_165] : memref<4x80xi32, #tpu.memory_space<vmem>> -> memref<1x80xi32, #tpu.memory_space<vmem>>
        %dma_start3A_167 = tpu.memref_squeeze %dma_start3A_166 : memref<1x80xi32, #tpu.memory_space<vmem>> -> memref<80xi32, #tpu.memory_space<vmem>>
        %dma_start3A_168 = arith.constant 0 : i32
        %dma_start3A_169 = arith.constant 0 : i32
        %dma_start3A_170 = tpu.memref_slice %arg8[%dma_start3A_168, %dma_start3A_169] : memref<10240x128xf32, #tpu.memory_space<vmem_shared>> -> memref<10240x128xf32, #tpu.memory_space<vmem_shared>>
        tpu.enqueue_indirect_dma source(%arg7 : memref<80x128xf32, #tpu.memory_space<vmem>>) target(%dma_start3A_170 : memref<10240x128xf32, #tpu.memory_space<vmem_shared>>) offsets(%dma_start3A_167 : memref<80xi32, #tpu.memory_space<vmem>>) semaphore(%arg10 : memref<!tpu.dma_semaphore, #tpu.memory_space<semaphore_mem>>) {add = true}
      } else {
      }
      %add3A_101 = arith.constant 2 : i32
      %add3A_102 = arith.addi %mul3A_89, %add3A_101 : i32
      %lt3A_103 = arith.constant 125 : i32
      %lt3A_104 = arith.cmpi slt, %add3A_102, %lt3A_103 : i32
      %convert_element_type3A_105 = arith.extui %lt3A_104 : i1 to i32
      %cond3A_106 = arith.constant 0 : i32
      %cond3A_107 = arith.cmpi ne, %convert_element_type3A_105, %cond3A_106 : i32
      scf.if %cond3A_107 {
        %mul3A_151 = arith.constant 80 : i32
        %mul3A_152 = arith.muli %add3A_102, %mul3A_151 : i32
        %add3A_153 = arith.addi %add3A_6, %mul3A_152 : i32
        %multiple_of3A_154 = tpu.assume_multiple %add3A_153, 8 : i32
        %dma_wait3A_155 = arith.constant 2 : i32
        %dma_wait3A_156 = arith.constant 0 : i32
        %dma_wait3A_157 = tpu.memref_slice %arg6[%dma_wait3A_155, %dma_wait3A_156] : memref<4x80xi32, #tpu.memory_space<vmem>> -> memref<1x80xi32, #tpu.memory_space<vmem>>
        %dma_wait3A_158 = tpu.memref_squeeze %dma_wait3A_157 : memref<1x80xi32, #tpu.memory_space<vmem>> -> memref<80xi32, #tpu.memory_space<vmem>>
        %dma_wait3A_159 = tpu.memref_slice %arg2[%multiple_of3A_154] : memref<960000xi32, #tpu.memory_space<hbm>> -> memref<80xi32, #tpu.memory_space<hbm>>
        %dma_wait3A_160 = arith.constant 0 : i32
        %dma_wait3A_161 = tpu.memref_slice %arg6[%dma_wait3A_155, %dma_wait3A_160] : memref<4x80xi32, #tpu.memory_space<vmem>> -> memref<1x80xi32, #tpu.memory_space<vmem>>
        %dma_wait3A_162 = tpu.memref_squeeze %dma_wait3A_161 : memref<1x80xi32, #tpu.memory_space<vmem>> -> memref<80xi32, #tpu.memory_space<vmem>>
        %dma_wait3A_163 = tpu.memref_slice %arg2[%multiple_of3A_154] : memref<960000xi32, #tpu.memory_space<hbm>> -> memref<80xi32, #tpu.memory_space<hbm>>
        tpu.wait_dma2 semaphore(%arg15 : memref<!tpu.dma_semaphore, #tpu.memory_space<semaphore_mem>>) src(%dma_wait3A_163 : memref<80xi32, #tpu.memory_space<hbm>>) dst(%dma_wait3A_162 : memref<80xi32, #tpu.memory_space<vmem>>)
        %dma_start3A_164 = arith.constant 2 : i32
        %dma_start3A_165 = arith.constant 0 : i32
        %dma_start3A_166 = tpu.memref_slice %arg6[%dma_start3A_164, %dma_start3A_165] : memref<4x80xi32, #tpu.memory_space<vmem>> -> memref<1x80xi32, #tpu.memory_space<vmem>>
        %dma_start3A_167 = tpu.memref_squeeze %dma_start3A_166 : memref<1x80xi32, #tpu.memory_space<vmem>> -> memref<80xi32, #tpu.memory_space<vmem>>
        %dma_start3A_168 = arith.constant 0 : i32
        %dma_start3A_169 = arith.constant 0 : i32
        %dma_start3A_170 = tpu.memref_slice %arg8[%dma_start3A_168, %dma_start3A_169] : memref<10240x128xf32, #tpu.memory_space<vmem_shared>> -> memref<10240x128xf32, #tpu.memory_space<vmem_shared>>
        tpu.enqueue_indirect_dma source(%arg7 : memref<80x128xf32, #tpu.memory_space<vmem>>) target(%dma_start3A_170 : memref<10240x128xf32, #tpu.memory_space<vmem_shared>>) offsets(%dma_start3A_167 : memref<80xi32, #tpu.memory_space<vmem>>) semaphore(%arg11 : memref<!tpu.dma_semaphore, #tpu.memory_space<semaphore_mem>>) {add = true}
      } else {
      }
      %add3A_108 = arith.constant 3 : i32
      %add3A_109 = arith.addi %mul3A_89, %add3A_108 : i32
      %lt3A_110 = arith.constant 125 : i32
      %lt3A_111 = arith.cmpi slt, %add3A_109, %lt3A_110 : i32
      %convert_element_type3A_112 = arith.extui %lt3A_111 : i1 to i32
      %cond3A_113 = arith.constant 0 : i32
      %cond3A_114 = arith.cmpi ne, %convert_element_type3A_112, %cond3A_113 : i32
      scf.if %cond3A_114 {
        %mul3A_151 = arith.constant 80 : i32
        %mul3A_152 = arith.muli %add3A_109, %mul3A_151 : i32
        %add3A_153 = arith.addi %add3A_6, %mul3A_152 : i32
        %multiple_of3A_154 = tpu.assume_multiple %add3A_153, 8 : i32
        %dma_wait3A_155 = arith.constant 3 : i32
        %dma_wait3A_156 = arith.constant 0 : i32
        %dma_wait3A_157 = tpu.memref_slice %arg6[%dma_wait3A_155, %dma_wait3A_156] : memref<4x80xi32, #tpu.memory_space<vmem>> -> memref<1x80xi32, #tpu.memory_space<vmem>>
        %dma_wait3A_158 = tpu.memref_squeeze %dma_wait3A_157 : memref<1x80xi32, #tpu.memory_space<vmem>> -> memref<80xi32, #tpu.memory_space<vmem>>
        %dma_wait3A_159 = tpu.memref_slice %arg2[%multiple_of3A_154] : memref<960000xi32, #tpu.memory_space<hbm>> -> memref<80xi32, #tpu.memory_space<hbm>>
        %dma_wait3A_160 = arith.constant 0 : i32
        %dma_wait3A_161 = tpu.memref_slice %arg6[%dma_wait3A_155, %dma_wait3A_160] : memref<4x80xi32, #tpu.memory_space<vmem>> -> memref<1x80xi32, #tpu.memory_space<vmem>>
        %dma_wait3A_162 = tpu.memref_squeeze %dma_wait3A_161 : memref<1x80xi32, #tpu.memory_space<vmem>> -> memref<80xi32, #tpu.memory_space<vmem>>
        %dma_wait3A_163 = tpu.memref_slice %arg2[%multiple_of3A_154] : memref<960000xi32, #tpu.memory_space<hbm>> -> memref<80xi32, #tpu.memory_space<hbm>>
        tpu.wait_dma2 semaphore(%arg16 : memref<!tpu.dma_semaphore, #tpu.memory_space<semaphore_mem>>) src(%dma_wait3A_163 : memref<80xi32, #tpu.memory_space<hbm>>) dst(%dma_wait3A_162 : memref<80xi32, #tpu.memory_space<vmem>>)
        %dma_start3A_164 = arith.constant 3 : i32
        %dma_start3A_165 = arith.constant 0 : i32
        %dma_start3A_166 = tpu.memref_slice %arg6[%dma_start3A_164, %dma_start3A_165] : memref<4x80xi32, #tpu.memory_space<vmem>> -> memref<1x80xi32, #tpu.memory_space<vmem>>
        %dma_start3A_167 = tpu.memref_squeeze %dma_start3A_166 : memref<1x80xi32, #tpu.memory_space<vmem>> -> memref<80xi32, #tpu.memory_space<vmem>>
        %dma_start3A_168 = arith.constant 0 : i32
        %dma_start3A_169 = arith.constant 0 : i32
        %dma_start3A_170 = tpu.memref_slice %arg8[%dma_start3A_168, %dma_start3A_169] : memref<10240x128xf32, #tpu.memory_space<vmem_shared>> -> memref<10240x128xf32, #tpu.memory_space<vmem_shared>>
        tpu.enqueue_indirect_dma source(%arg7 : memref<80x128xf32, #tpu.memory_space<vmem>>) target(%dma_start3A_170 : memref<10240x128xf32, #tpu.memory_space<vmem_shared>>) offsets(%dma_start3A_167 : memref<80xi32, #tpu.memory_space<vmem>>) semaphore(%arg12 : memref<!tpu.dma_semaphore, #tpu.memory_space<semaphore_mem>>) {add = true}
      } else {
      }
      %add3A_115 = arith.constant 4 : i32
      %add3A_116 = arith.addi %mul3A_89, %add3A_115 : i32
      %add3A_117 = arith.constant 0 : i32
      %add3A_118 = arith.addi %add3A_116, %add3A_117 : i32
      %lt3A_119 = arith.constant 125 : i32
      %lt3A_120 = arith.cmpi slt, %add3A_118, %lt3A_119 : i32
      %convert_element_type3A_121 = arith.extui %lt3A_120 : i1 to i32
      %cond3A_122 = arith.constant 0 : i32
      %cond3A_123 = arith.cmpi ne, %convert_element_type3A_121, %cond3A_122 : i32
      scf.if %cond3A_123 {
        %dma_wait3A_151 = arith.constant 0 : i32
        %dma_wait3A_152 = arith.constant 0 : i32
        %dma_wait3A_153 = tpu.memref_slice %arg6[%dma_wait3A_151, %dma_wait3A_152] : memref<4x80xi32, #tpu.memory_space<vmem>> -> memref<1x80xi32, #tpu.memory_space<vmem>>
        %dma_wait3A_154 = tpu.memref_squeeze %dma_wait3A_153 : memref<1x80xi32, #tpu.memory_space<vmem>> -> memref<80xi32, #tpu.memory_space<vmem>>
        %dma_wait3A_155 = arith.constant 0 : i32
        %dma_wait3A_156 = arith.constant 0 : i32
        %dma_wait3A_157 = tpu.memref_slice %arg8[%dma_wait3A_155, %dma_wait3A_156] : memref<10240x128xf32, #tpu.memory_space<vmem_shared>> -> memref<10240x128xf32, #tpu.memory_space<vmem_shared>>
        tpu.wait_indirect_dma semaphore(%arg9 : memref<!tpu.dma_semaphore, #tpu.memory_space<semaphore_mem>>) src(%arg7 : memref<80x128xf32, #tpu.memory_space<vmem>>) dst(%dma_wait3A_157 : memref<10240x128xf32, #tpu.memory_space<vmem_shared>>)
        %mul3A_158 = arith.constant 80 : i32
        %mul3A_159 = arith.muli %add3A_118, %mul3A_158 : i32
        %add3A_160 = arith.addi %add3A_6, %mul3A_159 : i32
        %multiple_of3A_161 = tpu.assume_multiple %add3A_160, 8 : i32
        %dma_start3A_162 = arith.constant 0 : i32
        %dma_start3A_163 = arith.constant 0 : i32
        %dma_start3A_164 = tpu.memref_slice %arg6[%dma_start3A_162, %dma_start3A_163] : memref<4x80xi32, #tpu.memory_space<vmem>> -> memref<1x80xi32, #tpu.memory_space<vmem>>
        %dma_start3A_165 = tpu.memref_squeeze %dma_start3A_164 : memref<1x80xi32, #tpu.memory_space<vmem>> -> memref<80xi32, #tpu.memory_space<vmem>>
        %dma_start3A_166 = tpu.memref_slice %arg2[%multiple_of3A_161] : memref<960000xi32, #tpu.memory_space<hbm>> -> memref<80xi32, #tpu.memory_space<hbm>>
        %dma_start3A_167 = arith.constant 0 : i32
        %dma_start3A_168 = tpu.memref_slice %arg6[%dma_start3A_162, %dma_start3A_167] : memref<4x80xi32, #tpu.memory_space<vmem>> -> memref<1x80xi32, #tpu.memory_space<vmem>>
        %dma_start3A_169 = tpu.memref_squeeze %dma_start3A_168 : memref<1x80xi32, #tpu.memory_space<vmem>> -> memref<80xi32, #tpu.memory_space<vmem>>
        %dma_start3A_170 = tpu.memref_slice %arg2[%multiple_of3A_161] : memref<960000xi32, #tpu.memory_space<hbm>> -> memref<80xi32, #tpu.memory_space<hbm>>
        tpu.enqueue_dma source(%dma_start3A_170 : memref<80xi32, #tpu.memory_space<hbm>>) target(%dma_start3A_169 : memref<80xi32, #tpu.memory_space<vmem>>) target_semaphore(%arg13 : memref<!tpu.dma_semaphore, #tpu.memory_space<semaphore_mem>>)
      } else {
      }
      %add3A_124 = arith.constant 4 : i32
      %add3A_125 = arith.addi %mul3A_89, %add3A_124 : i32
      %add3A_126 = arith.constant 1 : i32
      %add3A_127 = arith.addi %add3A_125, %add3A_126 : i32
      %lt3A_128 = arith.constant 125 : i32
      %lt3A_129 = arith.cmpi slt, %add3A_127, %lt3A_128 : i32
      %convert_element_type3A_130 = arith.extui %lt3A_129 : i1 to i32
      %cond3A_131 = arith.constant 0 : i32
      %cond3A_132 = arith.cmpi ne, %convert_element_type3A_130, %cond3A_131 : i32
      scf.if %cond3A_132 {
        %dma_wait3A_151 = arith.constant 1 : i32
        %dma_wait3A_152 = arith.constant 0 : i32
        %dma_wait3A_153 = tpu.memref_slice %arg6[%dma_wait3A_151, %dma_wait3A_152] : memref<4x80xi32, #tpu.memory_space<vmem>> -> memref<1x80xi32, #tpu.memory_space<vmem>>
        %dma_wait3A_154 = tpu.memref_squeeze %dma_wait3A_153 : memref<1x80xi32, #tpu.memory_space<vmem>> -> memref<80xi32, #tpu.memory_space<vmem>>
        %dma_wait3A_155 = arith.constant 0 : i32
        %dma_wait3A_156 = arith.constant 0 : i32
        %dma_wait3A_157 = tpu.memref_slice %arg8[%dma_wait3A_155, %dma_wait3A_156] : memref<10240x128xf32, #tpu.memory_space<vmem_shared>> -> memref<10240x128xf32, #tpu.memory_space<vmem_shared>>
        tpu.wait_indirect_dma semaphore(%arg10 : memref<!tpu.dma_semaphore, #tpu.memory_space<semaphore_mem>>) src(%arg7 : memref<80x128xf32, #tpu.memory_space<vmem>>) dst(%dma_wait3A_157 : memref<10240x128xf32, #tpu.memory_space<vmem_shared>>)
        %mul3A_158 = arith.constant 80 : i32
        %mul3A_159 = arith.muli %add3A_127, %mul3A_158 : i32
        %add3A_160 = arith.addi %add3A_6, %mul3A_159 : i32
        %multiple_of3A_161 = tpu.assume_multiple %add3A_160, 8 : i32
        %dma_start3A_162 = arith.constant 1 : i32
        %dma_start3A_163 = arith.constant 0 : i32
        %dma_start3A_164 = tpu.memref_slice %arg6[%dma_start3A_162, %dma_start3A_163] : memref<4x80xi32, #tpu.memory_space<vmem>> -> memref<1x80xi32, #tpu.memory_space<vmem>>
        %dma_start3A_165 = tpu.memref_squeeze %dma_start3A_164 : memref<1x80xi32, #tpu.memory_space<vmem>> -> memref<80xi32, #tpu.memory_space<vmem>>
        %dma_start3A_166 = tpu.memref_slice %arg2[%multiple_of3A_161] : memref<960000xi32, #tpu.memory_space<hbm>> -> memref<80xi32, #tpu.memory_space<hbm>>
        %dma_start3A_167 = arith.constant 0 : i32
        %dma_start3A_168 = tpu.memref_slice %arg6[%dma_start3A_162, %dma_start3A_167] : memref<4x80xi32, #tpu.memory_space<vmem>> -> memref<1x80xi32, #tpu.memory_space<vmem>>
        %dma_start3A_169 = tpu.memref_squeeze %dma_start3A_168 : memref<1x80xi32, #tpu.memory_space<vmem>> -> memref<80xi32, #tpu.memory_space<vmem>>
        %dma_start3A_170 = tpu.memref_slice %arg2[%multiple_of3A_161] : memref<960000xi32, #tpu.memory_space<hbm>> -> memref<80xi32, #tpu.memory_space<hbm>>
        tpu.enqueue_dma source(%dma_start3A_170 : memref<80xi32, #tpu.memory_space<hbm>>) target(%dma_start3A_169 : memref<80xi32, #tpu.memory_space<vmem>>) target_semaphore(%arg14 : memref<!tpu.dma_semaphore, #tpu.memory_space<semaphore_mem>>)
      } else {
      }
      %add3A_133 = arith.constant 4 : i32
      %add3A_134 = arith.addi %mul3A_89, %add3A_133 : i32
      %add3A_135 = arith.constant 2 : i32
      %add3A_136 = arith.addi %add3A_134, %add3A_135 : i32
      %lt3A_137 = arith.constant 125 : i32
      %lt3A_138 = arith.cmpi slt, %add3A_136, %lt3A_137 : i32
      %convert_element_type3A_139 = arith.extui %lt3A_138 : i1 to i32
      %cond3A_140 = arith.constant 0 : i32
      %cond3A_141 = arith.cmpi ne, %convert_element_type3A_139, %cond3A_140 : i32
      scf.if %cond3A_141 {
        %dma_wait3A_151 = arith.constant 2 : i32
        %dma_wait3A_152 = arith.constant 0 : i32
        %dma_wait3A_153 = tpu.memref_slice %arg6[%dma_wait3A_151, %dma_wait3A_152] : memref<4x80xi32, #tpu.memory_space<vmem>> -> memref<1x80xi32, #tpu.memory_space<vmem>>
        %dma_wait3A_154 = tpu.memref_squeeze %dma_wait3A_153 : memref<1x80xi32, #tpu.memory_space<vmem>> -> memref<80xi32, #tpu.memory_space<vmem>>
        %dma_wait3A_155 = arith.constant 0 : i32
        %dma_wait3A_156 = arith.constant 0 : i32
        %dma_wait3A_157 = tpu.memref_slice %arg8[%dma_wait3A_155, %dma_wait3A_156] : memref<10240x128xf32, #tpu.memory_space<vmem_shared>> -> memref<10240x128xf32, #tpu.memory_space<vmem_shared>>
        tpu.wait_indirect_dma semaphore(%arg11 : memref<!tpu.dma_semaphore, #tpu.memory_space<semaphore_mem>>) src(%arg7 : memref<80x128xf32, #tpu.memory_space<vmem>>) dst(%dma_wait3A_157 : memref<10240x128xf32, #tpu.memory_space<vmem_shared>>)
        %mul3A_158 = arith.constant 80 : i32
        %mul3A_159 = arith.muli %add3A_136, %mul3A_158 : i32
        %add3A_160 = arith.addi %add3A_6, %mul3A_159 : i32
        %multiple_of3A_161 = tpu.assume_multiple %add3A_160, 8 : i32
        %dma_start3A_162 = arith.constant 2 : i32
        %dma_start3A_163 = arith.constant 0 : i32
        %dma_start3A_164 = tpu.memref_slice %arg6[%dma_start3A_162, %dma_start3A_163] : memref<4x80xi32, #tpu.memory_space<vmem>> -> memref<1x80xi32, #tpu.memory_space<vmem>>
        %dma_start3A_165 = tpu.memref_squeeze %dma_start3A_164 : memref<1x80xi32, #tpu.memory_space<vmem>> -> memref<80xi32, #tpu.memory_space<vmem>>
        %dma_start3A_166 = tpu.memref_slice %arg2[%multiple_of3A_161] : memref<960000xi32, #tpu.memory_space<hbm>> -> memref<80xi32, #tpu.memory_space<hbm>>
        %dma_start3A_167 = arith.constant 0 : i32
        %dma_start3A_168 = tpu.memref_slice %arg6[%dma_start3A_162, %dma_start3A_167] : memref<4x80xi32, #tpu.memory_space<vmem>> -> memref<1x80xi32, #tpu.memory_space<vmem>>
        %dma_start3A_169 = tpu.memref_squeeze %dma_start3A_168 : memref<1x80xi32, #tpu.memory_space<vmem>> -> memref<80xi32, #tpu.memory_space<vmem>>
        %dma_start3A_170 = tpu.memref_slice %arg2[%multiple_of3A_161] : memref<960000xi32, #tpu.memory_space<hbm>> -> memref<80xi32, #tpu.memory_space<hbm>>
        tpu.enqueue_dma source(%dma_start3A_170 : memref<80xi32, #tpu.memory_space<hbm>>) target(%dma_start3A_169 : memref<80xi32, #tpu.memory_space<vmem>>) target_semaphore(%arg15 : memref<!tpu.dma_semaphore, #tpu.memory_space<semaphore_mem>>)
      } else {
      }
      %add3A_142 = arith.constant 4 : i32
      %add3A_143 = arith.addi %mul3A_89, %add3A_142 : i32
      %add3A_144 = arith.constant 3 : i32
      %add3A_145 = arith.addi %add3A_143, %add3A_144 : i32
      %lt3A_146 = arith.constant 125 : i32
      %lt3A_147 = arith.cmpi slt, %add3A_145, %lt3A_146 : i32
      %convert_element_type3A_148 = arith.extui %lt3A_147 : i1 to i32
      %cond3A_149 = arith.constant 0 : i32
      %cond3A_150 = arith.cmpi ne, %convert_element_type3A_148, %cond3A_149 : i32
      scf.if %cond3A_150 {
        %dma_wait3A_151 = arith.constant 3 : i32
        %dma_wait3A_152 = arith.constant 0 : i32
        %dma_wait3A_153 = tpu.memref_slice %arg6[%dma_wait3A_151, %dma_wait3A_152] : memref<4x80xi32, #tpu.memory_space<vmem>> -> memref<1x80xi32, #tpu.memory_space<vmem>>
        %dma_wait3A_154 = tpu.memref_squeeze %dma_wait3A_153 : memref<1x80xi32, #tpu.memory_space<vmem>> -> memref<80xi32, #tpu.memory_space<vmem>>
        %dma_wait3A_155 = arith.constant 0 : i32
        %dma_wait3A_156 = arith.constant 0 : i32
        %dma_wait3A_157 = tpu.memref_slice %arg8[%dma_wait3A_155, %dma_wait3A_156] : memref<10240x128xf32, #tpu.memory_space<vmem_shared>> -> memref<10240x128xf32, #tpu.memory_space<vmem_shared>>
        tpu.wait_indirect_dma semaphore(%arg12 : memref<!tpu.dma_semaphore, #tpu.memory_space<semaphore_mem>>) src(%arg7 : memref<80x128xf32, #tpu.memory_space<vmem>>) dst(%dma_wait3A_157 : memref<10240x128xf32, #tpu.memory_space<vmem_shared>>)
        %mul3A_158 = arith.constant 80 : i32
        %mul3A_159 = arith.muli %add3A_145, %mul3A_158 : i32
        %add3A_160 = arith.addi %add3A_6, %mul3A_159 : i32
        %multiple_of3A_161 = tpu.assume_multiple %add3A_160, 8 : i32
        %dma_start3A_162 = arith.constant 3 : i32
        %dma_start3A_163 = arith.constant 0 : i32
        %dma_start3A_164 = tpu.memref_slice %arg6[%dma_start3A_162, %dma_start3A_163] : memref<4x80xi32, #tpu.memory_space<vmem>> -> memref<1x80xi32, #tpu.memory_space<vmem>>
        %dma_start3A_165 = tpu.memref_squeeze %dma_start3A_164 : memref<1x80xi32, #tpu.memory_space<vmem>> -> memref<80xi32, #tpu.memory_space<vmem>>
        %dma_start3A_166 = tpu.memref_slice %arg2[%multiple_of3A_161] : memref<960000xi32, #tpu.memory_space<hbm>> -> memref<80xi32, #tpu.memory_space<hbm>>
        %dma_start3A_167 = arith.constant 0 : i32
        %dma_start3A_168 = tpu.memref_slice %arg6[%dma_start3A_162, %dma_start3A_167] : memref<4x80xi32, #tpu.memory_space<vmem>> -> memref<1x80xi32, #tpu.memory_space<vmem>>
        %dma_start3A_169 = tpu.memref_squeeze %dma_start3A_168 : memref<1x80xi32, #tpu.memory_space<vmem>> -> memref<80xi32, #tpu.memory_space<vmem>>
        %dma_start3A_170 = tpu.memref_slice %arg2[%multiple_of3A_161] : memref<960000xi32, #tpu.memory_space<hbm>> -> memref<80xi32, #tpu.memory_space<hbm>>
        tpu.enqueue_dma source(%dma_start3A_170 : memref<80xi32, #tpu.memory_space<hbm>>) target(%dma_start3A_169 : memref<80xi32, #tpu.memory_space<vmem>>) target_semaphore(%arg16 : memref<!tpu.dma_semaphore, #tpu.memory_space<semaphore_mem>>)
      } else {
      }
    }
    %scan3A_58 = arith.constant 32 : i32
    %dma_wait3A = arith.constant 0 : i32
    %dma_wait3A_59 = arith.constant 0 : i32
    %dma_wait3A_60 = tpu.memref_slice %arg6[%dma_wait3A, %dma_wait3A_59] : memref<4x80xi32, #tpu.memory_space<vmem>> -> memref<1x80xi32, #tpu.memory_space<vmem>>
    %dma_wait3A_61 = tpu.memref_squeeze %dma_wait3A_60 : memref<1x80xi32, #tpu.memory_space<vmem>> -> memref<80xi32, #tpu.memory_space<vmem>>
    %dma_wait3A_62 = arith.constant 0 : i32
    %dma_wait3A_63 = arith.constant 0 : i32
    %dma_wait3A_64 = tpu.memref_slice %arg8[%dma_wait3A_62, %dma_wait3A_63] : memref<10240x128xf32, #tpu.memory_space<vmem_shared>> -> memref<10240x128xf32, #tpu.memory_space<vmem_shared>>
    tpu.wait_indirect_dma semaphore(%arg9 : memref<!tpu.dma_semaphore, #tpu.memory_space<semaphore_mem>>) src(%arg7 : memref<80x128xf32, #tpu.memory_space<vmem>>) dst(%dma_wait3A_64 : memref<10240x128xf32, #tpu.memory_space<vmem_shared>>)
    %dma_wait3A_65 = arith.constant 1 : i32
    %dma_wait3A_66 = arith.constant 0 : i32
    %dma_wait3A_67 = tpu.memref_slice %arg6[%dma_wait3A_65, %dma_wait3A_66] : memref<4x80xi32, #tpu.memory_space<vmem>> -> memref<1x80xi32, #tpu.memory_space<vmem>>
    %dma_wait3A_68 = tpu.memref_squeeze %dma_wait3A_67 : memref<1x80xi32, #tpu.memory_space<vmem>> -> memref<80xi32, #tpu.memory_space<vmem>>
    %dma_wait3A_69 = arith.constant 0 : i32
    %dma_wait3A_70 = arith.constant 0 : i32
    %dma_wait3A_71 = tpu.memref_slice %arg8[%dma_wait3A_69, %dma_wait3A_70] : memref<10240x128xf32, #tpu.memory_space<vmem_shared>> -> memref<10240x128xf32, #tpu.memory_space<vmem_shared>>
    tpu.wait_indirect_dma semaphore(%arg10 : memref<!tpu.dma_semaphore, #tpu.memory_space<semaphore_mem>>) src(%arg7 : memref<80x128xf32, #tpu.memory_space<vmem>>) dst(%dma_wait3A_71 : memref<10240x128xf32, #tpu.memory_space<vmem_shared>>)
    %dma_wait3A_72 = arith.constant 2 : i32
    %dma_wait3A_73 = arith.constant 0 : i32
    %dma_wait3A_74 = tpu.memref_slice %arg6[%dma_wait3A_72, %dma_wait3A_73] : memref<4x80xi32, #tpu.memory_space<vmem>> -> memref<1x80xi32, #tpu.memory_space<vmem>>
    %dma_wait3A_75 = tpu.memref_squeeze %dma_wait3A_74 : memref<1x80xi32, #tpu.memory_space<vmem>> -> memref<80xi32, #tpu.memory_space<vmem>>
    %dma_wait3A_76 = arith.constant 0 : i32
    %dma_wait3A_77 = arith.constant 0 : i32
    %dma_wait3A_78 = tpu.memref_slice %arg8[%dma_wait3A_76, %dma_wait3A_77] : memref<10240x128xf32, #tpu.memory_space<vmem_shared>> -> memref<10240x128xf32, #tpu.memory_space<vmem_shared>>
    tpu.wait_indirect_dma semaphore(%arg11 : memref<!tpu.dma_semaphore, #tpu.memory_space<semaphore_mem>>) src(%arg7 : memref<80x128xf32, #tpu.memory_space<vmem>>) dst(%dma_wait3A_78 : memref<10240x128xf32, #tpu.memory_space<vmem_shared>>)
    %dma_wait3A_79 = arith.constant 3 : i32
    %dma_wait3A_80 = arith.constant 0 : i32
    %dma_wait3A_81 = tpu.memref_slice %arg6[%dma_wait3A_79, %dma_wait3A_80] : memref<4x80xi32, #tpu.memory_space<vmem>> -> memref<1x80xi32, #tpu.memory_space<vmem>>
    %dma_wait3A_82 = tpu.memref_squeeze %dma_wait3A_81 : memref<1x80xi32, #tpu.memory_space<vmem>> -> memref<80xi32, #tpu.memory_space<vmem>>
    %dma_wait3A_83 = arith.constant 0 : i32
    %dma_wait3A_84 = arith.constant 0 : i32
    %dma_wait3A_85 = tpu.memref_slice %arg8[%dma_wait3A_83, %dma_wait3A_84] : memref<10240x128xf32, #tpu.memory_space<vmem_shared>> -> memref<10240x128xf32, #tpu.memory_space<vmem_shared>>
    tpu.wait_indirect_dma semaphore(%arg12 : memref<!tpu.dma_semaphore, #tpu.memory_space<semaphore_mem>>) src(%arg7 : memref<80x128xf32, #tpu.memory_space<vmem>>) dst(%dma_wait3A_85 : memref<10240x128xf32, #tpu.memory_space<vmem_shared>>)
    %barrier3A_86 = arith.constant 0 : index
    tpu.barrier barrier_id(%barrier3A_86)
    "tpu.region"() ({
      %run_scoped3A = tpu.sem_alloc : memref<!tpu.dma_semaphore, #tpu.memory_space<semaphore_mem>>
      %dma_start3A_87 = arith.constant 0 : i32
      %dma_start3A_88 = tpu.memref_slice %arg5[%arg0, %multiple_of3A, %dma_start3A_87] : memref<2x10240x128xf32, #tpu.memory_space<hbm>> -> memref<1x640x128xf32, #tpu.memory_space<hbm>>
      %dma_start3A_89 = tpu.memref_squeeze %dma_start3A_88 : memref<1x640x128xf32, #tpu.memory_space<hbm>> -> memref<640x128xf32, #tpu.memory_space<hbm>>
      %dma_start3A_90 = arith.constant 0 : i32
      %dma_start3A_91 = tpu.memref_slice %arg8[%multiple_of3A, %dma_start3A_90] : memref<10240x128xf32, #tpu.memory_space<vmem_shared>> -> memref<640x128xf32, #tpu.memory_space<vmem_shared>>
      tpu.enqueue_dma source(%dma_start3A_91 : memref<640x128xf32, #tpu.memory_space<vmem_shared>>) target(%dma_start3A_89 : memref<640x128xf32, #tpu.memory_space<hbm>>) target_semaphore(%run_scoped3A : memref<!tpu.dma_semaphore, #tpu.memory_space<semaphore_mem>>)
      %dma_wait3A_92 = arith.constant 0 : i32
      %dma_wait3A_93 = tpu.memref_slice %arg5[%arg0, %multiple_of3A, %dma_wait3A_92] : memref<2x10240x128xf32, #tpu.memory_space<hbm>> -> memref<1x640x128xf32, #tpu.memory_space<hbm>>
      %dma_wait3A_94 = tpu.memref_squeeze %dma_wait3A_93 : memref<1x640x128xf32, #tpu.memory_space<hbm>> -> memref<640x128xf32, #tpu.memory_space<hbm>>
      %dma_wait3A_95 = arith.constant 0 : i32
      %dma_wait3A_96 = tpu.memref_slice %arg8[%multiple_of3A, %dma_wait3A_95] : memref<10240x128xf32, #tpu.memory_space<vmem_shared>> -> memref<640x128xf32, #tpu.memory_space<vmem_shared>>
      tpu.wait_dma2 semaphore(%run_scoped3A : memref<!tpu.dma_semaphore, #tpu.memory_space<semaphore_mem>>) src(%dma_wait3A_96 : memref<640x128xf32, #tpu.memory_space<vmem_shared>>) dst(%dma_wait3A_94 : memref<640x128xf32, #tpu.memory_space<hbm>>)
      tpu.yield
    }) : () -> ()
    return
  }
}

#map = affine_map<(d0, d1) -> (0, 0)>
#map1 = affine_map<(d0, d1) -> (0)>
#map2 = affine_map<(d0, d1) -> (0, 0, 0)>
module attributes {stable_mosaic.version = 14 : i64} {
  func.func @edge_k(%arg0: i32, %arg1: i32, %arg2: memref<20480x128xf32, #tpu.memory_space<hbm>>, %arg3: memref<960000xi32, #tpu.memory_space<hbm>>, %arg4: memref<2x10240x128xf32, #tpu.memory_space<hbm>>, %arg5: memref<4x80xi32, #tpu.memory_space<vmem>>, %arg6: memref<4x80xi32, #tpu.memory_space<vmem>>, %arg7: memref<4x80x128xf32, #tpu.memory_space<vmem>>, %arg8: memref<10240x128xf32, #tpu.memory_space<vmem_shared>>, %arg9: memref<!tpu.dma_semaphore, #tpu.memory_space<semaphore_mem>>, %arg10: memref<!tpu.dma_semaphore, #tpu.memory_space<semaphore_mem>>, %arg11: memref<!tpu.dma_semaphore, #tpu.memory_space<semaphore_mem>>, %arg12: memref<!tpu.dma_semaphore, #tpu.memory_space<semaphore_mem>>, %arg13: memref<!tpu.dma_semaphore, #tpu.memory_space<semaphore_mem>>, %arg14: memref<!tpu.dma_semaphore, #tpu.memory_space<semaphore_mem>>, %arg15: memref<!tpu.dma_semaphore, #tpu.memory_space<semaphore_mem>>, %arg16: memref<!tpu.dma_semaphore, #tpu.memory_space<semaphore_mem>>, %arg17: memref<!tpu.dma_semaphore, #tpu.memory_space<semaphore_mem>>, %arg18: memref<!tpu.dma_semaphore, #tpu.memory_space<semaphore_mem>>, %arg19: memref<!tpu.dma_semaphore, #tpu.memory_space<semaphore_mem>>, %arg20: memref<!tpu.dma_semaphore, #tpu.memory_space<semaphore_mem>>) attributes {dimension_semantics = [#tpu.dimension_semantics<core_parallel>, #tpu.dimension_semantics<subcore_parallel>], iteration_bounds = array<i64: 2, 16>, scalar_prefetch = 0 : i64, scratch_operands = 16 : i64, tpu.core_type = #tpu.core_type<sc_vector_subcore>, window_params = [{transform_indices = #map}, {transform_indices = #map1}, {transform_indices = #map2}]} {
    %mul3A = arith.constant 640 : i32
    %mul3A_0 = arith.muli %arg1, %mul3A : i32
    %multiple_of3A = tpu.assume_multiple %mul3A_0, 8 : i32
    %mul3A_1 = arith.constant 10240 : i32
    %mul3A_2 = arith.muli %arg0, %mul3A_1 : i32
    %mul3A_3 = arith.constant 640 : i32
    %mul3A_4 = arith.muli %arg1, %mul3A_3 : i32
    %add3A = arith.addi %mul3A_2, %mul3A_4 : i32
    %multiple_of3A_5 = tpu.assume_multiple %add3A, 8 : i32
    %mul3A_6 = arith.constant 320000 : i32
    %mul3A_7 = arith.muli %arg0, %mul3A_6 : i32
    %mul3A_8 = arith.constant 20000 : i32
    %mul3A_9 = arith.muli %arg1, %mul3A_8 : i32
    %add3A_10 = arith.addi %mul3A_7, %mul3A_9 : i32
    %mul3A_11 = arith.constant 20000 : i32
    %mul3A_12 = arith.muli %arg1, %mul3A_11 : i32
    %add3A_13 = arith.constant 640000 : i32
    %add3A_14 = arith.addi %add3A_13, %mul3A_12 : i32
    "tpu.region"() ({
      %run_scoped3A = tpu.sem_alloc : memref<!tpu.dma_semaphore, #tpu.memory_space<semaphore_mem>>
      %dma_start3A_307 = arith.constant 0 : i32
      %dma_start3A_308 = tpu.memref_slice %arg8[%multiple_of3A, %dma_start3A_307] : memref<10240x128xf32, #tpu.memory_space<vmem_shared>> -> memref<640x128xf32, #tpu.memory_space<vmem_shared>>
      %dma_start3A_309 = arith.constant 0 : i32
      %dma_start3A_310 = tpu.memref_slice %arg2[%multiple_of3A_5, %dma_start3A_309] : memref<20480x128xf32, #tpu.memory_space<hbm>> -> memref<640x128xf32, #tpu.memory_space<hbm>>
      tpu.enqueue_dma source(%dma_start3A_310 : memref<640x128xf32, #tpu.memory_space<hbm>>) target(%dma_start3A_308 : memref<640x128xf32, #tpu.memory_space<vmem_shared>>) target_semaphore(%run_scoped3A : memref<!tpu.dma_semaphore, #tpu.memory_space<semaphore_mem>>)
      %dma_wait3A_311 = arith.constant 0 : i32
      %dma_wait3A_312 = tpu.memref_slice %arg8[%multiple_of3A, %dma_wait3A_311] : memref<10240x128xf32, #tpu.memory_space<vmem_shared>> -> memref<640x128xf32, #tpu.memory_space<vmem_shared>>
      %dma_wait3A_313 = arith.constant 0 : i32
      %dma_wait3A_314 = tpu.memref_slice %arg2[%multiple_of3A_5, %dma_wait3A_313] : memref<20480x128xf32, #tpu.memory_space<hbm>> -> memref<640x128xf32, #tpu.memory_space<hbm>>
      tpu.wait_dma2 semaphore(%run_scoped3A : memref<!tpu.dma_semaphore, #tpu.memory_space<semaphore_mem>>) src(%dma_wait3A_314 : memref<640x128xf32, #tpu.memory_space<hbm>>) dst(%dma_wait3A_312 : memref<640x128xf32, #tpu.memory_space<vmem_shared>>)
      tpu.yield
    }) : () -> ()
    %barrier3A = arith.constant 0 : index
    tpu.barrier barrier_id(%barrier3A)
    %add3A_15 = arith.constant 0 : i32
    %add3A_16 = arith.addi %add3A_10, %add3A_15 : i32
    %multiple_of3A_17 = tpu.assume_multiple %add3A_16, 8 : i32
    %add3A_18 = arith.constant 0 : i32
    %add3A_19 = arith.addi %add3A_14, %add3A_18 : i32
    %multiple_of3A_20 = tpu.assume_multiple %add3A_19, 8 : i32
    %dma_start3A = arith.constant 0 : i32
    %dma_start3A_21 = arith.constant 0 : i32
    %dma_start3A_22 = tpu.memref_slice %arg5[%dma_start3A, %dma_start3A_21] : memref<4x80xi32, #tpu.memory_space<vmem>> -> memref<1x80xi32, #tpu.memory_space<vmem>>
    %dma_start3A_23 = tpu.memref_squeeze %dma_start3A_22 : memref<1x80xi32, #tpu.memory_space<vmem>> -> memref<80xi32, #tpu.memory_space<vmem>>
    %dma_start3A_24 = tpu.memref_slice %arg3[%multiple_of3A_17] : memref<960000xi32, #tpu.memory_space<hbm>> -> memref<80xi32, #tpu.memory_space<hbm>>
    %dma_start3A_25 = arith.constant 0 : i32
    %dma_start3A_26 = tpu.memref_slice %arg5[%dma_start3A, %dma_start3A_25] : memref<4x80xi32, #tpu.memory_space<vmem>> -> memref<1x80xi32, #tpu.memory_space<vmem>>
    %dma_start3A_27 = tpu.memref_squeeze %dma_start3A_26 : memref<1x80xi32, #tpu.memory_space<vmem>> -> memref<80xi32, #tpu.memory_space<vmem>>
    %dma_start3A_28 = tpu.memref_slice %arg3[%multiple_of3A_17] : memref<960000xi32, #tpu.memory_space<hbm>> -> memref<80xi32, #tpu.memory_space<hbm>>
    tpu.enqueue_dma source(%dma_start3A_28 : memref<80xi32, #tpu.memory_space<hbm>>) target(%dma_start3A_27 : memref<80xi32, #tpu.memory_space<vmem>>) target_semaphore(%arg17 : memref<!tpu.dma_semaphore, #tpu.memory_space<semaphore_mem>>)
    %dma_start3A_29 = arith.constant 0 : i32
    %dma_start3A_30 = arith.constant 0 : i32
    %dma_start3A_31 = tpu.memref_slice %arg6[%dma_start3A_29, %dma_start3A_30] : memref<4x80xi32, #tpu.memory_space<vmem>> -> memref<1x80xi32, #tpu.memory_space<vmem>>
    %dma_start3A_32 = tpu.memref_squeeze %dma_start3A_31 : memref<1x80xi32, #tpu.memory_space<vmem>> -> memref<80xi32, #tpu.memory_space<vmem>>
    %dma_start3A_33 = tpu.memref_slice %arg3[%multiple_of3A_20] : memref<960000xi32, #tpu.memory_space<hbm>> -> memref<80xi32, #tpu.memory_space<hbm>>
    %dma_start3A_34 = arith.constant 0 : i32
    %dma_start3A_35 = tpu.memref_slice %arg6[%dma_start3A_29, %dma_start3A_34] : memref<4x80xi32, #tpu.memory_space<vmem>> -> memref<1x80xi32, #tpu.memory_space<vmem>>
    %dma_start3A_36 = tpu.memref_squeeze %dma_start3A_35 : memref<1x80xi32, #tpu.memory_space<vmem>> -> memref<80xi32, #tpu.memory_space<vmem>>
    %dma_start3A_37 = tpu.memref_slice %arg3[%multiple_of3A_20] : memref<960000xi32, #tpu.memory_space<hbm>> -> memref<80xi32, #tpu.memory_space<hbm>>
    tpu.enqueue_dma source(%dma_start3A_37 : memref<80xi32, #tpu.memory_space<hbm>>) target(%dma_start3A_36 : memref<80xi32, #tpu.memory_space<vmem>>) target_semaphore(%arg17 : memref<!tpu.dma_semaphore, #tpu.memory_space<semaphore_mem>>)
    %add3A_38 = arith.constant 80 : i32
    %add3A_39 = arith.addi %add3A_10, %add3A_38 : i32
    %multiple_of3A_40 = tpu.assume_multiple %add3A_39, 8 : i32
    %add3A_41 = arith.constant 80 : i32
    %add3A_42 = arith.addi %add3A_14, %add3A_41 : i32
    %multiple_of3A_43 = tpu.assume_multiple %add3A_42, 8 : i32
    %dma_start3A_44 = arith.constant 1 : i32
    %dma_start3A_45 = arith.constant 0 : i32
    %dma_start3A_46 = tpu.memref_slice %arg5[%dma_start3A_44, %dma_start3A_45] : memref<4x80xi32, #tpu.memory_space<vmem>> -> memref<1x80xi32, #tpu.memory_space<vmem>>
    %dma_start3A_47 = tpu.memref_squeeze %dma_start3A_46 : memref<1x80xi32, #tpu.memory_space<vmem>> -> memref<80xi32, #tpu.memory_space<vmem>>
    %dma_start3A_48 = tpu.memref_slice %arg3[%multiple_of3A_40] : memref<960000xi32, #tpu.memory_space<hbm>> -> memref<80xi32, #tpu.memory_space<hbm>>
    %dma_start3A_49 = arith.constant 0 : i32
    %dma_start3A_50 = tpu.memref_slice %arg5[%dma_start3A_44, %dma_start3A_49] : memref<4x80xi32, #tpu.memory_space<vmem>> -> memref<1x80xi32, #tpu.memory_space<vmem>>
    %dma_start3A_51 = tpu.memref_squeeze %dma_start3A_50 : memref<1x80xi32, #tpu.memory_space<vmem>> -> memref<80xi32, #tpu.memory_space<vmem>>
    %dma_start3A_52 = tpu.memref_slice %arg3[%multiple_of3A_40] : memref<960000xi32, #tpu.memory_space<hbm>> -> memref<80xi32, #tpu.memory_space<hbm>>
    tpu.enqueue_dma source(%dma_start3A_52 : memref<80xi32, #tpu.memory_space<hbm>>) target(%dma_start3A_51 : memref<80xi32, #tpu.memory_space<vmem>>) target_semaphore(%arg18 : memref<!tpu.dma_semaphore, #tpu.memory_space<semaphore_mem>>)
    %dma_start3A_53 = arith.constant 1 : i32
    %dma_start3A_54 = arith.constant 0 : i32
    %dma_start3A_55 = tpu.memref_slice %arg6[%dma_start3A_53, %dma_start3A_54] : memref<4x80xi32, #tpu.memory_space<vmem>> -> memref<1x80xi32, #tpu.memory_space<vmem>>
    %dma_start3A_56 = tpu.memref_squeeze %dma_start3A_55 : memref<1x80xi32, #tpu.memory_space<vmem>> -> memref<80xi32, #tpu.memory_space<vmem>>
    %dma_start3A_57 = tpu.memref_slice %arg3[%multiple_of3A_43] : memref<960000xi32, #tpu.memory_space<hbm>> -> memref<80xi32, #tpu.memory_space<hbm>>
    %dma_start3A_58 = arith.constant 0 : i32
    %dma_start3A_59 = tpu.memref_slice %arg6[%dma_start3A_53, %dma_start3A_58] : memref<4x80xi32, #tpu.memory_space<vmem>> -> memref<1x80xi32, #tpu.memory_space<vmem>>
    %dma_start3A_60 = tpu.memref_squeeze %dma_start3A_59 : memref<1x80xi32, #tpu.memory_space<vmem>> -> memref<80xi32, #tpu.memory_space<vmem>>
    %dma_start3A_61 = tpu.memref_slice %arg3[%multiple_of3A_43] : memref<960000xi32, #tpu.memory_space<hbm>> -> memref<80xi32, #tpu.memory_space<hbm>>
    tpu.enqueue_dma source(%dma_start3A_61 : memref<80xi32, #tpu.memory_space<hbm>>) target(%dma_start3A_60 : memref<80xi32, #tpu.memory_space<vmem>>) target_semaphore(%arg18 : memref<!tpu.dma_semaphore, #tpu.memory_space<semaphore_mem>>)
    %add3A_62 = arith.constant 160 : i32
    %add3A_63 = arith.addi %add3A_10, %add3A_62 : i32
    %multiple_of3A_64 = tpu.assume_multiple %add3A_63, 8 : i32
    %add3A_65 = arith.constant 160 : i32
    %add3A_66 = arith.addi %add3A_14, %add3A_65 : i32
    %multiple_of3A_67 = tpu.assume_multiple %add3A_66, 8 : i32
    %dma_start3A_68 = arith.constant 2 : i32
    %dma_start3A_69 = arith.constant 0 : i32
    %dma_start3A_70 = tpu.memref_slice %arg5[%dma_start3A_68, %dma_start3A_69] : memref<4x80xi32, #tpu.memory_space<vmem>> -> memref<1x80xi32, #tpu.memory_space<vmem>>
    %dma_start3A_71 = tpu.memref_squeeze %dma_start3A_70 : memref<1x80xi32, #tpu.memory_space<vmem>> -> memref<80xi32, #tpu.memory_space<vmem>>
    %dma_start3A_72 = tpu.memref_slice %arg3[%multiple_of3A_64] : memref<960000xi32, #tpu.memory_space<hbm>> -> memref<80xi32, #tpu.memory_space<hbm>>
    %dma_start3A_73 = arith.constant 0 : i32
    %dma_start3A_74 = tpu.memref_slice %arg5[%dma_start3A_68, %dma_start3A_73] : memref<4x80xi32, #tpu.memory_space<vmem>> -> memref<1x80xi32, #tpu.memory_space<vmem>>
    %dma_start3A_75 = tpu.memref_squeeze %dma_start3A_74 : memref<1x80xi32, #tpu.memory_space<vmem>> -> memref<80xi32, #tpu.memory_space<vmem>>
    %dma_start3A_76 = tpu.memref_slice %arg3[%multiple_of3A_64] : memref<960000xi32, #tpu.memory_space<hbm>> -> memref<80xi32, #tpu.memory_space<hbm>>
    tpu.enqueue_dma source(%dma_start3A_76 : memref<80xi32, #tpu.memory_space<hbm>>) target(%dma_start3A_75 : memref<80xi32, #tpu.memory_space<vmem>>) target_semaphore(%arg19 : memref<!tpu.dma_semaphore, #tpu.memory_space<semaphore_mem>>)
    %dma_start3A_77 = arith.constant 2 : i32
    %dma_start3A_78 = arith.constant 0 : i32
    %dma_start3A_79 = tpu.memref_slice %arg6[%dma_start3A_77, %dma_start3A_78] : memref<4x80xi32, #tpu.memory_space<vmem>> -> memref<1x80xi32, #tpu.memory_space<vmem>>
    %dma_start3A_80 = tpu.memref_squeeze %dma_start3A_79 : memref<1x80xi32, #tpu.memory_space<vmem>> -> memref<80xi32, #tpu.memory_space<vmem>>
    %dma_start3A_81 = tpu.memref_slice %arg3[%multiple_of3A_67] : memref<960000xi32, #tpu.memory_space<hbm>> -> memref<80xi32, #tpu.memory_space<hbm>>
    %dma_start3A_82 = arith.constant 0 : i32
    %dma_start3A_83 = tpu.memref_slice %arg6[%dma_start3A_77, %dma_start3A_82] : memref<4x80xi32, #tpu.memory_space<vmem>> -> memref<1x80xi32, #tpu.memory_space<vmem>>
    %dma_start3A_84 = tpu.memref_squeeze %dma_start3A_83 : memref<1x80xi32, #tpu.memory_space<vmem>> -> memref<80xi32, #tpu.memory_space<vmem>>
    %dma_start3A_85 = tpu.memref_slice %arg3[%multiple_of3A_67] : memref<960000xi32, #tpu.memory_space<hbm>> -> memref<80xi32, #tpu.memory_space<hbm>>
    tpu.enqueue_dma source(%dma_start3A_85 : memref<80xi32, #tpu.memory_space<hbm>>) target(%dma_start3A_84 : memref<80xi32, #tpu.memory_space<vmem>>) target_semaphore(%arg19 : memref<!tpu.dma_semaphore, #tpu.memory_space<semaphore_mem>>)
    %add3A_86 = arith.constant 240 : i32
    %add3A_87 = arith.addi %add3A_10, %add3A_86 : i32
    %multiple_of3A_88 = tpu.assume_multiple %add3A_87, 8 : i32
    %add3A_89 = arith.constant 240 : i32
    %add3A_90 = arith.addi %add3A_14, %add3A_89 : i32
    %multiple_of3A_91 = tpu.assume_multiple %add3A_90, 8 : i32
    %dma_start3A_92 = arith.constant 3 : i32
    %dma_start3A_93 = arith.constant 0 : i32
    %dma_start3A_94 = tpu.memref_slice %arg5[%dma_start3A_92, %dma_start3A_93] : memref<4x80xi32, #tpu.memory_space<vmem>> -> memref<1x80xi32, #tpu.memory_space<vmem>>
    %dma_start3A_95 = tpu.memref_squeeze %dma_start3A_94 : memref<1x80xi32, #tpu.memory_space<vmem>> -> memref<80xi32, #tpu.memory_space<vmem>>
    %dma_start3A_96 = tpu.memref_slice %arg3[%multiple_of3A_88] : memref<960000xi32, #tpu.memory_space<hbm>> -> memref<80xi32, #tpu.memory_space<hbm>>
    %dma_start3A_97 = arith.constant 0 : i32
    %dma_start3A_98 = tpu.memref_slice %arg5[%dma_start3A_92, %dma_start3A_97] : memref<4x80xi32, #tpu.memory_space<vmem>> -> memref<1x80xi32, #tpu.memory_space<vmem>>
    %dma_start3A_99 = tpu.memref_squeeze %dma_start3A_98 : memref<1x80xi32, #tpu.memory_space<vmem>> -> memref<80xi32, #tpu.memory_space<vmem>>
    %dma_start3A_100 = tpu.memref_slice %arg3[%multiple_of3A_88] : memref<960000xi32, #tpu.memory_space<hbm>> -> memref<80xi32, #tpu.memory_space<hbm>>
    tpu.enqueue_dma source(%dma_start3A_100 : memref<80xi32, #tpu.memory_space<hbm>>) target(%dma_start3A_99 : memref<80xi32, #tpu.memory_space<vmem>>) target_semaphore(%arg20 : memref<!tpu.dma_semaphore, #tpu.memory_space<semaphore_mem>>)
    %dma_start3A_101 = arith.constant 3 : i32
    %dma_start3A_102 = arith.constant 0 : i32
    %dma_start3A_103 = tpu.memref_slice %arg6[%dma_start3A_101, %dma_start3A_102] : memref<4x80xi32, #tpu.memory_space<vmem>> -> memref<1x80xi32, #tpu.memory_space<vmem>>
    %dma_start3A_104 = tpu.memref_squeeze %dma_start3A_103 : memref<1x80xi32, #tpu.memory_space<vmem>> -> memref<80xi32, #tpu.memory_space<vmem>>
    %dma_start3A_105 = tpu.memref_slice %arg3[%multiple_of3A_91] : memref<960000xi32, #tpu.memory_space<hbm>> -> memref<80xi32, #tpu.memory_space<hbm>>
    %dma_start3A_106 = arith.constant 0 : i32
    %dma_start3A_107 = tpu.memref_slice %arg6[%dma_start3A_101, %dma_start3A_106] : memref<4x80xi32, #tpu.memory_space<vmem>> -> memref<1x80xi32, #tpu.memory_space<vmem>>
    %dma_start3A_108 = tpu.memref_squeeze %dma_start3A_107 : memref<1x80xi32, #tpu.memory_space<vmem>> -> memref<80xi32, #tpu.memory_space<vmem>>
    %dma_start3A_109 = tpu.memref_slice %arg3[%multiple_of3A_91] : memref<960000xi32, #tpu.memory_space<hbm>> -> memref<80xi32, #tpu.memory_space<hbm>>
    tpu.enqueue_dma source(%dma_start3A_109 : memref<80xi32, #tpu.memory_space<hbm>>) target(%dma_start3A_108 : memref<80xi32, #tpu.memory_space<vmem>>) target_semaphore(%arg20 : memref<!tpu.dma_semaphore, #tpu.memory_space<semaphore_mem>>)
    %add3A_110 = arith.constant 0 : i32
    %add3A_111 = arith.addi %add3A_10, %add3A_110 : i32
    %multiple_of3A_112 = tpu.assume_multiple %add3A_111, 8 : i32
    %add3A_113 = arith.constant 0 : i32
    %add3A_114 = arith.addi %add3A_14, %add3A_113 : i32
    %multiple_of3A_115 = tpu.assume_multiple %add3A_114, 8 : i32
    %dma_wait3A = arith.constant 0 : i32
    %dma_wait3A_116 = arith.constant 0 : i32
    %dma_wait3A_117 = tpu.memref_slice %arg5[%dma_wait3A, %dma_wait3A_116] : memref<4x80xi32, #tpu.memory_space<vmem>> -> memref<1x80xi32, #tpu.memory_space<vmem>>
    %dma_wait3A_118 = tpu.memref_squeeze %dma_wait3A_117 : memref<1x80xi32, #tpu.memory_space<vmem>> -> memref<80xi32, #tpu.memory_space<vmem>>
    %dma_wait3A_119 = tpu.memref_slice %arg3[%multiple_of3A_112] : memref<960000xi32, #tpu.memory_space<hbm>> -> memref<80xi32, #tpu.memory_space<hbm>>
    %dma_wait3A_120 = arith.constant 0 : i32
    %dma_wait3A_121 = tpu.memref_slice %arg5[%dma_wait3A, %dma_wait3A_120] : memref<4x80xi32, #tpu.memory_space<vmem>> -> memref<1x80xi32, #tpu.memory_space<vmem>>
    %dma_wait3A_122 = tpu.memref_squeeze %dma_wait3A_121 : memref<1x80xi32, #tpu.memory_space<vmem>> -> memref<80xi32, #tpu.memory_space<vmem>>
    %dma_wait3A_123 = tpu.memref_slice %arg3[%multiple_of3A_112] : memref<960000xi32, #tpu.memory_space<hbm>> -> memref<80xi32, #tpu.memory_space<hbm>>
    tpu.wait_dma2 semaphore(%arg17 : memref<!tpu.dma_semaphore, #tpu.memory_space<semaphore_mem>>) src(%dma_wait3A_123 : memref<80xi32, #tpu.memory_space<hbm>>) dst(%dma_wait3A_122 : memref<80xi32, #tpu.memory_space<vmem>>)
    %dma_wait3A_124 = arith.constant 0 : i32
    %dma_wait3A_125 = arith.constant 0 : i32
    %dma_wait3A_126 = tpu.memref_slice %arg6[%dma_wait3A_124, %dma_wait3A_125] : memref<4x80xi32, #tpu.memory_space<vmem>> -> memref<1x80xi32, #tpu.memory_space<vmem>>
    %dma_wait3A_127 = tpu.memref_squeeze %dma_wait3A_126 : memref<1x80xi32, #tpu.memory_space<vmem>> -> memref<80xi32, #tpu.memory_space<vmem>>
    %dma_wait3A_128 = tpu.memref_slice %arg3[%multiple_of3A_115] : memref<960000xi32, #tpu.memory_space<hbm>> -> memref<80xi32, #tpu.memory_space<hbm>>
    %dma_wait3A_129 = arith.constant 0 : i32
    %dma_wait3A_130 = tpu.memref_slice %arg6[%dma_wait3A_124, %dma_wait3A_129] : memref<4x80xi32, #tpu.memory_space<vmem>> -> memref<1x80xi32, #tpu.memory_space<vmem>>
    %dma_wait3A_131 = tpu.memref_squeeze %dma_wait3A_130 : memref<1x80xi32, #tpu.memory_space<vmem>> -> memref<80xi32, #tpu.memory_space<vmem>>
    %dma_wait3A_132 = tpu.memref_slice %arg3[%multiple_of3A_115] : memref<960000xi32, #tpu.memory_space<hbm>> -> memref<80xi32, #tpu.memory_space<hbm>>
    tpu.wait_dma2 semaphore(%arg17 : memref<!tpu.dma_semaphore, #tpu.memory_space<semaphore_mem>>) src(%dma_wait3A_132 : memref<80xi32, #tpu.memory_space<hbm>>) dst(%dma_wait3A_131 : memref<80xi32, #tpu.memory_space<vmem>>)
    %dma_start3A_133 = arith.constant 0 : i32
    %dma_start3A_134 = arith.constant 0 : i32
    %dma_start3A_135 = arith.constant 0 : i32
    %dma_start3A_136 = arith.constant 0 : i32
    %dma_start3A_137 = tpu.memref_slice %arg7[%dma_start3A_134, %dma_start3A_135, %dma_start3A_136] : memref<4x80x128xf32, #tpu.memory_space<vmem>> -> memref<1x80x128xf32, #tpu.memory_space<vmem>>
    %dma_start3A_138 = tpu.memref_squeeze %dma_start3A_137 : memref<1x80x128xf32, #tpu.memory_space<vmem>> -> memref<80x128xf32, #tpu.memory_space<vmem>>
    %dma_start3A_139 = arith.constant 0 : i32
    %dma_start3A_140 = tpu.memref_slice %arg5[%dma_start3A_133, %dma_start3A_139] : memref<4x80xi32, #tpu.memory_space<vmem>> -> memref<1x80xi32, #tpu.memory_space<vmem>>
    %dma_start3A_141 = tpu.memref_squeeze %dma_start3A_140 : memref<1x80xi32, #tpu.memory_space<vmem>> -> memref<80xi32, #tpu.memory_space<vmem>>
    %dma_start3A_142 = arith.constant 0 : i32
    %dma_start3A_143 = arith.constant 0 : i32
    %dma_start3A_144 = tpu.memref_slice %arg2[%dma_start3A_142, %dma_start3A_143] : memref<20480x128xf32, #tpu.memory_space<hbm>> -> memref<20480x128xf32, #tpu.memory_space<hbm>>
    tpu.enqueue_indirect_dma source(%dma_start3A_144 : memref<20480x128xf32, #tpu.memory_space<hbm>>) target(%dma_start3A_138 : memref<80x128xf32, #tpu.memory_space<vmem>>) offsets(%dma_start3A_141 : memref<80xi32, #tpu.memory_space<vmem>>) semaphore(%arg9 : memref<!tpu.dma_semaphore, #tpu.memory_space<semaphore_mem>>)
    %add3A_145 = arith.constant 80 : i32
    %add3A_146 = arith.addi %add3A_10, %add3A_145 : i32
    %multiple_of3A_147 = tpu.assume_multiple %add3A_146, 8 : i32
    %add3A_148 = arith.constant 80 : i32
    %add3A_149 = arith.addi %add3A_14, %add3A_148 : i32
    %multiple_of3A_150 = tpu.assume_multiple %add3A_149, 8 : i32
    %dma_wait3A_151 = arith.constant 1 : i32
    %dma_wait3A_152 = arith.constant 0 : i32
    %dma_wait3A_153 = tpu.memref_slice %arg5[%dma_wait3A_151, %dma_wait3A_152] : memref<4x80xi32, #tpu.memory_space<vmem>> -> memref<1x80xi32, #tpu.memory_space<vmem>>
    %dma_wait3A_154 = tpu.memref_squeeze %dma_wait3A_153 : memref<1x80xi32, #tpu.memory_space<vmem>> -> memref<80xi32, #tpu.memory_space<vmem>>
    %dma_wait3A_155 = tpu.memref_slice %arg3[%multiple_of3A_147] : memref<960000xi32, #tpu.memory_space<hbm>> -> memref<80xi32, #tpu.memory_space<hbm>>
    %dma_wait3A_156 = arith.constant 0 : i32
    %dma_wait3A_157 = tpu.memref_slice %arg5[%dma_wait3A_151, %dma_wait3A_156] : memref<4x80xi32, #tpu.memory_space<vmem>> -> memref<1x80xi32, #tpu.memory_space<vmem>>
    %dma_wait3A_158 = tpu.memref_squeeze %dma_wait3A_157 : memref<1x80xi32, #tpu.memory_space<vmem>> -> memref<80xi32, #tpu.memory_space<vmem>>
    %dma_wait3A_159 = tpu.memref_slice %arg3[%multiple_of3A_147] : memref<960000xi32, #tpu.memory_space<hbm>> -> memref<80xi32, #tpu.memory_space<hbm>>
    tpu.wait_dma2 semaphore(%arg18 : memref<!tpu.dma_semaphore, #tpu.memory_space<semaphore_mem>>) src(%dma_wait3A_159 : memref<80xi32, #tpu.memory_space<hbm>>) dst(%dma_wait3A_158 : memref<80xi32, #tpu.memory_space<vmem>>)
    %dma_wait3A_160 = arith.constant 1 : i32
    %dma_wait3A_161 = arith.constant 0 : i32
    %dma_wait3A_162 = tpu.memref_slice %arg6[%dma_wait3A_160, %dma_wait3A_161] : memref<4x80xi32, #tpu.memory_space<vmem>> -> memref<1x80xi32, #tpu.memory_space<vmem>>
    %dma_wait3A_163 = tpu.memref_squeeze %dma_wait3A_162 : memref<1x80xi32, #tpu.memory_space<vmem>> -> memref<80xi32, #tpu.memory_space<vmem>>
    %dma_wait3A_164 = tpu.memref_slice %arg3[%multiple_of3A_150] : memref<960000xi32, #tpu.memory_space<hbm>> -> memref<80xi32, #tpu.memory_space<hbm>>
    %dma_wait3A_165 = arith.constant 0 : i32
    %dma_wait3A_166 = tpu.memref_slice %arg6[%dma_wait3A_160, %dma_wait3A_165] : memref<4x80xi32, #tpu.memory_space<vmem>> -> memref<1x80xi32, #tpu.memory_space<vmem>>
    %dma_wait3A_167 = tpu.memref_squeeze %dma_wait3A_166 : memref<1x80xi32, #tpu.memory_space<vmem>> -> memref<80xi32, #tpu.memory_space<vmem>>
    %dma_wait3A_168 = tpu.memref_slice %arg3[%multiple_of3A_150] : memref<960000xi32, #tpu.memory_space<hbm>> -> memref<80xi32, #tpu.memory_space<hbm>>
    tpu.wait_dma2 semaphore(%arg18 : memref<!tpu.dma_semaphore, #tpu.memory_space<semaphore_mem>>) src(%dma_wait3A_168 : memref<80xi32, #tpu.memory_space<hbm>>) dst(%dma_wait3A_167 : memref<80xi32, #tpu.memory_space<vmem>>)
    %dma_start3A_169 = arith.constant 1 : i32
    %dma_start3A_170 = arith.constant 1 : i32
    %dma_start3A_171 = arith.constant 0 : i32
    %dma_start3A_172 = arith.constant 0 : i32
    %dma_start3A_173 = tpu.memref_slice %arg7[%dma_start3A_170, %dma_start3A_171, %dma_start3A_172] : memref<4x80x128xf32, #tpu.memory_space<vmem>> -> memref<1x80x128xf32, #tpu.memory_space<vmem>>
    %dma_start3A_174 = tpu.memref_squeeze %dma_start3A_173 : memref<1x80x128xf32, #tpu.memory_space<vmem>> -> memref<80x128xf32, #tpu.memory_space<vmem>>
    %dma_start3A_175 = arith.constant 0 : i32
    %dma_start3A_176 = tpu.memref_slice %arg5[%dma_start3A_169, %dma_start3A_175] : memref<4x80xi32, #tpu.memory_space<vmem>> -> memref<1x80xi32, #tpu.memory_space<vmem>>
    %dma_start3A_177 = tpu.memref_squeeze %dma_start3A_176 : memref<1x80xi32, #tpu.memory_space<vmem>> -> memref<80xi32, #tpu.memory_space<vmem>>
    %dma_start3A_178 = arith.constant 0 : i32
    %dma_start3A_179 = arith.constant 0 : i32
    %dma_start3A_180 = tpu.memref_slice %arg2[%dma_start3A_178, %dma_start3A_179] : memref<20480x128xf32, #tpu.memory_space<hbm>> -> memref<20480x128xf32, #tpu.memory_space<hbm>>
    tpu.enqueue_indirect_dma source(%dma_start3A_180 : memref<20480x128xf32, #tpu.memory_space<hbm>>) target(%dma_start3A_174 : memref<80x128xf32, #tpu.memory_space<vmem>>) offsets(%dma_start3A_177 : memref<80xi32, #tpu.memory_space<vmem>>) semaphore(%arg10 : memref<!tpu.dma_semaphore, #tpu.memory_space<semaphore_mem>>)
    %add3A_181 = arith.constant 160 : i32
    %add3A_182 = arith.addi %add3A_10, %add3A_181 : i32
    %multiple_of3A_183 = tpu.assume_multiple %add3A_182, 8 : i32
    %add3A_184 = arith.constant 160 : i32
    %add3A_185 = arith.addi %add3A_14, %add3A_184 : i32
    %multiple_of3A_186 = tpu.assume_multiple %add3A_185, 8 : i32
    %dma_wait3A_187 = arith.constant 2 : i32
    %dma_wait3A_188 = arith.constant 0 : i32
    %dma_wait3A_189 = tpu.memref_slice %arg5[%dma_wait3A_187, %dma_wait3A_188] : memref<4x80xi32, #tpu.memory_space<vmem>> -> memref<1x80xi32, #tpu.memory_space<vmem>>
    %dma_wait3A_190 = tpu.memref_squeeze %dma_wait3A_189 : memref<1x80xi32, #tpu.memory_space<vmem>> -> memref<80xi32, #tpu.memory_space<vmem>>
    %dma_wait3A_191 = tpu.memref_slice %arg3[%multiple_of3A_183] : memref<960000xi32, #tpu.memory_space<hbm>> -> memref<80xi32, #tpu.memory_space<hbm>>
    %dma_wait3A_192 = arith.constant 0 : i32
    %dma_wait3A_193 = tpu.memref_slice %arg5[%dma_wait3A_187, %dma_wait3A_192] : memref<4x80xi32, #tpu.memory_space<vmem>> -> memref<1x80xi32, #tpu.memory_space<vmem>>
    %dma_wait3A_194 = tpu.memref_squeeze %dma_wait3A_193 : memref<1x80xi32, #tpu.memory_space<vmem>> -> memref<80xi32, #tpu.memory_space<vmem>>
    %dma_wait3A_195 = tpu.memref_slice %arg3[%multiple_of3A_183] : memref<960000xi32, #tpu.memory_space<hbm>> -> memref<80xi32, #tpu.memory_space<hbm>>
    tpu.wait_dma2 semaphore(%arg19 : memref<!tpu.dma_semaphore, #tpu.memory_space<semaphore_mem>>) src(%dma_wait3A_195 : memref<80xi32, #tpu.memory_space<hbm>>) dst(%dma_wait3A_194 : memref<80xi32, #tpu.memory_space<vmem>>)
    %dma_wait3A_196 = arith.constant 2 : i32
    %dma_wait3A_197 = arith.constant 0 : i32
    %dma_wait3A_198 = tpu.memref_slice %arg6[%dma_wait3A_196, %dma_wait3A_197] : memref<4x80xi32, #tpu.memory_space<vmem>> -> memref<1x80xi32, #tpu.memory_space<vmem>>
    %dma_wait3A_199 = tpu.memref_squeeze %dma_wait3A_198 : memref<1x80xi32, #tpu.memory_space<vmem>> -> memref<80xi32, #tpu.memory_space<vmem>>
    %dma_wait3A_200 = tpu.memref_slice %arg3[%multiple_of3A_186] : memref<960000xi32, #tpu.memory_space<hbm>> -> memref<80xi32, #tpu.memory_space<hbm>>
    %dma_wait3A_201 = arith.constant 0 : i32
    %dma_wait3A_202 = tpu.memref_slice %arg6[%dma_wait3A_196, %dma_wait3A_201] : memref<4x80xi32, #tpu.memory_space<vmem>> -> memref<1x80xi32, #tpu.memory_space<vmem>>
    %dma_wait3A_203 = tpu.memref_squeeze %dma_wait3A_202 : memref<1x80xi32, #tpu.memory_space<vmem>> -> memref<80xi32, #tpu.memory_space<vmem>>
    %dma_wait3A_204 = tpu.memref_slice %arg3[%multiple_of3A_186] : memref<960000xi32, #tpu.memory_space<hbm>> -> memref<80xi32, #tpu.memory_space<hbm>>
    tpu.wait_dma2 semaphore(%arg19 : memref<!tpu.dma_semaphore, #tpu.memory_space<semaphore_mem>>) src(%dma_wait3A_204 : memref<80xi32, #tpu.memory_space<hbm>>) dst(%dma_wait3A_203 : memref<80xi32, #tpu.memory_space<vmem>>)
    %dma_start3A_205 = arith.constant 2 : i32
    %dma_start3A_206 = arith.constant 2 : i32
    %dma_start3A_207 = arith.constant 0 : i32
    %dma_start3A_208 = arith.constant 0 : i32
    %dma_start3A_209 = tpu.memref_slice %arg7[%dma_start3A_206, %dma_start3A_207, %dma_start3A_208] : memref<4x80x128xf32, #tpu.memory_space<vmem>> -> memref<1x80x128xf32, #tpu.memory_space<vmem>>
    %dma_start3A_210 = tpu.memref_squeeze %dma_start3A_209 : memref<1x80x128xf32, #tpu.memory_space<vmem>> -> memref<80x128xf32, #tpu.memory_space<vmem>>
    %dma_start3A_211 = arith.constant 0 : i32
    %dma_start3A_212 = tpu.memref_slice %arg5[%dma_start3A_205, %dma_start3A_211] : memref<4x80xi32, #tpu.memory_space<vmem>> -> memref<1x80xi32, #tpu.memory_space<vmem>>
    %dma_start3A_213 = tpu.memref_squeeze %dma_start3A_212 : memref<1x80xi32, #tpu.memory_space<vmem>> -> memref<80xi32, #tpu.memory_space<vmem>>
    %dma_start3A_214 = arith.constant 0 : i32
    %dma_start3A_215 = arith.constant 0 : i32
    %dma_start3A_216 = tpu.memref_slice %arg2[%dma_start3A_214, %dma_start3A_215] : memref<20480x128xf32, #tpu.memory_space<hbm>> -> memref<20480x128xf32, #tpu.memory_space<hbm>>
    tpu.enqueue_indirect_dma source(%dma_start3A_216 : memref<20480x128xf32, #tpu.memory_space<hbm>>) target(%dma_start3A_210 : memref<80x128xf32, #tpu.memory_space<vmem>>) offsets(%dma_start3A_213 : memref<80xi32, #tpu.memory_space<vmem>>) semaphore(%arg11 : memref<!tpu.dma_semaphore, #tpu.memory_space<semaphore_mem>>)
    %add3A_217 = arith.constant 240 : i32
    %add3A_218 = arith.addi %add3A_10, %add3A_217 : i32
    %multiple_of3A_219 = tpu.assume_multiple %add3A_218, 8 : i32
    %add3A_220 = arith.constant 240 : i32
    %add3A_221 = arith.addi %add3A_14, %add3A_220 : i32
    %multiple_of3A_222 = tpu.assume_multiple %add3A_221, 8 : i32
    %dma_wait3A_223 = arith.constant 3 : i32
    %dma_wait3A_224 = arith.constant 0 : i32
    %dma_wait3A_225 = tpu.memref_slice %arg5[%dma_wait3A_223, %dma_wait3A_224] : memref<4x80xi32, #tpu.memory_space<vmem>> -> memref<1x80xi32, #tpu.memory_space<vmem>>
    %dma_wait3A_226 = tpu.memref_squeeze %dma_wait3A_225 : memref<1x80xi32, #tpu.memory_space<vmem>> -> memref<80xi32, #tpu.memory_space<vmem>>
    %dma_wait3A_227 = tpu.memref_slice %arg3[%multiple_of3A_219] : memref<960000xi32, #tpu.memory_space<hbm>> -> memref<80xi32, #tpu.memory_space<hbm>>
    %dma_wait3A_228 = arith.constant 0 : i32
    %dma_wait3A_229 = tpu.memref_slice %arg5[%dma_wait3A_223, %dma_wait3A_228] : memref<4x80xi32, #tpu.memory_space<vmem>> -> memref<1x80xi32, #tpu.memory_space<vmem>>
    %dma_wait3A_230 = tpu.memref_squeeze %dma_wait3A_229 : memref<1x80xi32, #tpu.memory_space<vmem>> -> memref<80xi32, #tpu.memory_space<vmem>>
    %dma_wait3A_231 = tpu.memref_slice %arg3[%multiple_of3A_219] : memref<960000xi32, #tpu.memory_space<hbm>> -> memref<80xi32, #tpu.memory_space<hbm>>
    tpu.wait_dma2 semaphore(%arg20 : memref<!tpu.dma_semaphore, #tpu.memory_space<semaphore_mem>>) src(%dma_wait3A_231 : memref<80xi32, #tpu.memory_space<hbm>>) dst(%dma_wait3A_230 : memref<80xi32, #tpu.memory_space<vmem>>)
    %dma_wait3A_232 = arith.constant 3 : i32
    %dma_wait3A_233 = arith.constant 0 : i32
    %dma_wait3A_234 = tpu.memref_slice %arg6[%dma_wait3A_232, %dma_wait3A_233] : memref<4x80xi32, #tpu.memory_space<vmem>> -> memref<1x80xi32, #tpu.memory_space<vmem>>
    %dma_wait3A_235 = tpu.memref_squeeze %dma_wait3A_234 : memref<1x80xi32, #tpu.memory_space<vmem>> -> memref<80xi32, #tpu.memory_space<vmem>>
    %dma_wait3A_236 = tpu.memref_slice %arg3[%multiple_of3A_222] : memref<960000xi32, #tpu.memory_space<hbm>> -> memref<80xi32, #tpu.memory_space<hbm>>
    %dma_wait3A_237 = arith.constant 0 : i32
    %dma_wait3A_238 = tpu.memref_slice %arg6[%dma_wait3A_232, %dma_wait3A_237] : memref<4x80xi32, #tpu.memory_space<vmem>> -> memref<1x80xi32, #tpu.memory_space<vmem>>
    %dma_wait3A_239 = tpu.memref_squeeze %dma_wait3A_238 : memref<1x80xi32, #tpu.memory_space<vmem>> -> memref<80xi32, #tpu.memory_space<vmem>>
    %dma_wait3A_240 = tpu.memref_slice %arg3[%multiple_of3A_222] : memref<960000xi32, #tpu.memory_space<hbm>> -> memref<80xi32, #tpu.memory_space<hbm>>
    tpu.wait_dma2 semaphore(%arg20 : memref<!tpu.dma_semaphore, #tpu.memory_space<semaphore_mem>>) src(%dma_wait3A_240 : memref<80xi32, #tpu.memory_space<hbm>>) dst(%dma_wait3A_239 : memref<80xi32, #tpu.memory_space<vmem>>)
    %dma_start3A_241 = arith.constant 3 : i32
    %dma_start3A_242 = arith.constant 3 : i32
    %dma_start3A_243 = arith.constant 0 : i32
    %dma_start3A_244 = arith.constant 0 : i32
    %dma_start3A_245 = tpu.memref_slice %arg7[%dma_start3A_242, %dma_start3A_243, %dma_start3A_244] : memref<4x80x128xf32, #tpu.memory_space<vmem>> -> memref<1x80x128xf32, #tpu.memory_space<vmem>>
    %dma_start3A_246 = tpu.memref_squeeze %dma_start3A_245 : memref<1x80x128xf32, #tpu.memory_space<vmem>> -> memref<80x128xf32, #tpu.memory_space<vmem>>
    %dma_start3A_247 = arith.constant 0 : i32
    %dma_start3A_248 = tpu.memref_slice %arg5[%dma_start3A_241, %dma_start3A_247] : memref<4x80xi32, #tpu.memory_space<vmem>> -> memref<1x80xi32, #tpu.memory_space<vmem>>
    %dma_start3A_249 = tpu.memref_squeeze %dma_start3A_248 : memref<1x80xi32, #tpu.memory_space<vmem>> -> memref<80xi32, #tpu.memory_space<vmem>>
    %dma_start3A_250 = arith.constant 0 : i32
    %dma_start3A_251 = arith.constant 0 : i32
    %dma_start3A_252 = tpu.memref_slice %arg2[%dma_start3A_250, %dma_start3A_251] : memref<20480x128xf32, #tpu.memory_space<hbm>> -> memref<20480x128xf32, #tpu.memory_space<hbm>>
    tpu.enqueue_indirect_dma source(%dma_start3A_252 : memref<20480x128xf32, #tpu.memory_space<hbm>>) target(%dma_start3A_246 : memref<80x128xf32, #tpu.memory_space<vmem>>) offsets(%dma_start3A_249 : memref<80xi32, #tpu.memory_space<vmem>>) semaphore(%arg12 : memref<!tpu.dma_semaphore, #tpu.memory_space<semaphore_mem>>)
    %scan3A = arith.constant 0 : i32
    %scan3A_253 = arith.constant 0 : i32
    %scan3A_254 = arith.constant 63 : i32
    %scan3A_255 = arith.addi %scan3A_253, %scan3A_254 : i32
    %scan3A_256 = arith.constant 1 : i32
    scf.for %scan3A_307 = %scan3A_253 to %scan3A_255 step %scan3A_256  : i32 {
      %mul3A_308 = arith.constant 4 : i32
      %mul3A_309 = arith.muli %scan3A_307, %mul3A_308 : i32
      %add3A_310 = arith.constant 0 : i32
      %add3A_311 = arith.addi %mul3A_309, %add3A_310 : i32
      %lt3A = arith.constant 250 : i32
      %lt3A_312 = arith.cmpi slt, %add3A_311, %lt3A : i32
      %convert_element_type3A = arith.extui %lt3A_312 : i1 to i32
      %cond3A = arith.constant 0 : i32
      %cond3A_313 = arith.cmpi ne, %convert_element_type3A, %cond3A : i32
      scf.if %cond3A_313 {
        %dma_wait3A_407 = arith.constant 0 : i32
        %dma_wait3A_408 = arith.constant 0 : i32
        %dma_wait3A_409 = arith.constant 0 : i32
        %dma_wait3A_410 = arith.constant 0 : i32
        %dma_wait3A_411 = tpu.memref_slice %arg7[%dma_wait3A_408, %dma_wait3A_409, %dma_wait3A_410] : memref<4x80x128xf32, #tpu.memory_space<vmem>> -> memref<1x80x128xf32, #tpu.memory_space<vmem>>
        %dma_wait3A_412 = tpu.memref_squeeze %dma_wait3A_411 : memref<1x80x128xf32, #tpu.memory_space<vmem>> -> memref<80x128xf32, #tpu.memory_space<vmem>>
        %dma_wait3A_413 = arith.constant 0 : i32
        %dma_wait3A_414 = tpu.memref_slice %arg5[%dma_wait3A_407, %dma_wait3A_413] : memref<4x80xi32, #tpu.memory_space<vmem>> -> memref<1x80xi32, #tpu.memory_space<vmem>>
        %dma_wait3A_415 = tpu.memref_squeeze %dma_wait3A_414 : memref<1x80xi32, #tpu.memory_space<vmem>> -> memref<80xi32, #tpu.memory_space<vmem>>
        %dma_wait3A_416 = arith.constant 0 : i32
        %dma_wait3A_417 = arith.constant 0 : i32
        %dma_wait3A_418 = tpu.memref_slice %arg2[%dma_wait3A_416, %dma_wait3A_417] : memref<20480x128xf32, #tpu.memory_space<hbm>> -> memref<20480x128xf32, #tpu.memory_space<hbm>>
        tpu.wait_indirect_dma semaphore(%arg9 : memref<!tpu.dma_semaphore, #tpu.memory_space<semaphore_mem>>) src(%dma_wait3A_418 : memref<20480x128xf32, #tpu.memory_space<hbm>>) dst(%dma_wait3A_412 : memref<80x128xf32, #tpu.memory_space<vmem>>)
        %dma_start3A_419 = arith.constant 0 : i32
        %dma_start3A_420 = arith.constant 0 : i32
        %dma_start3A_421 = arith.constant 0 : i32
        %dma_start3A_422 = arith.constant 0 : i32
        %dma_start3A_423 = tpu.memref_slice %arg7[%dma_start3A_419, %dma_start3A_421, %dma_start3A_422] : memref<4x80x128xf32, #tpu.memory_space<vmem>> -> memref<1x80x128xf32, #tpu.memory_space<vmem>>
        %dma_start3A_424 = tpu.memref_squeeze %dma_start3A_423 : memref<1x80x128xf32, #tpu.memory_space<vmem>> -> memref<80x128xf32, #tpu.memory_space<vmem>>
        %dma_start3A_425 = arith.constant 0 : i32
        %dma_start3A_426 = tpu.memref_slice %arg6[%dma_start3A_420, %dma_start3A_425] : memref<4x80xi32, #tpu.memory_space<vmem>> -> memref<1x80xi32, #tpu.memory_space<vmem>>
        %dma_start3A_427 = tpu.memref_squeeze %dma_start3A_426 : memref<1x80xi32, #tpu.memory_space<vmem>> -> memref<80xi32, #tpu.memory_space<vmem>>
        %dma_start3A_428 = arith.constant 0 : i32
        %dma_start3A_429 = arith.constant 0 : i32
        %dma_start3A_430 = tpu.memref_slice %arg8[%dma_start3A_428, %dma_start3A_429] : memref<10240x128xf32, #tpu.memory_space<vmem_shared>> -> memref<10240x128xf32, #tpu.memory_space<vmem_shared>>
        tpu.enqueue_indirect_dma source(%dma_start3A_424 : memref<80x128xf32, #tpu.memory_space<vmem>>) target(%dma_start3A_430 : memref<10240x128xf32, #tpu.memory_space<vmem_shared>>) offsets(%dma_start3A_427 : memref<80xi32, #tpu.memory_space<vmem>>) semaphore(%arg13 : memref<!tpu.dma_semaphore, #tpu.memory_space<semaphore_mem>>) {add = true}
      } else {
      }
      %add3A_314 = arith.constant 1 : i32
      %add3A_315 = arith.addi %mul3A_309, %add3A_314 : i32
      %lt3A_316 = arith.constant 250 : i32
      %lt3A_317 = arith.cmpi slt, %add3A_315, %lt3A_316 : i32
      %convert_element_type3A_318 = arith.extui %lt3A_317 : i1 to i32
      %cond3A_319 = arith.constant 0 : i32
      %cond3A_320 = arith.cmpi ne, %convert_element_type3A_318, %cond3A_319 : i32
      scf.if %cond3A_320 {
        %dma_wait3A_407 = arith.constant 1 : i32
        %dma_wait3A_408 = arith.constant 1 : i32
        %dma_wait3A_409 = arith.constant 0 : i32
        %dma_wait3A_410 = arith.constant 0 : i32
        %dma_wait3A_411 = tpu.memref_slice %arg7[%dma_wait3A_408, %dma_wait3A_409, %dma_wait3A_410] : memref<4x80x128xf32, #tpu.memory_space<vmem>> -> memref<1x80x128xf32, #tpu.memory_space<vmem>>
        %dma_wait3A_412 = tpu.memref_squeeze %dma_wait3A_411 : memref<1x80x128xf32, #tpu.memory_space<vmem>> -> memref<80x128xf32, #tpu.memory_space<vmem>>
        %dma_wait3A_413 = arith.constant 0 : i32
        %dma_wait3A_414 = tpu.memref_slice %arg5[%dma_wait3A_407, %dma_wait3A_413] : memref<4x80xi32, #tpu.memory_space<vmem>> -> memref<1x80xi32, #tpu.memory_space<vmem>>
        %dma_wait3A_415 = tpu.memref_squeeze %dma_wait3A_414 : memref<1x80xi32, #tpu.memory_space<vmem>> -> memref<80xi32, #tpu.memory_space<vmem>>
        %dma_wait3A_416 = arith.constant 0 : i32
        %dma_wait3A_417 = arith.constant 0 : i32
        %dma_wait3A_418 = tpu.memref_slice %arg2[%dma_wait3A_416, %dma_wait3A_417] : memref<20480x128xf32, #tpu.memory_space<hbm>> -> memref<20480x128xf32, #tpu.memory_space<hbm>>
        tpu.wait_indirect_dma semaphore(%arg10 : memref<!tpu.dma_semaphore, #tpu.memory_space<semaphore_mem>>) src(%dma_wait3A_418 : memref<20480x128xf32, #tpu.memory_space<hbm>>) dst(%dma_wait3A_412 : memref<80x128xf32, #tpu.memory_space<vmem>>)
        %dma_start3A_419 = arith.constant 1 : i32
        %dma_start3A_420 = arith.constant 1 : i32
        %dma_start3A_421 = arith.constant 0 : i32
        %dma_start3A_422 = arith.constant 0 : i32
        %dma_start3A_423 = tpu.memref_slice %arg7[%dma_start3A_419, %dma_start3A_421, %dma_start3A_422] : memref<4x80x128xf32, #tpu.memory_space<vmem>> -> memref<1x80x128xf32, #tpu.memory_space<vmem>>
        %dma_start3A_424 = tpu.memref_squeeze %dma_start3A_423 : memref<1x80x128xf32, #tpu.memory_space<vmem>> -> memref<80x128xf32, #tpu.memory_space<vmem>>
        %dma_start3A_425 = arith.constant 0 : i32
        %dma_start3A_426 = tpu.memref_slice %arg6[%dma_start3A_420, %dma_start3A_425] : memref<4x80xi32, #tpu.memory_space<vmem>> -> memref<1x80xi32, #tpu.memory_space<vmem>>
        %dma_start3A_427 = tpu.memref_squeeze %dma_start3A_426 : memref<1x80xi32, #tpu.memory_space<vmem>> -> memref<80xi32, #tpu.memory_space<vmem>>
        %dma_start3A_428 = arith.constant 0 : i32
        %dma_start3A_429 = arith.constant 0 : i32
        %dma_start3A_430 = tpu.memref_slice %arg8[%dma_start3A_428, %dma_start3A_429] : memref<10240x128xf32, #tpu.memory_space<vmem_shared>> -> memref<10240x128xf32, #tpu.memory_space<vmem_shared>>
        tpu.enqueue_indirect_dma source(%dma_start3A_424 : memref<80x128xf32, #tpu.memory_space<vmem>>) target(%dma_start3A_430 : memref<10240x128xf32, #tpu.memory_space<vmem_shared>>) offsets(%dma_start3A_427 : memref<80xi32, #tpu.memory_space<vmem>>) semaphore(%arg14 : memref<!tpu.dma_semaphore, #tpu.memory_space<semaphore_mem>>) {add = true}
      } else {
      }
      %add3A_321 = arith.constant 2 : i32
      %add3A_322 = arith.addi %mul3A_309, %add3A_321 : i32
      %lt3A_323 = arith.constant 250 : i32
      %lt3A_324 = arith.cmpi slt, %add3A_322, %lt3A_323 : i32
      %convert_element_type3A_325 = arith.extui %lt3A_324 : i1 to i32
      %cond3A_326 = arith.constant 0 : i32
      %cond3A_327 = arith.cmpi ne, %convert_element_type3A_325, %cond3A_326 : i32
      scf.if %cond3A_327 {
        %dma_wait3A_407 = arith.constant 2 : i32
        %dma_wait3A_408 = arith.constant 2 : i32
        %dma_wait3A_409 = arith.constant 0 : i32
        %dma_wait3A_410 = arith.constant 0 : i32
        %dma_wait3A_411 = tpu.memref_slice %arg7[%dma_wait3A_408, %dma_wait3A_409, %dma_wait3A_410] : memref<4x80x128xf32, #tpu.memory_space<vmem>> -> memref<1x80x128xf32, #tpu.memory_space<vmem>>
        %dma_wait3A_412 = tpu.memref_squeeze %dma_wait3A_411 : memref<1x80x128xf32, #tpu.memory_space<vmem>> -> memref<80x128xf32, #tpu.memory_space<vmem>>
        %dma_wait3A_413 = arith.constant 0 : i32
        %dma_wait3A_414 = tpu.memref_slice %arg5[%dma_wait3A_407, %dma_wait3A_413] : memref<4x80xi32, #tpu.memory_space<vmem>> -> memref<1x80xi32, #tpu.memory_space<vmem>>
        %dma_wait3A_415 = tpu.memref_squeeze %dma_wait3A_414 : memref<1x80xi32, #tpu.memory_space<vmem>> -> memref<80xi32, #tpu.memory_space<vmem>>
        %dma_wait3A_416 = arith.constant 0 : i32
        %dma_wait3A_417 = arith.constant 0 : i32
        %dma_wait3A_418 = tpu.memref_slice %arg2[%dma_wait3A_416, %dma_wait3A_417] : memref<20480x128xf32, #tpu.memory_space<hbm>> -> memref<20480x128xf32, #tpu.memory_space<hbm>>
        tpu.wait_indirect_dma semaphore(%arg11 : memref<!tpu.dma_semaphore, #tpu.memory_space<semaphore_mem>>) src(%dma_wait3A_418 : memref<20480x128xf32, #tpu.memory_space<hbm>>) dst(%dma_wait3A_412 : memref<80x128xf32, #tpu.memory_space<vmem>>)
        %dma_start3A_419 = arith.constant 2 : i32
        %dma_start3A_420 = arith.constant 2 : i32
        %dma_start3A_421 = arith.constant 0 : i32
        %dma_start3A_422 = arith.constant 0 : i32
        %dma_start3A_423 = tpu.memref_slice %arg7[%dma_start3A_419, %dma_start3A_421, %dma_start3A_422] : memref<4x80x128xf32, #tpu.memory_space<vmem>> -> memref<1x80x128xf32, #tpu.memory_space<vmem>>
        %dma_start3A_424 = tpu.memref_squeeze %dma_start3A_423 : memref<1x80x128xf32, #tpu.memory_space<vmem>> -> memref<80x128xf32, #tpu.memory_space<vmem>>
        %dma_start3A_425 = arith.constant 0 : i32
        %dma_start3A_426 = tpu.memref_slice %arg6[%dma_start3A_420, %dma_start3A_425] : memref<4x80xi32, #tpu.memory_space<vmem>> -> memref<1x80xi32, #tpu.memory_space<vmem>>
        %dma_start3A_427 = tpu.memref_squeeze %dma_start3A_426 : memref<1x80xi32, #tpu.memory_space<vmem>> -> memref<80xi32, #tpu.memory_space<vmem>>
        %dma_start3A_428 = arith.constant 0 : i32
        %dma_start3A_429 = arith.constant 0 : i32
        %dma_start3A_430 = tpu.memref_slice %arg8[%dma_start3A_428, %dma_start3A_429] : memref<10240x128xf32, #tpu.memory_space<vmem_shared>> -> memref<10240x128xf32, #tpu.memory_space<vmem_shared>>
        tpu.enqueue_indirect_dma source(%dma_start3A_424 : memref<80x128xf32, #tpu.memory_space<vmem>>) target(%dma_start3A_430 : memref<10240x128xf32, #tpu.memory_space<vmem_shared>>) offsets(%dma_start3A_427 : memref<80xi32, #tpu.memory_space<vmem>>) semaphore(%arg15 : memref<!tpu.dma_semaphore, #tpu.memory_space<semaphore_mem>>) {add = true}
      } else {
      }
      %add3A_328 = arith.constant 3 : i32
      %add3A_329 = arith.addi %mul3A_309, %add3A_328 : i32
      %lt3A_330 = arith.constant 250 : i32
      %lt3A_331 = arith.cmpi slt, %add3A_329, %lt3A_330 : i32
      %convert_element_type3A_332 = arith.extui %lt3A_331 : i1 to i32
      %cond3A_333 = arith.constant 0 : i32
      %cond3A_334 = arith.cmpi ne, %convert_element_type3A_332, %cond3A_333 : i32
      scf.if %cond3A_334 {
        %dma_wait3A_407 = arith.constant 3 : i32
        %dma_wait3A_408 = arith.constant 3 : i32
        %dma_wait3A_409 = arith.constant 0 : i32
        %dma_wait3A_410 = arith.constant 0 : i32
        %dma_wait3A_411 = tpu.memref_slice %arg7[%dma_wait3A_408, %dma_wait3A_409, %dma_wait3A_410] : memref<4x80x128xf32, #tpu.memory_space<vmem>> -> memref<1x80x128xf32, #tpu.memory_space<vmem>>
        %dma_wait3A_412 = tpu.memref_squeeze %dma_wait3A_411 : memref<1x80x128xf32, #tpu.memory_space<vmem>> -> memref<80x128xf32, #tpu.memory_space<vmem>>
        %dma_wait3A_413 = arith.constant 0 : i32
        %dma_wait3A_414 = tpu.memref_slice %arg5[%dma_wait3A_407, %dma_wait3A_413] : memref<4x80xi32, #tpu.memory_space<vmem>> -> memref<1x80xi32, #tpu.memory_space<vmem>>
        %dma_wait3A_415 = tpu.memref_squeeze %dma_wait3A_414 : memref<1x80xi32, #tpu.memory_space<vmem>> -> memref<80xi32, #tpu.memory_space<vmem>>
        %dma_wait3A_416 = arith.constant 0 : i32
        %dma_wait3A_417 = arith.constant 0 : i32
        %dma_wait3A_418 = tpu.memref_slice %arg2[%dma_wait3A_416, %dma_wait3A_417] : memref<20480x128xf32, #tpu.memory_space<hbm>> -> memref<20480x128xf32, #tpu.memory_space<hbm>>
        tpu.wait_indirect_dma semaphore(%arg12 : memref<!tpu.dma_semaphore, #tpu.memory_space<semaphore_mem>>) src(%dma_wait3A_418 : memref<20480x128xf32, #tpu.memory_space<hbm>>) dst(%dma_wait3A_412 : memref<80x128xf32, #tpu.memory_space<vmem>>)
        %dma_start3A_419 = arith.constant 3 : i32
        %dma_start3A_420 = arith.constant 3 : i32
        %dma_start3A_421 = arith.constant 0 : i32
        %dma_start3A_422 = arith.constant 0 : i32
        %dma_start3A_423 = tpu.memref_slice %arg7[%dma_start3A_419, %dma_start3A_421, %dma_start3A_422] : memref<4x80x128xf32, #tpu.memory_space<vmem>> -> memref<1x80x128xf32, #tpu.memory_space<vmem>>
        %dma_start3A_424 = tpu.memref_squeeze %dma_start3A_423 : memref<1x80x128xf32, #tpu.memory_space<vmem>> -> memref<80x128xf32, #tpu.memory_space<vmem>>
        %dma_start3A_425 = arith.constant 0 : i32
        %dma_start3A_426 = tpu.memref_slice %arg6[%dma_start3A_420, %dma_start3A_425] : memref<4x80xi32, #tpu.memory_space<vmem>> -> memref<1x80xi32, #tpu.memory_space<vmem>>
        %dma_start3A_427 = tpu.memref_squeeze %dma_start3A_426 : memref<1x80xi32, #tpu.memory_space<vmem>> -> memref<80xi32, #tpu.memory_space<vmem>>
        %dma_start3A_428 = arith.constant 0 : i32
        %dma_start3A_429 = arith.constant 0 : i32
        %dma_start3A_430 = tpu.memref_slice %arg8[%dma_start3A_428, %dma_start3A_429] : memref<10240x128xf32, #tpu.memory_space<vmem_shared>> -> memref<10240x128xf32, #tpu.memory_space<vmem_shared>>
        tpu.enqueue_indirect_dma source(%dma_start3A_424 : memref<80x128xf32, #tpu.memory_space<vmem>>) target(%dma_start3A_430 : memref<10240x128xf32, #tpu.memory_space<vmem_shared>>) offsets(%dma_start3A_427 : memref<80xi32, #tpu.memory_space<vmem>>) semaphore(%arg16 : memref<!tpu.dma_semaphore, #tpu.memory_space<semaphore_mem>>) {add = true}
      } else {
      }
      %add3A_335 = arith.constant 4 : i32
      %add3A_336 = arith.addi %mul3A_309, %add3A_335 : i32
      %add3A_337 = arith.constant 0 : i32
      %add3A_338 = arith.addi %add3A_336, %add3A_337 : i32
      %lt3A_339 = arith.constant 250 : i32
      %lt3A_340 = arith.cmpi slt, %add3A_338, %lt3A_339 : i32
      %convert_element_type3A_341 = arith.extui %lt3A_340 : i1 to i32
      %cond3A_342 = arith.constant 0 : i32
      %cond3A_343 = arith.cmpi ne, %convert_element_type3A_341, %cond3A_342 : i32
      scf.if %cond3A_343 {
        %dma_wait3A_407 = arith.constant 0 : i32
        %dma_wait3A_408 = arith.constant 0 : i32
        %dma_wait3A_409 = arith.constant 0 : i32
        %dma_wait3A_410 = arith.constant 0 : i32
        %dma_wait3A_411 = tpu.memref_slice %arg7[%dma_wait3A_407, %dma_wait3A_409, %dma_wait3A_410] : memref<4x80x128xf32, #tpu.memory_space<vmem>> -> memref<1x80x128xf32, #tpu.memory_space<vmem>>
        %dma_wait3A_412 = tpu.memref_squeeze %dma_wait3A_411 : memref<1x80x128xf32, #tpu.memory_space<vmem>> -> memref<80x128xf32, #tpu.memory_space<vmem>>
        %dma_wait3A_413 = arith.constant 0 : i32
        %dma_wait3A_414 = tpu.memref_slice %arg6[%dma_wait3A_408, %dma_wait3A_413] : memref<4x80xi32, #tpu.memory_space<vmem>> -> memref<1x80xi32, #tpu.memory_space<vmem>>
        %dma_wait3A_415 = tpu.memref_squeeze %dma_wait3A_414 : memref<1x80xi32, #tpu.memory_space<vmem>> -> memref<80xi32, #tpu.memory_space<vmem>>
        %dma_wait3A_416 = arith.constant 0 : i32
        %dma_wait3A_417 = arith.constant 0 : i32
        %dma_wait3A_418 = tpu.memref_slice %arg8[%dma_wait3A_416, %dma_wait3A_417] : memref<10240x128xf32, #tpu.memory_space<vmem_shared>> -> memref<10240x128xf32, #tpu.memory_space<vmem_shared>>
        tpu.wait_indirect_dma semaphore(%arg13 : memref<!tpu.dma_semaphore, #tpu.memory_space<semaphore_mem>>) src(%dma_wait3A_412 : memref<80x128xf32, #tpu.memory_space<vmem>>) dst(%dma_wait3A_418 : memref<10240x128xf32, #tpu.memory_space<vmem_shared>>)
        %mul3A_419 = arith.constant 80 : i32
        %mul3A_420 = arith.muli %add3A_338, %mul3A_419 : i32
        %add3A_421 = arith.addi %add3A_10, %mul3A_420 : i32
        %multiple_of3A_422 = tpu.assume_multiple %add3A_421, 8 : i32
        %mul3A_423 = arith.constant 80 : i32
        %mul3A_424 = arith.muli %add3A_338, %mul3A_423 : i32
        %add3A_425 = arith.addi %add3A_14, %mul3A_424 : i32
        %multiple_of3A_426 = tpu.assume_multiple %add3A_425, 8 : i32
        %dma_start3A_427 = arith.constant 0 : i32
        %dma_start3A_428 = arith.constant 0 : i32
        %dma_start3A_429 = tpu.memref_slice %arg5[%dma_start3A_427, %dma_start3A_428] : memref<4x80xi32, #tpu.memory_space<vmem>> -> memref<1x80xi32, #tpu.memory_space<vmem>>
        %dma_start3A_430 = tpu.memref_squeeze %dma_start3A_429 : memref<1x80xi32, #tpu.memory_space<vmem>> -> memref<80xi32, #tpu.memory_space<vmem>>
        %dma_start3A_431 = tpu.memref_slice %arg3[%multiple_of3A_422] : memref<960000xi32, #tpu.memory_space<hbm>> -> memref<80xi32, #tpu.memory_space<hbm>>
        %dma_start3A_432 = arith.constant 0 : i32
        %dma_start3A_433 = tpu.memref_slice %arg5[%dma_start3A_427, %dma_start3A_432] : memref<4x80xi32, #tpu.memory_space<vmem>> -> memref<1x80xi32, #tpu.memory_space<vmem>>
        %dma_start3A_434 = tpu.memref_squeeze %dma_start3A_433 : memref<1x80xi32, #tpu.memory_space<vmem>> -> memref<80xi32, #tpu.memory_space<vmem>>
        %dma_start3A_435 = tpu.memref_slice %arg3[%multiple_of3A_422] : memref<960000xi32, #tpu.memory_space<hbm>> -> memref<80xi32, #tpu.memory_space<hbm>>
        tpu.enqueue_dma source(%dma_start3A_435 : memref<80xi32, #tpu.memory_space<hbm>>) target(%dma_start3A_434 : memref<80xi32, #tpu.memory_space<vmem>>) target_semaphore(%arg17 : memref<!tpu.dma_semaphore, #tpu.memory_space<semaphore_mem>>)
        %dma_start3A_436 = arith.constant 0 : i32
        %dma_start3A_437 = arith.constant 0 : i32
        %dma_start3A_438 = tpu.memref_slice %arg6[%dma_start3A_436, %dma_start3A_437] : memref<4x80xi32, #tpu.memory_space<vmem>> -> memref<1x80xi32, #tpu.memory_space<vmem>>
        %dma_start3A_439 = tpu.memref_squeeze %dma_start3A_438 : memref<1x80xi32, #tpu.memory_space<vmem>> -> memref<80xi32, #tpu.memory_space<vmem>>
        %dma_start3A_440 = tpu.memref_slice %arg3[%multiple_of3A_426] : memref<960000xi32, #tpu.memory_space<hbm>> -> memref<80xi32, #tpu.memory_space<hbm>>
        %dma_start3A_441 = arith.constant 0 : i32
        %dma_start3A_442 = tpu.memref_slice %arg6[%dma_start3A_436, %dma_start3A_441] : memref<4x80xi32, #tpu.memory_space<vmem>> -> memref<1x80xi32, #tpu.memory_space<vmem>>
        %dma_start3A_443 = tpu.memref_squeeze %dma_start3A_442 : memref<1x80xi32, #tpu.memory_space<vmem>> -> memref<80xi32, #tpu.memory_space<vmem>>
        %dma_start3A_444 = tpu.memref_slice %arg3[%multiple_of3A_426] : memref<960000xi32, #tpu.memory_space<hbm>> -> memref<80xi32, #tpu.memory_space<hbm>>
        tpu.enqueue_dma source(%dma_start3A_444 : memref<80xi32, #tpu.memory_space<hbm>>) target(%dma_start3A_443 : memref<80xi32, #tpu.memory_space<vmem>>) target_semaphore(%arg17 : memref<!tpu.dma_semaphore, #tpu.memory_space<semaphore_mem>>)
      } else {
      }
      %add3A_344 = arith.constant 4 : i32
      %add3A_345 = arith.addi %mul3A_309, %add3A_344 : i32
      %add3A_346 = arith.constant 1 : i32
      %add3A_347 = arith.addi %add3A_345, %add3A_346 : i32
      %lt3A_348 = arith.constant 250 : i32
      %lt3A_349 = arith.cmpi slt, %add3A_347, %lt3A_348 : i32
      %convert_element_type3A_350 = arith.extui %lt3A_349 : i1 to i32
      %cond3A_351 = arith.constant 0 : i32
      %cond3A_352 = arith.cmpi ne, %convert_element_type3A_350, %cond3A_351 : i32
      scf.if %cond3A_352 {
        %dma_wait3A_407 = arith.constant 1 : i32
        %dma_wait3A_408 = arith.constant 1 : i32
        %dma_wait3A_409 = arith.constant 0 : i32
        %dma_wait3A_410 = arith.constant 0 : i32
        %dma_wait3A_411 = tpu.memref_slice %arg7[%dma_wait3A_407, %dma_wait3A_409, %dma_wait3A_410] : memref<4x80x128xf32, #tpu.memory_space<vmem>> -> memref<1x80x128xf32, #tpu.memory_space<vmem>>
        %dma_wait3A_412 = tpu.memref_squeeze %dma_wait3A_411 : memref<1x80x128xf32, #tpu.memory_space<vmem>> -> memref<80x128xf32, #tpu.memory_space<vmem>>
        %dma_wait3A_413 = arith.constant 0 : i32
        %dma_wait3A_414 = tpu.memref_slice %arg6[%dma_wait3A_408, %dma_wait3A_413] : memref<4x80xi32, #tpu.memory_space<vmem>> -> memref<1x80xi32, #tpu.memory_space<vmem>>
        %dma_wait3A_415 = tpu.memref_squeeze %dma_wait3A_414 : memref<1x80xi32, #tpu.memory_space<vmem>> -> memref<80xi32, #tpu.memory_space<vmem>>
        %dma_wait3A_416 = arith.constant 0 : i32
        %dma_wait3A_417 = arith.constant 0 : i32
        %dma_wait3A_418 = tpu.memref_slice %arg8[%dma_wait3A_416, %dma_wait3A_417] : memref<10240x128xf32, #tpu.memory_space<vmem_shared>> -> memref<10240x128xf32, #tpu.memory_space<vmem_shared>>
        tpu.wait_indirect_dma semaphore(%arg14 : memref<!tpu.dma_semaphore, #tpu.memory_space<semaphore_mem>>) src(%dma_wait3A_412 : memref<80x128xf32, #tpu.memory_space<vmem>>) dst(%dma_wait3A_418 : memref<10240x128xf32, #tpu.memory_space<vmem_shared>>)
        %mul3A_419 = arith.constant 80 : i32
        %mul3A_420 = arith.muli %add3A_347, %mul3A_419 : i32
        %add3A_421 = arith.addi %add3A_10, %mul3A_420 : i32
        %multiple_of3A_422 = tpu.assume_multiple %add3A_421, 8 : i32
        %mul3A_423 = arith.constant 80 : i32
        %mul3A_424 = arith.muli %add3A_347, %mul3A_423 : i32
        %add3A_425 = arith.addi %add3A_14, %mul3A_424 : i32
        %multiple_of3A_426 = tpu.assume_multiple %add3A_425, 8 : i32
        %dma_start3A_427 = arith.constant 1 : i32
        %dma_start3A_428 = arith.constant 0 : i32
        %dma_start3A_429 = tpu.memref_slice %arg5[%dma_start3A_427, %dma_start3A_428] : memref<4x80xi32, #tpu.memory_space<vmem>> -> memref<1x80xi32, #tpu.memory_space<vmem>>
        %dma_start3A_430 = tpu.memref_squeeze %dma_start3A_429 : memref<1x80xi32, #tpu.memory_space<vmem>> -> memref<80xi32, #tpu.memory_space<vmem>>
        %dma_start3A_431 = tpu.memref_slice %arg3[%multiple_of3A_422] : memref<960000xi32, #tpu.memory_space<hbm>> -> memref<80xi32, #tpu.memory_space<hbm>>
        %dma_start3A_432 = arith.constant 0 : i32
        %dma_start3A_433 = tpu.memref_slice %arg5[%dma_start3A_427, %dma_start3A_432] : memref<4x80xi32, #tpu.memory_space<vmem>> -> memref<1x80xi32, #tpu.memory_space<vmem>>
        %dma_start3A_434 = tpu.memref_squeeze %dma_start3A_433 : memref<1x80xi32, #tpu.memory_space<vmem>> -> memref<80xi32, #tpu.memory_space<vmem>>
        %dma_start3A_435 = tpu.memref_slice %arg3[%multiple_of3A_422] : memref<960000xi32, #tpu.memory_space<hbm>> -> memref<80xi32, #tpu.memory_space<hbm>>
        tpu.enqueue_dma source(%dma_start3A_435 : memref<80xi32, #tpu.memory_space<hbm>>) target(%dma_start3A_434 : memref<80xi32, #tpu.memory_space<vmem>>) target_semaphore(%arg18 : memref<!tpu.dma_semaphore, #tpu.memory_space<semaphore_mem>>)
        %dma_start3A_436 = arith.constant 1 : i32
        %dma_start3A_437 = arith.constant 0 : i32
        %dma_start3A_438 = tpu.memref_slice %arg6[%dma_start3A_436, %dma_start3A_437] : memref<4x80xi32, #tpu.memory_space<vmem>> -> memref<1x80xi32, #tpu.memory_space<vmem>>
        %dma_start3A_439 = tpu.memref_squeeze %dma_start3A_438 : memref<1x80xi32, #tpu.memory_space<vmem>> -> memref<80xi32, #tpu.memory_space<vmem>>
        %dma_start3A_440 = tpu.memref_slice %arg3[%multiple_of3A_426] : memref<960000xi32, #tpu.memory_space<hbm>> -> memref<80xi32, #tpu.memory_space<hbm>>
        %dma_start3A_441 = arith.constant 0 : i32
        %dma_start3A_442 = tpu.memref_slice %arg6[%dma_start3A_436, %dma_start3A_441] : memref<4x80xi32, #tpu.memory_space<vmem>> -> memref<1x80xi32, #tpu.memory_space<vmem>>
        %dma_start3A_443 = tpu.memref_squeeze %dma_start3A_442 : memref<1x80xi32, #tpu.memory_space<vmem>> -> memref<80xi32, #tpu.memory_space<vmem>>
        %dma_start3A_444 = tpu.memref_slice %arg3[%multiple_of3A_426] : memref<960000xi32, #tpu.memory_space<hbm>> -> memref<80xi32, #tpu.memory_space<hbm>>
        tpu.enqueue_dma source(%dma_start3A_444 : memref<80xi32, #tpu.memory_space<hbm>>) target(%dma_start3A_443 : memref<80xi32, #tpu.memory_space<vmem>>) target_semaphore(%arg18 : memref<!tpu.dma_semaphore, #tpu.memory_space<semaphore_mem>>)
      } else {
      }
      %add3A_353 = arith.constant 4 : i32
      %add3A_354 = arith.addi %mul3A_309, %add3A_353 : i32
      %add3A_355 = arith.constant 2 : i32
      %add3A_356 = arith.addi %add3A_354, %add3A_355 : i32
      %lt3A_357 = arith.constant 250 : i32
      %lt3A_358 = arith.cmpi slt, %add3A_356, %lt3A_357 : i32
      %convert_element_type3A_359 = arith.extui %lt3A_358 : i1 to i32
      %cond3A_360 = arith.constant 0 : i32
      %cond3A_361 = arith.cmpi ne, %convert_element_type3A_359, %cond3A_360 : i32
      scf.if %cond3A_361 {
        %dma_wait3A_407 = arith.constant 2 : i32
        %dma_wait3A_408 = arith.constant 2 : i32
        %dma_wait3A_409 = arith.constant 0 : i32
        %dma_wait3A_410 = arith.constant 0 : i32
        %dma_wait3A_411 = tpu.memref_slice %arg7[%dma_wait3A_407, %dma_wait3A_409, %dma_wait3A_410] : memref<4x80x128xf32, #tpu.memory_space<vmem>> -> memref<1x80x128xf32, #tpu.memory_space<vmem>>
        %dma_wait3A_412 = tpu.memref_squeeze %dma_wait3A_411 : memref<1x80x128xf32, #tpu.memory_space<vmem>> -> memref<80x128xf32, #tpu.memory_space<vmem>>
        %dma_wait3A_413 = arith.constant 0 : i32
        %dma_wait3A_414 = tpu.memref_slice %arg6[%dma_wait3A_408, %dma_wait3A_413] : memref<4x80xi32, #tpu.memory_space<vmem>> -> memref<1x80xi32, #tpu.memory_space<vmem>>
        %dma_wait3A_415 = tpu.memref_squeeze %dma_wait3A_414 : memref<1x80xi32, #tpu.memory_space<vmem>> -> memref<80xi32, #tpu.memory_space<vmem>>
        %dma_wait3A_416 = arith.constant 0 : i32
        %dma_wait3A_417 = arith.constant 0 : i32
        %dma_wait3A_418 = tpu.memref_slice %arg8[%dma_wait3A_416, %dma_wait3A_417] : memref<10240x128xf32, #tpu.memory_space<vmem_shared>> -> memref<10240x128xf32, #tpu.memory_space<vmem_shared>>
        tpu.wait_indirect_dma semaphore(%arg15 : memref<!tpu.dma_semaphore, #tpu.memory_space<semaphore_mem>>) src(%dma_wait3A_412 : memref<80x128xf32, #tpu.memory_space<vmem>>) dst(%dma_wait3A_418 : memref<10240x128xf32, #tpu.memory_space<vmem_shared>>)
        %mul3A_419 = arith.constant 80 : i32
        %mul3A_420 = arith.muli %add3A_356, %mul3A_419 : i32
        %add3A_421 = arith.addi %add3A_10, %mul3A_420 : i32
        %multiple_of3A_422 = tpu.assume_multiple %add3A_421, 8 : i32
        %mul3A_423 = arith.constant 80 : i32
        %mul3A_424 = arith.muli %add3A_356, %mul3A_423 : i32
        %add3A_425 = arith.addi %add3A_14, %mul3A_424 : i32
        %multiple_of3A_426 = tpu.assume_multiple %add3A_425, 8 : i32
        %dma_start3A_427 = arith.constant 2 : i32
        %dma_start3A_428 = arith.constant 0 : i32
        %dma_start3A_429 = tpu.memref_slice %arg5[%dma_start3A_427, %dma_start3A_428] : memref<4x80xi32, #tpu.memory_space<vmem>> -> memref<1x80xi32, #tpu.memory_space<vmem>>
        %dma_start3A_430 = tpu.memref_squeeze %dma_start3A_429 : memref<1x80xi32, #tpu.memory_space<vmem>> -> memref<80xi32, #tpu.memory_space<vmem>>
        %dma_start3A_431 = tpu.memref_slice %arg3[%multiple_of3A_422] : memref<960000xi32, #tpu.memory_space<hbm>> -> memref<80xi32, #tpu.memory_space<hbm>>
        %dma_start3A_432 = arith.constant 0 : i32
        %dma_start3A_433 = tpu.memref_slice %arg5[%dma_start3A_427, %dma_start3A_432] : memref<4x80xi32, #tpu.memory_space<vmem>> -> memref<1x80xi32, #tpu.memory_space<vmem>>
        %dma_start3A_434 = tpu.memref_squeeze %dma_start3A_433 : memref<1x80xi32, #tpu.memory_space<vmem>> -> memref<80xi32, #tpu.memory_space<vmem>>
        %dma_start3A_435 = tpu.memref_slice %arg3[%multiple_of3A_422] : memref<960000xi32, #tpu.memory_space<hbm>> -> memref<80xi32, #tpu.memory_space<hbm>>
        tpu.enqueue_dma source(%dma_start3A_435 : memref<80xi32, #tpu.memory_space<hbm>>) target(%dma_start3A_434 : memref<80xi32, #tpu.memory_space<vmem>>) target_semaphore(%arg19 : memref<!tpu.dma_semaphore, #tpu.memory_space<semaphore_mem>>)
        %dma_start3A_436 = arith.constant 2 : i32
        %dma_start3A_437 = arith.constant 0 : i32
        %dma_start3A_438 = tpu.memref_slice %arg6[%dma_start3A_436, %dma_start3A_437] : memref<4x80xi32, #tpu.memory_space<vmem>> -> memref<1x80xi32, #tpu.memory_space<vmem>>
        %dma_start3A_439 = tpu.memref_squeeze %dma_start3A_438 : memref<1x80xi32, #tpu.memory_space<vmem>> -> memref<80xi32, #tpu.memory_space<vmem>>
        %dma_start3A_440 = tpu.memref_slice %arg3[%multiple_of3A_426] : memref<960000xi32, #tpu.memory_space<hbm>> -> memref<80xi32, #tpu.memory_space<hbm>>
        %dma_start3A_441 = arith.constant 0 : i32
        %dma_start3A_442 = tpu.memref_slice %arg6[%dma_start3A_436, %dma_start3A_441] : memref<4x80xi32, #tpu.memory_space<vmem>> -> memref<1x80xi32, #tpu.memory_space<vmem>>
        %dma_start3A_443 = tpu.memref_squeeze %dma_start3A_442 : memref<1x80xi32, #tpu.memory_space<vmem>> -> memref<80xi32, #tpu.memory_space<vmem>>
        %dma_start3A_444 = tpu.memref_slice %arg3[%multiple_of3A_426] : memref<960000xi32, #tpu.memory_space<hbm>> -> memref<80xi32, #tpu.memory_space<hbm>>
        tpu.enqueue_dma source(%dma_start3A_444 : memref<80xi32, #tpu.memory_space<hbm>>) target(%dma_start3A_443 : memref<80xi32, #tpu.memory_space<vmem>>) target_semaphore(%arg19 : memref<!tpu.dma_semaphore, #tpu.memory_space<semaphore_mem>>)
      } else {
      }
      %add3A_362 = arith.constant 4 : i32
      %add3A_363 = arith.addi %mul3A_309, %add3A_362 : i32
      %add3A_364 = arith.constant 3 : i32
      %add3A_365 = arith.addi %add3A_363, %add3A_364 : i32
      %lt3A_366 = arith.constant 250 : i32
      %lt3A_367 = arith.cmpi slt, %add3A_365, %lt3A_366 : i32
      %convert_element_type3A_368 = arith.extui %lt3A_367 : i1 to i32
      %cond3A_369 = arith.constant 0 : i32
      %cond3A_370 = arith.cmpi ne, %convert_element_type3A_368, %cond3A_369 : i32
      scf.if %cond3A_370 {
        %dma_wait3A_407 = arith.constant 3 : i32
        %dma_wait3A_408 = arith.constant 3 : i32
        %dma_wait3A_409 = arith.constant 0 : i32
        %dma_wait3A_410 = arith.constant 0 : i32
        %dma_wait3A_411 = tpu.memref_slice %arg7[%dma_wait3A_407, %dma_wait3A_409, %dma_wait3A_410] : memref<4x80x128xf32, #tpu.memory_space<vmem>> -> memref<1x80x128xf32, #tpu.memory_space<vmem>>
        %dma_wait3A_412 = tpu.memref_squeeze %dma_wait3A_411 : memref<1x80x128xf32, #tpu.memory_space<vmem>> -> memref<80x128xf32, #tpu.memory_space<vmem>>
        %dma_wait3A_413 = arith.constant 0 : i32
        %dma_wait3A_414 = tpu.memref_slice %arg6[%dma_wait3A_408, %dma_wait3A_413] : memref<4x80xi32, #tpu.memory_space<vmem>> -> memref<1x80xi32, #tpu.memory_space<vmem>>
        %dma_wait3A_415 = tpu.memref_squeeze %dma_wait3A_414 : memref<1x80xi32, #tpu.memory_space<vmem>> -> memref<80xi32, #tpu.memory_space<vmem>>
        %dma_wait3A_416 = arith.constant 0 : i32
        %dma_wait3A_417 = arith.constant 0 : i32
        %dma_wait3A_418 = tpu.memref_slice %arg8[%dma_wait3A_416, %dma_wait3A_417] : memref<10240x128xf32, #tpu.memory_space<vmem_shared>> -> memref<10240x128xf32, #tpu.memory_space<vmem_shared>>
        tpu.wait_indirect_dma semaphore(%arg16 : memref<!tpu.dma_semaphore, #tpu.memory_space<semaphore_mem>>) src(%dma_wait3A_412 : memref<80x128xf32, #tpu.memory_space<vmem>>) dst(%dma_wait3A_418 : memref<10240x128xf32, #tpu.memory_space<vmem_shared>>)
        %mul3A_419 = arith.constant 80 : i32
        %mul3A_420 = arith.muli %add3A_365, %mul3A_419 : i32
        %add3A_421 = arith.addi %add3A_10, %mul3A_420 : i32
        %multiple_of3A_422 = tpu.assume_multiple %add3A_421, 8 : i32
        %mul3A_423 = arith.constant 80 : i32
        %mul3A_424 = arith.muli %add3A_365, %mul3A_423 : i32
        %add3A_425 = arith.addi %add3A_14, %mul3A_424 : i32
        %multiple_of3A_426 = tpu.assume_multiple %add3A_425, 8 : i32
        %dma_start3A_427 = arith.constant 3 : i32
        %dma_start3A_428 = arith.constant 0 : i32
        %dma_start3A_429 = tpu.memref_slice %arg5[%dma_start3A_427, %dma_start3A_428] : memref<4x80xi32, #tpu.memory_space<vmem>> -> memref<1x80xi32, #tpu.memory_space<vmem>>
        %dma_start3A_430 = tpu.memref_squeeze %dma_start3A_429 : memref<1x80xi32, #tpu.memory_space<vmem>> -> memref<80xi32, #tpu.memory_space<vmem>>
        %dma_start3A_431 = tpu.memref_slice %arg3[%multiple_of3A_422] : memref<960000xi32, #tpu.memory_space<hbm>> -> memref<80xi32, #tpu.memory_space<hbm>>
        %dma_start3A_432 = arith.constant 0 : i32
        %dma_start3A_433 = tpu.memref_slice %arg5[%dma_start3A_427, %dma_start3A_432] : memref<4x80xi32, #tpu.memory_space<vmem>> -> memref<1x80xi32, #tpu.memory_space<vmem>>
        %dma_start3A_434 = tpu.memref_squeeze %dma_start3A_433 : memref<1x80xi32, #tpu.memory_space<vmem>> -> memref<80xi32, #tpu.memory_space<vmem>>
        %dma_start3A_435 = tpu.memref_slice %arg3[%multiple_of3A_422] : memref<960000xi32, #tpu.memory_space<hbm>> -> memref<80xi32, #tpu.memory_space<hbm>>
        tpu.enqueue_dma source(%dma_start3A_435 : memref<80xi32, #tpu.memory_space<hbm>>) target(%dma_start3A_434 : memref<80xi32, #tpu.memory_space<vmem>>) target_semaphore(%arg20 : memref<!tpu.dma_semaphore, #tpu.memory_space<semaphore_mem>>)
        %dma_start3A_436 = arith.constant 3 : i32
        %dma_start3A_437 = arith.constant 0 : i32
        %dma_start3A_438 = tpu.memref_slice %arg6[%dma_start3A_436, %dma_start3A_437] : memref<4x80xi32, #tpu.memory_space<vmem>> -> memref<1x80xi32, #tpu.memory_space<vmem>>
        %dma_start3A_439 = tpu.memref_squeeze %dma_start3A_438 : memref<1x80xi32, #tpu.memory_space<vmem>> -> memref<80xi32, #tpu.memory_space<vmem>>
        %dma_start3A_440 = tpu.memref_slice %arg3[%multiple_of3A_426] : memref<960000xi32, #tpu.memory_space<hbm>> -> memref<80xi32, #tpu.memory_space<hbm>>
        %dma_start3A_441 = arith.constant 0 : i32
        %dma_start3A_442 = tpu.memref_slice %arg6[%dma_start3A_436, %dma_start3A_441] : memref<4x80xi32, #tpu.memory_space<vmem>> -> memref<1x80xi32, #tpu.memory_space<vmem>>
        %dma_start3A_443 = tpu.memref_squeeze %dma_start3A_442 : memref<1x80xi32, #tpu.memory_space<vmem>> -> memref<80xi32, #tpu.memory_space<vmem>>
        %dma_start3A_444 = tpu.memref_slice %arg3[%multiple_of3A_426] : memref<960000xi32, #tpu.memory_space<hbm>> -> memref<80xi32, #tpu.memory_space<hbm>>
        tpu.enqueue_dma source(%dma_start3A_444 : memref<80xi32, #tpu.memory_space<hbm>>) target(%dma_start3A_443 : memref<80xi32, #tpu.memory_space<vmem>>) target_semaphore(%arg20 : memref<!tpu.dma_semaphore, #tpu.memory_space<semaphore_mem>>)
      } else {
      }
      %add3A_371 = arith.constant 4 : i32
      %add3A_372 = arith.addi %mul3A_309, %add3A_371 : i32
      %add3A_373 = arith.constant 0 : i32
      %add3A_374 = arith.addi %add3A_372, %add3A_373 : i32
      %lt3A_375 = arith.constant 250 : i32
      %lt3A_376 = arith.cmpi slt, %add3A_374, %lt3A_375 : i32
      %convert_element_type3A_377 = arith.extui %lt3A_376 : i1 to i32
      %cond3A_378 = arith.constant 0 : i32
      %cond3A_379 = arith.cmpi ne, %convert_element_type3A_377, %cond3A_378 : i32
      scf.if %cond3A_379 {
        %mul3A_407 = arith.constant 80 : i32
        %mul3A_408 = arith.muli %add3A_374, %mul3A_407 : i32
        %add3A_409 = arith.addi %add3A_10, %mul3A_408 : i32
        %multiple_of3A_410 = tpu.assume_multiple %add3A_409, 8 : i32
        %mul3A_411 = arith.constant 80 : i32
        %mul3A_412 = arith.muli %add3A_374, %mul3A_411 : i32
        %add3A_413 = arith.addi %add3A_14, %mul3A_412 : i32
        %multiple_of3A_414 = tpu.assume_multiple %add3A_413, 8 : i32
        %dma_wait3A_415 = arith.constant 0 : i32
        %dma_wait3A_416 = arith.constant 0 : i32
        %dma_wait3A_417 = tpu.memref_slice %arg5[%dma_wait3A_415, %dma_wait3A_416] : memref<4x80xi32, #tpu.memory_space<vmem>> -> memref<1x80xi32, #tpu.memory_space<vmem>>
        %dma_wait3A_418 = tpu.memref_squeeze %dma_wait3A_417 : memref<1x80xi32, #tpu.memory_space<vmem>> -> memref<80xi32, #tpu.memory_space<vmem>>
        %dma_wait3A_419 = tpu.memref_slice %arg3[%multiple_of3A_410] : memref<960000xi32, #tpu.memory_space<hbm>> -> memref<80xi32, #tpu.memory_space<hbm>>
        %dma_wait3A_420 = arith.constant 0 : i32
        %dma_wait3A_421 = tpu.memref_slice %arg5[%dma_wait3A_415, %dma_wait3A_420] : memref<4x80xi32, #tpu.memory_space<vmem>> -> memref<1x80xi32, #tpu.memory_space<vmem>>
        %dma_wait3A_422 = tpu.memref_squeeze %dma_wait3A_421 : memref<1x80xi32, #tpu.memory_space<vmem>> -> memref<80xi32, #tpu.memory_space<vmem>>
        %dma_wait3A_423 = tpu.memref_slice %arg3[%multiple_of3A_410] : memref<960000xi32, #tpu.memory_space<hbm>> -> memref<80xi32, #tpu.memory_space<hbm>>
        tpu.wait_dma2 semaphore(%arg17 : memref<!tpu.dma_semaphore, #tpu.memory_space<semaphore_mem>>) src(%dma_wait3A_423 : memref<80xi32, #tpu.memory_space<hbm>>) dst(%dma_wait3A_422 : memref<80xi32, #tpu.memory_space<vmem>>)
        %dma_wait3A_424 = arith.constant 0 : i32
        %dma_wait3A_425 = arith.constant 0 : i32
        %dma_wait3A_426 = tpu.memref_slice %arg6[%dma_wait3A_424, %dma_wait3A_425] : memref<4x80xi32, #tpu.memory_space<vmem>> -> memref<1x80xi32, #tpu.memory_space<vmem>>
        %dma_wait3A_427 = tpu.memref_squeeze %dma_wait3A_426 : memref<1x80xi32, #tpu.memory_space<vmem>> -> memref<80xi32, #tpu.memory_space<vmem>>
        %dma_wait3A_428 = tpu.memref_slice %arg3[%multiple_of3A_414] : memref<960000xi32, #tpu.memory_space<hbm>> -> memref<80xi32, #tpu.memory_space<hbm>>
        %dma_wait3A_429 = arith.constant 0 : i32
        %dma_wait3A_430 = tpu.memref_slice %arg6[%dma_wait3A_424, %dma_wait3A_429] : memref<4x80xi32, #tpu.memory_space<vmem>> -> memref<1x80xi32, #tpu.memory_space<vmem>>
        %dma_wait3A_431 = tpu.memref_squeeze %dma_wait3A_430 : memref<1x80xi32, #tpu.memory_space<vmem>> -> memref<80xi32, #tpu.memory_space<vmem>>
        %dma_wait3A_432 = tpu.memref_slice %arg3[%multiple_of3A_414] : memref<960000xi32, #tpu.memory_space<hbm>> -> memref<80xi32, #tpu.memory_space<hbm>>
        tpu.wait_dma2 semaphore(%arg17 : memref<!tpu.dma_semaphore, #tpu.memory_space<semaphore_mem>>) src(%dma_wait3A_432 : memref<80xi32, #tpu.memory_space<hbm>>) dst(%dma_wait3A_431 : memref<80xi32, #tpu.memory_space<vmem>>)
        %dma_start3A_433 = arith.constant 0 : i32
        %dma_start3A_434 = arith.constant 0 : i32
        %dma_start3A_435 = arith.constant 0 : i32
        %dma_start3A_436 = arith.constant 0 : i32
        %dma_start3A_437 = tpu.memref_slice %arg7[%dma_start3A_434, %dma_start3A_435, %dma_start3A_436] : memref<4x80x128xf32, #tpu.memory_space<vmem>> -> memref<1x80x128xf32, #tpu.memory_space<vmem>>
        %dma_start3A_438 = tpu.memref_squeeze %dma_start3A_437 : memref<1x80x128xf32, #tpu.memory_space<vmem>> -> memref<80x128xf32, #tpu.memory_space<vmem>>
        %dma_start3A_439 = arith.constant 0 : i32
        %dma_start3A_440 = tpu.memref_slice %arg5[%dma_start3A_433, %dma_start3A_439] : memref<4x80xi32, #tpu.memory_space<vmem>> -> memref<1x80xi32, #tpu.memory_space<vmem>>
        %dma_start3A_441 = tpu.memref_squeeze %dma_start3A_440 : memref<1x80xi32, #tpu.memory_space<vmem>> -> memref<80xi32, #tpu.memory_space<vmem>>
        %dma_start3A_442 = arith.constant 0 : i32
        %dma_start3A_443 = arith.constant 0 : i32
        %dma_start3A_444 = tpu.memref_slice %arg2[%dma_start3A_442, %dma_start3A_443] : memref<20480x128xf32, #tpu.memory_space<hbm>> -> memref<20480x128xf32, #tpu.memory_space<hbm>>
        tpu.enqueue_indirect_dma source(%dma_start3A_444 : memref<20480x128xf32, #tpu.memory_space<hbm>>) target(%dma_start3A_438 : memref<80x128xf32, #tpu.memory_space<vmem>>) offsets(%dma_start3A_441 : memref<80xi32, #tpu.memory_space<vmem>>) semaphore(%arg9 : memref<!tpu.dma_semaphore, #tpu.memory_space<semaphore_mem>>)
      } else {
      }
      %add3A_380 = arith.constant 4 : i32
      %add3A_381 = arith.addi %mul3A_309, %add3A_380 : i32
      %add3A_382 = arith.constant 1 : i32
      %add3A_383 = arith.addi %add3A_381, %add3A_382 : i32
      %lt3A_384 = arith.constant 250 : i32
      %lt3A_385 = arith.cmpi slt, %add3A_383, %lt3A_384 : i32
      %convert_element_type3A_386 = arith.extui %lt3A_385 : i1 to i32
      %cond3A_387 = arith.constant 0 : i32
      %cond3A_388 = arith.cmpi ne, %convert_element_type3A_386, %cond3A_387 : i32
      scf.if %cond3A_388 {
        %mul3A_407 = arith.constant 80 : i32
        %mul3A_408 = arith.muli %add3A_383, %mul3A_407 : i32
        %add3A_409 = arith.addi %add3A_10, %mul3A_408 : i32
        %multiple_of3A_410 = tpu.assume_multiple %add3A_409, 8 : i32
        %mul3A_411 = arith.constant 80 : i32
        %mul3A_412 = arith.muli %add3A_383, %mul3A_411 : i32
        %add3A_413 = arith.addi %add3A_14, %mul3A_412 : i32
        %multiple_of3A_414 = tpu.assume_multiple %add3A_413, 8 : i32
        %dma_wait3A_415 = arith.constant 1 : i32
        %dma_wait3A_416 = arith.constant 0 : i32
        %dma_wait3A_417 = tpu.memref_slice %arg5[%dma_wait3A_415, %dma_wait3A_416] : memref<4x80xi32, #tpu.memory_space<vmem>> -> memref<1x80xi32, #tpu.memory_space<vmem>>
        %dma_wait3A_418 = tpu.memref_squeeze %dma_wait3A_417 : memref<1x80xi32, #tpu.memory_space<vmem>> -> memref<80xi32, #tpu.memory_space<vmem>>
        %dma_wait3A_419 = tpu.memref_slice %arg3[%multiple_of3A_410] : memref<960000xi32, #tpu.memory_space<hbm>> -> memref<80xi32, #tpu.memory_space<hbm>>
        %dma_wait3A_420 = arith.constant 0 : i32
        %dma_wait3A_421 = tpu.memref_slice %arg5[%dma_wait3A_415, %dma_wait3A_420] : memref<4x80xi32, #tpu.memory_space<vmem>> -> memref<1x80xi32, #tpu.memory_space<vmem>>
        %dma_wait3A_422 = tpu.memref_squeeze %dma_wait3A_421 : memref<1x80xi32, #tpu.memory_space<vmem>> -> memref<80xi32, #tpu.memory_space<vmem>>
        %dma_wait3A_423 = tpu.memref_slice %arg3[%multiple_of3A_410] : memref<960000xi32, #tpu.memory_space<hbm>> -> memref<80xi32, #tpu.memory_space<hbm>>
        tpu.wait_dma2 semaphore(%arg18 : memref<!tpu.dma_semaphore, #tpu.memory_space<semaphore_mem>>) src(%dma_wait3A_423 : memref<80xi32, #tpu.memory_space<hbm>>) dst(%dma_wait3A_422 : memref<80xi32, #tpu.memory_space<vmem>>)
        %dma_wait3A_424 = arith.constant 1 : i32
        %dma_wait3A_425 = arith.constant 0 : i32
        %dma_wait3A_426 = tpu.memref_slice %arg6[%dma_wait3A_424, %dma_wait3A_425] : memref<4x80xi32, #tpu.memory_space<vmem>> -> memref<1x80xi32, #tpu.memory_space<vmem>>
        %dma_wait3A_427 = tpu.memref_squeeze %dma_wait3A_426 : memref<1x80xi32, #tpu.memory_space<vmem>> -> memref<80xi32, #tpu.memory_space<vmem>>
        %dma_wait3A_428 = tpu.memref_slice %arg3[%multiple_of3A_414] : memref<960000xi32, #tpu.memory_space<hbm>> -> memref<80xi32, #tpu.memory_space<hbm>>
        %dma_wait3A_429 = arith.constant 0 : i32
        %dma_wait3A_430 = tpu.memref_slice %arg6[%dma_wait3A_424, %dma_wait3A_429] : memref<4x80xi32, #tpu.memory_space<vmem>> -> memref<1x80xi32, #tpu.memory_space<vmem>>
        %dma_wait3A_431 = tpu.memref_squeeze %dma_wait3A_430 : memref<1x80xi32, #tpu.memory_space<vmem>> -> memref<80xi32, #tpu.memory_space<vmem>>
        %dma_wait3A_432 = tpu.memref_slice %arg3[%multiple_of3A_414] : memref<960000xi32, #tpu.memory_space<hbm>> -> memref<80xi32, #tpu.memory_space<hbm>>
        tpu.wait_dma2 semaphore(%arg18 : memref<!tpu.dma_semaphore, #tpu.memory_space<semaphore_mem>>) src(%dma_wait3A_432 : memref<80xi32, #tpu.memory_space<hbm>>) dst(%dma_wait3A_431 : memref<80xi32, #tpu.memory_space<vmem>>)
        %dma_start3A_433 = arith.constant 1 : i32
        %dma_start3A_434 = arith.constant 1 : i32
        %dma_start3A_435 = arith.constant 0 : i32
        %dma_start3A_436 = arith.constant 0 : i32
        %dma_start3A_437 = tpu.memref_slice %arg7[%dma_start3A_434, %dma_start3A_435, %dma_start3A_436] : memref<4x80x128xf32, #tpu.memory_space<vmem>> -> memref<1x80x128xf32, #tpu.memory_space<vmem>>
        %dma_start3A_438 = tpu.memref_squeeze %dma_start3A_437 : memref<1x80x128xf32, #tpu.memory_space<vmem>> -> memref<80x128xf32, #tpu.memory_space<vmem>>
        %dma_start3A_439 = arith.constant 0 : i32
        %dma_start3A_440 = tpu.memref_slice %arg5[%dma_start3A_433, %dma_start3A_439] : memref<4x80xi32, #tpu.memory_space<vmem>> -> memref<1x80xi32, #tpu.memory_space<vmem>>
        %dma_start3A_441 = tpu.memref_squeeze %dma_start3A_440 : memref<1x80xi32, #tpu.memory_space<vmem>> -> memref<80xi32, #tpu.memory_space<vmem>>
        %dma_start3A_442 = arith.constant 0 : i32
        %dma_start3A_443 = arith.constant 0 : i32
        %dma_start3A_444 = tpu.memref_slice %arg2[%dma_start3A_442, %dma_start3A_443] : memref<20480x128xf32, #tpu.memory_space<hbm>> -> memref<20480x128xf32, #tpu.memory_space<hbm>>
        tpu.enqueue_indirect_dma source(%dma_start3A_444 : memref<20480x128xf32, #tpu.memory_space<hbm>>) target(%dma_start3A_438 : memref<80x128xf32, #tpu.memory_space<vmem>>) offsets(%dma_start3A_441 : memref<80xi32, #tpu.memory_space<vmem>>) semaphore(%arg10 : memref<!tpu.dma_semaphore, #tpu.memory_space<semaphore_mem>>)
      } else {
      }
      %add3A_389 = arith.constant 4 : i32
      %add3A_390 = arith.addi %mul3A_309, %add3A_389 : i32
      %add3A_391 = arith.constant 2 : i32
      %add3A_392 = arith.addi %add3A_390, %add3A_391 : i32
      %lt3A_393 = arith.constant 250 : i32
      %lt3A_394 = arith.cmpi slt, %add3A_392, %lt3A_393 : i32
      %convert_element_type3A_395 = arith.extui %lt3A_394 : i1 to i32
      %cond3A_396 = arith.constant 0 : i32
      %cond3A_397 = arith.cmpi ne, %convert_element_type3A_395, %cond3A_396 : i32
      scf.if %cond3A_397 {
        %mul3A_407 = arith.constant 80 : i32
        %mul3A_408 = arith.muli %add3A_392, %mul3A_407 : i32
        %add3A_409 = arith.addi %add3A_10, %mul3A_408 : i32
        %multiple_of3A_410 = tpu.assume_multiple %add3A_409, 8 : i32
        %mul3A_411 = arith.constant 80 : i32
        %mul3A_412 = arith.muli %add3A_392, %mul3A_411 : i32
        %add3A_413 = arith.addi %add3A_14, %mul3A_412 : i32
        %multiple_of3A_414 = tpu.assume_multiple %add3A_413, 8 : i32
        %dma_wait3A_415 = arith.constant 2 : i32
        %dma_wait3A_416 = arith.constant 0 : i32
        %dma_wait3A_417 = tpu.memref_slice %arg5[%dma_wait3A_415, %dma_wait3A_416] : memref<4x80xi32, #tpu.memory_space<vmem>> -> memref<1x80xi32, #tpu.memory_space<vmem>>
        %dma_wait3A_418 = tpu.memref_squeeze %dma_wait3A_417 : memref<1x80xi32, #tpu.memory_space<vmem>> -> memref<80xi32, #tpu.memory_space<vmem>>
        %dma_wait3A_419 = tpu.memref_slice %arg3[%multiple_of3A_410] : memref<960000xi32, #tpu.memory_space<hbm>> -> memref<80xi32, #tpu.memory_space<hbm>>
        %dma_wait3A_420 = arith.constant 0 : i32
        %dma_wait3A_421 = tpu.memref_slice %arg5[%dma_wait3A_415, %dma_wait3A_420] : memref<4x80xi32, #tpu.memory_space<vmem>> -> memref<1x80xi32, #tpu.memory_space<vmem>>
        %dma_wait3A_422 = tpu.memref_squeeze %dma_wait3A_421 : memref<1x80xi32, #tpu.memory_space<vmem>> -> memref<80xi32, #tpu.memory_space<vmem>>
        %dma_wait3A_423 = tpu.memref_slice %arg3[%multiple_of3A_410] : memref<960000xi32, #tpu.memory_space<hbm>> -> memref<80xi32, #tpu.memory_space<hbm>>
        tpu.wait_dma2 semaphore(%arg19 : memref<!tpu.dma_semaphore, #tpu.memory_space<semaphore_mem>>) src(%dma_wait3A_423 : memref<80xi32, #tpu.memory_space<hbm>>) dst(%dma_wait3A_422 : memref<80xi32, #tpu.memory_space<vmem>>)
        %dma_wait3A_424 = arith.constant 2 : i32
        %dma_wait3A_425 = arith.constant 0 : i32
        %dma_wait3A_426 = tpu.memref_slice %arg6[%dma_wait3A_424, %dma_wait3A_425] : memref<4x80xi32, #tpu.memory_space<vmem>> -> memref<1x80xi32, #tpu.memory_space<vmem>>
        %dma_wait3A_427 = tpu.memref_squeeze %dma_wait3A_426 : memref<1x80xi32, #tpu.memory_space<vmem>> -> memref<80xi32, #tpu.memory_space<vmem>>
        %dma_wait3A_428 = tpu.memref_slice %arg3[%multiple_of3A_414] : memref<960000xi32, #tpu.memory_space<hbm>> -> memref<80xi32, #tpu.memory_space<hbm>>
        %dma_wait3A_429 = arith.constant 0 : i32
        %dma_wait3A_430 = tpu.memref_slice %arg6[%dma_wait3A_424, %dma_wait3A_429] : memref<4x80xi32, #tpu.memory_space<vmem>> -> memref<1x80xi32, #tpu.memory_space<vmem>>
        %dma_wait3A_431 = tpu.memref_squeeze %dma_wait3A_430 : memref<1x80xi32, #tpu.memory_space<vmem>> -> memref<80xi32, #tpu.memory_space<vmem>>
        %dma_wait3A_432 = tpu.memref_slice %arg3[%multiple_of3A_414] : memref<960000xi32, #tpu.memory_space<hbm>> -> memref<80xi32, #tpu.memory_space<hbm>>
        tpu.wait_dma2 semaphore(%arg19 : memref<!tpu.dma_semaphore, #tpu.memory_space<semaphore_mem>>) src(%dma_wait3A_432 : memref<80xi32, #tpu.memory_space<hbm>>) dst(%dma_wait3A_431 : memref<80xi32, #tpu.memory_space<vmem>>)
        %dma_start3A_433 = arith.constant 2 : i32
        %dma_start3A_434 = arith.constant 2 : i32
        %dma_start3A_435 = arith.constant 0 : i32
        %dma_start3A_436 = arith.constant 0 : i32
        %dma_start3A_437 = tpu.memref_slice %arg7[%dma_start3A_434, %dma_start3A_435, %dma_start3A_436] : memref<4x80x128xf32, #tpu.memory_space<vmem>> -> memref<1x80x128xf32, #tpu.memory_space<vmem>>
        %dma_start3A_438 = tpu.memref_squeeze %dma_start3A_437 : memref<1x80x128xf32, #tpu.memory_space<vmem>> -> memref<80x128xf32, #tpu.memory_space<vmem>>
        %dma_start3A_439 = arith.constant 0 : i32
        %dma_start3A_440 = tpu.memref_slice %arg5[%dma_start3A_433, %dma_start3A_439] : memref<4x80xi32, #tpu.memory_space<vmem>> -> memref<1x80xi32, #tpu.memory_space<vmem>>
        %dma_start3A_441 = tpu.memref_squeeze %dma_start3A_440 : memref<1x80xi32, #tpu.memory_space<vmem>> -> memref<80xi32, #tpu.memory_space<vmem>>
        %dma_start3A_442 = arith.constant 0 : i32
        %dma_start3A_443 = arith.constant 0 : i32
        %dma_start3A_444 = tpu.memref_slice %arg2[%dma_start3A_442, %dma_start3A_443] : memref<20480x128xf32, #tpu.memory_space<hbm>> -> memref<20480x128xf32, #tpu.memory_space<hbm>>
        tpu.enqueue_indirect_dma source(%dma_start3A_444 : memref<20480x128xf32, #tpu.memory_space<hbm>>) target(%dma_start3A_438 : memref<80x128xf32, #tpu.memory_space<vmem>>) offsets(%dma_start3A_441 : memref<80xi32, #tpu.memory_space<vmem>>) semaphore(%arg11 : memref<!tpu.dma_semaphore, #tpu.memory_space<semaphore_mem>>)
      } else {
      }
      %add3A_398 = arith.constant 4 : i32
      %add3A_399 = arith.addi %mul3A_309, %add3A_398 : i32
      %add3A_400 = arith.constant 3 : i32
      %add3A_401 = arith.addi %add3A_399, %add3A_400 : i32
      %lt3A_402 = arith.constant 250 : i32
      %lt3A_403 = arith.cmpi slt, %add3A_401, %lt3A_402 : i32
      %convert_element_type3A_404 = arith.extui %lt3A_403 : i1 to i32
      %cond3A_405 = arith.constant 0 : i32
      %cond3A_406 = arith.cmpi ne, %convert_element_type3A_404, %cond3A_405 : i32
      scf.if %cond3A_406 {
        %mul3A_407 = arith.constant 80 : i32
        %mul3A_408 = arith.muli %add3A_401, %mul3A_407 : i32
        %add3A_409 = arith.addi %add3A_10, %mul3A_408 : i32
        %multiple_of3A_410 = tpu.assume_multiple %add3A_409, 8 : i32
        %mul3A_411 = arith.constant 80 : i32
        %mul3A_412 = arith.muli %add3A_401, %mul3A_411 : i32
        %add3A_413 = arith.addi %add3A_14, %mul3A_412 : i32
        %multiple_of3A_414 = tpu.assume_multiple %add3A_413, 8 : i32
        %dma_wait3A_415 = arith.constant 3 : i32
        %dma_wait3A_416 = arith.constant 0 : i32
        %dma_wait3A_417 = tpu.memref_slice %arg5[%dma_wait3A_415, %dma_wait3A_416] : memref<4x80xi32, #tpu.memory_space<vmem>> -> memref<1x80xi32, #tpu.memory_space<vmem>>
        %dma_wait3A_418 = tpu.memref_squeeze %dma_wait3A_417 : memref<1x80xi32, #tpu.memory_space<vmem>> -> memref<80xi32, #tpu.memory_space<vmem>>
        %dma_wait3A_419 = tpu.memref_slice %arg3[%multiple_of3A_410] : memref<960000xi32, #tpu.memory_space<hbm>> -> memref<80xi32, #tpu.memory_space<hbm>>
        %dma_wait3A_420 = arith.constant 0 : i32
        %dma_wait3A_421 = tpu.memref_slice %arg5[%dma_wait3A_415, %dma_wait3A_420] : memref<4x80xi32, #tpu.memory_space<vmem>> -> memref<1x80xi32, #tpu.memory_space<vmem>>
        %dma_wait3A_422 = tpu.memref_squeeze %dma_wait3A_421 : memref<1x80xi32, #tpu.memory_space<vmem>> -> memref<80xi32, #tpu.memory_space<vmem>>
        %dma_wait3A_423 = tpu.memref_slice %arg3[%multiple_of3A_410] : memref<960000xi32, #tpu.memory_space<hbm>> -> memref<80xi32, #tpu.memory_space<hbm>>
        tpu.wait_dma2 semaphore(%arg20 : memref<!tpu.dma_semaphore, #tpu.memory_space<semaphore_mem>>) src(%dma_wait3A_423 : memref<80xi32, #tpu.memory_space<hbm>>) dst(%dma_wait3A_422 : memref<80xi32, #tpu.memory_space<vmem>>)
        %dma_wait3A_424 = arith.constant 3 : i32
        %dma_wait3A_425 = arith.constant 0 : i32
        %dma_wait3A_426 = tpu.memref_slice %arg6[%dma_wait3A_424, %dma_wait3A_425] : memref<4x80xi32, #tpu.memory_space<vmem>> -> memref<1x80xi32, #tpu.memory_space<vmem>>
        %dma_wait3A_427 = tpu.memref_squeeze %dma_wait3A_426 : memref<1x80xi32, #tpu.memory_space<vmem>> -> memref<80xi32, #tpu.memory_space<vmem>>
        %dma_wait3A_428 = tpu.memref_slice %arg3[%multiple_of3A_414] : memref<960000xi32, #tpu.memory_space<hbm>> -> memref<80xi32, #tpu.memory_space<hbm>>
        %dma_wait3A_429 = arith.constant 0 : i32
        %dma_wait3A_430 = tpu.memref_slice %arg6[%dma_wait3A_424, %dma_wait3A_429] : memref<4x80xi32, #tpu.memory_space<vmem>> -> memref<1x80xi32, #tpu.memory_space<vmem>>
        %dma_wait3A_431 = tpu.memref_squeeze %dma_wait3A_430 : memref<1x80xi32, #tpu.memory_space<vmem>> -> memref<80xi32, #tpu.memory_space<vmem>>
        %dma_wait3A_432 = tpu.memref_slice %arg3[%multiple_of3A_414] : memref<960000xi32, #tpu.memory_space<hbm>> -> memref<80xi32, #tpu.memory_space<hbm>>
        tpu.wait_dma2 semaphore(%arg20 : memref<!tpu.dma_semaphore, #tpu.memory_space<semaphore_mem>>) src(%dma_wait3A_432 : memref<80xi32, #tpu.memory_space<hbm>>) dst(%dma_wait3A_431 : memref<80xi32, #tpu.memory_space<vmem>>)
        %dma_start3A_433 = arith.constant 3 : i32
        %dma_start3A_434 = arith.constant 3 : i32
        %dma_start3A_435 = arith.constant 0 : i32
        %dma_start3A_436 = arith.constant 0 : i32
        %dma_start3A_437 = tpu.memref_slice %arg7[%dma_start3A_434, %dma_start3A_435, %dma_start3A_436] : memref<4x80x128xf32, #tpu.memory_space<vmem>> -> memref<1x80x128xf32, #tpu.memory_space<vmem>>
        %dma_start3A_438 = tpu.memref_squeeze %dma_start3A_437 : memref<1x80x128xf32, #tpu.memory_space<vmem>> -> memref<80x128xf32, #tpu.memory_space<vmem>>
        %dma_start3A_439 = arith.constant 0 : i32
        %dma_start3A_440 = tpu.memref_slice %arg5[%dma_start3A_433, %dma_start3A_439] : memref<4x80xi32, #tpu.memory_space<vmem>> -> memref<1x80xi32, #tpu.memory_space<vmem>>
        %dma_start3A_441 = tpu.memref_squeeze %dma_start3A_440 : memref<1x80xi32, #tpu.memory_space<vmem>> -> memref<80xi32, #tpu.memory_space<vmem>>
        %dma_start3A_442 = arith.constant 0 : i32
        %dma_start3A_443 = arith.constant 0 : i32
        %dma_start3A_444 = tpu.memref_slice %arg2[%dma_start3A_442, %dma_start3A_443] : memref<20480x128xf32, #tpu.memory_space<hbm>> -> memref<20480x128xf32, #tpu.memory_space<hbm>>
        tpu.enqueue_indirect_dma source(%dma_start3A_444 : memref<20480x128xf32, #tpu.memory_space<hbm>>) target(%dma_start3A_438 : memref<80x128xf32, #tpu.memory_space<vmem>>) offsets(%dma_start3A_441 : memref<80xi32, #tpu.memory_space<vmem>>) semaphore(%arg12 : memref<!tpu.dma_semaphore, #tpu.memory_space<semaphore_mem>>)
      } else {
      }
    }
    %scan3A_257 = arith.constant 63 : i32
    %dma_wait3A_258 = arith.constant 0 : i32
    %dma_wait3A_259 = arith.constant 0 : i32
    %dma_wait3A_260 = arith.constant 0 : i32
    %dma_wait3A_261 = arith.constant 0 : i32
    %dma_wait3A_262 = tpu.memref_slice %arg7[%dma_wait3A_258, %dma_wait3A_260, %dma_wait3A_261] : memref<4x80x128xf32, #tpu.memory_space<vmem>> -> memref<1x80x128xf32, #tpu.memory_space<vmem>>
    %dma_wait3A_263 = tpu.memref_squeeze %dma_wait3A_262 : memref<1x80x128xf32, #tpu.memory_space<vmem>> -> memref<80x128xf32, #tpu.memory_space<vmem>>
    %dma_wait3A_264 = arith.constant 0 : i32
    %dma_wait3A_265 = tpu.memref_slice %arg6[%dma_wait3A_259, %dma_wait3A_264] : memref<4x80xi32, #tpu.memory_space<vmem>> -> memref<1x80xi32, #tpu.memory_space<vmem>>
    %dma_wait3A_266 = tpu.memref_squeeze %dma_wait3A_265 : memref<1x80xi32, #tpu.memory_space<vmem>> -> memref<80xi32, #tpu.memory_space<vmem>>
    %dma_wait3A_267 = arith.constant 0 : i32
    %dma_wait3A_268 = arith.constant 0 : i32
    %dma_wait3A_269 = tpu.memref_slice %arg8[%dma_wait3A_267, %dma_wait3A_268] : memref<10240x128xf32, #tpu.memory_space<vmem_shared>> -> memref<10240x128xf32, #tpu.memory_space<vmem_shared>>
    tpu.wait_indirect_dma semaphore(%arg13 : memref<!tpu.dma_semaphore, #tpu.memory_space<semaphore_mem>>) src(%dma_wait3A_263 : memref<80x128xf32, #tpu.memory_space<vmem>>) dst(%dma_wait3A_269 : memref<10240x128xf32, #tpu.memory_space<vmem_shared>>)
    %dma_wait3A_270 = arith.constant 1 : i32
    %dma_wait3A_271 = arith.constant 1 : i32
    %dma_wait3A_272 = arith.constant 0 : i32
    %dma_wait3A_273 = arith.constant 0 : i32
    %dma_wait3A_274 = tpu.memref_slice %arg7[%dma_wait3A_270, %dma_wait3A_272, %dma_wait3A_273] : memref<4x80x128xf32, #tpu.memory_space<vmem>> -> memref<1x80x128xf32, #tpu.memory_space<vmem>>
    %dma_wait3A_275 = tpu.memref_squeeze %dma_wait3A_274 : memref<1x80x128xf32, #tpu.memory_space<vmem>> -> memref<80x128xf32, #tpu.memory_space<vmem>>
    %dma_wait3A_276 = arith.constant 0 : i32
    %dma_wait3A_277 = tpu.memref_slice %arg6[%dma_wait3A_271, %dma_wait3A_276] : memref<4x80xi32, #tpu.memory_space<vmem>> -> memref<1x80xi32, #tpu.memory_space<vmem>>
    %dma_wait3A_278 = tpu.memref_squeeze %dma_wait3A_277 : memref<1x80xi32, #tpu.memory_space<vmem>> -> memref<80xi32, #tpu.memory_space<vmem>>
    %dma_wait3A_279 = arith.constant 0 : i32
    %dma_wait3A_280 = arith.constant 0 : i32
    %dma_wait3A_281 = tpu.memref_slice %arg8[%dma_wait3A_279, %dma_wait3A_280] : memref<10240x128xf32, #tpu.memory_space<vmem_shared>> -> memref<10240x128xf32, #tpu.memory_space<vmem_shared>>
    tpu.wait_indirect_dma semaphore(%arg14 : memref<!tpu.dma_semaphore, #tpu.memory_space<semaphore_mem>>) src(%dma_wait3A_275 : memref<80x128xf32, #tpu.memory_space<vmem>>) dst(%dma_wait3A_281 : memref<10240x128xf32, #tpu.memory_space<vmem_shared>>)
    %dma_wait3A_282 = arith.constant 2 : i32
    %dma_wait3A_283 = arith.constant 2 : i32
    %dma_wait3A_284 = arith.constant 0 : i32
    %dma_wait3A_285 = arith.constant 0 : i32
    %dma_wait3A_286 = tpu.memref_slice %arg7[%dma_wait3A_282, %dma_wait3A_284, %dma_wait3A_285] : memref<4x80x128xf32, #tpu.memory_space<vmem>> -> memref<1x80x128xf32, #tpu.memory_space<vmem>>
    %dma_wait3A_287 = tpu.memref_squeeze %dma_wait3A_286 : memref<1x80x128xf32, #tpu.memory_space<vmem>> -> memref<80x128xf32, #tpu.memory_space<vmem>>
    %dma_wait3A_288 = arith.constant 0 : i32
    %dma_wait3A_289 = tpu.memref_slice %arg6[%dma_wait3A_283, %dma_wait3A_288] : memref<4x80xi32, #tpu.memory_space<vmem>> -> memref<1x80xi32, #tpu.memory_space<vmem>>
    %dma_wait3A_290 = tpu.memref_squeeze %dma_wait3A_289 : memref<1x80xi32, #tpu.memory_space<vmem>> -> memref<80xi32, #tpu.memory_space<vmem>>
    %dma_wait3A_291 = arith.constant 0 : i32
    %dma_wait3A_292 = arith.constant 0 : i32
    %dma_wait3A_293 = tpu.memref_slice %arg8[%dma_wait3A_291, %dma_wait3A_292] : memref<10240x128xf32, #tpu.memory_space<vmem_shared>> -> memref<10240x128xf32, #tpu.memory_space<vmem_shared>>
    tpu.wait_indirect_dma semaphore(%arg15 : memref<!tpu.dma_semaphore, #tpu.memory_space<semaphore_mem>>) src(%dma_wait3A_287 : memref<80x128xf32, #tpu.memory_space<vmem>>) dst(%dma_wait3A_293 : memref<10240x128xf32, #tpu.memory_space<vmem_shared>>)
    %dma_wait3A_294 = arith.constant 3 : i32
    %dma_wait3A_295 = arith.constant 3 : i32
    %dma_wait3A_296 = arith.constant 0 : i32
    %dma_wait3A_297 = arith.constant 0 : i32
    %dma_wait3A_298 = tpu.memref_slice %arg7[%dma_wait3A_294, %dma_wait3A_296, %dma_wait3A_297] : memref<4x80x128xf32, #tpu.memory_space<vmem>> -> memref<1x80x128xf32, #tpu.memory_space<vmem>>
    %dma_wait3A_299 = tpu.memref_squeeze %dma_wait3A_298 : memref<1x80x128xf32, #tpu.memory_space<vmem>> -> memref<80x128xf32, #tpu.memory_space<vmem>>
    %dma_wait3A_300 = arith.constant 0 : i32
    %dma_wait3A_301 = tpu.memref_slice %arg6[%dma_wait3A_295, %dma_wait3A_300] : memref<4x80xi32, #tpu.memory_space<vmem>> -> memref<1x80xi32, #tpu.memory_space<vmem>>
    %dma_wait3A_302 = tpu.memref_squeeze %dma_wait3A_301 : memref<1x80xi32, #tpu.memory_space<vmem>> -> memref<80xi32, #tpu.memory_space<vmem>>
    %dma_wait3A_303 = arith.constant 0 : i32
    %dma_wait3A_304 = arith.constant 0 : i32
    %dma_wait3A_305 = tpu.memref_slice %arg8[%dma_wait3A_303, %dma_wait3A_304] : memref<10240x128xf32, #tpu.memory_space<vmem_shared>> -> memref<10240x128xf32, #tpu.memory_space<vmem_shared>>
    tpu.wait_indirect_dma semaphore(%arg16 : memref<!tpu.dma_semaphore, #tpu.memory_space<semaphore_mem>>) src(%dma_wait3A_299 : memref<80x128xf32, #tpu.memory_space<vmem>>) dst(%dma_wait3A_305 : memref<10240x128xf32, #tpu.memory_space<vmem_shared>>)
    %barrier3A_306 = arith.constant 0 : index
    tpu.barrier barrier_id(%barrier3A_306)
    "tpu.region"() ({
      %run_scoped3A = tpu.sem_alloc : memref<!tpu.dma_semaphore, #tpu.memory_space<semaphore_mem>>
      %dma_start3A_307 = arith.constant 0 : i32
      %dma_start3A_308 = tpu.memref_slice %arg4[%arg0, %multiple_of3A, %dma_start3A_307] : memref<2x10240x128xf32, #tpu.memory_space<hbm>> -> memref<1x640x128xf32, #tpu.memory_space<hbm>>
      %dma_start3A_309 = tpu.memref_squeeze %dma_start3A_308 : memref<1x640x128xf32, #tpu.memory_space<hbm>> -> memref<640x128xf32, #tpu.memory_space<hbm>>
      %dma_start3A_310 = arith.constant 0 : i32
      %dma_start3A_311 = tpu.memref_slice %arg8[%multiple_of3A, %dma_start3A_310] : memref<10240x128xf32, #tpu.memory_space<vmem_shared>> -> memref<640x128xf32, #tpu.memory_space<vmem_shared>>
      tpu.enqueue_dma source(%dma_start3A_311 : memref<640x128xf32, #tpu.memory_space<vmem_shared>>) target(%dma_start3A_309 : memref<640x128xf32, #tpu.memory_space<hbm>>) target_semaphore(%run_scoped3A : memref<!tpu.dma_semaphore, #tpu.memory_space<semaphore_mem>>)
      %dma_wait3A_312 = arith.constant 0 : i32
      %dma_wait3A_313 = tpu.memref_slice %arg4[%arg0, %multiple_of3A, %dma_wait3A_312] : memref<2x10240x128xf32, #tpu.memory_space<hbm>> -> memref<1x640x128xf32, #tpu.memory_space<hbm>>
      %dma_wait3A_314 = tpu.memref_squeeze %dma_wait3A_313 : memref<1x640x128xf32, #tpu.memory_space<hbm>> -> memref<640x128xf32, #tpu.memory_space<hbm>>
      %dma_wait3A_315 = arith.constant 0 : i32
      %dma_wait3A_316 = tpu.memref_slice %arg8[%multiple_of3A, %dma_wait3A_315] : memref<10240x128xf32, #tpu.memory_space<vmem_shared>> -> memref<640x128xf32, #tpu.memory_space<vmem_shared>>
      tpu.wait_dma2 semaphore(%run_scoped3A : memref<!tpu.dma_semaphore, #tpu.memory_space<semaphore_mem>>) src(%dma_wait3A_316 : memref<640x128xf32, #tpu.memory_space<vmem_shared>>) dst(%dma_wait3A_314 : memref<640x128xf32, #tpu.memory_space<hbm>>)
      tpu.yield
    }) : () -> ()
    return
  }
}

#map = affine_map<(d0, d1) -> (0, 0)>
#map1 = affine_map<(d0, d1) -> (0)>
#map2 = affine_map<(d0, d1) -> (0, 0, 0)>
module attributes {stable_mosaic.version = 14 : i64} {
  func.func @edge_k(%arg0: i32, %arg1: i32, %arg2: memref<10240x128xf32, #tpu.memory_space<hbm>>, %arg3: memref<960000xi32, #tpu.memory_space<hbm>>, %arg4: memref<2x10240x128xf32, #tpu.memory_space<hbm>>, %arg5: memref<4x80xi32, #tpu.memory_space<vmem>>, %arg6: memref<4x80xi32, #tpu.memory_space<vmem>>, %arg7: memref<4x80x128xf32, #tpu.memory_space<vmem>>, %arg8: memref<10240x128xf32, #tpu.memory_space<vmem_shared>>, %arg9: memref<!tpu.dma_semaphore, #tpu.memory_space<semaphore_mem>>, %arg10: memref<!tpu.dma_semaphore, #tpu.memory_space<semaphore_mem>>, %arg11: memref<!tpu.dma_semaphore, #tpu.memory_space<semaphore_mem>>, %arg12: memref<!tpu.dma_semaphore, #tpu.memory_space<semaphore_mem>>, %arg13: memref<!tpu.dma_semaphore, #tpu.memory_space<semaphore_mem>>, %arg14: memref<!tpu.dma_semaphore, #tpu.memory_space<semaphore_mem>>, %arg15: memref<!tpu.dma_semaphore, #tpu.memory_space<semaphore_mem>>, %arg16: memref<!tpu.dma_semaphore, #tpu.memory_space<semaphore_mem>>, %arg17: memref<!tpu.dma_semaphore, #tpu.memory_space<semaphore_mem>>, %arg18: memref<!tpu.dma_semaphore, #tpu.memory_space<semaphore_mem>>, %arg19: memref<!tpu.dma_semaphore, #tpu.memory_space<semaphore_mem>>, %arg20: memref<!tpu.dma_semaphore, #tpu.memory_space<semaphore_mem>>) attributes {dimension_semantics = [#tpu.dimension_semantics<core_parallel>, #tpu.dimension_semantics<subcore_parallel>], iteration_bounds = array<i64: 2, 16>, scalar_prefetch = 0 : i64, scratch_operands = 16 : i64, tpu.core_type = #tpu.core_type<sc_vector_subcore>, window_params = [{transform_indices = #map}, {transform_indices = #map1}, {transform_indices = #map2}]} {
    %mul3A = arith.constant 640 : i32
    %mul3A_0 = arith.muli %arg1, %mul3A : i32
    %multiple_of3A = tpu.assume_multiple %mul3A_0, 8 : i32
    %mul3A_1 = arith.constant 160000 : i32
    %mul3A_2 = arith.muli %arg0, %mul3A_1 : i32
    %mul3A_3 = arith.constant 10000 : i32
    %mul3A_4 = arith.muli %arg1, %mul3A_3 : i32
    %add3A = arith.addi %mul3A_2, %mul3A_4 : i32
    %mul3A_5 = arith.constant 160000 : i32
    %mul3A_6 = arith.muli %arg0, %mul3A_5 : i32
    %add3A_7 = arith.constant 640000 : i32
    %add3A_8 = arith.addi %add3A_7, %mul3A_6 : i32
    %mul3A_9 = arith.constant 10000 : i32
    %mul3A_10 = arith.muli %arg1, %mul3A_9 : i32
    %add3A_11 = arith.addi %add3A_8, %mul3A_10 : i32
    "tpu.region"() ({
      %run_scoped3A = tpu.sem_alloc : memref<!tpu.dma_semaphore, #tpu.memory_space<semaphore_mem>>
      %dma_start3A_304 = arith.constant 0 : i32
      %dma_start3A_305 = tpu.memref_slice %arg8[%multiple_of3A, %dma_start3A_304] : memref<10240x128xf32, #tpu.memory_space<vmem_shared>> -> memref<640x128xf32, #tpu.memory_space<vmem_shared>>
      %dma_start3A_306 = arith.constant 0 : i32
      %dma_start3A_307 = tpu.memref_slice %arg2[%multiple_of3A, %dma_start3A_306] : memref<10240x128xf32, #tpu.memory_space<hbm>> -> memref<640x128xf32, #tpu.memory_space<hbm>>
      tpu.enqueue_dma source(%dma_start3A_307 : memref<640x128xf32, #tpu.memory_space<hbm>>) target(%dma_start3A_305 : memref<640x128xf32, #tpu.memory_space<vmem_shared>>) target_semaphore(%run_scoped3A : memref<!tpu.dma_semaphore, #tpu.memory_space<semaphore_mem>>)
      %dma_wait3A_308 = arith.constant 0 : i32
      %dma_wait3A_309 = tpu.memref_slice %arg8[%multiple_of3A, %dma_wait3A_308] : memref<10240x128xf32, #tpu.memory_space<vmem_shared>> -> memref<640x128xf32, #tpu.memory_space<vmem_shared>>
      %dma_wait3A_310 = arith.constant 0 : i32
      %dma_wait3A_311 = tpu.memref_slice %arg2[%multiple_of3A, %dma_wait3A_310] : memref<10240x128xf32, #tpu.memory_space<hbm>> -> memref<640x128xf32, #tpu.memory_space<hbm>>
      tpu.wait_dma2 semaphore(%run_scoped3A : memref<!tpu.dma_semaphore, #tpu.memory_space<semaphore_mem>>) src(%dma_wait3A_311 : memref<640x128xf32, #tpu.memory_space<hbm>>) dst(%dma_wait3A_309 : memref<640x128xf32, #tpu.memory_space<vmem_shared>>)
      tpu.yield
    }) : () -> ()
    %barrier3A = arith.constant 0 : index
    tpu.barrier barrier_id(%barrier3A)
    %add3A_12 = arith.constant 0 : i32
    %add3A_13 = arith.addi %add3A, %add3A_12 : i32
    %multiple_of3A_14 = tpu.assume_multiple %add3A_13, 8 : i32
    %add3A_15 = arith.constant 0 : i32
    %add3A_16 = arith.addi %add3A_11, %add3A_15 : i32
    %multiple_of3A_17 = tpu.assume_multiple %add3A_16, 8 : i32
    %dma_start3A = arith.constant 0 : i32
    %dma_start3A_18 = arith.constant 0 : i32
    %dma_start3A_19 = tpu.memref_slice %arg5[%dma_start3A, %dma_start3A_18] : memref<4x80xi32, #tpu.memory_space<vmem>> -> memref<1x80xi32, #tpu.memory_space<vmem>>
    %dma_start3A_20 = tpu.memref_squeeze %dma_start3A_19 : memref<1x80xi32, #tpu.memory_space<vmem>> -> memref<80xi32, #tpu.memory_space<vmem>>
    %dma_start3A_21 = tpu.memref_slice %arg3[%multiple_of3A_14] : memref<960000xi32, #tpu.memory_space<hbm>> -> memref<80xi32, #tpu.memory_space<hbm>>
    %dma_start3A_22 = arith.constant 0 : i32
    %dma_start3A_23 = tpu.memref_slice %arg5[%dma_start3A, %dma_start3A_22] : memref<4x80xi32, #tpu.memory_space<vmem>> -> memref<1x80xi32, #tpu.memory_space<vmem>>
    %dma_start3A_24 = tpu.memref_squeeze %dma_start3A_23 : memref<1x80xi32, #tpu.memory_space<vmem>> -> memref<80xi32, #tpu.memory_space<vmem>>
    %dma_start3A_25 = tpu.memref_slice %arg3[%multiple_of3A_14] : memref<960000xi32, #tpu.memory_space<hbm>> -> memref<80xi32, #tpu.memory_space<hbm>>
    tpu.enqueue_dma source(%dma_start3A_25 : memref<80xi32, #tpu.memory_space<hbm>>) target(%dma_start3A_24 : memref<80xi32, #tpu.memory_space<vmem>>) target_semaphore(%arg17 : memref<!tpu.dma_semaphore, #tpu.memory_space<semaphore_mem>>)
    %dma_start3A_26 = arith.constant 0 : i32
    %dma_start3A_27 = arith.constant 0 : i32
    %dma_start3A_28 = tpu.memref_slice %arg6[%dma_start3A_26, %dma_start3A_27] : memref<4x80xi32, #tpu.memory_space<vmem>> -> memref<1x80xi32, #tpu.memory_space<vmem>>
    %dma_start3A_29 = tpu.memref_squeeze %dma_start3A_28 : memref<1x80xi32, #tpu.memory_space<vmem>> -> memref<80xi32, #tpu.memory_space<vmem>>
    %dma_start3A_30 = tpu.memref_slice %arg3[%multiple_of3A_17] : memref<960000xi32, #tpu.memory_space<hbm>> -> memref<80xi32, #tpu.memory_space<hbm>>
    %dma_start3A_31 = arith.constant 0 : i32
    %dma_start3A_32 = tpu.memref_slice %arg6[%dma_start3A_26, %dma_start3A_31] : memref<4x80xi32, #tpu.memory_space<vmem>> -> memref<1x80xi32, #tpu.memory_space<vmem>>
    %dma_start3A_33 = tpu.memref_squeeze %dma_start3A_32 : memref<1x80xi32, #tpu.memory_space<vmem>> -> memref<80xi32, #tpu.memory_space<vmem>>
    %dma_start3A_34 = tpu.memref_slice %arg3[%multiple_of3A_17] : memref<960000xi32, #tpu.memory_space<hbm>> -> memref<80xi32, #tpu.memory_space<hbm>>
    tpu.enqueue_dma source(%dma_start3A_34 : memref<80xi32, #tpu.memory_space<hbm>>) target(%dma_start3A_33 : memref<80xi32, #tpu.memory_space<vmem>>) target_semaphore(%arg17 : memref<!tpu.dma_semaphore, #tpu.memory_space<semaphore_mem>>)
    %add3A_35 = arith.constant 80 : i32
    %add3A_36 = arith.addi %add3A, %add3A_35 : i32
    %multiple_of3A_37 = tpu.assume_multiple %add3A_36, 8 : i32
    %add3A_38 = arith.constant 80 : i32
    %add3A_39 = arith.addi %add3A_11, %add3A_38 : i32
    %multiple_of3A_40 = tpu.assume_multiple %add3A_39, 8 : i32
    %dma_start3A_41 = arith.constant 1 : i32
    %dma_start3A_42 = arith.constant 0 : i32
    %dma_start3A_43 = tpu.memref_slice %arg5[%dma_start3A_41, %dma_start3A_42] : memref<4x80xi32, #tpu.memory_space<vmem>> -> memref<1x80xi32, #tpu.memory_space<vmem>>
    %dma_start3A_44 = tpu.memref_squeeze %dma_start3A_43 : memref<1x80xi32, #tpu.memory_space<vmem>> -> memref<80xi32, #tpu.memory_space<vmem>>
    %dma_start3A_45 = tpu.memref_slice %arg3[%multiple_of3A_37] : memref<960000xi32, #tpu.memory_space<hbm>> -> memref<80xi32, #tpu.memory_space<hbm>>
    %dma_start3A_46 = arith.constant 0 : i32
    %dma_start3A_47 = tpu.memref_slice %arg5[%dma_start3A_41, %dma_start3A_46] : memref<4x80xi32, #tpu.memory_space<vmem>> -> memref<1x80xi32, #tpu.memory_space<vmem>>
    %dma_start3A_48 = tpu.memref_squeeze %dma_start3A_47 : memref<1x80xi32, #tpu.memory_space<vmem>> -> memref<80xi32, #tpu.memory_space<vmem>>
    %dma_start3A_49 = tpu.memref_slice %arg3[%multiple_of3A_37] : memref<960000xi32, #tpu.memory_space<hbm>> -> memref<80xi32, #tpu.memory_space<hbm>>
    tpu.enqueue_dma source(%dma_start3A_49 : memref<80xi32, #tpu.memory_space<hbm>>) target(%dma_start3A_48 : memref<80xi32, #tpu.memory_space<vmem>>) target_semaphore(%arg18 : memref<!tpu.dma_semaphore, #tpu.memory_space<semaphore_mem>>)
    %dma_start3A_50 = arith.constant 1 : i32
    %dma_start3A_51 = arith.constant 0 : i32
    %dma_start3A_52 = tpu.memref_slice %arg6[%dma_start3A_50, %dma_start3A_51] : memref<4x80xi32, #tpu.memory_space<vmem>> -> memref<1x80xi32, #tpu.memory_space<vmem>>
    %dma_start3A_53 = tpu.memref_squeeze %dma_start3A_52 : memref<1x80xi32, #tpu.memory_space<vmem>> -> memref<80xi32, #tpu.memory_space<vmem>>
    %dma_start3A_54 = tpu.memref_slice %arg3[%multiple_of3A_40] : memref<960000xi32, #tpu.memory_space<hbm>> -> memref<80xi32, #tpu.memory_space<hbm>>
    %dma_start3A_55 = arith.constant 0 : i32
    %dma_start3A_56 = tpu.memref_slice %arg6[%dma_start3A_50, %dma_start3A_55] : memref<4x80xi32, #tpu.memory_space<vmem>> -> memref<1x80xi32, #tpu.memory_space<vmem>>
    %dma_start3A_57 = tpu.memref_squeeze %dma_start3A_56 : memref<1x80xi32, #tpu.memory_space<vmem>> -> memref<80xi32, #tpu.memory_space<vmem>>
    %dma_start3A_58 = tpu.memref_slice %arg3[%multiple_of3A_40] : memref<960000xi32, #tpu.memory_space<hbm>> -> memref<80xi32, #tpu.memory_space<hbm>>
    tpu.enqueue_dma source(%dma_start3A_58 : memref<80xi32, #tpu.memory_space<hbm>>) target(%dma_start3A_57 : memref<80xi32, #tpu.memory_space<vmem>>) target_semaphore(%arg18 : memref<!tpu.dma_semaphore, #tpu.memory_space<semaphore_mem>>)
    %add3A_59 = arith.constant 160 : i32
    %add3A_60 = arith.addi %add3A, %add3A_59 : i32
    %multiple_of3A_61 = tpu.assume_multiple %add3A_60, 8 : i32
    %add3A_62 = arith.constant 160 : i32
    %add3A_63 = arith.addi %add3A_11, %add3A_62 : i32
    %multiple_of3A_64 = tpu.assume_multiple %add3A_63, 8 : i32
    %dma_start3A_65 = arith.constant 2 : i32
    %dma_start3A_66 = arith.constant 0 : i32
    %dma_start3A_67 = tpu.memref_slice %arg5[%dma_start3A_65, %dma_start3A_66] : memref<4x80xi32, #tpu.memory_space<vmem>> -> memref<1x80xi32, #tpu.memory_space<vmem>>
    %dma_start3A_68 = tpu.memref_squeeze %dma_start3A_67 : memref<1x80xi32, #tpu.memory_space<vmem>> -> memref<80xi32, #tpu.memory_space<vmem>>
    %dma_start3A_69 = tpu.memref_slice %arg3[%multiple_of3A_61] : memref<960000xi32, #tpu.memory_space<hbm>> -> memref<80xi32, #tpu.memory_space<hbm>>
    %dma_start3A_70 = arith.constant 0 : i32
    %dma_start3A_71 = tpu.memref_slice %arg5[%dma_start3A_65, %dma_start3A_70] : memref<4x80xi32, #tpu.memory_space<vmem>> -> memref<1x80xi32, #tpu.memory_space<vmem>>
    %dma_start3A_72 = tpu.memref_squeeze %dma_start3A_71 : memref<1x80xi32, #tpu.memory_space<vmem>> -> memref<80xi32, #tpu.memory_space<vmem>>
    %dma_start3A_73 = tpu.memref_slice %arg3[%multiple_of3A_61] : memref<960000xi32, #tpu.memory_space<hbm>> -> memref<80xi32, #tpu.memory_space<hbm>>
    tpu.enqueue_dma source(%dma_start3A_73 : memref<80xi32, #tpu.memory_space<hbm>>) target(%dma_start3A_72 : memref<80xi32, #tpu.memory_space<vmem>>) target_semaphore(%arg19 : memref<!tpu.dma_semaphore, #tpu.memory_space<semaphore_mem>>)
    %dma_start3A_74 = arith.constant 2 : i32
    %dma_start3A_75 = arith.constant 0 : i32
    %dma_start3A_76 = tpu.memref_slice %arg6[%dma_start3A_74, %dma_start3A_75] : memref<4x80xi32, #tpu.memory_space<vmem>> -> memref<1x80xi32, #tpu.memory_space<vmem>>
    %dma_start3A_77 = tpu.memref_squeeze %dma_start3A_76 : memref<1x80xi32, #tpu.memory_space<vmem>> -> memref<80xi32, #tpu.memory_space<vmem>>
    %dma_start3A_78 = tpu.memref_slice %arg3[%multiple_of3A_64] : memref<960000xi32, #tpu.memory_space<hbm>> -> memref<80xi32, #tpu.memory_space<hbm>>
    %dma_start3A_79 = arith.constant 0 : i32
    %dma_start3A_80 = tpu.memref_slice %arg6[%dma_start3A_74, %dma_start3A_79] : memref<4x80xi32, #tpu.memory_space<vmem>> -> memref<1x80xi32, #tpu.memory_space<vmem>>
    %dma_start3A_81 = tpu.memref_squeeze %dma_start3A_80 : memref<1x80xi32, #tpu.memory_space<vmem>> -> memref<80xi32, #tpu.memory_space<vmem>>
    %dma_start3A_82 = tpu.memref_slice %arg3[%multiple_of3A_64] : memref<960000xi32, #tpu.memory_space<hbm>> -> memref<80xi32, #tpu.memory_space<hbm>>
    tpu.enqueue_dma source(%dma_start3A_82 : memref<80xi32, #tpu.memory_space<hbm>>) target(%dma_start3A_81 : memref<80xi32, #tpu.memory_space<vmem>>) target_semaphore(%arg19 : memref<!tpu.dma_semaphore, #tpu.memory_space<semaphore_mem>>)
    %add3A_83 = arith.constant 240 : i32
    %add3A_84 = arith.addi %add3A, %add3A_83 : i32
    %multiple_of3A_85 = tpu.assume_multiple %add3A_84, 8 : i32
    %add3A_86 = arith.constant 240 : i32
    %add3A_87 = arith.addi %add3A_11, %add3A_86 : i32
    %multiple_of3A_88 = tpu.assume_multiple %add3A_87, 8 : i32
    %dma_start3A_89 = arith.constant 3 : i32
    %dma_start3A_90 = arith.constant 0 : i32
    %dma_start3A_91 = tpu.memref_slice %arg5[%dma_start3A_89, %dma_start3A_90] : memref<4x80xi32, #tpu.memory_space<vmem>> -> memref<1x80xi32, #tpu.memory_space<vmem>>
    %dma_start3A_92 = tpu.memref_squeeze %dma_start3A_91 : memref<1x80xi32, #tpu.memory_space<vmem>> -> memref<80xi32, #tpu.memory_space<vmem>>
    %dma_start3A_93 = tpu.memref_slice %arg3[%multiple_of3A_85] : memref<960000xi32, #tpu.memory_space<hbm>> -> memref<80xi32, #tpu.memory_space<hbm>>
    %dma_start3A_94 = arith.constant 0 : i32
    %dma_start3A_95 = tpu.memref_slice %arg5[%dma_start3A_89, %dma_start3A_94] : memref<4x80xi32, #tpu.memory_space<vmem>> -> memref<1x80xi32, #tpu.memory_space<vmem>>
    %dma_start3A_96 = tpu.memref_squeeze %dma_start3A_95 : memref<1x80xi32, #tpu.memory_space<vmem>> -> memref<80xi32, #tpu.memory_space<vmem>>
    %dma_start3A_97 = tpu.memref_slice %arg3[%multiple_of3A_85] : memref<960000xi32, #tpu.memory_space<hbm>> -> memref<80xi32, #tpu.memory_space<hbm>>
    tpu.enqueue_dma source(%dma_start3A_97 : memref<80xi32, #tpu.memory_space<hbm>>) target(%dma_start3A_96 : memref<80xi32, #tpu.memory_space<vmem>>) target_semaphore(%arg20 : memref<!tpu.dma_semaphore, #tpu.memory_space<semaphore_mem>>)
    %dma_start3A_98 = arith.constant 3 : i32
    %dma_start3A_99 = arith.constant 0 : i32
    %dma_start3A_100 = tpu.memref_slice %arg6[%dma_start3A_98, %dma_start3A_99] : memref<4x80xi32, #tpu.memory_space<vmem>> -> memref<1x80xi32, #tpu.memory_space<vmem>>
    %dma_start3A_101 = tpu.memref_squeeze %dma_start3A_100 : memref<1x80xi32, #tpu.memory_space<vmem>> -> memref<80xi32, #tpu.memory_space<vmem>>
    %dma_start3A_102 = tpu.memref_slice %arg3[%multiple_of3A_88] : memref<960000xi32, #tpu.memory_space<hbm>> -> memref<80xi32, #tpu.memory_space<hbm>>
    %dma_start3A_103 = arith.constant 0 : i32
    %dma_start3A_104 = tpu.memref_slice %arg6[%dma_start3A_98, %dma_start3A_103] : memref<4x80xi32, #tpu.memory_space<vmem>> -> memref<1x80xi32, #tpu.memory_space<vmem>>
    %dma_start3A_105 = tpu.memref_squeeze %dma_start3A_104 : memref<1x80xi32, #tpu.memory_space<vmem>> -> memref<80xi32, #tpu.memory_space<vmem>>
    %dma_start3A_106 = tpu.memref_slice %arg3[%multiple_of3A_88] : memref<960000xi32, #tpu.memory_space<hbm>> -> memref<80xi32, #tpu.memory_space<hbm>>
    tpu.enqueue_dma source(%dma_start3A_106 : memref<80xi32, #tpu.memory_space<hbm>>) target(%dma_start3A_105 : memref<80xi32, #tpu.memory_space<vmem>>) target_semaphore(%arg20 : memref<!tpu.dma_semaphore, #tpu.memory_space<semaphore_mem>>)
    %add3A_107 = arith.constant 0 : i32
    %add3A_108 = arith.addi %add3A, %add3A_107 : i32
    %multiple_of3A_109 = tpu.assume_multiple %add3A_108, 8 : i32
    %add3A_110 = arith.constant 0 : i32
    %add3A_111 = arith.addi %add3A_11, %add3A_110 : i32
    %multiple_of3A_112 = tpu.assume_multiple %add3A_111, 8 : i32
    %dma_wait3A = arith.constant 0 : i32
    %dma_wait3A_113 = arith.constant 0 : i32
    %dma_wait3A_114 = tpu.memref_slice %arg5[%dma_wait3A, %dma_wait3A_113] : memref<4x80xi32, #tpu.memory_space<vmem>> -> memref<1x80xi32, #tpu.memory_space<vmem>>
    %dma_wait3A_115 = tpu.memref_squeeze %dma_wait3A_114 : memref<1x80xi32, #tpu.memory_space<vmem>> -> memref<80xi32, #tpu.memory_space<vmem>>
    %dma_wait3A_116 = tpu.memref_slice %arg3[%multiple_of3A_109] : memref<960000xi32, #tpu.memory_space<hbm>> -> memref<80xi32, #tpu.memory_space<hbm>>
    %dma_wait3A_117 = arith.constant 0 : i32
    %dma_wait3A_118 = tpu.memref_slice %arg5[%dma_wait3A, %dma_wait3A_117] : memref<4x80xi32, #tpu.memory_space<vmem>> -> memref<1x80xi32, #tpu.memory_space<vmem>>
    %dma_wait3A_119 = tpu.memref_squeeze %dma_wait3A_118 : memref<1x80xi32, #tpu.memory_space<vmem>> -> memref<80xi32, #tpu.memory_space<vmem>>
    %dma_wait3A_120 = tpu.memref_slice %arg3[%multiple_of3A_109] : memref<960000xi32, #tpu.memory_space<hbm>> -> memref<80xi32, #tpu.memory_space<hbm>>
    tpu.wait_dma2 semaphore(%arg17 : memref<!tpu.dma_semaphore, #tpu.memory_space<semaphore_mem>>) src(%dma_wait3A_120 : memref<80xi32, #tpu.memory_space<hbm>>) dst(%dma_wait3A_119 : memref<80xi32, #tpu.memory_space<vmem>>)
    %dma_wait3A_121 = arith.constant 0 : i32
    %dma_wait3A_122 = arith.constant 0 : i32
    %dma_wait3A_123 = tpu.memref_slice %arg6[%dma_wait3A_121, %dma_wait3A_122] : memref<4x80xi32, #tpu.memory_space<vmem>> -> memref<1x80xi32, #tpu.memory_space<vmem>>
    %dma_wait3A_124 = tpu.memref_squeeze %dma_wait3A_123 : memref<1x80xi32, #tpu.memory_space<vmem>> -> memref<80xi32, #tpu.memory_space<vmem>>
    %dma_wait3A_125 = tpu.memref_slice %arg3[%multiple_of3A_112] : memref<960000xi32, #tpu.memory_space<hbm>> -> memref<80xi32, #tpu.memory_space<hbm>>
    %dma_wait3A_126 = arith.constant 0 : i32
    %dma_wait3A_127 = tpu.memref_slice %arg6[%dma_wait3A_121, %dma_wait3A_126] : memref<4x80xi32, #tpu.memory_space<vmem>> -> memref<1x80xi32, #tpu.memory_space<vmem>>
    %dma_wait3A_128 = tpu.memref_squeeze %dma_wait3A_127 : memref<1x80xi32, #tpu.memory_space<vmem>> -> memref<80xi32, #tpu.memory_space<vmem>>
    %dma_wait3A_129 = tpu.memref_slice %arg3[%multiple_of3A_112] : memref<960000xi32, #tpu.memory_space<hbm>> -> memref<80xi32, #tpu.memory_space<hbm>>
    tpu.wait_dma2 semaphore(%arg17 : memref<!tpu.dma_semaphore, #tpu.memory_space<semaphore_mem>>) src(%dma_wait3A_129 : memref<80xi32, #tpu.memory_space<hbm>>) dst(%dma_wait3A_128 : memref<80xi32, #tpu.memory_space<vmem>>)
    %dma_start3A_130 = arith.constant 0 : i32
    %dma_start3A_131 = arith.constant 0 : i32
    %dma_start3A_132 = arith.constant 0 : i32
    %dma_start3A_133 = arith.constant 0 : i32
    %dma_start3A_134 = tpu.memref_slice %arg7[%dma_start3A_131, %dma_start3A_132, %dma_start3A_133] : memref<4x80x128xf32, #tpu.memory_space<vmem>> -> memref<1x80x128xf32, #tpu.memory_space<vmem>>
    %dma_start3A_135 = tpu.memref_squeeze %dma_start3A_134 : memref<1x80x128xf32, #tpu.memory_space<vmem>> -> memref<80x128xf32, #tpu.memory_space<vmem>>
    %dma_start3A_136 = arith.constant 0 : i32
    %dma_start3A_137 = tpu.memref_slice %arg5[%dma_start3A_130, %dma_start3A_136] : memref<4x80xi32, #tpu.memory_space<vmem>> -> memref<1x80xi32, #tpu.memory_space<vmem>>
    %dma_start3A_138 = tpu.memref_squeeze %dma_start3A_137 : memref<1x80xi32, #tpu.memory_space<vmem>> -> memref<80xi32, #tpu.memory_space<vmem>>
    %dma_start3A_139 = arith.constant 0 : i32
    %dma_start3A_140 = arith.constant 0 : i32
    %dma_start3A_141 = tpu.memref_slice %arg2[%dma_start3A_139, %dma_start3A_140] : memref<10240x128xf32, #tpu.memory_space<hbm>> -> memref<10240x128xf32, #tpu.memory_space<hbm>>
    tpu.enqueue_indirect_dma source(%dma_start3A_141 : memref<10240x128xf32, #tpu.memory_space<hbm>>) target(%dma_start3A_135 : memref<80x128xf32, #tpu.memory_space<vmem>>) offsets(%dma_start3A_138 : memref<80xi32, #tpu.memory_space<vmem>>) semaphore(%arg9 : memref<!tpu.dma_semaphore, #tpu.memory_space<semaphore_mem>>)
    %add3A_142 = arith.constant 80 : i32
    %add3A_143 = arith.addi %add3A, %add3A_142 : i32
    %multiple_of3A_144 = tpu.assume_multiple %add3A_143, 8 : i32
    %add3A_145 = arith.constant 80 : i32
    %add3A_146 = arith.addi %add3A_11, %add3A_145 : i32
    %multiple_of3A_147 = tpu.assume_multiple %add3A_146, 8 : i32
    %dma_wait3A_148 = arith.constant 1 : i32
    %dma_wait3A_149 = arith.constant 0 : i32
    %dma_wait3A_150 = tpu.memref_slice %arg5[%dma_wait3A_148, %dma_wait3A_149] : memref<4x80xi32, #tpu.memory_space<vmem>> -> memref<1x80xi32, #tpu.memory_space<vmem>>
    %dma_wait3A_151 = tpu.memref_squeeze %dma_wait3A_150 : memref<1x80xi32, #tpu.memory_space<vmem>> -> memref<80xi32, #tpu.memory_space<vmem>>
    %dma_wait3A_152 = tpu.memref_slice %arg3[%multiple_of3A_144] : memref<960000xi32, #tpu.memory_space<hbm>> -> memref<80xi32, #tpu.memory_space<hbm>>
    %dma_wait3A_153 = arith.constant 0 : i32
    %dma_wait3A_154 = tpu.memref_slice %arg5[%dma_wait3A_148, %dma_wait3A_153] : memref<4x80xi32, #tpu.memory_space<vmem>> -> memref<1x80xi32, #tpu.memory_space<vmem>>
    %dma_wait3A_155 = tpu.memref_squeeze %dma_wait3A_154 : memref<1x80xi32, #tpu.memory_space<vmem>> -> memref<80xi32, #tpu.memory_space<vmem>>
    %dma_wait3A_156 = tpu.memref_slice %arg3[%multiple_of3A_144] : memref<960000xi32, #tpu.memory_space<hbm>> -> memref<80xi32, #tpu.memory_space<hbm>>
    tpu.wait_dma2 semaphore(%arg18 : memref<!tpu.dma_semaphore, #tpu.memory_space<semaphore_mem>>) src(%dma_wait3A_156 : memref<80xi32, #tpu.memory_space<hbm>>) dst(%dma_wait3A_155 : memref<80xi32, #tpu.memory_space<vmem>>)
    %dma_wait3A_157 = arith.constant 1 : i32
    %dma_wait3A_158 = arith.constant 0 : i32
    %dma_wait3A_159 = tpu.memref_slice %arg6[%dma_wait3A_157, %dma_wait3A_158] : memref<4x80xi32, #tpu.memory_space<vmem>> -> memref<1x80xi32, #tpu.memory_space<vmem>>
    %dma_wait3A_160 = tpu.memref_squeeze %dma_wait3A_159 : memref<1x80xi32, #tpu.memory_space<vmem>> -> memref<80xi32, #tpu.memory_space<vmem>>
    %dma_wait3A_161 = tpu.memref_slice %arg3[%multiple_of3A_147] : memref<960000xi32, #tpu.memory_space<hbm>> -> memref<80xi32, #tpu.memory_space<hbm>>
    %dma_wait3A_162 = arith.constant 0 : i32
    %dma_wait3A_163 = tpu.memref_slice %arg6[%dma_wait3A_157, %dma_wait3A_162] : memref<4x80xi32, #tpu.memory_space<vmem>> -> memref<1x80xi32, #tpu.memory_space<vmem>>
    %dma_wait3A_164 = tpu.memref_squeeze %dma_wait3A_163 : memref<1x80xi32, #tpu.memory_space<vmem>> -> memref<80xi32, #tpu.memory_space<vmem>>
    %dma_wait3A_165 = tpu.memref_slice %arg3[%multiple_of3A_147] : memref<960000xi32, #tpu.memory_space<hbm>> -> memref<80xi32, #tpu.memory_space<hbm>>
    tpu.wait_dma2 semaphore(%arg18 : memref<!tpu.dma_semaphore, #tpu.memory_space<semaphore_mem>>) src(%dma_wait3A_165 : memref<80xi32, #tpu.memory_space<hbm>>) dst(%dma_wait3A_164 : memref<80xi32, #tpu.memory_space<vmem>>)
    %dma_start3A_166 = arith.constant 1 : i32
    %dma_start3A_167 = arith.constant 1 : i32
    %dma_start3A_168 = arith.constant 0 : i32
    %dma_start3A_169 = arith.constant 0 : i32
    %dma_start3A_170 = tpu.memref_slice %arg7[%dma_start3A_167, %dma_start3A_168, %dma_start3A_169] : memref<4x80x128xf32, #tpu.memory_space<vmem>> -> memref<1x80x128xf32, #tpu.memory_space<vmem>>
    %dma_start3A_171 = tpu.memref_squeeze %dma_start3A_170 : memref<1x80x128xf32, #tpu.memory_space<vmem>> -> memref<80x128xf32, #tpu.memory_space<vmem>>
    %dma_start3A_172 = arith.constant 0 : i32
    %dma_start3A_173 = tpu.memref_slice %arg5[%dma_start3A_166, %dma_start3A_172] : memref<4x80xi32, #tpu.memory_space<vmem>> -> memref<1x80xi32, #tpu.memory_space<vmem>>
    %dma_start3A_174 = tpu.memref_squeeze %dma_start3A_173 : memref<1x80xi32, #tpu.memory_space<vmem>> -> memref<80xi32, #tpu.memory_space<vmem>>
    %dma_start3A_175 = arith.constant 0 : i32
    %dma_start3A_176 = arith.constant 0 : i32
    %dma_start3A_177 = tpu.memref_slice %arg2[%dma_start3A_175, %dma_start3A_176] : memref<10240x128xf32, #tpu.memory_space<hbm>> -> memref<10240x128xf32, #tpu.memory_space<hbm>>
    tpu.enqueue_indirect_dma source(%dma_start3A_177 : memref<10240x128xf32, #tpu.memory_space<hbm>>) target(%dma_start3A_171 : memref<80x128xf32, #tpu.memory_space<vmem>>) offsets(%dma_start3A_174 : memref<80xi32, #tpu.memory_space<vmem>>) semaphore(%arg10 : memref<!tpu.dma_semaphore, #tpu.memory_space<semaphore_mem>>)
    %add3A_178 = arith.constant 160 : i32
    %add3A_179 = arith.addi %add3A, %add3A_178 : i32
    %multiple_of3A_180 = tpu.assume_multiple %add3A_179, 8 : i32
    %add3A_181 = arith.constant 160 : i32
    %add3A_182 = arith.addi %add3A_11, %add3A_181 : i32
    %multiple_of3A_183 = tpu.assume_multiple %add3A_182, 8 : i32
    %dma_wait3A_184 = arith.constant 2 : i32
    %dma_wait3A_185 = arith.constant 0 : i32
    %dma_wait3A_186 = tpu.memref_slice %arg5[%dma_wait3A_184, %dma_wait3A_185] : memref<4x80xi32, #tpu.memory_space<vmem>> -> memref<1x80xi32, #tpu.memory_space<vmem>>
    %dma_wait3A_187 = tpu.memref_squeeze %dma_wait3A_186 : memref<1x80xi32, #tpu.memory_space<vmem>> -> memref<80xi32, #tpu.memory_space<vmem>>
    %dma_wait3A_188 = tpu.memref_slice %arg3[%multiple_of3A_180] : memref<960000xi32, #tpu.memory_space<hbm>> -> memref<80xi32, #tpu.memory_space<hbm>>
    %dma_wait3A_189 = arith.constant 0 : i32
    %dma_wait3A_190 = tpu.memref_slice %arg5[%dma_wait3A_184, %dma_wait3A_189] : memref<4x80xi32, #tpu.memory_space<vmem>> -> memref<1x80xi32, #tpu.memory_space<vmem>>
    %dma_wait3A_191 = tpu.memref_squeeze %dma_wait3A_190 : memref<1x80xi32, #tpu.memory_space<vmem>> -> memref<80xi32, #tpu.memory_space<vmem>>
    %dma_wait3A_192 = tpu.memref_slice %arg3[%multiple_of3A_180] : memref<960000xi32, #tpu.memory_space<hbm>> -> memref<80xi32, #tpu.memory_space<hbm>>
    tpu.wait_dma2 semaphore(%arg19 : memref<!tpu.dma_semaphore, #tpu.memory_space<semaphore_mem>>) src(%dma_wait3A_192 : memref<80xi32, #tpu.memory_space<hbm>>) dst(%dma_wait3A_191 : memref<80xi32, #tpu.memory_space<vmem>>)
    %dma_wait3A_193 = arith.constant 2 : i32
    %dma_wait3A_194 = arith.constant 0 : i32
    %dma_wait3A_195 = tpu.memref_slice %arg6[%dma_wait3A_193, %dma_wait3A_194] : memref<4x80xi32, #tpu.memory_space<vmem>> -> memref<1x80xi32, #tpu.memory_space<vmem>>
    %dma_wait3A_196 = tpu.memref_squeeze %dma_wait3A_195 : memref<1x80xi32, #tpu.memory_space<vmem>> -> memref<80xi32, #tpu.memory_space<vmem>>
    %dma_wait3A_197 = tpu.memref_slice %arg3[%multiple_of3A_183] : memref<960000xi32, #tpu.memory_space<hbm>> -> memref<80xi32, #tpu.memory_space<hbm>>
    %dma_wait3A_198 = arith.constant 0 : i32
    %dma_wait3A_199 = tpu.memref_slice %arg6[%dma_wait3A_193, %dma_wait3A_198] : memref<4x80xi32, #tpu.memory_space<vmem>> -> memref<1x80xi32, #tpu.memory_space<vmem>>
    %dma_wait3A_200 = tpu.memref_squeeze %dma_wait3A_199 : memref<1x80xi32, #tpu.memory_space<vmem>> -> memref<80xi32, #tpu.memory_space<vmem>>
    %dma_wait3A_201 = tpu.memref_slice %arg3[%multiple_of3A_183] : memref<960000xi32, #tpu.memory_space<hbm>> -> memref<80xi32, #tpu.memory_space<hbm>>
    tpu.wait_dma2 semaphore(%arg19 : memref<!tpu.dma_semaphore, #tpu.memory_space<semaphore_mem>>) src(%dma_wait3A_201 : memref<80xi32, #tpu.memory_space<hbm>>) dst(%dma_wait3A_200 : memref<80xi32, #tpu.memory_space<vmem>>)
    %dma_start3A_202 = arith.constant 2 : i32
    %dma_start3A_203 = arith.constant 2 : i32
    %dma_start3A_204 = arith.constant 0 : i32
    %dma_start3A_205 = arith.constant 0 : i32
    %dma_start3A_206 = tpu.memref_slice %arg7[%dma_start3A_203, %dma_start3A_204, %dma_start3A_205] : memref<4x80x128xf32, #tpu.memory_space<vmem>> -> memref<1x80x128xf32, #tpu.memory_space<vmem>>
    %dma_start3A_207 = tpu.memref_squeeze %dma_start3A_206 : memref<1x80x128xf32, #tpu.memory_space<vmem>> -> memref<80x128xf32, #tpu.memory_space<vmem>>
    %dma_start3A_208 = arith.constant 0 : i32
    %dma_start3A_209 = tpu.memref_slice %arg5[%dma_start3A_202, %dma_start3A_208] : memref<4x80xi32, #tpu.memory_space<vmem>> -> memref<1x80xi32, #tpu.memory_space<vmem>>
    %dma_start3A_210 = tpu.memref_squeeze %dma_start3A_209 : memref<1x80xi32, #tpu.memory_space<vmem>> -> memref<80xi32, #tpu.memory_space<vmem>>
    %dma_start3A_211 = arith.constant 0 : i32
    %dma_start3A_212 = arith.constant 0 : i32
    %dma_start3A_213 = tpu.memref_slice %arg2[%dma_start3A_211, %dma_start3A_212] : memref<10240x128xf32, #tpu.memory_space<hbm>> -> memref<10240x128xf32, #tpu.memory_space<hbm>>
    tpu.enqueue_indirect_dma source(%dma_start3A_213 : memref<10240x128xf32, #tpu.memory_space<hbm>>) target(%dma_start3A_207 : memref<80x128xf32, #tpu.memory_space<vmem>>) offsets(%dma_start3A_210 : memref<80xi32, #tpu.memory_space<vmem>>) semaphore(%arg11 : memref<!tpu.dma_semaphore, #tpu.memory_space<semaphore_mem>>)
    %add3A_214 = arith.constant 240 : i32
    %add3A_215 = arith.addi %add3A, %add3A_214 : i32
    %multiple_of3A_216 = tpu.assume_multiple %add3A_215, 8 : i32
    %add3A_217 = arith.constant 240 : i32
    %add3A_218 = arith.addi %add3A_11, %add3A_217 : i32
    %multiple_of3A_219 = tpu.assume_multiple %add3A_218, 8 : i32
    %dma_wait3A_220 = arith.constant 3 : i32
    %dma_wait3A_221 = arith.constant 0 : i32
    %dma_wait3A_222 = tpu.memref_slice %arg5[%dma_wait3A_220, %dma_wait3A_221] : memref<4x80xi32, #tpu.memory_space<vmem>> -> memref<1x80xi32, #tpu.memory_space<vmem>>
    %dma_wait3A_223 = tpu.memref_squeeze %dma_wait3A_222 : memref<1x80xi32, #tpu.memory_space<vmem>> -> memref<80xi32, #tpu.memory_space<vmem>>
    %dma_wait3A_224 = tpu.memref_slice %arg3[%multiple_of3A_216] : memref<960000xi32, #tpu.memory_space<hbm>> -> memref<80xi32, #tpu.memory_space<hbm>>
    %dma_wait3A_225 = arith.constant 0 : i32
    %dma_wait3A_226 = tpu.memref_slice %arg5[%dma_wait3A_220, %dma_wait3A_225] : memref<4x80xi32, #tpu.memory_space<vmem>> -> memref<1x80xi32, #tpu.memory_space<vmem>>
    %dma_wait3A_227 = tpu.memref_squeeze %dma_wait3A_226 : memref<1x80xi32, #tpu.memory_space<vmem>> -> memref<80xi32, #tpu.memory_space<vmem>>
    %dma_wait3A_228 = tpu.memref_slice %arg3[%multiple_of3A_216] : memref<960000xi32, #tpu.memory_space<hbm>> -> memref<80xi32, #tpu.memory_space<hbm>>
    tpu.wait_dma2 semaphore(%arg20 : memref<!tpu.dma_semaphore, #tpu.memory_space<semaphore_mem>>) src(%dma_wait3A_228 : memref<80xi32, #tpu.memory_space<hbm>>) dst(%dma_wait3A_227 : memref<80xi32, #tpu.memory_space<vmem>>)
    %dma_wait3A_229 = arith.constant 3 : i32
    %dma_wait3A_230 = arith.constant 0 : i32
    %dma_wait3A_231 = tpu.memref_slice %arg6[%dma_wait3A_229, %dma_wait3A_230] : memref<4x80xi32, #tpu.memory_space<vmem>> -> memref<1x80xi32, #tpu.memory_space<vmem>>
    %dma_wait3A_232 = tpu.memref_squeeze %dma_wait3A_231 : memref<1x80xi32, #tpu.memory_space<vmem>> -> memref<80xi32, #tpu.memory_space<vmem>>
    %dma_wait3A_233 = tpu.memref_slice %arg3[%multiple_of3A_219] : memref<960000xi32, #tpu.memory_space<hbm>> -> memref<80xi32, #tpu.memory_space<hbm>>
    %dma_wait3A_234 = arith.constant 0 : i32
    %dma_wait3A_235 = tpu.memref_slice %arg6[%dma_wait3A_229, %dma_wait3A_234] : memref<4x80xi32, #tpu.memory_space<vmem>> -> memref<1x80xi32, #tpu.memory_space<vmem>>
    %dma_wait3A_236 = tpu.memref_squeeze %dma_wait3A_235 : memref<1x80xi32, #tpu.memory_space<vmem>> -> memref<80xi32, #tpu.memory_space<vmem>>
    %dma_wait3A_237 = tpu.memref_slice %arg3[%multiple_of3A_219] : memref<960000xi32, #tpu.memory_space<hbm>> -> memref<80xi32, #tpu.memory_space<hbm>>
    tpu.wait_dma2 semaphore(%arg20 : memref<!tpu.dma_semaphore, #tpu.memory_space<semaphore_mem>>) src(%dma_wait3A_237 : memref<80xi32, #tpu.memory_space<hbm>>) dst(%dma_wait3A_236 : memref<80xi32, #tpu.memory_space<vmem>>)
    %dma_start3A_238 = arith.constant 3 : i32
    %dma_start3A_239 = arith.constant 3 : i32
    %dma_start3A_240 = arith.constant 0 : i32
    %dma_start3A_241 = arith.constant 0 : i32
    %dma_start3A_242 = tpu.memref_slice %arg7[%dma_start3A_239, %dma_start3A_240, %dma_start3A_241] : memref<4x80x128xf32, #tpu.memory_space<vmem>> -> memref<1x80x128xf32, #tpu.memory_space<vmem>>
    %dma_start3A_243 = tpu.memref_squeeze %dma_start3A_242 : memref<1x80x128xf32, #tpu.memory_space<vmem>> -> memref<80x128xf32, #tpu.memory_space<vmem>>
    %dma_start3A_244 = arith.constant 0 : i32
    %dma_start3A_245 = tpu.memref_slice %arg5[%dma_start3A_238, %dma_start3A_244] : memref<4x80xi32, #tpu.memory_space<vmem>> -> memref<1x80xi32, #tpu.memory_space<vmem>>
    %dma_start3A_246 = tpu.memref_squeeze %dma_start3A_245 : memref<1x80xi32, #tpu.memory_space<vmem>> -> memref<80xi32, #tpu.memory_space<vmem>>
    %dma_start3A_247 = arith.constant 0 : i32
    %dma_start3A_248 = arith.constant 0 : i32
    %dma_start3A_249 = tpu.memref_slice %arg2[%dma_start3A_247, %dma_start3A_248] : memref<10240x128xf32, #tpu.memory_space<hbm>> -> memref<10240x128xf32, #tpu.memory_space<hbm>>
    tpu.enqueue_indirect_dma source(%dma_start3A_249 : memref<10240x128xf32, #tpu.memory_space<hbm>>) target(%dma_start3A_243 : memref<80x128xf32, #tpu.memory_space<vmem>>) offsets(%dma_start3A_246 : memref<80xi32, #tpu.memory_space<vmem>>) semaphore(%arg12 : memref<!tpu.dma_semaphore, #tpu.memory_space<semaphore_mem>>)
    %scan3A = arith.constant 0 : i32
    %scan3A_250 = arith.constant 0 : i32
    %scan3A_251 = arith.constant 32 : i32
    %scan3A_252 = arith.addi %scan3A_250, %scan3A_251 : i32
    %scan3A_253 = arith.constant 1 : i32
    scf.for %scan3A_304 = %scan3A_250 to %scan3A_252 step %scan3A_253  : i32 {
      %mul3A_305 = arith.constant 4 : i32
      %mul3A_306 = arith.muli %scan3A_304, %mul3A_305 : i32
      %add3A_307 = arith.constant 0 : i32
      %add3A_308 = arith.addi %mul3A_306, %add3A_307 : i32
      %lt3A = arith.constant 125 : i32
      %lt3A_309 = arith.cmpi slt, %add3A_308, %lt3A : i32
      %convert_element_type3A = arith.extui %lt3A_309 : i1 to i32
      %cond3A = arith.constant 0 : i32
      %cond3A_310 = arith.cmpi ne, %convert_element_type3A, %cond3A : i32
      scf.if %cond3A_310 {
        %dma_wait3A_404 = arith.constant 0 : i32
        %dma_wait3A_405 = arith.constant 0 : i32
        %dma_wait3A_406 = arith.constant 0 : i32
        %dma_wait3A_407 = arith.constant 0 : i32
        %dma_wait3A_408 = tpu.memref_slice %arg7[%dma_wait3A_405, %dma_wait3A_406, %dma_wait3A_407] : memref<4x80x128xf32, #tpu.memory_space<vmem>> -> memref<1x80x128xf32, #tpu.memory_space<vmem>>
        %dma_wait3A_409 = tpu.memref_squeeze %dma_wait3A_408 : memref<1x80x128xf32, #tpu.memory_space<vmem>> -> memref<80x128xf32, #tpu.memory_space<vmem>>
        %dma_wait3A_410 = arith.constant 0 : i32
        %dma_wait3A_411 = tpu.memref_slice %arg5[%dma_wait3A_404, %dma_wait3A_410] : memref<4x80xi32, #tpu.memory_space<vmem>> -> memref<1x80xi32, #tpu.memory_space<vmem>>
        %dma_wait3A_412 = tpu.memref_squeeze %dma_wait3A_411 : memref<1x80xi32, #tpu.memory_space<vmem>> -> memref<80xi32, #tpu.memory_space<vmem>>
        %dma_wait3A_413 = arith.constant 0 : i32
        %dma_wait3A_414 = arith.constant 0 : i32
        %dma_wait3A_415 = tpu.memref_slice %arg2[%dma_wait3A_413, %dma_wait3A_414] : memref<10240x128xf32, #tpu.memory_space<hbm>> -> memref<10240x128xf32, #tpu.memory_space<hbm>>
        tpu.wait_indirect_dma semaphore(%arg9 : memref<!tpu.dma_semaphore, #tpu.memory_space<semaphore_mem>>) src(%dma_wait3A_415 : memref<10240x128xf32, #tpu.memory_space<hbm>>) dst(%dma_wait3A_409 : memref<80x128xf32, #tpu.memory_space<vmem>>)
        %dma_start3A_416 = arith.constant 0 : i32
        %dma_start3A_417 = arith.constant 0 : i32
        %dma_start3A_418 = arith.constant 0 : i32
        %dma_start3A_419 = arith.constant 0 : i32
        %dma_start3A_420 = tpu.memref_slice %arg7[%dma_start3A_416, %dma_start3A_418, %dma_start3A_419] : memref<4x80x128xf32, #tpu.memory_space<vmem>> -> memref<1x80x128xf32, #tpu.memory_space<vmem>>
        %dma_start3A_421 = tpu.memref_squeeze %dma_start3A_420 : memref<1x80x128xf32, #tpu.memory_space<vmem>> -> memref<80x128xf32, #tpu.memory_space<vmem>>
        %dma_start3A_422 = arith.constant 0 : i32
        %dma_start3A_423 = tpu.memref_slice %arg6[%dma_start3A_417, %dma_start3A_422] : memref<4x80xi32, #tpu.memory_space<vmem>> -> memref<1x80xi32, #tpu.memory_space<vmem>>
        %dma_start3A_424 = tpu.memref_squeeze %dma_start3A_423 : memref<1x80xi32, #tpu.memory_space<vmem>> -> memref<80xi32, #tpu.memory_space<vmem>>
        %dma_start3A_425 = arith.constant 0 : i32
        %dma_start3A_426 = arith.constant 0 : i32
        %dma_start3A_427 = tpu.memref_slice %arg8[%dma_start3A_425, %dma_start3A_426] : memref<10240x128xf32, #tpu.memory_space<vmem_shared>> -> memref<10240x128xf32, #tpu.memory_space<vmem_shared>>
        tpu.enqueue_indirect_dma source(%dma_start3A_421 : memref<80x128xf32, #tpu.memory_space<vmem>>) target(%dma_start3A_427 : memref<10240x128xf32, #tpu.memory_space<vmem_shared>>) offsets(%dma_start3A_424 : memref<80xi32, #tpu.memory_space<vmem>>) semaphore(%arg13 : memref<!tpu.dma_semaphore, #tpu.memory_space<semaphore_mem>>) {add = true}
      } else {
      }
      %add3A_311 = arith.constant 1 : i32
      %add3A_312 = arith.addi %mul3A_306, %add3A_311 : i32
      %lt3A_313 = arith.constant 125 : i32
      %lt3A_314 = arith.cmpi slt, %add3A_312, %lt3A_313 : i32
      %convert_element_type3A_315 = arith.extui %lt3A_314 : i1 to i32
      %cond3A_316 = arith.constant 0 : i32
      %cond3A_317 = arith.cmpi ne, %convert_element_type3A_315, %cond3A_316 : i32
      scf.if %cond3A_317 {
        %dma_wait3A_404 = arith.constant 1 : i32
        %dma_wait3A_405 = arith.constant 1 : i32
        %dma_wait3A_406 = arith.constant 0 : i32
        %dma_wait3A_407 = arith.constant 0 : i32
        %dma_wait3A_408 = tpu.memref_slice %arg7[%dma_wait3A_405, %dma_wait3A_406, %dma_wait3A_407] : memref<4x80x128xf32, #tpu.memory_space<vmem>> -> memref<1x80x128xf32, #tpu.memory_space<vmem>>
        %dma_wait3A_409 = tpu.memref_squeeze %dma_wait3A_408 : memref<1x80x128xf32, #tpu.memory_space<vmem>> -> memref<80x128xf32, #tpu.memory_space<vmem>>
        %dma_wait3A_410 = arith.constant 0 : i32
        %dma_wait3A_411 = tpu.memref_slice %arg5[%dma_wait3A_404, %dma_wait3A_410] : memref<4x80xi32, #tpu.memory_space<vmem>> -> memref<1x80xi32, #tpu.memory_space<vmem>>
        %dma_wait3A_412 = tpu.memref_squeeze %dma_wait3A_411 : memref<1x80xi32, #tpu.memory_space<vmem>> -> memref<80xi32, #tpu.memory_space<vmem>>
        %dma_wait3A_413 = arith.constant 0 : i32
        %dma_wait3A_414 = arith.constant 0 : i32
        %dma_wait3A_415 = tpu.memref_slice %arg2[%dma_wait3A_413, %dma_wait3A_414] : memref<10240x128xf32, #tpu.memory_space<hbm>> -> memref<10240x128xf32, #tpu.memory_space<hbm>>
        tpu.wait_indirect_dma semaphore(%arg10 : memref<!tpu.dma_semaphore, #tpu.memory_space<semaphore_mem>>) src(%dma_wait3A_415 : memref<10240x128xf32, #tpu.memory_space<hbm>>) dst(%dma_wait3A_409 : memref<80x128xf32, #tpu.memory_space<vmem>>)
        %dma_start3A_416 = arith.constant 1 : i32
        %dma_start3A_417 = arith.constant 1 : i32
        %dma_start3A_418 = arith.constant 0 : i32
        %dma_start3A_419 = arith.constant 0 : i32
        %dma_start3A_420 = tpu.memref_slice %arg7[%dma_start3A_416, %dma_start3A_418, %dma_start3A_419] : memref<4x80x128xf32, #tpu.memory_space<vmem>> -> memref<1x80x128xf32, #tpu.memory_space<vmem>>
        %dma_start3A_421 = tpu.memref_squeeze %dma_start3A_420 : memref<1x80x128xf32, #tpu.memory_space<vmem>> -> memref<80x128xf32, #tpu.memory_space<vmem>>
        %dma_start3A_422 = arith.constant 0 : i32
        %dma_start3A_423 = tpu.memref_slice %arg6[%dma_start3A_417, %dma_start3A_422] : memref<4x80xi32, #tpu.memory_space<vmem>> -> memref<1x80xi32, #tpu.memory_space<vmem>>
        %dma_start3A_424 = tpu.memref_squeeze %dma_start3A_423 : memref<1x80xi32, #tpu.memory_space<vmem>> -> memref<80xi32, #tpu.memory_space<vmem>>
        %dma_start3A_425 = arith.constant 0 : i32
        %dma_start3A_426 = arith.constant 0 : i32
        %dma_start3A_427 = tpu.memref_slice %arg8[%dma_start3A_425, %dma_start3A_426] : memref<10240x128xf32, #tpu.memory_space<vmem_shared>> -> memref<10240x128xf32, #tpu.memory_space<vmem_shared>>
        tpu.enqueue_indirect_dma source(%dma_start3A_421 : memref<80x128xf32, #tpu.memory_space<vmem>>) target(%dma_start3A_427 : memref<10240x128xf32, #tpu.memory_space<vmem_shared>>) offsets(%dma_start3A_424 : memref<80xi32, #tpu.memory_space<vmem>>) semaphore(%arg14 : memref<!tpu.dma_semaphore, #tpu.memory_space<semaphore_mem>>) {add = true}
      } else {
      }
      %add3A_318 = arith.constant 2 : i32
      %add3A_319 = arith.addi %mul3A_306, %add3A_318 : i32
      %lt3A_320 = arith.constant 125 : i32
      %lt3A_321 = arith.cmpi slt, %add3A_319, %lt3A_320 : i32
      %convert_element_type3A_322 = arith.extui %lt3A_321 : i1 to i32
      %cond3A_323 = arith.constant 0 : i32
      %cond3A_324 = arith.cmpi ne, %convert_element_type3A_322, %cond3A_323 : i32
      scf.if %cond3A_324 {
        %dma_wait3A_404 = arith.constant 2 : i32
        %dma_wait3A_405 = arith.constant 2 : i32
        %dma_wait3A_406 = arith.constant 0 : i32
        %dma_wait3A_407 = arith.constant 0 : i32
        %dma_wait3A_408 = tpu.memref_slice %arg7[%dma_wait3A_405, %dma_wait3A_406, %dma_wait3A_407] : memref<4x80x128xf32, #tpu.memory_space<vmem>> -> memref<1x80x128xf32, #tpu.memory_space<vmem>>
        %dma_wait3A_409 = tpu.memref_squeeze %dma_wait3A_408 : memref<1x80x128xf32, #tpu.memory_space<vmem>> -> memref<80x128xf32, #tpu.memory_space<vmem>>
        %dma_wait3A_410 = arith.constant 0 : i32
        %dma_wait3A_411 = tpu.memref_slice %arg5[%dma_wait3A_404, %dma_wait3A_410] : memref<4x80xi32, #tpu.memory_space<vmem>> -> memref<1x80xi32, #tpu.memory_space<vmem>>
        %dma_wait3A_412 = tpu.memref_squeeze %dma_wait3A_411 : memref<1x80xi32, #tpu.memory_space<vmem>> -> memref<80xi32, #tpu.memory_space<vmem>>
        %dma_wait3A_413 = arith.constant 0 : i32
        %dma_wait3A_414 = arith.constant 0 : i32
        %dma_wait3A_415 = tpu.memref_slice %arg2[%dma_wait3A_413, %dma_wait3A_414] : memref<10240x128xf32, #tpu.memory_space<hbm>> -> memref<10240x128xf32, #tpu.memory_space<hbm>>
        tpu.wait_indirect_dma semaphore(%arg11 : memref<!tpu.dma_semaphore, #tpu.memory_space<semaphore_mem>>) src(%dma_wait3A_415 : memref<10240x128xf32, #tpu.memory_space<hbm>>) dst(%dma_wait3A_409 : memref<80x128xf32, #tpu.memory_space<vmem>>)
        %dma_start3A_416 = arith.constant 2 : i32
        %dma_start3A_417 = arith.constant 2 : i32
        %dma_start3A_418 = arith.constant 0 : i32
        %dma_start3A_419 = arith.constant 0 : i32
        %dma_start3A_420 = tpu.memref_slice %arg7[%dma_start3A_416, %dma_start3A_418, %dma_start3A_419] : memref<4x80x128xf32, #tpu.memory_space<vmem>> -> memref<1x80x128xf32, #tpu.memory_space<vmem>>
        %dma_start3A_421 = tpu.memref_squeeze %dma_start3A_420 : memref<1x80x128xf32, #tpu.memory_space<vmem>> -> memref<80x128xf32, #tpu.memory_space<vmem>>
        %dma_start3A_422 = arith.constant 0 : i32
        %dma_start3A_423 = tpu.memref_slice %arg6[%dma_start3A_417, %dma_start3A_422] : memref<4x80xi32, #tpu.memory_space<vmem>> -> memref<1x80xi32, #tpu.memory_space<vmem>>
        %dma_start3A_424 = tpu.memref_squeeze %dma_start3A_423 : memref<1x80xi32, #tpu.memory_space<vmem>> -> memref<80xi32, #tpu.memory_space<vmem>>
        %dma_start3A_425 = arith.constant 0 : i32
        %dma_start3A_426 = arith.constant 0 : i32
        %dma_start3A_427 = tpu.memref_slice %arg8[%dma_start3A_425, %dma_start3A_426] : memref<10240x128xf32, #tpu.memory_space<vmem_shared>> -> memref<10240x128xf32, #tpu.memory_space<vmem_shared>>
        tpu.enqueue_indirect_dma source(%dma_start3A_421 : memref<80x128xf32, #tpu.memory_space<vmem>>) target(%dma_start3A_427 : memref<10240x128xf32, #tpu.memory_space<vmem_shared>>) offsets(%dma_start3A_424 : memref<80xi32, #tpu.memory_space<vmem>>) semaphore(%arg15 : memref<!tpu.dma_semaphore, #tpu.memory_space<semaphore_mem>>) {add = true}
      } else {
      }
      %add3A_325 = arith.constant 3 : i32
      %add3A_326 = arith.addi %mul3A_306, %add3A_325 : i32
      %lt3A_327 = arith.constant 125 : i32
      %lt3A_328 = arith.cmpi slt, %add3A_326, %lt3A_327 : i32
      %convert_element_type3A_329 = arith.extui %lt3A_328 : i1 to i32
      %cond3A_330 = arith.constant 0 : i32
      %cond3A_331 = arith.cmpi ne, %convert_element_type3A_329, %cond3A_330 : i32
      scf.if %cond3A_331 {
        %dma_wait3A_404 = arith.constant 3 : i32
        %dma_wait3A_405 = arith.constant 3 : i32
        %dma_wait3A_406 = arith.constant 0 : i32
        %dma_wait3A_407 = arith.constant 0 : i32
        %dma_wait3A_408 = tpu.memref_slice %arg7[%dma_wait3A_405, %dma_wait3A_406, %dma_wait3A_407] : memref<4x80x128xf32, #tpu.memory_space<vmem>> -> memref<1x80x128xf32, #tpu.memory_space<vmem>>
        %dma_wait3A_409 = tpu.memref_squeeze %dma_wait3A_408 : memref<1x80x128xf32, #tpu.memory_space<vmem>> -> memref<80x128xf32, #tpu.memory_space<vmem>>
        %dma_wait3A_410 = arith.constant 0 : i32
        %dma_wait3A_411 = tpu.memref_slice %arg5[%dma_wait3A_404, %dma_wait3A_410] : memref<4x80xi32, #tpu.memory_space<vmem>> -> memref<1x80xi32, #tpu.memory_space<vmem>>
        %dma_wait3A_412 = tpu.memref_squeeze %dma_wait3A_411 : memref<1x80xi32, #tpu.memory_space<vmem>> -> memref<80xi32, #tpu.memory_space<vmem>>
        %dma_wait3A_413 = arith.constant 0 : i32
        %dma_wait3A_414 = arith.constant 0 : i32
        %dma_wait3A_415 = tpu.memref_slice %arg2[%dma_wait3A_413, %dma_wait3A_414] : memref<10240x128xf32, #tpu.memory_space<hbm>> -> memref<10240x128xf32, #tpu.memory_space<hbm>>
        tpu.wait_indirect_dma semaphore(%arg12 : memref<!tpu.dma_semaphore, #tpu.memory_space<semaphore_mem>>) src(%dma_wait3A_415 : memref<10240x128xf32, #tpu.memory_space<hbm>>) dst(%dma_wait3A_409 : memref<80x128xf32, #tpu.memory_space<vmem>>)
        %dma_start3A_416 = arith.constant 3 : i32
        %dma_start3A_417 = arith.constant 3 : i32
        %dma_start3A_418 = arith.constant 0 : i32
        %dma_start3A_419 = arith.constant 0 : i32
        %dma_start3A_420 = tpu.memref_slice %arg7[%dma_start3A_416, %dma_start3A_418, %dma_start3A_419] : memref<4x80x128xf32, #tpu.memory_space<vmem>> -> memref<1x80x128xf32, #tpu.memory_space<vmem>>
        %dma_start3A_421 = tpu.memref_squeeze %dma_start3A_420 : memref<1x80x128xf32, #tpu.memory_space<vmem>> -> memref<80x128xf32, #tpu.memory_space<vmem>>
        %dma_start3A_422 = arith.constant 0 : i32
        %dma_start3A_423 = tpu.memref_slice %arg6[%dma_start3A_417, %dma_start3A_422] : memref<4x80xi32, #tpu.memory_space<vmem>> -> memref<1x80xi32, #tpu.memory_space<vmem>>
        %dma_start3A_424 = tpu.memref_squeeze %dma_start3A_423 : memref<1x80xi32, #tpu.memory_space<vmem>> -> memref<80xi32, #tpu.memory_space<vmem>>
        %dma_start3A_425 = arith.constant 0 : i32
        %dma_start3A_426 = arith.constant 0 : i32
        %dma_start3A_427 = tpu.memref_slice %arg8[%dma_start3A_425, %dma_start3A_426] : memref<10240x128xf32, #tpu.memory_space<vmem_shared>> -> memref<10240x128xf32, #tpu.memory_space<vmem_shared>>
        tpu.enqueue_indirect_dma source(%dma_start3A_421 : memref<80x128xf32, #tpu.memory_space<vmem>>) target(%dma_start3A_427 : memref<10240x128xf32, #tpu.memory_space<vmem_shared>>) offsets(%dma_start3A_424 : memref<80xi32, #tpu.memory_space<vmem>>) semaphore(%arg16 : memref<!tpu.dma_semaphore, #tpu.memory_space<semaphore_mem>>) {add = true}
      } else {
      }
      %add3A_332 = arith.constant 4 : i32
      %add3A_333 = arith.addi %mul3A_306, %add3A_332 : i32
      %add3A_334 = arith.constant 0 : i32
      %add3A_335 = arith.addi %add3A_333, %add3A_334 : i32
      %lt3A_336 = arith.constant 125 : i32
      %lt3A_337 = arith.cmpi slt, %add3A_335, %lt3A_336 : i32
      %convert_element_type3A_338 = arith.extui %lt3A_337 : i1 to i32
      %cond3A_339 = arith.constant 0 : i32
      %cond3A_340 = arith.cmpi ne, %convert_element_type3A_338, %cond3A_339 : i32
      scf.if %cond3A_340 {
        %dma_wait3A_404 = arith.constant 0 : i32
        %dma_wait3A_405 = arith.constant 0 : i32
        %dma_wait3A_406 = arith.constant 0 : i32
        %dma_wait3A_407 = arith.constant 0 : i32
        %dma_wait3A_408 = tpu.memref_slice %arg7[%dma_wait3A_404, %dma_wait3A_406, %dma_wait3A_407] : memref<4x80x128xf32, #tpu.memory_space<vmem>> -> memref<1x80x128xf32, #tpu.memory_space<vmem>>
        %dma_wait3A_409 = tpu.memref_squeeze %dma_wait3A_408 : memref<1x80x128xf32, #tpu.memory_space<vmem>> -> memref<80x128xf32, #tpu.memory_space<vmem>>
        %dma_wait3A_410 = arith.constant 0 : i32
        %dma_wait3A_411 = tpu.memref_slice %arg6[%dma_wait3A_405, %dma_wait3A_410] : memref<4x80xi32, #tpu.memory_space<vmem>> -> memref<1x80xi32, #tpu.memory_space<vmem>>
        %dma_wait3A_412 = tpu.memref_squeeze %dma_wait3A_411 : memref<1x80xi32, #tpu.memory_space<vmem>> -> memref<80xi32, #tpu.memory_space<vmem>>
        %dma_wait3A_413 = arith.constant 0 : i32
        %dma_wait3A_414 = arith.constant 0 : i32
        %dma_wait3A_415 = tpu.memref_slice %arg8[%dma_wait3A_413, %dma_wait3A_414] : memref<10240x128xf32, #tpu.memory_space<vmem_shared>> -> memref<10240x128xf32, #tpu.memory_space<vmem_shared>>
        tpu.wait_indirect_dma semaphore(%arg13 : memref<!tpu.dma_semaphore, #tpu.memory_space<semaphore_mem>>) src(%dma_wait3A_409 : memref<80x128xf32, #tpu.memory_space<vmem>>) dst(%dma_wait3A_415 : memref<10240x128xf32, #tpu.memory_space<vmem_shared>>)
        %mul3A_416 = arith.constant 80 : i32
        %mul3A_417 = arith.muli %add3A_335, %mul3A_416 : i32
        %add3A_418 = arith.addi %add3A, %mul3A_417 : i32
        %multiple_of3A_419 = tpu.assume_multiple %add3A_418, 8 : i32
        %mul3A_420 = arith.constant 80 : i32
        %mul3A_421 = arith.muli %add3A_335, %mul3A_420 : i32
        %add3A_422 = arith.addi %add3A_11, %mul3A_421 : i32
        %multiple_of3A_423 = tpu.assume_multiple %add3A_422, 8 : i32
        %dma_start3A_424 = arith.constant 0 : i32
        %dma_start3A_425 = arith.constant 0 : i32
        %dma_start3A_426 = tpu.memref_slice %arg5[%dma_start3A_424, %dma_start3A_425] : memref<4x80xi32, #tpu.memory_space<vmem>> -> memref<1x80xi32, #tpu.memory_space<vmem>>
        %dma_start3A_427 = tpu.memref_squeeze %dma_start3A_426 : memref<1x80xi32, #tpu.memory_space<vmem>> -> memref<80xi32, #tpu.memory_space<vmem>>
        %dma_start3A_428 = tpu.memref_slice %arg3[%multiple_of3A_419] : memref<960000xi32, #tpu.memory_space<hbm>> -> memref<80xi32, #tpu.memory_space<hbm>>
        %dma_start3A_429 = arith.constant 0 : i32
        %dma_start3A_430 = tpu.memref_slice %arg5[%dma_start3A_424, %dma_start3A_429] : memref<4x80xi32, #tpu.memory_space<vmem>> -> memref<1x80xi32, #tpu.memory_space<vmem>>
        %dma_start3A_431 = tpu.memref_squeeze %dma_start3A_430 : memref<1x80xi32, #tpu.memory_space<vmem>> -> memref<80xi32, #tpu.memory_space<vmem>>
        %dma_start3A_432 = tpu.memref_slice %arg3[%multiple_of3A_419] : memref<960000xi32, #tpu.memory_space<hbm>> -> memref<80xi32, #tpu.memory_space<hbm>>
        tpu.enqueue_dma source(%dma_start3A_432 : memref<80xi32, #tpu.memory_space<hbm>>) target(%dma_start3A_431 : memref<80xi32, #tpu.memory_space<vmem>>) target_semaphore(%arg17 : memref<!tpu.dma_semaphore, #tpu.memory_space<semaphore_mem>>)
        %dma_start3A_433 = arith.constant 0 : i32
        %dma_start3A_434 = arith.constant 0 : i32
        %dma_start3A_435 = tpu.memref_slice %arg6[%dma_start3A_433, %dma_start3A_434] : memref<4x80xi32, #tpu.memory_space<vmem>> -> memref<1x80xi32, #tpu.memory_space<vmem>>
        %dma_start3A_436 = tpu.memref_squeeze %dma_start3A_435 : memref<1x80xi32, #tpu.memory_space<vmem>> -> memref<80xi32, #tpu.memory_space<vmem>>
        %dma_start3A_437 = tpu.memref_slice %arg3[%multiple_of3A_423] : memref<960000xi32, #tpu.memory_space<hbm>> -> memref<80xi32, #tpu.memory_space<hbm>>
        %dma_start3A_438 = arith.constant 0 : i32
        %dma_start3A_439 = tpu.memref_slice %arg6[%dma_start3A_433, %dma_start3A_438] : memref<4x80xi32, #tpu.memory_space<vmem>> -> memref<1x80xi32, #tpu.memory_space<vmem>>
        %dma_start3A_440 = tpu.memref_squeeze %dma_start3A_439 : memref<1x80xi32, #tpu.memory_space<vmem>> -> memref<80xi32, #tpu.memory_space<vmem>>
        %dma_start3A_441 = tpu.memref_slice %arg3[%multiple_of3A_423] : memref<960000xi32, #tpu.memory_space<hbm>> -> memref<80xi32, #tpu.memory_space<hbm>>
        tpu.enqueue_dma source(%dma_start3A_441 : memref<80xi32, #tpu.memory_space<hbm>>) target(%dma_start3A_440 : memref<80xi32, #tpu.memory_space<vmem>>) target_semaphore(%arg17 : memref<!tpu.dma_semaphore, #tpu.memory_space<semaphore_mem>>)
      } else {
      }
      %add3A_341 = arith.constant 4 : i32
      %add3A_342 = arith.addi %mul3A_306, %add3A_341 : i32
      %add3A_343 = arith.constant 1 : i32
      %add3A_344 = arith.addi %add3A_342, %add3A_343 : i32
      %lt3A_345 = arith.constant 125 : i32
      %lt3A_346 = arith.cmpi slt, %add3A_344, %lt3A_345 : i32
      %convert_element_type3A_347 = arith.extui %lt3A_346 : i1 to i32
      %cond3A_348 = arith.constant 0 : i32
      %cond3A_349 = arith.cmpi ne, %convert_element_type3A_347, %cond3A_348 : i32
      scf.if %cond3A_349 {
        %dma_wait3A_404 = arith.constant 1 : i32
        %dma_wait3A_405 = arith.constant 1 : i32
        %dma_wait3A_406 = arith.constant 0 : i32
        %dma_wait3A_407 = arith.constant 0 : i32
        %dma_wait3A_408 = tpu.memref_slice %arg7[%dma_wait3A_404, %dma_wait3A_406, %dma_wait3A_407] : memref<4x80x128xf32, #tpu.memory_space<vmem>> -> memref<1x80x128xf32, #tpu.memory_space<vmem>>
        %dma_wait3A_409 = tpu.memref_squeeze %dma_wait3A_408 : memref<1x80x128xf32, #tpu.memory_space<vmem>> -> memref<80x128xf32, #tpu.memory_space<vmem>>
        %dma_wait3A_410 = arith.constant 0 : i32
        %dma_wait3A_411 = tpu.memref_slice %arg6[%dma_wait3A_405, %dma_wait3A_410] : memref<4x80xi32, #tpu.memory_space<vmem>> -> memref<1x80xi32, #tpu.memory_space<vmem>>
        %dma_wait3A_412 = tpu.memref_squeeze %dma_wait3A_411 : memref<1x80xi32, #tpu.memory_space<vmem>> -> memref<80xi32, #tpu.memory_space<vmem>>
        %dma_wait3A_413 = arith.constant 0 : i32
        %dma_wait3A_414 = arith.constant 0 : i32
        %dma_wait3A_415 = tpu.memref_slice %arg8[%dma_wait3A_413, %dma_wait3A_414] : memref<10240x128xf32, #tpu.memory_space<vmem_shared>> -> memref<10240x128xf32, #tpu.memory_space<vmem_shared>>
        tpu.wait_indirect_dma semaphore(%arg14 : memref<!tpu.dma_semaphore, #tpu.memory_space<semaphore_mem>>) src(%dma_wait3A_409 : memref<80x128xf32, #tpu.memory_space<vmem>>) dst(%dma_wait3A_415 : memref<10240x128xf32, #tpu.memory_space<vmem_shared>>)
        %mul3A_416 = arith.constant 80 : i32
        %mul3A_417 = arith.muli %add3A_344, %mul3A_416 : i32
        %add3A_418 = arith.addi %add3A, %mul3A_417 : i32
        %multiple_of3A_419 = tpu.assume_multiple %add3A_418, 8 : i32
        %mul3A_420 = arith.constant 80 : i32
        %mul3A_421 = arith.muli %add3A_344, %mul3A_420 : i32
        %add3A_422 = arith.addi %add3A_11, %mul3A_421 : i32
        %multiple_of3A_423 = tpu.assume_multiple %add3A_422, 8 : i32
        %dma_start3A_424 = arith.constant 1 : i32
        %dma_start3A_425 = arith.constant 0 : i32
        %dma_start3A_426 = tpu.memref_slice %arg5[%dma_start3A_424, %dma_start3A_425] : memref<4x80xi32, #tpu.memory_space<vmem>> -> memref<1x80xi32, #tpu.memory_space<vmem>>
        %dma_start3A_427 = tpu.memref_squeeze %dma_start3A_426 : memref<1x80xi32, #tpu.memory_space<vmem>> -> memref<80xi32, #tpu.memory_space<vmem>>
        %dma_start3A_428 = tpu.memref_slice %arg3[%multiple_of3A_419] : memref<960000xi32, #tpu.memory_space<hbm>> -> memref<80xi32, #tpu.memory_space<hbm>>
        %dma_start3A_429 = arith.constant 0 : i32
        %dma_start3A_430 = tpu.memref_slice %arg5[%dma_start3A_424, %dma_start3A_429] : memref<4x80xi32, #tpu.memory_space<vmem>> -> memref<1x80xi32, #tpu.memory_space<vmem>>
        %dma_start3A_431 = tpu.memref_squeeze %dma_start3A_430 : memref<1x80xi32, #tpu.memory_space<vmem>> -> memref<80xi32, #tpu.memory_space<vmem>>
        %dma_start3A_432 = tpu.memref_slice %arg3[%multiple_of3A_419] : memref<960000xi32, #tpu.memory_space<hbm>> -> memref<80xi32, #tpu.memory_space<hbm>>
        tpu.enqueue_dma source(%dma_start3A_432 : memref<80xi32, #tpu.memory_space<hbm>>) target(%dma_start3A_431 : memref<80xi32, #tpu.memory_space<vmem>>) target_semaphore(%arg18 : memref<!tpu.dma_semaphore, #tpu.memory_space<semaphore_mem>>)
        %dma_start3A_433 = arith.constant 1 : i32
        %dma_start3A_434 = arith.constant 0 : i32
        %dma_start3A_435 = tpu.memref_slice %arg6[%dma_start3A_433, %dma_start3A_434] : memref<4x80xi32, #tpu.memory_space<vmem>> -> memref<1x80xi32, #tpu.memory_space<vmem>>
        %dma_start3A_436 = tpu.memref_squeeze %dma_start3A_435 : memref<1x80xi32, #tpu.memory_space<vmem>> -> memref<80xi32, #tpu.memory_space<vmem>>
        %dma_start3A_437 = tpu.memref_slice %arg3[%multiple_of3A_423] : memref<960000xi32, #tpu.memory_space<hbm>> -> memref<80xi32, #tpu.memory_space<hbm>>
        %dma_start3A_438 = arith.constant 0 : i32
        %dma_start3A_439 = tpu.memref_slice %arg6[%dma_start3A_433, %dma_start3A_438] : memref<4x80xi32, #tpu.memory_space<vmem>> -> memref<1x80xi32, #tpu.memory_space<vmem>>
        %dma_start3A_440 = tpu.memref_squeeze %dma_start3A_439 : memref<1x80xi32, #tpu.memory_space<vmem>> -> memref<80xi32, #tpu.memory_space<vmem>>
        %dma_start3A_441 = tpu.memref_slice %arg3[%multiple_of3A_423] : memref<960000xi32, #tpu.memory_space<hbm>> -> memref<80xi32, #tpu.memory_space<hbm>>
        tpu.enqueue_dma source(%dma_start3A_441 : memref<80xi32, #tpu.memory_space<hbm>>) target(%dma_start3A_440 : memref<80xi32, #tpu.memory_space<vmem>>) target_semaphore(%arg18 : memref<!tpu.dma_semaphore, #tpu.memory_space<semaphore_mem>>)
      } else {
      }
      %add3A_350 = arith.constant 4 : i32
      %add3A_351 = arith.addi %mul3A_306, %add3A_350 : i32
      %add3A_352 = arith.constant 2 : i32
      %add3A_353 = arith.addi %add3A_351, %add3A_352 : i32
      %lt3A_354 = arith.constant 125 : i32
      %lt3A_355 = arith.cmpi slt, %add3A_353, %lt3A_354 : i32
      %convert_element_type3A_356 = arith.extui %lt3A_355 : i1 to i32
      %cond3A_357 = arith.constant 0 : i32
      %cond3A_358 = arith.cmpi ne, %convert_element_type3A_356, %cond3A_357 : i32
      scf.if %cond3A_358 {
        %dma_wait3A_404 = arith.constant 2 : i32
        %dma_wait3A_405 = arith.constant 2 : i32
        %dma_wait3A_406 = arith.constant 0 : i32
        %dma_wait3A_407 = arith.constant 0 : i32
        %dma_wait3A_408 = tpu.memref_slice %arg7[%dma_wait3A_404, %dma_wait3A_406, %dma_wait3A_407] : memref<4x80x128xf32, #tpu.memory_space<vmem>> -> memref<1x80x128xf32, #tpu.memory_space<vmem>>
        %dma_wait3A_409 = tpu.memref_squeeze %dma_wait3A_408 : memref<1x80x128xf32, #tpu.memory_space<vmem>> -> memref<80x128xf32, #tpu.memory_space<vmem>>
        %dma_wait3A_410 = arith.constant 0 : i32
        %dma_wait3A_411 = tpu.memref_slice %arg6[%dma_wait3A_405, %dma_wait3A_410] : memref<4x80xi32, #tpu.memory_space<vmem>> -> memref<1x80xi32, #tpu.memory_space<vmem>>
        %dma_wait3A_412 = tpu.memref_squeeze %dma_wait3A_411 : memref<1x80xi32, #tpu.memory_space<vmem>> -> memref<80xi32, #tpu.memory_space<vmem>>
        %dma_wait3A_413 = arith.constant 0 : i32
        %dma_wait3A_414 = arith.constant 0 : i32
        %dma_wait3A_415 = tpu.memref_slice %arg8[%dma_wait3A_413, %dma_wait3A_414] : memref<10240x128xf32, #tpu.memory_space<vmem_shared>> -> memref<10240x128xf32, #tpu.memory_space<vmem_shared>>
        tpu.wait_indirect_dma semaphore(%arg15 : memref<!tpu.dma_semaphore, #tpu.memory_space<semaphore_mem>>) src(%dma_wait3A_409 : memref<80x128xf32, #tpu.memory_space<vmem>>) dst(%dma_wait3A_415 : memref<10240x128xf32, #tpu.memory_space<vmem_shared>>)
        %mul3A_416 = arith.constant 80 : i32
        %mul3A_417 = arith.muli %add3A_353, %mul3A_416 : i32
        %add3A_418 = arith.addi %add3A, %mul3A_417 : i32
        %multiple_of3A_419 = tpu.assume_multiple %add3A_418, 8 : i32
        %mul3A_420 = arith.constant 80 : i32
        %mul3A_421 = arith.muli %add3A_353, %mul3A_420 : i32
        %add3A_422 = arith.addi %add3A_11, %mul3A_421 : i32
        %multiple_of3A_423 = tpu.assume_multiple %add3A_422, 8 : i32
        %dma_start3A_424 = arith.constant 2 : i32
        %dma_start3A_425 = arith.constant 0 : i32
        %dma_start3A_426 = tpu.memref_slice %arg5[%dma_start3A_424, %dma_start3A_425] : memref<4x80xi32, #tpu.memory_space<vmem>> -> memref<1x80xi32, #tpu.memory_space<vmem>>
        %dma_start3A_427 = tpu.memref_squeeze %dma_start3A_426 : memref<1x80xi32, #tpu.memory_space<vmem>> -> memref<80xi32, #tpu.memory_space<vmem>>
        %dma_start3A_428 = tpu.memref_slice %arg3[%multiple_of3A_419] : memref<960000xi32, #tpu.memory_space<hbm>> -> memref<80xi32, #tpu.memory_space<hbm>>
        %dma_start3A_429 = arith.constant 0 : i32
        %dma_start3A_430 = tpu.memref_slice %arg5[%dma_start3A_424, %dma_start3A_429] : memref<4x80xi32, #tpu.memory_space<vmem>> -> memref<1x80xi32, #tpu.memory_space<vmem>>
        %dma_start3A_431 = tpu.memref_squeeze %dma_start3A_430 : memref<1x80xi32, #tpu.memory_space<vmem>> -> memref<80xi32, #tpu.memory_space<vmem>>
        %dma_start3A_432 = tpu.memref_slice %arg3[%multiple_of3A_419] : memref<960000xi32, #tpu.memory_space<hbm>> -> memref<80xi32, #tpu.memory_space<hbm>>
        tpu.enqueue_dma source(%dma_start3A_432 : memref<80xi32, #tpu.memory_space<hbm>>) target(%dma_start3A_431 : memref<80xi32, #tpu.memory_space<vmem>>) target_semaphore(%arg19 : memref<!tpu.dma_semaphore, #tpu.memory_space<semaphore_mem>>)
        %dma_start3A_433 = arith.constant 2 : i32
        %dma_start3A_434 = arith.constant 0 : i32
        %dma_start3A_435 = tpu.memref_slice %arg6[%dma_start3A_433, %dma_start3A_434] : memref<4x80xi32, #tpu.memory_space<vmem>> -> memref<1x80xi32, #tpu.memory_space<vmem>>
        %dma_start3A_436 = tpu.memref_squeeze %dma_start3A_435 : memref<1x80xi32, #tpu.memory_space<vmem>> -> memref<80xi32, #tpu.memory_space<vmem>>
        %dma_start3A_437 = tpu.memref_slice %arg3[%multiple_of3A_423] : memref<960000xi32, #tpu.memory_space<hbm>> -> memref<80xi32, #tpu.memory_space<hbm>>
        %dma_start3A_438 = arith.constant 0 : i32
        %dma_start3A_439 = tpu.memref_slice %arg6[%dma_start3A_433, %dma_start3A_438] : memref<4x80xi32, #tpu.memory_space<vmem>> -> memref<1x80xi32, #tpu.memory_space<vmem>>
        %dma_start3A_440 = tpu.memref_squeeze %dma_start3A_439 : memref<1x80xi32, #tpu.memory_space<vmem>> -> memref<80xi32, #tpu.memory_space<vmem>>
        %dma_start3A_441 = tpu.memref_slice %arg3[%multiple_of3A_423] : memref<960000xi32, #tpu.memory_space<hbm>> -> memref<80xi32, #tpu.memory_space<hbm>>
        tpu.enqueue_dma source(%dma_start3A_441 : memref<80xi32, #tpu.memory_space<hbm>>) target(%dma_start3A_440 : memref<80xi32, #tpu.memory_space<vmem>>) target_semaphore(%arg19 : memref<!tpu.dma_semaphore, #tpu.memory_space<semaphore_mem>>)
      } else {
      }
      %add3A_359 = arith.constant 4 : i32
      %add3A_360 = arith.addi %mul3A_306, %add3A_359 : i32
      %add3A_361 = arith.constant 3 : i32
      %add3A_362 = arith.addi %add3A_360, %add3A_361 : i32
      %lt3A_363 = arith.constant 125 : i32
      %lt3A_364 = arith.cmpi slt, %add3A_362, %lt3A_363 : i32
      %convert_element_type3A_365 = arith.extui %lt3A_364 : i1 to i32
      %cond3A_366 = arith.constant 0 : i32
      %cond3A_367 = arith.cmpi ne, %convert_element_type3A_365, %cond3A_366 : i32
      scf.if %cond3A_367 {
        %dma_wait3A_404 = arith.constant 3 : i32
        %dma_wait3A_405 = arith.constant 3 : i32
        %dma_wait3A_406 = arith.constant 0 : i32
        %dma_wait3A_407 = arith.constant 0 : i32
        %dma_wait3A_408 = tpu.memref_slice %arg7[%dma_wait3A_404, %dma_wait3A_406, %dma_wait3A_407] : memref<4x80x128xf32, #tpu.memory_space<vmem>> -> memref<1x80x128xf32, #tpu.memory_space<vmem>>
        %dma_wait3A_409 = tpu.memref_squeeze %dma_wait3A_408 : memref<1x80x128xf32, #tpu.memory_space<vmem>> -> memref<80x128xf32, #tpu.memory_space<vmem>>
        %dma_wait3A_410 = arith.constant 0 : i32
        %dma_wait3A_411 = tpu.memref_slice %arg6[%dma_wait3A_405, %dma_wait3A_410] : memref<4x80xi32, #tpu.memory_space<vmem>> -> memref<1x80xi32, #tpu.memory_space<vmem>>
        %dma_wait3A_412 = tpu.memref_squeeze %dma_wait3A_411 : memref<1x80xi32, #tpu.memory_space<vmem>> -> memref<80xi32, #tpu.memory_space<vmem>>
        %dma_wait3A_413 = arith.constant 0 : i32
        %dma_wait3A_414 = arith.constant 0 : i32
        %dma_wait3A_415 = tpu.memref_slice %arg8[%dma_wait3A_413, %dma_wait3A_414] : memref<10240x128xf32, #tpu.memory_space<vmem_shared>> -> memref<10240x128xf32, #tpu.memory_space<vmem_shared>>
        tpu.wait_indirect_dma semaphore(%arg16 : memref<!tpu.dma_semaphore, #tpu.memory_space<semaphore_mem>>) src(%dma_wait3A_409 : memref<80x128xf32, #tpu.memory_space<vmem>>) dst(%dma_wait3A_415 : memref<10240x128xf32, #tpu.memory_space<vmem_shared>>)
        %mul3A_416 = arith.constant 80 : i32
        %mul3A_417 = arith.muli %add3A_362, %mul3A_416 : i32
        %add3A_418 = arith.addi %add3A, %mul3A_417 : i32
        %multiple_of3A_419 = tpu.assume_multiple %add3A_418, 8 : i32
        %mul3A_420 = arith.constant 80 : i32
        %mul3A_421 = arith.muli %add3A_362, %mul3A_420 : i32
        %add3A_422 = arith.addi %add3A_11, %mul3A_421 : i32
        %multiple_of3A_423 = tpu.assume_multiple %add3A_422, 8 : i32
        %dma_start3A_424 = arith.constant 3 : i32
        %dma_start3A_425 = arith.constant 0 : i32
        %dma_start3A_426 = tpu.memref_slice %arg5[%dma_start3A_424, %dma_start3A_425] : memref<4x80xi32, #tpu.memory_space<vmem>> -> memref<1x80xi32, #tpu.memory_space<vmem>>
        %dma_start3A_427 = tpu.memref_squeeze %dma_start3A_426 : memref<1x80xi32, #tpu.memory_space<vmem>> -> memref<80xi32, #tpu.memory_space<vmem>>
        %dma_start3A_428 = tpu.memref_slice %arg3[%multiple_of3A_419] : memref<960000xi32, #tpu.memory_space<hbm>> -> memref<80xi32, #tpu.memory_space<hbm>>
        %dma_start3A_429 = arith.constant 0 : i32
        %dma_start3A_430 = tpu.memref_slice %arg5[%dma_start3A_424, %dma_start3A_429] : memref<4x80xi32, #tpu.memory_space<vmem>> -> memref<1x80xi32, #tpu.memory_space<vmem>>
        %dma_start3A_431 = tpu.memref_squeeze %dma_start3A_430 : memref<1x80xi32, #tpu.memory_space<vmem>> -> memref<80xi32, #tpu.memory_space<vmem>>
        %dma_start3A_432 = tpu.memref_slice %arg3[%multiple_of3A_419] : memref<960000xi32, #tpu.memory_space<hbm>> -> memref<80xi32, #tpu.memory_space<hbm>>
        tpu.enqueue_dma source(%dma_start3A_432 : memref<80xi32, #tpu.memory_space<hbm>>) target(%dma_start3A_431 : memref<80xi32, #tpu.memory_space<vmem>>) target_semaphore(%arg20 : memref<!tpu.dma_semaphore, #tpu.memory_space<semaphore_mem>>)
        %dma_start3A_433 = arith.constant 3 : i32
        %dma_start3A_434 = arith.constant 0 : i32
        %dma_start3A_435 = tpu.memref_slice %arg6[%dma_start3A_433, %dma_start3A_434] : memref<4x80xi32, #tpu.memory_space<vmem>> -> memref<1x80xi32, #tpu.memory_space<vmem>>
        %dma_start3A_436 = tpu.memref_squeeze %dma_start3A_435 : memref<1x80xi32, #tpu.memory_space<vmem>> -> memref<80xi32, #tpu.memory_space<vmem>>
        %dma_start3A_437 = tpu.memref_slice %arg3[%multiple_of3A_423] : memref<960000xi32, #tpu.memory_space<hbm>> -> memref<80xi32, #tpu.memory_space<hbm>>
        %dma_start3A_438 = arith.constant 0 : i32
        %dma_start3A_439 = tpu.memref_slice %arg6[%dma_start3A_433, %dma_start3A_438] : memref<4x80xi32, #tpu.memory_space<vmem>> -> memref<1x80xi32, #tpu.memory_space<vmem>>
        %dma_start3A_440 = tpu.memref_squeeze %dma_start3A_439 : memref<1x80xi32, #tpu.memory_space<vmem>> -> memref<80xi32, #tpu.memory_space<vmem>>
        %dma_start3A_441 = tpu.memref_slice %arg3[%multiple_of3A_423] : memref<960000xi32, #tpu.memory_space<hbm>> -> memref<80xi32, #tpu.memory_space<hbm>>
        tpu.enqueue_dma source(%dma_start3A_441 : memref<80xi32, #tpu.memory_space<hbm>>) target(%dma_start3A_440 : memref<80xi32, #tpu.memory_space<vmem>>) target_semaphore(%arg20 : memref<!tpu.dma_semaphore, #tpu.memory_space<semaphore_mem>>)
      } else {
      }
      %add3A_368 = arith.constant 4 : i32
      %add3A_369 = arith.addi %mul3A_306, %add3A_368 : i32
      %add3A_370 = arith.constant 0 : i32
      %add3A_371 = arith.addi %add3A_369, %add3A_370 : i32
      %lt3A_372 = arith.constant 125 : i32
      %lt3A_373 = arith.cmpi slt, %add3A_371, %lt3A_372 : i32
      %convert_element_type3A_374 = arith.extui %lt3A_373 : i1 to i32
      %cond3A_375 = arith.constant 0 : i32
      %cond3A_376 = arith.cmpi ne, %convert_element_type3A_374, %cond3A_375 : i32
      scf.if %cond3A_376 {
        %mul3A_404 = arith.constant 80 : i32
        %mul3A_405 = arith.muli %add3A_371, %mul3A_404 : i32
        %add3A_406 = arith.addi %add3A, %mul3A_405 : i32
        %multiple_of3A_407 = tpu.assume_multiple %add3A_406, 8 : i32
        %mul3A_408 = arith.constant 80 : i32
        %mul3A_409 = arith.muli %add3A_371, %mul3A_408 : i32
        %add3A_410 = arith.addi %add3A_11, %mul3A_409 : i32
        %multiple_of3A_411 = tpu.assume_multiple %add3A_410, 8 : i32
        %dma_wait3A_412 = arith.constant 0 : i32
        %dma_wait3A_413 = arith.constant 0 : i32
        %dma_wait3A_414 = tpu.memref_slice %arg5[%dma_wait3A_412, %dma_wait3A_413] : memref<4x80xi32, #tpu.memory_space<vmem>> -> memref<1x80xi32, #tpu.memory_space<vmem>>
        %dma_wait3A_415 = tpu.memref_squeeze %dma_wait3A_414 : memref<1x80xi32, #tpu.memory_space<vmem>> -> memref<80xi32, #tpu.memory_space<vmem>>
        %dma_wait3A_416 = tpu.memref_slice %arg3[%multiple_of3A_407] : memref<960000xi32, #tpu.memory_space<hbm>> -> memref<80xi32, #tpu.memory_space<hbm>>
        %dma_wait3A_417 = arith.constant 0 : i32
        %dma_wait3A_418 = tpu.memref_slice %arg5[%dma_wait3A_412, %dma_wait3A_417] : memref<4x80xi32, #tpu.memory_space<vmem>> -> memref<1x80xi32, #tpu.memory_space<vmem>>
        %dma_wait3A_419 = tpu.memref_squeeze %dma_wait3A_418 : memref<1x80xi32, #tpu.memory_space<vmem>> -> memref<80xi32, #tpu.memory_space<vmem>>
        %dma_wait3A_420 = tpu.memref_slice %arg3[%multiple_of3A_407] : memref<960000xi32, #tpu.memory_space<hbm>> -> memref<80xi32, #tpu.memory_space<hbm>>
        tpu.wait_dma2 semaphore(%arg17 : memref<!tpu.dma_semaphore, #tpu.memory_space<semaphore_mem>>) src(%dma_wait3A_420 : memref<80xi32, #tpu.memory_space<hbm>>) dst(%dma_wait3A_419 : memref<80xi32, #tpu.memory_space<vmem>>)
        %dma_wait3A_421 = arith.constant 0 : i32
        %dma_wait3A_422 = arith.constant 0 : i32
        %dma_wait3A_423 = tpu.memref_slice %arg6[%dma_wait3A_421, %dma_wait3A_422] : memref<4x80xi32, #tpu.memory_space<vmem>> -> memref<1x80xi32, #tpu.memory_space<vmem>>
        %dma_wait3A_424 = tpu.memref_squeeze %dma_wait3A_423 : memref<1x80xi32, #tpu.memory_space<vmem>> -> memref<80xi32, #tpu.memory_space<vmem>>
        %dma_wait3A_425 = tpu.memref_slice %arg3[%multiple_of3A_411] : memref<960000xi32, #tpu.memory_space<hbm>> -> memref<80xi32, #tpu.memory_space<hbm>>
        %dma_wait3A_426 = arith.constant 0 : i32
        %dma_wait3A_427 = tpu.memref_slice %arg6[%dma_wait3A_421, %dma_wait3A_426] : memref<4x80xi32, #tpu.memory_space<vmem>> -> memref<1x80xi32, #tpu.memory_space<vmem>>
        %dma_wait3A_428 = tpu.memref_squeeze %dma_wait3A_427 : memref<1x80xi32, #tpu.memory_space<vmem>> -> memref<80xi32, #tpu.memory_space<vmem>>
        %dma_wait3A_429 = tpu.memref_slice %arg3[%multiple_of3A_411] : memref<960000xi32, #tpu.memory_space<hbm>> -> memref<80xi32, #tpu.memory_space<hbm>>
        tpu.wait_dma2 semaphore(%arg17 : memref<!tpu.dma_semaphore, #tpu.memory_space<semaphore_mem>>) src(%dma_wait3A_429 : memref<80xi32, #tpu.memory_space<hbm>>) dst(%dma_wait3A_428 : memref<80xi32, #tpu.memory_space<vmem>>)
        %dma_start3A_430 = arith.constant 0 : i32
        %dma_start3A_431 = arith.constant 0 : i32
        %dma_start3A_432 = arith.constant 0 : i32
        %dma_start3A_433 = arith.constant 0 : i32
        %dma_start3A_434 = tpu.memref_slice %arg7[%dma_start3A_431, %dma_start3A_432, %dma_start3A_433] : memref<4x80x128xf32, #tpu.memory_space<vmem>> -> memref<1x80x128xf32, #tpu.memory_space<vmem>>
        %dma_start3A_435 = tpu.memref_squeeze %dma_start3A_434 : memref<1x80x128xf32, #tpu.memory_space<vmem>> -> memref<80x128xf32, #tpu.memory_space<vmem>>
        %dma_start3A_436 = arith.constant 0 : i32
        %dma_start3A_437 = tpu.memref_slice %arg5[%dma_start3A_430, %dma_start3A_436] : memref<4x80xi32, #tpu.memory_space<vmem>> -> memref<1x80xi32, #tpu.memory_space<vmem>>
        %dma_start3A_438 = tpu.memref_squeeze %dma_start3A_437 : memref<1x80xi32, #tpu.memory_space<vmem>> -> memref<80xi32, #tpu.memory_space<vmem>>
        %dma_start3A_439 = arith.constant 0 : i32
        %dma_start3A_440 = arith.constant 0 : i32
        %dma_start3A_441 = tpu.memref_slice %arg2[%dma_start3A_439, %dma_start3A_440] : memref<10240x128xf32, #tpu.memory_space<hbm>> -> memref<10240x128xf32, #tpu.memory_space<hbm>>
        tpu.enqueue_indirect_dma source(%dma_start3A_441 : memref<10240x128xf32, #tpu.memory_space<hbm>>) target(%dma_start3A_435 : memref<80x128xf32, #tpu.memory_space<vmem>>) offsets(%dma_start3A_438 : memref<80xi32, #tpu.memory_space<vmem>>) semaphore(%arg9 : memref<!tpu.dma_semaphore, #tpu.memory_space<semaphore_mem>>)
      } else {
      }
      %add3A_377 = arith.constant 4 : i32
      %add3A_378 = arith.addi %mul3A_306, %add3A_377 : i32
      %add3A_379 = arith.constant 1 : i32
      %add3A_380 = arith.addi %add3A_378, %add3A_379 : i32
      %lt3A_381 = arith.constant 125 : i32
      %lt3A_382 = arith.cmpi slt, %add3A_380, %lt3A_381 : i32
      %convert_element_type3A_383 = arith.extui %lt3A_382 : i1 to i32
      %cond3A_384 = arith.constant 0 : i32
      %cond3A_385 = arith.cmpi ne, %convert_element_type3A_383, %cond3A_384 : i32
      scf.if %cond3A_385 {
        %mul3A_404 = arith.constant 80 : i32
        %mul3A_405 = arith.muli %add3A_380, %mul3A_404 : i32
        %add3A_406 = arith.addi %add3A, %mul3A_405 : i32
        %multiple_of3A_407 = tpu.assume_multiple %add3A_406, 8 : i32
        %mul3A_408 = arith.constant 80 : i32
        %mul3A_409 = arith.muli %add3A_380, %mul3A_408 : i32
        %add3A_410 = arith.addi %add3A_11, %mul3A_409 : i32
        %multiple_of3A_411 = tpu.assume_multiple %add3A_410, 8 : i32
        %dma_wait3A_412 = arith.constant 1 : i32
        %dma_wait3A_413 = arith.constant 0 : i32
        %dma_wait3A_414 = tpu.memref_slice %arg5[%dma_wait3A_412, %dma_wait3A_413] : memref<4x80xi32, #tpu.memory_space<vmem>> -> memref<1x80xi32, #tpu.memory_space<vmem>>
        %dma_wait3A_415 = tpu.memref_squeeze %dma_wait3A_414 : memref<1x80xi32, #tpu.memory_space<vmem>> -> memref<80xi32, #tpu.memory_space<vmem>>
        %dma_wait3A_416 = tpu.memref_slice %arg3[%multiple_of3A_407] : memref<960000xi32, #tpu.memory_space<hbm>> -> memref<80xi32, #tpu.memory_space<hbm>>
        %dma_wait3A_417 = arith.constant 0 : i32
        %dma_wait3A_418 = tpu.memref_slice %arg5[%dma_wait3A_412, %dma_wait3A_417] : memref<4x80xi32, #tpu.memory_space<vmem>> -> memref<1x80xi32, #tpu.memory_space<vmem>>
        %dma_wait3A_419 = tpu.memref_squeeze %dma_wait3A_418 : memref<1x80xi32, #tpu.memory_space<vmem>> -> memref<80xi32, #tpu.memory_space<vmem>>
        %dma_wait3A_420 = tpu.memref_slice %arg3[%multiple_of3A_407] : memref<960000xi32, #tpu.memory_space<hbm>> -> memref<80xi32, #tpu.memory_space<hbm>>
        tpu.wait_dma2 semaphore(%arg18 : memref<!tpu.dma_semaphore, #tpu.memory_space<semaphore_mem>>) src(%dma_wait3A_420 : memref<80xi32, #tpu.memory_space<hbm>>) dst(%dma_wait3A_419 : memref<80xi32, #tpu.memory_space<vmem>>)
        %dma_wait3A_421 = arith.constant 1 : i32
        %dma_wait3A_422 = arith.constant 0 : i32
        %dma_wait3A_423 = tpu.memref_slice %arg6[%dma_wait3A_421, %dma_wait3A_422] : memref<4x80xi32, #tpu.memory_space<vmem>> -> memref<1x80xi32, #tpu.memory_space<vmem>>
        %dma_wait3A_424 = tpu.memref_squeeze %dma_wait3A_423 : memref<1x80xi32, #tpu.memory_space<vmem>> -> memref<80xi32, #tpu.memory_space<vmem>>
        %dma_wait3A_425 = tpu.memref_slice %arg3[%multiple_of3A_411] : memref<960000xi32, #tpu.memory_space<hbm>> -> memref<80xi32, #tpu.memory_space<hbm>>
        %dma_wait3A_426 = arith.constant 0 : i32
        %dma_wait3A_427 = tpu.memref_slice %arg6[%dma_wait3A_421, %dma_wait3A_426] : memref<4x80xi32, #tpu.memory_space<vmem>> -> memref<1x80xi32, #tpu.memory_space<vmem>>
        %dma_wait3A_428 = tpu.memref_squeeze %dma_wait3A_427 : memref<1x80xi32, #tpu.memory_space<vmem>> -> memref<80xi32, #tpu.memory_space<vmem>>
        %dma_wait3A_429 = tpu.memref_slice %arg3[%multiple_of3A_411] : memref<960000xi32, #tpu.memory_space<hbm>> -> memref<80xi32, #tpu.memory_space<hbm>>
        tpu.wait_dma2 semaphore(%arg18 : memref<!tpu.dma_semaphore, #tpu.memory_space<semaphore_mem>>) src(%dma_wait3A_429 : memref<80xi32, #tpu.memory_space<hbm>>) dst(%dma_wait3A_428 : memref<80xi32, #tpu.memory_space<vmem>>)
        %dma_start3A_430 = arith.constant 1 : i32
        %dma_start3A_431 = arith.constant 1 : i32
        %dma_start3A_432 = arith.constant 0 : i32
        %dma_start3A_433 = arith.constant 0 : i32
        %dma_start3A_434 = tpu.memref_slice %arg7[%dma_start3A_431, %dma_start3A_432, %dma_start3A_433] : memref<4x80x128xf32, #tpu.memory_space<vmem>> -> memref<1x80x128xf32, #tpu.memory_space<vmem>>
        %dma_start3A_435 = tpu.memref_squeeze %dma_start3A_434 : memref<1x80x128xf32, #tpu.memory_space<vmem>> -> memref<80x128xf32, #tpu.memory_space<vmem>>
        %dma_start3A_436 = arith.constant 0 : i32
        %dma_start3A_437 = tpu.memref_slice %arg5[%dma_start3A_430, %dma_start3A_436] : memref<4x80xi32, #tpu.memory_space<vmem>> -> memref<1x80xi32, #tpu.memory_space<vmem>>
        %dma_start3A_438 = tpu.memref_squeeze %dma_start3A_437 : memref<1x80xi32, #tpu.memory_space<vmem>> -> memref<80xi32, #tpu.memory_space<vmem>>
        %dma_start3A_439 = arith.constant 0 : i32
        %dma_start3A_440 = arith.constant 0 : i32
        %dma_start3A_441 = tpu.memref_slice %arg2[%dma_start3A_439, %dma_start3A_440] : memref<10240x128xf32, #tpu.memory_space<hbm>> -> memref<10240x128xf32, #tpu.memory_space<hbm>>
        tpu.enqueue_indirect_dma source(%dma_start3A_441 : memref<10240x128xf32, #tpu.memory_space<hbm>>) target(%dma_start3A_435 : memref<80x128xf32, #tpu.memory_space<vmem>>) offsets(%dma_start3A_438 : memref<80xi32, #tpu.memory_space<vmem>>) semaphore(%arg10 : memref<!tpu.dma_semaphore, #tpu.memory_space<semaphore_mem>>)
      } else {
      }
      %add3A_386 = arith.constant 4 : i32
      %add3A_387 = arith.addi %mul3A_306, %add3A_386 : i32
      %add3A_388 = arith.constant 2 : i32
      %add3A_389 = arith.addi %add3A_387, %add3A_388 : i32
      %lt3A_390 = arith.constant 125 : i32
      %lt3A_391 = arith.cmpi slt, %add3A_389, %lt3A_390 : i32
      %convert_element_type3A_392 = arith.extui %lt3A_391 : i1 to i32
      %cond3A_393 = arith.constant 0 : i32
      %cond3A_394 = arith.cmpi ne, %convert_element_type3A_392, %cond3A_393 : i32
      scf.if %cond3A_394 {
        %mul3A_404 = arith.constant 80 : i32
        %mul3A_405 = arith.muli %add3A_389, %mul3A_404 : i32
        %add3A_406 = arith.addi %add3A, %mul3A_405 : i32
        %multiple_of3A_407 = tpu.assume_multiple %add3A_406, 8 : i32
        %mul3A_408 = arith.constant 80 : i32
        %mul3A_409 = arith.muli %add3A_389, %mul3A_408 : i32
        %add3A_410 = arith.addi %add3A_11, %mul3A_409 : i32
        %multiple_of3A_411 = tpu.assume_multiple %add3A_410, 8 : i32
        %dma_wait3A_412 = arith.constant 2 : i32
        %dma_wait3A_413 = arith.constant 0 : i32
        %dma_wait3A_414 = tpu.memref_slice %arg5[%dma_wait3A_412, %dma_wait3A_413] : memref<4x80xi32, #tpu.memory_space<vmem>> -> memref<1x80xi32, #tpu.memory_space<vmem>>
        %dma_wait3A_415 = tpu.memref_squeeze %dma_wait3A_414 : memref<1x80xi32, #tpu.memory_space<vmem>> -> memref<80xi32, #tpu.memory_space<vmem>>
        %dma_wait3A_416 = tpu.memref_slice %arg3[%multiple_of3A_407] : memref<960000xi32, #tpu.memory_space<hbm>> -> memref<80xi32, #tpu.memory_space<hbm>>
        %dma_wait3A_417 = arith.constant 0 : i32
        %dma_wait3A_418 = tpu.memref_slice %arg5[%dma_wait3A_412, %dma_wait3A_417] : memref<4x80xi32, #tpu.memory_space<vmem>> -> memref<1x80xi32, #tpu.memory_space<vmem>>
        %dma_wait3A_419 = tpu.memref_squeeze %dma_wait3A_418 : memref<1x80xi32, #tpu.memory_space<vmem>> -> memref<80xi32, #tpu.memory_space<vmem>>
        %dma_wait3A_420 = tpu.memref_slice %arg3[%multiple_of3A_407] : memref<960000xi32, #tpu.memory_space<hbm>> -> memref<80xi32, #tpu.memory_space<hbm>>
        tpu.wait_dma2 semaphore(%arg19 : memref<!tpu.dma_semaphore, #tpu.memory_space<semaphore_mem>>) src(%dma_wait3A_420 : memref<80xi32, #tpu.memory_space<hbm>>) dst(%dma_wait3A_419 : memref<80xi32, #tpu.memory_space<vmem>>)
        %dma_wait3A_421 = arith.constant 2 : i32
        %dma_wait3A_422 = arith.constant 0 : i32
        %dma_wait3A_423 = tpu.memref_slice %arg6[%dma_wait3A_421, %dma_wait3A_422] : memref<4x80xi32, #tpu.memory_space<vmem>> -> memref<1x80xi32, #tpu.memory_space<vmem>>
        %dma_wait3A_424 = tpu.memref_squeeze %dma_wait3A_423 : memref<1x80xi32, #tpu.memory_space<vmem>> -> memref<80xi32, #tpu.memory_space<vmem>>
        %dma_wait3A_425 = tpu.memref_slice %arg3[%multiple_of3A_411] : memref<960000xi32, #tpu.memory_space<hbm>> -> memref<80xi32, #tpu.memory_space<hbm>>
        %dma_wait3A_426 = arith.constant 0 : i32
        %dma_wait3A_427 = tpu.memref_slice %arg6[%dma_wait3A_421, %dma_wait3A_426] : memref<4x80xi32, #tpu.memory_space<vmem>> -> memref<1x80xi32, #tpu.memory_space<vmem>>
        %dma_wait3A_428 = tpu.memref_squeeze %dma_wait3A_427 : memref<1x80xi32, #tpu.memory_space<vmem>> -> memref<80xi32, #tpu.memory_space<vmem>>
        %dma_wait3A_429 = tpu.memref_slice %arg3[%multiple_of3A_411] : memref<960000xi32, #tpu.memory_space<hbm>> -> memref<80xi32, #tpu.memory_space<hbm>>
        tpu.wait_dma2 semaphore(%arg19 : memref<!tpu.dma_semaphore, #tpu.memory_space<semaphore_mem>>) src(%dma_wait3A_429 : memref<80xi32, #tpu.memory_space<hbm>>) dst(%dma_wait3A_428 : memref<80xi32, #tpu.memory_space<vmem>>)
        %dma_start3A_430 = arith.constant 2 : i32
        %dma_start3A_431 = arith.constant 2 : i32
        %dma_start3A_432 = arith.constant 0 : i32
        %dma_start3A_433 = arith.constant 0 : i32
        %dma_start3A_434 = tpu.memref_slice %arg7[%dma_start3A_431, %dma_start3A_432, %dma_start3A_433] : memref<4x80x128xf32, #tpu.memory_space<vmem>> -> memref<1x80x128xf32, #tpu.memory_space<vmem>>
        %dma_start3A_435 = tpu.memref_squeeze %dma_start3A_434 : memref<1x80x128xf32, #tpu.memory_space<vmem>> -> memref<80x128xf32, #tpu.memory_space<vmem>>
        %dma_start3A_436 = arith.constant 0 : i32
        %dma_start3A_437 = tpu.memref_slice %arg5[%dma_start3A_430, %dma_start3A_436] : memref<4x80xi32, #tpu.memory_space<vmem>> -> memref<1x80xi32, #tpu.memory_space<vmem>>
        %dma_start3A_438 = tpu.memref_squeeze %dma_start3A_437 : memref<1x80xi32, #tpu.memory_space<vmem>> -> memref<80xi32, #tpu.memory_space<vmem>>
        %dma_start3A_439 = arith.constant 0 : i32
        %dma_start3A_440 = arith.constant 0 : i32
        %dma_start3A_441 = tpu.memref_slice %arg2[%dma_start3A_439, %dma_start3A_440] : memref<10240x128xf32, #tpu.memory_space<hbm>> -> memref<10240x128xf32, #tpu.memory_space<hbm>>
        tpu.enqueue_indirect_dma source(%dma_start3A_441 : memref<10240x128xf32, #tpu.memory_space<hbm>>) target(%dma_start3A_435 : memref<80x128xf32, #tpu.memory_space<vmem>>) offsets(%dma_start3A_438 : memref<80xi32, #tpu.memory_space<vmem>>) semaphore(%arg11 : memref<!tpu.dma_semaphore, #tpu.memory_space<semaphore_mem>>)
      } else {
      }
      %add3A_395 = arith.constant 4 : i32
      %add3A_396 = arith.addi %mul3A_306, %add3A_395 : i32
      %add3A_397 = arith.constant 3 : i32
      %add3A_398 = arith.addi %add3A_396, %add3A_397 : i32
      %lt3A_399 = arith.constant 125 : i32
      %lt3A_400 = arith.cmpi slt, %add3A_398, %lt3A_399 : i32
      %convert_element_type3A_401 = arith.extui %lt3A_400 : i1 to i32
      %cond3A_402 = arith.constant 0 : i32
      %cond3A_403 = arith.cmpi ne, %convert_element_type3A_401, %cond3A_402 : i32
      scf.if %cond3A_403 {
        %mul3A_404 = arith.constant 80 : i32
        %mul3A_405 = arith.muli %add3A_398, %mul3A_404 : i32
        %add3A_406 = arith.addi %add3A, %mul3A_405 : i32
        %multiple_of3A_407 = tpu.assume_multiple %add3A_406, 8 : i32
        %mul3A_408 = arith.constant 80 : i32
        %mul3A_409 = arith.muli %add3A_398, %mul3A_408 : i32
        %add3A_410 = arith.addi %add3A_11, %mul3A_409 : i32
        %multiple_of3A_411 = tpu.assume_multiple %add3A_410, 8 : i32
        %dma_wait3A_412 = arith.constant 3 : i32
        %dma_wait3A_413 = arith.constant 0 : i32
        %dma_wait3A_414 = tpu.memref_slice %arg5[%dma_wait3A_412, %dma_wait3A_413] : memref<4x80xi32, #tpu.memory_space<vmem>> -> memref<1x80xi32, #tpu.memory_space<vmem>>
        %dma_wait3A_415 = tpu.memref_squeeze %dma_wait3A_414 : memref<1x80xi32, #tpu.memory_space<vmem>> -> memref<80xi32, #tpu.memory_space<vmem>>
        %dma_wait3A_416 = tpu.memref_slice %arg3[%multiple_of3A_407] : memref<960000xi32, #tpu.memory_space<hbm>> -> memref<80xi32, #tpu.memory_space<hbm>>
        %dma_wait3A_417 = arith.constant 0 : i32
        %dma_wait3A_418 = tpu.memref_slice %arg5[%dma_wait3A_412, %dma_wait3A_417] : memref<4x80xi32, #tpu.memory_space<vmem>> -> memref<1x80xi32, #tpu.memory_space<vmem>>
        %dma_wait3A_419 = tpu.memref_squeeze %dma_wait3A_418 : memref<1x80xi32, #tpu.memory_space<vmem>> -> memref<80xi32, #tpu.memory_space<vmem>>
        %dma_wait3A_420 = tpu.memref_slice %arg3[%multiple_of3A_407] : memref<960000xi32, #tpu.memory_space<hbm>> -> memref<80xi32, #tpu.memory_space<hbm>>
        tpu.wait_dma2 semaphore(%arg20 : memref<!tpu.dma_semaphore, #tpu.memory_space<semaphore_mem>>) src(%dma_wait3A_420 : memref<80xi32, #tpu.memory_space<hbm>>) dst(%dma_wait3A_419 : memref<80xi32, #tpu.memory_space<vmem>>)
        %dma_wait3A_421 = arith.constant 3 : i32
        %dma_wait3A_422 = arith.constant 0 : i32
        %dma_wait3A_423 = tpu.memref_slice %arg6[%dma_wait3A_421, %dma_wait3A_422] : memref<4x80xi32, #tpu.memory_space<vmem>> -> memref<1x80xi32, #tpu.memory_space<vmem>>
        %dma_wait3A_424 = tpu.memref_squeeze %dma_wait3A_423 : memref<1x80xi32, #tpu.memory_space<vmem>> -> memref<80xi32, #tpu.memory_space<vmem>>
        %dma_wait3A_425 = tpu.memref_slice %arg3[%multiple_of3A_411] : memref<960000xi32, #tpu.memory_space<hbm>> -> memref<80xi32, #tpu.memory_space<hbm>>
        %dma_wait3A_426 = arith.constant 0 : i32
        %dma_wait3A_427 = tpu.memref_slice %arg6[%dma_wait3A_421, %dma_wait3A_426] : memref<4x80xi32, #tpu.memory_space<vmem>> -> memref<1x80xi32, #tpu.memory_space<vmem>>
        %dma_wait3A_428 = tpu.memref_squeeze %dma_wait3A_427 : memref<1x80xi32, #tpu.memory_space<vmem>> -> memref<80xi32, #tpu.memory_space<vmem>>
        %dma_wait3A_429 = tpu.memref_slice %arg3[%multiple_of3A_411] : memref<960000xi32, #tpu.memory_space<hbm>> -> memref<80xi32, #tpu.memory_space<hbm>>
        tpu.wait_dma2 semaphore(%arg20 : memref<!tpu.dma_semaphore, #tpu.memory_space<semaphore_mem>>) src(%dma_wait3A_429 : memref<80xi32, #tpu.memory_space<hbm>>) dst(%dma_wait3A_428 : memref<80xi32, #tpu.memory_space<vmem>>)
        %dma_start3A_430 = arith.constant 3 : i32
        %dma_start3A_431 = arith.constant 3 : i32
        %dma_start3A_432 = arith.constant 0 : i32
        %dma_start3A_433 = arith.constant 0 : i32
        %dma_start3A_434 = tpu.memref_slice %arg7[%dma_start3A_431, %dma_start3A_432, %dma_start3A_433] : memref<4x80x128xf32, #tpu.memory_space<vmem>> -> memref<1x80x128xf32, #tpu.memory_space<vmem>>
        %dma_start3A_435 = tpu.memref_squeeze %dma_start3A_434 : memref<1x80x128xf32, #tpu.memory_space<vmem>> -> memref<80x128xf32, #tpu.memory_space<vmem>>
        %dma_start3A_436 = arith.constant 0 : i32
        %dma_start3A_437 = tpu.memref_slice %arg5[%dma_start3A_430, %dma_start3A_436] : memref<4x80xi32, #tpu.memory_space<vmem>> -> memref<1x80xi32, #tpu.memory_space<vmem>>
        %dma_start3A_438 = tpu.memref_squeeze %dma_start3A_437 : memref<1x80xi32, #tpu.memory_space<vmem>> -> memref<80xi32, #tpu.memory_space<vmem>>
        %dma_start3A_439 = arith.constant 0 : i32
        %dma_start3A_440 = arith.constant 0 : i32
        %dma_start3A_441 = tpu.memref_slice %arg2[%dma_start3A_439, %dma_start3A_440] : memref<10240x128xf32, #tpu.memory_space<hbm>> -> memref<10240x128xf32, #tpu.memory_space<hbm>>
        tpu.enqueue_indirect_dma source(%dma_start3A_441 : memref<10240x128xf32, #tpu.memory_space<hbm>>) target(%dma_start3A_435 : memref<80x128xf32, #tpu.memory_space<vmem>>) offsets(%dma_start3A_438 : memref<80xi32, #tpu.memory_space<vmem>>) semaphore(%arg12 : memref<!tpu.dma_semaphore, #tpu.memory_space<semaphore_mem>>)
      } else {
      }
    }
    %scan3A_254 = arith.constant 32 : i32
    %dma_wait3A_255 = arith.constant 0 : i32
    %dma_wait3A_256 = arith.constant 0 : i32
    %dma_wait3A_257 = arith.constant 0 : i32
    %dma_wait3A_258 = arith.constant 0 : i32
    %dma_wait3A_259 = tpu.memref_slice %arg7[%dma_wait3A_255, %dma_wait3A_257, %dma_wait3A_258] : memref<4x80x128xf32, #tpu.memory_space<vmem>> -> memref<1x80x128xf32, #tpu.memory_space<vmem>>
    %dma_wait3A_260 = tpu.memref_squeeze %dma_wait3A_259 : memref<1x80x128xf32, #tpu.memory_space<vmem>> -> memref<80x128xf32, #tpu.memory_space<vmem>>
    %dma_wait3A_261 = arith.constant 0 : i32
    %dma_wait3A_262 = tpu.memref_slice %arg6[%dma_wait3A_256, %dma_wait3A_261] : memref<4x80xi32, #tpu.memory_space<vmem>> -> memref<1x80xi32, #tpu.memory_space<vmem>>
    %dma_wait3A_263 = tpu.memref_squeeze %dma_wait3A_262 : memref<1x80xi32, #tpu.memory_space<vmem>> -> memref<80xi32, #tpu.memory_space<vmem>>
    %dma_wait3A_264 = arith.constant 0 : i32
    %dma_wait3A_265 = arith.constant 0 : i32
    %dma_wait3A_266 = tpu.memref_slice %arg8[%dma_wait3A_264, %dma_wait3A_265] : memref<10240x128xf32, #tpu.memory_space<vmem_shared>> -> memref<10240x128xf32, #tpu.memory_space<vmem_shared>>
    tpu.wait_indirect_dma semaphore(%arg13 : memref<!tpu.dma_semaphore, #tpu.memory_space<semaphore_mem>>) src(%dma_wait3A_260 : memref<80x128xf32, #tpu.memory_space<vmem>>) dst(%dma_wait3A_266 : memref<10240x128xf32, #tpu.memory_space<vmem_shared>>)
    %dma_wait3A_267 = arith.constant 1 : i32
    %dma_wait3A_268 = arith.constant 1 : i32
    %dma_wait3A_269 = arith.constant 0 : i32
    %dma_wait3A_270 = arith.constant 0 : i32
    %dma_wait3A_271 = tpu.memref_slice %arg7[%dma_wait3A_267, %dma_wait3A_269, %dma_wait3A_270] : memref<4x80x128xf32, #tpu.memory_space<vmem>> -> memref<1x80x128xf32, #tpu.memory_space<vmem>>
    %dma_wait3A_272 = tpu.memref_squeeze %dma_wait3A_271 : memref<1x80x128xf32, #tpu.memory_space<vmem>> -> memref<80x128xf32, #tpu.memory_space<vmem>>
    %dma_wait3A_273 = arith.constant 0 : i32
    %dma_wait3A_274 = tpu.memref_slice %arg6[%dma_wait3A_268, %dma_wait3A_273] : memref<4x80xi32, #tpu.memory_space<vmem>> -> memref<1x80xi32, #tpu.memory_space<vmem>>
    %dma_wait3A_275 = tpu.memref_squeeze %dma_wait3A_274 : memref<1x80xi32, #tpu.memory_space<vmem>> -> memref<80xi32, #tpu.memory_space<vmem>>
    %dma_wait3A_276 = arith.constant 0 : i32
    %dma_wait3A_277 = arith.constant 0 : i32
    %dma_wait3A_278 = tpu.memref_slice %arg8[%dma_wait3A_276, %dma_wait3A_277] : memref<10240x128xf32, #tpu.memory_space<vmem_shared>> -> memref<10240x128xf32, #tpu.memory_space<vmem_shared>>
    tpu.wait_indirect_dma semaphore(%arg14 : memref<!tpu.dma_semaphore, #tpu.memory_space<semaphore_mem>>) src(%dma_wait3A_272 : memref<80x128xf32, #tpu.memory_space<vmem>>) dst(%dma_wait3A_278 : memref<10240x128xf32, #tpu.memory_space<vmem_shared>>)
    %dma_wait3A_279 = arith.constant 2 : i32
    %dma_wait3A_280 = arith.constant 2 : i32
    %dma_wait3A_281 = arith.constant 0 : i32
    %dma_wait3A_282 = arith.constant 0 : i32
    %dma_wait3A_283 = tpu.memref_slice %arg7[%dma_wait3A_279, %dma_wait3A_281, %dma_wait3A_282] : memref<4x80x128xf32, #tpu.memory_space<vmem>> -> memref<1x80x128xf32, #tpu.memory_space<vmem>>
    %dma_wait3A_284 = tpu.memref_squeeze %dma_wait3A_283 : memref<1x80x128xf32, #tpu.memory_space<vmem>> -> memref<80x128xf32, #tpu.memory_space<vmem>>
    %dma_wait3A_285 = arith.constant 0 : i32
    %dma_wait3A_286 = tpu.memref_slice %arg6[%dma_wait3A_280, %dma_wait3A_285] : memref<4x80xi32, #tpu.memory_space<vmem>> -> memref<1x80xi32, #tpu.memory_space<vmem>>
    %dma_wait3A_287 = tpu.memref_squeeze %dma_wait3A_286 : memref<1x80xi32, #tpu.memory_space<vmem>> -> memref<80xi32, #tpu.memory_space<vmem>>
    %dma_wait3A_288 = arith.constant 0 : i32
    %dma_wait3A_289 = arith.constant 0 : i32
    %dma_wait3A_290 = tpu.memref_slice %arg8[%dma_wait3A_288, %dma_wait3A_289] : memref<10240x128xf32, #tpu.memory_space<vmem_shared>> -> memref<10240x128xf32, #tpu.memory_space<vmem_shared>>
    tpu.wait_indirect_dma semaphore(%arg15 : memref<!tpu.dma_semaphore, #tpu.memory_space<semaphore_mem>>) src(%dma_wait3A_284 : memref<80x128xf32, #tpu.memory_space<vmem>>) dst(%dma_wait3A_290 : memref<10240x128xf32, #tpu.memory_space<vmem_shared>>)
    %dma_wait3A_291 = arith.constant 3 : i32
    %dma_wait3A_292 = arith.constant 3 : i32
    %dma_wait3A_293 = arith.constant 0 : i32
    %dma_wait3A_294 = arith.constant 0 : i32
    %dma_wait3A_295 = tpu.memref_slice %arg7[%dma_wait3A_291, %dma_wait3A_293, %dma_wait3A_294] : memref<4x80x128xf32, #tpu.memory_space<vmem>> -> memref<1x80x128xf32, #tpu.memory_space<vmem>>
    %dma_wait3A_296 = tpu.memref_squeeze %dma_wait3A_295 : memref<1x80x128xf32, #tpu.memory_space<vmem>> -> memref<80x128xf32, #tpu.memory_space<vmem>>
    %dma_wait3A_297 = arith.constant 0 : i32
    %dma_wait3A_298 = tpu.memref_slice %arg6[%dma_wait3A_292, %dma_wait3A_297] : memref<4x80xi32, #tpu.memory_space<vmem>> -> memref<1x80xi32, #tpu.memory_space<vmem>>
    %dma_wait3A_299 = tpu.memref_squeeze %dma_wait3A_298 : memref<1x80xi32, #tpu.memory_space<vmem>> -> memref<80xi32, #tpu.memory_space<vmem>>
    %dma_wait3A_300 = arith.constant 0 : i32
    %dma_wait3A_301 = arith.constant 0 : i32
    %dma_wait3A_302 = tpu.memref_slice %arg8[%dma_wait3A_300, %dma_wait3A_301] : memref<10240x128xf32, #tpu.memory_space<vmem_shared>> -> memref<10240x128xf32, #tpu.memory_space<vmem_shared>>
    tpu.wait_indirect_dma semaphore(%arg16 : memref<!tpu.dma_semaphore, #tpu.memory_space<semaphore_mem>>) src(%dma_wait3A_296 : memref<80x128xf32, #tpu.memory_space<vmem>>) dst(%dma_wait3A_302 : memref<10240x128xf32, #tpu.memory_space<vmem_shared>>)
    %barrier3A_303 = arith.constant 0 : index
    tpu.barrier barrier_id(%barrier3A_303)
    "tpu.region"() ({
      %run_scoped3A = tpu.sem_alloc : memref<!tpu.dma_semaphore, #tpu.memory_space<semaphore_mem>>
      %dma_start3A_304 = arith.constant 0 : i32
      %dma_start3A_305 = tpu.memref_slice %arg4[%arg0, %multiple_of3A, %dma_start3A_304] : memref<2x10240x128xf32, #tpu.memory_space<hbm>> -> memref<1x640x128xf32, #tpu.memory_space<hbm>>
      %dma_start3A_306 = tpu.memref_squeeze %dma_start3A_305 : memref<1x640x128xf32, #tpu.memory_space<hbm>> -> memref<640x128xf32, #tpu.memory_space<hbm>>
      %dma_start3A_307 = arith.constant 0 : i32
      %dma_start3A_308 = tpu.memref_slice %arg8[%multiple_of3A, %dma_start3A_307] : memref<10240x128xf32, #tpu.memory_space<vmem_shared>> -> memref<640x128xf32, #tpu.memory_space<vmem_shared>>
      tpu.enqueue_dma source(%dma_start3A_308 : memref<640x128xf32, #tpu.memory_space<vmem_shared>>) target(%dma_start3A_306 : memref<640x128xf32, #tpu.memory_space<hbm>>) target_semaphore(%run_scoped3A : memref<!tpu.dma_semaphore, #tpu.memory_space<semaphore_mem>>)
      %dma_wait3A_309 = arith.constant 0 : i32
      %dma_wait3A_310 = tpu.memref_slice %arg4[%arg0, %multiple_of3A, %dma_wait3A_309] : memref<2x10240x128xf32, #tpu.memory_space<hbm>> -> memref<1x640x128xf32, #tpu.memory_space<hbm>>
      %dma_wait3A_311 = tpu.memref_squeeze %dma_wait3A_310 : memref<1x640x128xf32, #tpu.memory_space<hbm>> -> memref<640x128xf32, #tpu.memory_space<hbm>>
      %dma_wait3A_312 = arith.constant 0 : i32
      %dma_wait3A_313 = tpu.memref_slice %arg8[%multiple_of3A, %dma_wait3A_312] : memref<10240x128xf32, #tpu.memory_space<vmem_shared>> -> memref<640x128xf32, #tpu.memory_space<vmem_shared>>
      tpu.wait_dma2 semaphore(%run_scoped3A : memref<!tpu.dma_semaphore, #tpu.memory_space<semaphore_mem>>) src(%dma_wait3A_313 : memref<640x128xf32, #tpu.memory_space<vmem_shared>>) dst(%dma_wait3A_311 : memref<640x128xf32, #tpu.memory_space<hbm>>)
      tpu.yield
    }) : () -> ()
    return
  }
}

module attributes {stable_mosaic.version = 14 : i64} {
  func.func @_tc_pre_body(%arg0: i32, %arg1: memref<2048x128xf32, #tpu.memory_space<vmem>>, %arg2: memref<128x256xf32, #tpu.memory_space<vmem>>, %arg3: memref<2048x1xf32, #tpu.memory_space<vmem>>, %arg4: memref<2x2048x128xf32, #tpu.memory_space<vmem>>) attributes {dimension_semantics = [#tpu.dimension_semantics<arbitrary>], iteration_bounds = array<i64: 5>, scalar_prefetch = 0 : i64, scratch_operands = 0 : i64, tpu.core_type = #tpu.core_type<tc>, window_params = [{transform_indices = @transform_0, window_bounds = array<i64: 2048, 128>}, {pipeline_mode = #tpu.pipeline_mode<synchronous>, transform_indices = @transform_1, window_bounds = array<i64: 128, 256>}, {transform_indices = @transform_2, window_bounds = array<i64: 2048, 1>}, {transform_indices = @transform_3, window_bounds = array<i64: 2, 2048, 128>}]} {
    %get3A = arith.constant 0 : index
    %get3A_0 = arith.constant 0 : index
    %get3A_1 = vector.load %arg1[%get3A, %get3A_0] : memref<2048x128xf32, #tpu.memory_space<vmem>>, vector<2048x128xf32>
    %get3A_2 = arith.constant 0 : index
    %get3A_3 = arith.constant 0 : index
    %get3A_4 = vector.load %arg2[%get3A_2, %get3A_3] : memref<128x256xf32, #tpu.memory_space<vmem>>, vector<128x256xf32>
    %dot_general3A = arith.constant dense<0.000000e+00> : vector<2048x256xf32>
    %dot_general3A_5 = tpu.matmul %get3A_1, %get3A_4, %dot_general3A {dimension_numbers = #tpu.dot_dimension_numbers<[1], [0], [0], [1], [0, 0, 1, 1], [], []>, precision = #tpu.contract_precision<fp32>, transpose_lhs_hint = false} : vector<2048x128xf32>, vector<128x256xf32>, vector<2048x256xf32> -> vector<2048x256xf32>
    %get3A_6 = arith.constant 0 : index
    %get3A_7 = arith.constant 0 : index
    %get3A_8 = vector.load %arg3[%get3A_6, %get3A_7] : memref<2048x1xf32, #tpu.memory_space<vmem>>, vector<2048x1xf32>
    %mul3A = vector.broadcast %get3A_8 : vector<2048x1xf32> to vector<2048x256xf32>
    %mul3A_9 = arith.mulf %dot_general3A_5, %mul3A : vector<2048x256xf32>
    %slice3A = vector.extract_strided_slice %mul3A_9 {offsets = [0, 0], sizes = [2048, 128], strides = [1, 1]} : vector<2048x256xf32> to vector<2048x128xf32>
    %swap3A = arith.constant 0 : index
    %swap3A_10 = arith.constant 0 : index
    %swap3A_11 = arith.constant 0 : index
    %swap3A_12 = vector.load %arg4[%swap3A, %swap3A_10, %swap3A_11] : memref<2x2048x128xf32, #tpu.memory_space<vmem>>, vector<1x2048x128xf32>
    %swap3A_13 = vector.shape_cast %swap3A_12 : vector<1x2048x128xf32> to vector<2048x128xf32>
    %swap3A_14 = vector.shape_cast %slice3A : vector<2048x128xf32> to vector<1x2048x128xf32>
    tpu.vector_store %arg4[%swap3A, %swap3A_10, %swap3A_11], %swap3A_14 {strides = array<i32>} : memref<2x2048x128xf32, #tpu.memory_space<vmem>>, vector<1x2048x128xf32>,
    %slice3A_15 = vector.extract_strided_slice %mul3A_9 {offsets = [0, 128], sizes = [2048, 128], strides = [1, 1]} : vector<2048x256xf32> to vector<2048x128xf32>
    %swap3A_16 = arith.constant 1 : index
    %swap3A_17 = arith.constant 0 : index
    %swap3A_18 = arith.constant 0 : index
    %swap3A_19 = vector.load %arg4[%swap3A_16, %swap3A_17, %swap3A_18] : memref<2x2048x128xf32, #tpu.memory_space<vmem>>, vector<1x2048x128xf32>
    %swap3A_20 = vector.shape_cast %swap3A_19 : vector<1x2048x128xf32> to vector<2048x128xf32>
    %swap3A_21 = vector.shape_cast %slice3A_15 : vector<2048x128xf32> to vector<1x2048x128xf32>
    tpu.vector_store %arg4[%swap3A_16, %swap3A_17, %swap3A_18], %swap3A_21 {strides = array<i32>} : memref<2x2048x128xf32, #tpu.memory_space<vmem>>, vector<1x2048x128xf32>,
    return
  }
  func.func @transform_0(%arg0: i32) -> (i32, i32) {
    %c0_i32 = arith.constant 0 : i32
    %c0_i32_0 = arith.constant 0 : i32
    return %arg0, %c0_i32 : i32, i32
  }
  func.func @transform_1(%arg0: i32) -> (i32, i32) {
    %c0_i32 = arith.constant 0 : i32
    %c0_i32_0 = arith.constant 0 : i32
    %c0_i32_1 = arith.constant 0 : i32
    return %c0_i32, %c0_i32_0 : i32, i32
  }
  func.func @transform_2(%arg0: i32) -> (i32, i32) {
    %c0_i32 = arith.constant 0 : i32
    %c0_i32_0 = arith.constant 0 : i32
    return %arg0, %c0_i32 : i32, i32
  }
  func.func @transform_3(%arg0: i32) -> (i32, i32, i32) {
    %c0_i32 = arith.constant 0 : i32
    %c0_i32_0 = arith.constant 0 : i32
    %c0_i32_1 = arith.constant 0 : i32
    return %c0_i32, %arg0, %c0_i32_0 : i32, i32, i32
  }
}

module attributes {stable_mosaic.version = 14 : i64} {
  func.func @_tc_mid_body(%arg0: i32, %arg1: memref<2x2048x128xf32, #tpu.memory_space<vmem>>, %arg2: memref<2048x1xf32, #tpu.memory_space<vmem>>, %arg3: memref<1x256xf32, #tpu.memory_space<vmem>>, %arg4: memref<256x128xf32, #tpu.memory_space<vmem>>, %arg5: memref<2048x128xf32, #tpu.memory_space<vmem>>) attributes {dimension_semantics = [#tpu.dimension_semantics<arbitrary>], iteration_bounds = array<i64: 5>, scalar_prefetch = 0 : i64, scratch_operands = 0 : i64, tpu.core_type = #tpu.core_type<tc>, window_params = [{transform_indices = @transform_0, window_bounds = array<i64: 2, 2048, 128>}, {transform_indices = @transform_1, window_bounds = array<i64: 2048, 1>}, {pipeline_mode = #tpu.pipeline_mode<synchronous>, transform_indices = @transform_2, window_bounds = array<i64: 1, 256>}, {pipeline_mode = #tpu.pipeline_mode<synchronous>, transform_indices = @transform_3, window_bounds = array<i64: 256, 128>}, {transform_indices = @transform_4, window_bounds = array<i64: 2048, 128>}]} {
    %get3A = arith.constant 0 : index
    %get3A_0 = arith.constant 0 : index
    %get3A_1 = vector.load %arg2[%get3A, %get3A_0] : memref<2048x1xf32, #tpu.memory_space<vmem>>, vector<2048x1xf32>
    %get3A_2 = arith.constant 0 : index
    %get3A_3 = arith.constant 0 : index
    %get3A_4 = arith.constant 0 : index
    %get3A_5 = vector.load %arg1[%get3A_2, %get3A_3, %get3A_4] : memref<2x2048x128xf32, #tpu.memory_space<vmem>>, vector<1x2048x128xf32>
    %get3A_6 = vector.shape_cast %get3A_5 : vector<1x2048x128xf32> to vector<2048x128xf32>
    %mul3A = vector.broadcast %get3A_1 : vector<2048x1xf32> to vector<2048x128xf32>
    %mul3A_7 = arith.mulf %get3A_6, %mul3A : vector<2048x128xf32>
    %get3A_8 = arith.constant 0 : index
    %get3A_9 = arith.constant 0 : index
    %get3A_10 = vector.load %arg3[%get3A_8, %get3A_9] : memref<1x256xf32, #tpu.memory_space<vmem>>, vector<1x128xf32>
    %get3A_11 = vector.shape_cast %get3A_10 : vector<1x128xf32> to vector<128xf32>
    %broadcast_in_dim3A = vector.shape_cast %get3A_11 : vector<128xf32> to vector<1x128xf32>
    %add3A = vector.broadcast %broadcast_in_dim3A : vector<1x128xf32> to vector<2048x128xf32>
    %add3A_12 = arith.addf %mul3A_7, %add3A : vector<2048x128xf32>
    %max3A = arith.constant 0.000000e+00 : f32
    %max3A_13 = vector.broadcast %max3A : f32 to vector<2048x128xf32>
    %max3A_14 = arith.maximumf %add3A_12, %max3A_13 : vector<2048x128xf32>
    %get3A_15 = arith.constant 1 : index
    %get3A_16 = arith.constant 0 : index
    %get3A_17 = arith.constant 0 : index
    %get3A_18 = vector.load %arg1[%get3A_15, %get3A_16, %get3A_17] : memref<2x2048x128xf32, #tpu.memory_space<vmem>>, vector<1x2048x128xf32>
    %get3A_19 = vector.shape_cast %get3A_18 : vector<1x2048x128xf32> to vector<2048x128xf32>
    %mul3A_20 = vector.broadcast %get3A_1 : vector<2048x1xf32> to vector<2048x128xf32>
    %mul3A_21 = arith.mulf %get3A_19, %mul3A_20 : vector<2048x128xf32>
    %get3A_22 = arith.constant 0 : index
    %get3A_23 = arith.constant 128 : index
    %get3A_24 = vector.load %arg3[%get3A_22, %get3A_23] : memref<1x256xf32, #tpu.memory_space<vmem>>, vector<1x128xf32>
    %get3A_25 = vector.shape_cast %get3A_24 : vector<1x128xf32> to vector<128xf32>
    %broadcast_in_dim3A_26 = vector.shape_cast %get3A_25 : vector<128xf32> to vector<1x128xf32>
    %add3A_27 = vector.broadcast %broadcast_in_dim3A_26 : vector<1x128xf32> to vector<2048x128xf32>
    %add3A_28 = arith.addf %mul3A_21, %add3A_27 : vector<2048x128xf32>
    %max3A_29 = arith.constant 0.000000e+00 : f32
    %max3A_30 = vector.broadcast %max3A_29 : f32 to vector<2048x128xf32>
    %max3A_31 = arith.maximumf %add3A_28, %max3A_30 : vector<2048x128xf32>
    %get3A_32 = arith.constant 0 : index
    %get3A_33 = arith.constant 0 : index
    %get3A_34 = vector.load %arg4[%get3A_32, %get3A_33] : memref<256x128xf32, #tpu.memory_space<vmem>>, vector<128x128xf32>
    %dot_general3A = arith.constant dense<0.000000e+00> : vector<2048x128xf32>
    %dot_general3A_35 = tpu.matmul %max3A_14, %get3A_34, %dot_general3A {dimension_numbers = #tpu.dot_dimension_numbers<[1], [0], [0], [1], [0, 0, 1, 1], [], []>, precision = #tpu.contract_precision<fp32>, transpose_lhs_hint = false} : vector<2048x128xf32>, vector<128x128xf32>, vector<2048x128xf32> -> vector<2048x128xf32>
    %get3A_36 = arith.constant 128 : index
    %get3A_37 = arith.constant 0 : index
    %get3A_38 = vector.load %arg4[%get3A_36, %get3A_37] : memref<256x128xf32, #tpu.memory_space<vmem>>, vector<128x128xf32>
    %dot_general3A_39 = arith.constant dense<0.000000e+00> : vector<2048x128xf32>
    %dot_general3A_40 = tpu.matmul %max3A_31, %get3A_38, %dot_general3A_39 {dimension_numbers = #tpu.dot_dimension_numbers<[1], [0], [0], [1], [0, 0, 1, 1], [], []>, precision = #tpu.contract_precision<fp32>, transpose_lhs_hint = false} : vector<2048x128xf32>, vector<128x128xf32>, vector<2048x128xf32> -> vector<2048x128xf32>
    %add3A_41 = arith.addf %dot_general3A_35, %dot_general3A_40 : vector<2048x128xf32>
    %mul3A_42 = vector.broadcast %get3A_1 : vector<2048x1xf32> to vector<2048x128xf32>
    %mul3A_43 = arith.mulf %add3A_41, %mul3A_42 : vector<2048x128xf32>
    %swap3A = arith.constant 0 : index
    %swap3A_44 = arith.constant 0 : index
    %swap3A_45 = vector.load %arg5[%swap3A, %swap3A_44] : memref<2048x128xf32, #tpu.memory_space<vmem>>, vector<2048x128xf32>
    tpu.vector_store %arg5[%swap3A, %swap3A_44], %mul3A_43 {strides = array<i32>} : memref<2048x128xf32, #tpu.memory_space<vmem>>, vector<2048x128xf32>,
    return
  }
  func.func @transform_0(%arg0: i32) -> (i32, i32, i32) {
    %c0_i32 = arith.constant 0 : i32
    %c0_i32_0 = arith.constant 0 : i32
    %c0_i32_1 = arith.constant 0 : i32
    return %c0_i32, %arg0, %c0_i32_0 : i32, i32, i32
  }
  func.func @transform_1(%arg0: i32) -> (i32, i32) {
    %c0_i32 = arith.constant 0 : i32
    %c0_i32_0 = arith.constant 0 : i32
    return %arg0, %c0_i32 : i32, i32
  }
  func.func @transform_2(%arg0: i32) -> (i32, i32) {
    %c0_i32 = arith.constant 0 : i32
    %c0_i32_0 = arith.constant 0 : i32
    %c0_i32_1 = arith.constant 0 : i32
    return %c0_i32, %c0_i32_0 : i32, i32
  }
  func.func @transform_3(%arg0: i32) -> (i32, i32) {
    %c0_i32 = arith.constant 0 : i32
    %c0_i32_0 = arith.constant 0 : i32
    %c0_i32_1 = arith.constant 0 : i32
    return %c0_i32, %c0_i32_0 : i32, i32
  }
  func.func @transform_4(%arg0: i32) -> (i32, i32) {
    %c0_i32 = arith.constant 0 : i32
    %c0_i32_0 = arith.constant 0 : i32
    return %arg0, %c0_i32 : i32, i32
  }
}

module attributes {stable_mosaic.version = 14 : i64} {
  func.func @_tc_post_body(%arg0: i32, %arg1: memref<2x2048x128xf32, #tpu.memory_space<vmem>>, %arg2: memref<2048x128xf32, #tpu.memory_space<vmem>>, %arg3: memref<2048x1xf32, #tpu.memory_space<vmem>>, %arg4: memref<1x128xf32, #tpu.memory_space<vmem>>, %arg5: memref<2048x128xf32, #tpu.memory_space<vmem>>) attributes {dimension_semantics = [#tpu.dimension_semantics<arbitrary>], iteration_bounds = array<i64: 5>, scalar_prefetch = 0 : i64, scratch_operands = 0 : i64, tpu.core_type = #tpu.core_type<tc>, window_params = [{transform_indices = @transform_0, window_bounds = array<i64: 2, 2048, 128>}, {transform_indices = @transform_1, window_bounds = array<i64: 2048, 128>}, {transform_indices = @transform_2, window_bounds = array<i64: 2048, 1>}, {pipeline_mode = #tpu.pipeline_mode<synchronous>, transform_indices = @transform_3, window_bounds = array<i64: 1, 128>}, {transform_indices = @transform_4, window_bounds = array<i64: 2048, 128>}]} {
    %get3A = arith.constant 0 : index
    %get3A_0 = arith.constant 0 : index
    %get3A_1 = arith.constant 0 : index
    %get3A_2 = vector.load %arg1[%get3A, %get3A_0, %get3A_1] : memref<2x2048x128xf32, #tpu.memory_space<vmem>>, vector<1x2048x128xf32>
    %get3A_3 = vector.shape_cast %get3A_2 : vector<1x2048x128xf32> to vector<2048x128xf32>
    %get3A_4 = arith.constant 1 : index
    %get3A_5 = arith.constant 0 : index
    %get3A_6 = arith.constant 0 : index
    %get3A_7 = vector.load %arg1[%get3A_4, %get3A_5, %get3A_6] : memref<2x2048x128xf32, #tpu.memory_space<vmem>>, vector<1x2048x128xf32>
    %get3A_8 = vector.shape_cast %get3A_7 : vector<1x2048x128xf32> to vector<2048x128xf32>
    %add3A = arith.addf %get3A_3, %get3A_8 : vector<2048x128xf32>
    %get3A_9 = arith.constant 0 : index
    %get3A_10 = arith.constant 0 : index
    %get3A_11 = vector.load %arg2[%get3A_9, %get3A_10] : memref<2048x128xf32, #tpu.memory_space<vmem>>, vector<2048x128xf32>
    %sub3A = arith.subf %add3A, %get3A_11 : vector<2048x128xf32>
    %get3A_12 = arith.constant 0 : index
    %get3A_13 = arith.constant 0 : index
    %get3A_14 = vector.load %arg3[%get3A_12, %get3A_13] : memref<2048x1xf32, #tpu.memory_space<vmem>>, vector<2048x1xf32>
    %mul3A = vector.broadcast %get3A_14 : vector<2048x1xf32> to vector<2048x128xf32>
    %mul3A_15 = arith.mulf %sub3A, %mul3A : vector<2048x128xf32>
    %get3A_16 = arith.constant 0 : index
    %get3A_17 = arith.constant 0 : index
    %get3A_18 = vector.load %arg4[%get3A_16, %get3A_17] : memref<1x128xf32, #tpu.memory_space<vmem>>, vector<1x128xf32>
    %get3A_19 = vector.shape_cast %get3A_18 : vector<1x128xf32> to vector<128xf32>
    %broadcast_in_dim3A = vector.shape_cast %get3A_19 : vector<128xf32> to vector<1x128xf32>
    %add3A_20 = vector.broadcast %broadcast_in_dim3A : vector<1x128xf32> to vector<2048x128xf32>
    %add3A_21 = arith.addf %mul3A_15, %add3A_20 : vector<2048x128xf32>
    %max3A = arith.constant 0.000000e+00 : f32
    %max3A_22 = vector.broadcast %max3A : f32 to vector<2048x128xf32>
    %max3A_23 = arith.maximumf %add3A_21, %max3A_22 : vector<2048x128xf32>
    %swap3A = arith.constant 0 : index
    %swap3A_24 = arith.constant 0 : index
    %swap3A_25 = vector.load %arg5[%swap3A, %swap3A_24] : memref<2048x128xf32, #tpu.memory_space<vmem>>, vector<2048x128xf32>
    tpu.vector_store %arg5[%swap3A, %swap3A_24], %max3A_23 {strides = array<i32>} : memref<2048x128xf32, #tpu.memory_space<vmem>>, vector<2048x128xf32>,
    return
  }
  func.func @transform_0(%arg0: i32) -> (i32, i32, i32) {
    %c0_i32 = arith.constant 0 : i32
    %c0_i32_0 = arith.constant 0 : i32
    %c0_i32_1 = arith.constant 0 : i32
    return %c0_i32, %arg0, %c0_i32_0 : i32, i32, i32
  }
  func.func @transform_1(%arg0: i32) -> (i32, i32) {
    %c0_i32 = arith.constant 0 : i32
    %c0_i32_0 = arith.constant 0 : i32
    return %arg0, %c0_i32 : i32, i32
  }
  func.func @transform_2(%arg0: i32) -> (i32, i32) {
    %c0_i32 = arith.constant 0 : i32
    %c0_i32_0 = arith.constant 0 : i32
    return %arg0, %c0_i32 : i32, i32
  }
  func.func @transform_3(%arg0: i32) -> (i32, i32) {
    %c0_i32 = arith.constant 0 : i32
    %c0_i32_0 = arith.constant 0 : i32
    %c0_i32_1 = arith.constant 0 : i32
    return %c0_i32, %c0_i32_0 : i32, i32
  }
  func.func @transform_4(%arg0: i32) -> (i32, i32) {
    %c0_i32 = arith.constant 0 : i32
    %c0_i32_0 = arith.constant 0 : i32
    return %arg0, %c0_i32 : i32, i32
  }
}

</mosaic_0001>

<sc_bundles>
// kernel: kernel.11.cloned.1.call-start
scs
__scs_entry_jumppad:
0x0: {  	(pc) =	sbr.rel $0x88, $3  }
0x1: {  	(tag) =	ssettag $0x0;
	lr =	simm.s32 $0x1  }
0x2: {  	[smem:$0x3F9B] =	sst lr;
	_ =	strace $0xD0000000  }
0x3: {  	_ = 	snop  }
0x4: {  	_ = 	snop  }
0x5: {  	_ = 	snop  }
0x6: {  	_ = 	snop  }
0x7: {  	_ = 	snop  }
__scs_overlays_trampoline_lowered:
0x8: {  	[smem:$0x3FAA] =	sst s0  }
0x9: {  	[smem:$0x3FAB] =	sst s1  }
0xa: {  	[smem:$0x3FAC] =	sst s2  }
0xb: {  	[smem:$0x3FAD] =	sst s3  }
0xc: {  	[smem:$0x3FAE] =	sst s4  }
0xd: {  	[smem:$0x3FAF] =	sst s5  }
0xe: {  	[smem:$0x3FB0] =	sst s6  }
0xf: {  	[smem:$0x3FB1] =	sst s7  }
0x10: {  	[smem:$0x3FB2] =	sst s8  }
0x11: {  	[smem:$0x3FB3] =	sst s9;
	s0 =	simm.s32 @!p0 $0x0  }
0x12: {  	s1 =	sld [smem:$0x3F99];
	s0 =	simm.s32 @p0 $0x1  }
0x13: {  	[smem:$0x3FB4] =	sst s0;
	s0 =	simm.s32 @!p1 $0x0  }
0x14: {  	s2 =	sld [smem:$0x3F98];
	s0 =	simm.s32 @p1 $0x1  }
0x15: {  	[smem:$0x3FB5] =	sst s0;
	s0 =	simm.s32 @!p2 $0x0  }
0x16: {  	s3 =	sld [smem:$0x3FDB];
	s0 =	simm.s32 @p2 $0x1  }
0x17: {  	s4 =	simm.s32 $0x1BF5;
	[smem:$0x3FB7] =	sst s0  }
0x18: {  	s0 =	sld [smem:$0x3F9A];
	_ =	swait.ge [sflag:s4], $0x0  }
0x19: {  	s7 =	sld [smem:$0x3F9B]  }
0x1a: {  	s8 =	sadd.s32 $0xFFFFE003, lr  }
0x1b: {  	s9 =	sadd.s32 $0xFFFFFEF7, lr;
	s5 =	simm.s32 $0xFFFFFFFF;
	p2 =	slt.u32 s8, $0xFFFFF086  }
0x1c: {  	p1 =	slt.u32 s9, $0xF7A;
	s5 =	simm.s32 @!p2 $0x0  }
0x1d: {  	s5 =	simm.s32 @p1 $0x1;
	p0 =	seq.s32 s7, s2  }
0x1e: {  	s7 =	smul.u32 @!p0 $0xF7A, s2;
	p2 =	seq.s32 @!p0 s5, $0x0  }
0x1f: {  	s9 =	smul.u32 $0xF7A, s1;
	s8 =	simm.s32 @!p0 $0x1BF5;
	p2 =	por !p2, p0  }
0x20: {  	[sflag:s8] =	ssyncset.s32 @!p0 $0xFFFFF086;
	s6 =	sadd.s32 @!p0 s3, s7;
	s7 =	simm.s32 @!p0 $0x108  }
0x21: {  	s3 =	sadd.s32 s3, s9;
	s6 =	sadd.s32 @!p0 $0x88, s6;
	s7 =	simm.s32 @p2 $0x1082  }
0x22: {  	[simem:s7], [sflag:s8] =	dma.local @!p0 [hbm:s6], $0xF7A  }
0x23: {  	s9 =	sor.u32 $0xD0000000, s2;
	s6 =	simm.s32 $0x108;
	_ =	swait.ge @!p0 [sflag:s8], $0x0  }
0x24: {  	s3 =	sadd.s32 $0x88, s3;
	s6 =	simm.s32 @!p1 $0x1082;
	[sflag:s4] =	ssyncset.s32 $0xFFFFF086  }
0x25: {  	[simem:s6], [sflag:s4] =	dma.local [hbm:s3], $0xF7A  }
0x26: {  	[smem:$0x3F9B] =	sst s1;
	(tag) =	ssettag s2;
	_ =	strace s9  }
0x27: {  	s1 =	sld [smem:$0x3FAB]  }
0x28: {  	s2 =	sld [smem:$0x3FAC]  }
0x29: {  	s4 =	sld [smem:$0x3FAE]  }
0x2a: {  	p0 =	seq.s32 s5, $0x0;
	s5 =	sld [smem:$0x3FAF]  }
0x2b: {  	s6 =	sld [smem:$0x3FB0]  }
0x2c: {  	s7 =	sld [smem:$0x3FB1]  }
0x2d: {  	s3 =	simm.s32 $0x108;
	s8 =	sld [smem:$0x3FB2]  }
0x2e: {  	s3 =	simm.s32 @!p0 $0x1082;
	s9 =	sld [smem:$0x3FB3]  }
0x2f: {  	lr =	sadd.s32 s0, s3;
	s0 =	sld [smem:$0x3FAA]  }
0x30: {  	s3 =	sld [smem:$0x3FAD]  }
0x31: {  	[smem:$0x3FB6] =	sst s10  }
0x32: {  	s10 =	sld [smem:$0x3FB4];
	_ =	sdelay $0x3  }
0x33: {  	p0 =	seq.s32 s10, $0x1;
	s10 =	sld [smem:$0x3FB6];
	_ =	sdelay $0x3  }
0x34: {  	[smem:$0x3FB6] =	sst s10  }
0x35: {  	s10 =	sld [smem:$0x3FB5];
	_ =	sdelay $0x3  }
0x36: {  	p1 =	seq.s32 s10, $0x1;
	s10 =	sld [smem:$0x3FB6];
	_ =	sdelay $0x3  }
0x37: {  	[smem:$0x3FB6] =	sst s10  }
0x38: {  	s10 =	sld [smem:$0x3FB7]  }
0x39: {  	_ = 	snop;
	(pc) =	sbr.ind lr, $3  }
0x3a: {  	_ = 	snop  }
0x3b: {  	_ = 	snop  }
0x3c: {  	p2 =	seq.s32 s10, $0x1;
	s10 =	sld [smem:$0x3FB6]  }
0x3d: {  	_ =	shalt  }
0x3e: {  	_ =	shalt  }
0x3f: {  	_ =	shalt  }
0x40: {  	_ =	shalt  }
0x41: {  	_ =	shalt  }
0x42: {  	_ =	shalt  }
0x43: {  	_ =	shalt  }
0x44: {  	_ =	shalt  }
0x45: {  	_ =	shalt  }
0x46: {  	_ =	shalt  }
0x47: {  	_ =	shalt  }
0x48: {  	_ =	shalt  }
0x49: {  	_ =	shalt  }
0x4a: {  	_ =	shalt  }
0x4b: {  	_ =	shalt  }
0x4c: {  	_ =	shalt  }
0x4d: {  	_ =	shalt  }
0x4e: {  	_ =	shalt  }
0x4f: {  	_ =	shalt  }
0x50: {  	_ =	shalt  }
0x51: {  	_ =	shalt  }
0x52: {  	_ =	shalt  }
0x53: {  	_ =	shalt  }
0x54: {  	_ =	shalt  }
0x55: {  	_ =	shalt  }
0x56: {  	_ =	shalt  }
0x57: {  	_ =	shalt  }
0x58: {  	_ =	shalt  }
0x59: {  	_ =	shalt  }
0x5a: {  	_ =	shalt  }
0x5b: {  	_ =	shalt  }
0x5c: {  	_ =	shalt  }
0x5d: {  	_ =	shalt  }
0x5e: {  	_ =	shalt  }
0x5f: {  	_ =	shalt  }
0x60: {  	_ =	shalt  }
0x61: {  	_ =	shalt  }
0x62: {  	_ =	shalt  }
0x63: {  	_ =	shalt  }
0x64: {  	_ =	shalt  }
0x65: {  	_ =	shalt  }
0x66: {  	_ =	shalt  }
0x67: {  	_ =	shalt  }
0x68: {  	_ =	shalt  }
0x69: {  	_ =	shalt  }
0x6a: {  	_ =	shalt  }
0x6b: {  	_ =	shalt  }
0x6c: {  	_ =	shalt  }
0x6d: {  	_ =	shalt  }
0x6e: {  	_ =	shalt  }
0x6f: {  	_ =	shalt  }
0x70: {  	_ =	shalt  }
0x71: {  	_ =	shalt  }
0x72: {  	_ =	shalt  }
0x73: {  	_ =	shalt  }
0x74: {  	_ =	shalt  }
0x75: {  	_ =	shalt  }
0x76: {  	_ =	shalt  }
0x77: {  	_ =	shalt  }
0x78: {  	_ =	shalt  }
0x79: {  	_ =	shalt  }
0x7a: {  	_ =	shalt  }
0x7b: {  	_ =	shalt  }
0x7c: {  	_ =	shalt  }
0x7d: {  	_ =	shalt  }
0x7e: {  	_ =	shalt  }
0x7f: {  	_ =	shalt  }
0x80: {  	_ =	shalt  }
0x81: {  	_ =	shalt  }
0x82: {  	_ =	shalt  }
0x83: {  	_ =	shalt  }
0x84: {  	_ =	shalt  }
0x85: {  	_ =	shalt  }
0x86: {  	_ =	shalt  }
0x87: {  	_ =	shalt  }
.Lfunc_end0:
.L_simem_size_0:
called_computation.1_lowered:
.L_overlay_start_0:
0x88: {  	s2 =	sld [smem:$0x3FD9]  }
0x89: {  	s3 =	sld [smem:$0x3FFE];
	_ =	sdelay $0x1  }
0x8a: {  	s1 =	srdreg.scid  }
0x8b: {  	s0 =	sand.u32 $0x1, s1  }
0x8c: {  	s17 =	sshll.u32 s0, $0xA;
	s2 =	sadd.s32 s3, s2  }
0x8d: {  	s2 =	sadd.s32 s2, s17  }
0x8e: {  	[smem:$0x3FC2] =	sst s2  }
0x8f: {  	_ = 	snop  }
0x90: {  	s2 =	sld [smem:$0x3FD0];
	(tm) =	ssettm $0x1  }
0x91: {  	s18 =	sld [smem:$0x3FFB];
	_ =	sdelay $0x3  }
0x92: {  	_ =	strace s18  }
0x93: {  	s3 =	sld [smem:$0x3FFC];
	_ =	sdelay $0x3  }
0x94: {  	_ =	strace s3  }
0x95: {  	s3 =	sld [smem:$0x3FFD];
	_ =	sdelay $0x3  }
0x96: {  	_ =	strace s3  }
0x97: {  	_ =	strace $0x8FFFFFFF  }
0x98: {  	s19 =	sld [smem:$0x3FDB];
	_ =	sdelay $0x1  }
0x99: {  	s4 =	simm.s32 $_scs_section_size  }
0x9a: {  	s5 =	simm.s32 $_size__tile_overlayer_lowered;
	s6 =	simm.s32 $_tile_overlayer_lowered  }
0x9b: {  	s22 =	simm.s32 $0x1BFF;
	s21 =	sshll.u32 s6, $0x1;
	s3 =	sadd.s32 s4, s19  }
0x9c: {  	s7 =	simm.s32 $0x0;
	s20 =	sshll.u32 s5, $0x1;
	s5 =	sadd.s32 s21, s3  }
0x9d: {  	[timem:s7], [sflag:s22] =	dma.local [hbm:s5], s20  }
0x9e: {  	_ =	swait.ge [sflag:s22], s20  }
0x9f: {  	s4 =	ssub.s32 $0x0, s20;
	[sflag:s22] =	ssyncset.done $0x0  }
0xa0: {  	[sflag:s22] =	ssyncadd.s32 s4;
	_ =	sdelay $0x1  }
0xa1: {  	s23 =	simm.s32 $0x1B8B  }
0xa2: {  	_ =	swait.ge [sflag:s23], $0x1  }
0xa3: {  	[sflag:s23] =	ssyncset.done $0x0  }
0xa4: {  	s25 =	simm.s32 $0x1B8E;
	s24 =	sld [smem:$0x3FFE];
	[sflag:s23] =	ssyncadd.s32 $0xFFFFFFFF  }
0xa5: {  	s26 =	simm.s32 $execute0_lowered;
	[smem:$0x3FD2] =	sst s25  }
0xa6: {  	s5 =	sshll.u32 s26, $0x1;
	_ =	strace $0x80000049;
	[dreg:$0x1] =	wrdreg $0xFFFFFFFF  }
0xa7: {  	s28 =	simm.s32 $_size_execute0_lowered;
	s3 =	sadd.s32 s3, s5;
	[dreg:$0x0] =	wrdreg $0x0  }
0xa8: {  	s5 =	sshll.u32 s28, $0x1;
	[dreg:$0x2] =	wrdreg s3  }
0xa9: {  	[dreg:$0x3] =	wrdreg s5  }
0xaa: {  	[dreg:$0x4] =	wrdreg $0xC0  }
0xab: {  	_ =	task [dreg:s7], $0x5FFFF  }
0xac: {  	[dreg:$0x1] =	wrdreg $0xFFFFFFFF  }
0xad: {  	[dreg:$0x0] =	wrdreg $0x60  }
0xae: {  	[dreg:$0x2] =	wrdreg s24  }
0xaf: {  	[dreg:$0x3] =	wrdreg s2  }
0xb0: {  	[dreg:$0x4] =	wrdreg $0xA4000  }
0xb1: {  	[dreg:$0x5] =	wrdreg $0x9  }
0xb2: {  	_ =	task.clear_ibuf [dreg:s7], $0x6FFFF;
	_ =	strace $0x90000049  }
0xb3: {  	s29 =	simm.s32 $0x9;
	_ =	strace $0x8000004B  }
0xb4: {  	_ =	swait.ge [sflag:s29], $0x1  }
0xb5: {  	[sflag:s29] =	ssyncadd.s32 $0xFFFFFFFF  }
0xb6: {  	_ =	strace $0x9000004B  }
0xb7: {  	_ =	sfence  }
0xb8: {  	s30 =	sld [smem:$0x0];
	_ =	sdelay $0x2  }
0xb9: {  	s31 =	sshll.u32 s1, $0xD;
	s1 =	sshrl.u32 s1, $0x2  }
0xba: {  	s3 =	sand.u32 $0x4000, s31;
	s1 =	sadd.s32 s1, s30  }
0xbb: {  	s0 =	sor.u32 s3, s0;
	s1 =	sshll.u32 s1, $0x11  }
0xbc: {  	s0 =	sor.u32 s1, s0  }
0xbd: {  	s0 =	sadd.s32 $0x8F2B, s0  }
0xbe: {  	[sflag:s0] =	ssyncadd.remote.s32 $0x1  }
0xbf: {  	_ =	sfence.sel $0xFFFF  }
0xc0: {  	[dreg:$0x0] =	wrdreg $0xFFFFFFFF;
	(pc) =	sbr.abs _section_cstart, $3  }
0xc1: {  	[dreg:$0x1] =	wrdreg $0xFFFFFFFF  }
0xc2: {  	_ =	task.clear_ibuf [dreg:s7], $0x2FFFF;
	_ =	strace $0x9FFFFFFF  }
0xc3: {  	(tm) =	ssettm $0x7FFFFFFF  }
tec
execute0_lowered:
.L_overlay_start_1:
0x0: {  	(tag) =	ssettag $0x1  }
0x1: {  	s0 =	rddreg [dreg:$0x0];
	s12 =	stileid.u32  }
0x2: {  	s2 =	rddreg [dreg:$0x1];
	s7 =	smul.u32 $0x14000, s12  }
0x3: {  	s1 =	srdreg.scid;
	s9 =	smul.u32 $0x50000, s12  }
0x4: {  	s3 =	rddreg [dreg:$0x2];
	s4 =	simm.s32 $0x0;
	s10 =	smul.u32 $0x2800, s12  }
0x5: {  	s28 =	simm.s32 $0x280;
	s1 =	sand.u32 $0x1, s1;
	s11 =	smul.u32 $0x4E20, s12  }
0x6: {  	s29 =	simm.s32 $0x5;
	s31 =	simm.s32 $0x6;
	s6 =	smul.u32 $0x140000, s1  }
0x7: {  	[smem:$0x7FF] =	sst s4;
	s5 =	sadd.s32 $0x1C00, s0;
	s8 =	smul.u32 $0x4E200, s1  }
0x8: {  	s14 =	sshll.u32 s12, $0x6;
	s26 =	smul.u32 $0x28000, s1;
	s1 =	ssub.s32 $0x2, s1  }
0x9: {  	s23 =	smul.u32 $0x9C4, s12;
	_ =	strace $0x8000004A;
	s30 =	sshrl.u32 s1, $0x1  }
0xa: {  	s13 =	sshrl.u32 s9, $0x2;
	s16 =	sshrl.u32 s11, $0x3;
	s6 =	sadd.s32 s7, s6  }
0xb: {  	s1 =	ssub.s32 s1, s30;
	s7 =	sadd.s32 s10, s26;
	s8 =	sadd.s32 s11, s8  }
0xc: {  	s17 =	sadd.s32 s2, s16;
	s11 =	simm.s32 $0x2C00;
	s16 =	simm.s32 $0x1  }
0xd: {  	s6 =	sshrl.u32 s6, $0x3;
	s7 =	sadd.s32 s5, s7;
	s15 =	sshrl.u32 s8, $0x3  }
0xe: {  	s10 =	sadd.s32 $0x13880, s17;
	s19 =	sadd.s32 $0x1388A, s17;
	s21 =	sadd.s32 $0x13894, s17  }
0xf: {  	s22 =	sadd.s32 $0x230, s8;
	s1 =	smax.u32 s1, $0x1;
	s24 =	sadd.s32 $0x1E0, s8  }
0x10: {  	s25 =	sadd.s32 $0x190, s8;
	s30 =	sadd.s32 $0x140, s8;
	[dreg:$0x4] =	wrdreg s7  }
0x11: {  	s8 =	simm.s32 $0x3;
	s0 =	sadd.s32 s6, s0;
	[dreg:$0x7] =	wrdreg s10  }
0x12: {  	s6 =	sadd.s32 s13, s3;
	s13 =	sor.u32 $0x1C0D, s14;
	[dreg:$0x9] =	wrdreg s19  }
0x13: {  	s9 =	sadd.s32 s2, s15;
	[dreg:$0xb] =	wrdreg s21;
	s7 =	sadd.s32 $0x1389E, s17  }
0x14: {  	[dreg:$0xf] =	wrdreg s1;
	s19 =	sadd.s32 s23, s2;
	s26 =	sshrl.u32 s25, $0x3  }
0x15: {  	[dreg:$0x10] =	wrdreg s30;
	s14 =	simm.s32 $0xD;
	s25 =	simm.s32 $0x200  }
0x16: {  	s1 =	simm.s32 $0x9;
	s10 =	simm.s32 $0xA;
	[dreg:$0x6] =	wrdreg s9  }
0x17: {  	s17 =	simm.s32 $0x2;
	s18 =	sadd.s32 $0xA, s9;
	[dreg:$0xd] =	wrdreg s7  }
0x18: {  	s20 =	sadd.s32 $0x14, s9;
	s9 =	sadd.s32 $0x1E, s9;
	[dreg:$0x5] =	wrdreg s13  }
0x19: {  	s0 =	sadd.s32 $0x51C00, s0;
	s21 =	sadd.s32 s26, s2;
	[dreg:$0x8] =	wrdreg s18  }
.Ltmp0:
0x1a: {  	s12 =	sshrl.u32 s6, $0x3;
	[dreg:$0xa] =	wrdreg s20;
	(pc) =	sbr.rel .LBB2_1-.Ltmp0, $4  }
0x1b: {  	s26 =	simm.s32 $0x80;
	s6 =	simm.s32 $0x50;
	[dreg:$0xc] =	wrdreg s9  }
0x1c: {  	s7 =	simm.s32 $0x0;
	[dreg:$0xe] =	wrdreg s0;
	s0 =	sshrl.u32 s22, $0x3  }
0x1d: {  	s9 =	simm.s32 $0x400;
	s18 =	sadd.s32 s0, s2;
	s0 =	sshrl.u32 s24, $0x3  }
0x1e: {  	s22 =	simm.s32 $0x4;
	[dreg:$0x11] =	wrdreg s12;
	s20 =	sadd.s32 s0, s2  }
.LBB2_6:
0x1f: {  	_ =	swait.ge [sflag:s29], $0x2800  }
0x20: {  	[sflag:s29] =	ssyncset.done $0x0  }
0x21: {  	[sflag:s29] =	ssyncadd.s32 $0xFFFFD800  }
0x22: {  	_ =	swait.ge [sflag:s31], $0x2800  }
0x23: {  	[sflag:s31] =	ssyncset.done $0x0  }
0x24: {  	s0 =	simm.s32 $0x7;
	[sflag:s31] =	ssyncadd.s32 $0xFFFFD800  }
0x25: {  	_ =	swait.ge [sflag:s0], $0x2800  }
0x26: {  	[sflag:s0] =	ssyncset.done $0x0  }
0x27: {  	s23 =	simm.s32 $0x8;
	[sflag:s0] =	ssyncadd.s32 $0xFFFFD800  }
0x28: {  	_ =	swait.ge [sflag:s23], $0x2800  }
0x29: {  	[sflag:s23] =	ssyncset.done $0x0  }
0x2a: {  	[sflag:s23] =	ssyncadd.s32 $0xFFFFD800  }
0x2b: {  	[bflag:$0x0] =	sbarrier.arrive $0xFFFF  }
0x2c: {  	s13 =	rddreg [dreg:$0x5]  }
0x2d: {  	s24 =	rddreg [dreg:$0xe]  }
0x2e: {  	s14 =	simm.s32 $0xD;
	s12 =	rddreg [dreg:$0x11]  }
0x2f: {  	[hbm:s24], [sflag:s13] =	dma.local [spmem:s12], $0x2800  }
0x30: {  	_ =	swait.ge [sflag:s14], $0x2800  }
0x31: {  	s7 =	sadd.s32 $0x1, s7;
	s30 =	rddreg [dreg:$0xf]  }
0x32: {  	p0 =	sne.s32 s7, s30  }
.Ltmp1:
0x33: {  	_ = 	snop;
	(pc) =	sbr.rel @!p0 .LBB2_7-.Ltmp1, $3  }
0x34: {  	_ =	sdelay $0x1  }
0x35: {  	[sflag:s14] =	ssyncset.done $0x0  }
0x36: {  	[sflag:s14] =	ssyncadd.s32 $0xFFFFD800  }
.LBB2_1:
0x37: {  	s0 =	rddreg [dreg:$0x4]  }
0x38: {  	[spmem:s12], [sflag:s13] =	dma.local [hbm:s0], $0x2800  }
0x39: {  	_ =	swait.ge [sflag:s14], $0x2800  }
0x3a: {  	[sflag:s14] =	ssyncset.done $0x0  }
0x3b: {  	[sflag:s14] =	ssyncadd.s32 $0xFFFFD800  }
0x3c: {  	[bflag:$0x0] =	sbarrier.arrive $0xFFFF  }
0x3d: {  	s23 =	rddreg [dreg:$0x6]  }
0x3e: {  	[tilespmem:s4], [sflag:$0x9] =	stream.linear.gather [hbm4b:s23+s4], $0x50, $0x38;
	[tilespmem:$0x1E400] =	vst v63  }
0x3f: {  	s24 =	rddreg [dreg:$0x7]  }
0x40: {  	[tilespmem:s25], [sflag:$0x9] =	stream.linear.gather [hbm4b:s24+s4], $0x50, $0x38;
	[tilespmem:$0x1E400] =	vst v63  }
0x41: {  	s30 =	rddreg [dreg:$0x8]  }
0x42: {  	[tilespmem:s26], [sflag:$0xA] =	stream.linear.gather [hbm4b:s30+s4], $0x50, $0x38;
	[tilespmem:$0x1E400] =	vst v63  }
0x43: {  	s12 =	rddreg [dreg:$0x9]  }
0x44: {  	[tilespmem:s28], [sflag:$0xA] =	stream.linear.gather [hbm4b:s12+s4], $0x50, $0x38;
	[tilespmem:$0x1E400] =	vst v63  }
0x45: {  	s13 =	rddreg [dreg:$0xa];
	s12 =	simm.s32 $0x100  }
0x46: {  	[tilespmem:s12], [sflag:$0xB] =	stream.linear.gather [hbm4b:s13+s4], $0x50, $0x38;
	[tilespmem:$0x1E400] =	vst v63  }
0x47: {  	s15 =	simm.s32 $0x300;
	s14 =	rddreg [dreg:$0xb]  }
0x48: {  	[tilespmem:s15], [sflag:$0xB] =	stream.linear.gather [hbm4b:s14+s4], $0x50, $0x38;
	[tilespmem:$0x1E400] =	vst v63  }
0x49: {  	s23 =	rddreg [dreg:$0xc];
	s13 =	simm.s32 $0x180  }
0x4a: {  	[tilespmem:s13], [sflag:$0xC] =	stream.linear.gather [hbm4b:s23+s4], $0x50, $0x38;
	[tilespmem:$0x1E400] =	vst v63  }
0x4b: {  	s24 =	rddreg [dreg:$0xd];
	s30 =	simm.s32 $0x380  }
0x4c: {  	[tilespmem:s30], [sflag:$0xC] =	stream.linear.gather [hbm4b:s24+s4], $0x50, $0x38;
	[tilespmem:$0x1E400] =	vst v63  }
0x4d: {  	_ =	swait.ge [sflag:s1], $0x50  }
0x4e: {  	[sflag:s1] =	ssyncset.done $0x0  }
0x4f: {  	[sflag:s1] =	ssyncadd.s32 $0xFFFFFFB0  }
0x50: {  	_ =	swait.ge [sflag:s1], $0x50  }
0x51: {  	[sflag:s1] =	ssyncset.done $0x0  }
0x52: {  	[sflag:s1] =	ssyncadd.s32 $0xFFFFFFB0  }
0x53: {  	[tilespmem:s9], [sflag:$0x1] =	stream.indirect.gather [hbm4b:s5+s6], $0x80, s4, s6, $0xb8;
	[tilespmem:$0x1E400] =	vst v63  }
0x54: {  	_ =	swait.ge [sflag:s10], $0x50  }
0x55: {  	[sflag:s10] =	ssyncset.done $0x0  }
0x56: {  	[sflag:s10] =	ssyncadd.s32 $0xFFFFFFB0  }
0x57: {  	_ =	swait.ge [sflag:s10], $0x50  }
0x58: {  	[sflag:s10] =	ssyncset.done $0x0  }
0x59: {  	s15 =	simm.s32 $0xB;
	[sflag:s10] =	ssyncadd.s32 $0xFFFFFFB0  }
0x5a: {  	[tilespmem:s11], [sflag:$0x2] =	stream.indirect.gather [hbm4b:s5+s6], $0x80, s26, s6, $0xb8;
	[tilespmem:$0x1E400] =	vst v63  }
0x5b: {  	_ =	swait.ge [sflag:s15], $0x50  }
0x5c: {  	[sflag:s15] =	ssyncset.done $0x0  }
0x5d: {  	[sflag:s15] =	ssyncadd.s32 $0xFFFFFFB0  }
0x5e: {  	_ =	swait.ge [sflag:s15], $0x50  }
0x5f: {  	[sflag:s15] =	ssyncset.done $0x0  }
0x60: {  	s23 =	simm.s32 $0x5400;
	s24 =	simm.s32 $0xC;
	[sflag:s15] =	ssyncadd.s32 $0xFFFFFFB0  }
0x61: {  	[tilespmem:s23], [sflag:$0x3] =	stream.indirect.gather [hbm4b:s5+s6], $0x80, s12, s6, $0xb8;
	[tilespmem:$0x1E400] =	vst v63  }
0x62: {  	_ =	swait.ge [sflag:s24], $0x50  }
0x63: {  	[sflag:s24] =	ssyncset.done $0x0  }
.Ltmp2:
0x64: {  	[sflag:s24] =	ssyncadd.s32 $0xFFFFFFB0;
	(pc) =	sbr.rel .LBB2_2-.Ltmp2, $4  }
0x65: {  	_ =	swait.ge [sflag:s24], $0x50  }
0x66: {  	s30 =	simm.s32 $0x7C00;
	s12 =	simm.s32 $0x0;
	[sflag:s24] =	ssyncset.done $0x0  }
0x67: {  	s23 =	rddreg [dreg:$0x10];
	[sflag:s24] =	ssyncadd.s32 $0xFFFFFFB0;
	s24 =	simm.s32 $0x0  }
0x68: {  	[tilespmem:s30], [sflag:$0x4] =	stream.indirect.gather [hbm4b:s5+s6], $0x80, s13, s6, $0xb8;
	[tilespmem:$0x1E400] =	vst v63  }
.LBB2_3:
0x69: {  	_ =	swait.ge [sflag:s8], $0x2800  }
0x6a: {  	[sflag:s8] =	ssyncset.done $0x0  }
0x6b: {  	s0 =	simm.s32 $0x300;
	s13 =	simm.s32 $0x5400;
	[sflag:s8] =	ssyncadd.s32 $0xFFFFD800  }
0x6c: {  	[spmem:s3] =	stream.indirect.scatter.add.f32 [tilespmem:s13], [sflag:$0x7], $0x80, s0, s6, $0xb8;
	[tilespmem:$0x1E400] =	vst v63  }
0x6d: {  	_ =	swait.ge [sflag:s22], $0x2800  }
0x6e: {  	[sflag:s22] =	ssyncset.done $0x0  }
0x6f: {  	s15 =	simm.s32 $0x380;
	s30 =	simm.s32 $0x7C00;
	[sflag:s22] =	ssyncadd.s32 $0xFFFFD800  }
0x70: {  	[spmem:s3] =	stream.indirect.scatter.add.f32 [tilespmem:s30], [sflag:$0x8], $0x80, s15, s6, $0xb8;
	[tilespmem:$0x1E400] =	vst v63  }
.LBB2_5:
0x71: {  	_ =	swait.ge [sflag:s29], $0x2800  }
0x72: {  	s14 =	sshrl.u32 s23, $0x3;
	[sflag:s29] =	ssyncset.done $0x0  }
0x73: {  	s13 =	sadd.s32 s24, s19;
	s14 =	sadd.s32 s2, s14;
	[sflag:s29] =	ssyncadd.s32 $0xFFFFD800  }
0x74: {  	[tilespmem:s4], [sflag:$0x9] =	stream.linear.gather [hbm4b:s14+s4], $0x50, $0x38;
	[tilespmem:$0x1E400] =	vst v63  }
0x75: {  	s30 =	sadd.s32 $0x138A8, s13  }
0x76: {  	[tilespmem:s25], [sflag:$0x9] =	stream.linear.gather [hbm4b:s30+s4], $0x50, $0x38;
	[tilespmem:$0x1E400] =	vst v63  }
0x77: {  	_ =	swait.ge [sflag:s31], $0x2800  }
0x78: {  	[sflag:s31] =	ssyncset.done $0x0  }
0x79: {  	s15 =	sadd.s32 s24, s21;
	[sflag:s31] =	ssyncadd.s32 $0xFFFFD800  }
0x7a: {  	[tilespmem:s26], [sflag:$0xA] =	stream.linear.gather [hbm4b:s15+s4], $0x50, $0x38;
	[tilespmem:$0x1E400] =	vst v63  }
0x7b: {  	p0 =	sgt.u32 s12, $0x3C;
	s14 =	sadd.s32 $0x138B2, s13  }
0x7c: {  	[tilespmem:s28], [sflag:$0xA] =	stream.linear.gather [hbm4b:s14+s4], $0x50, $0x38;
	[tilespmem:$0x1E400] =	vst v63  }
0x7d: {  	s14 =	simm.s32 @!p0 $0x7  }
0x7e: {  	_ =	swait.ge @!p0 [sflag:s14], $0x2800  }
0x7f: {  	s0 =	simm.s32 @!p0 $0x100;
	[sflag:s14] =	ssyncset.done @!p0 $0x0  }
0x80: {  	s30 =	simm.s32 @!p0 $0x0;
	[sflag:s14] =	ssyncadd.s32 @!p0 $0xFFFFD800;
	s14 =	sadd.s32 @!p0 s24, s20  }
0x81: {  	[tilespmem:s0], [sflag:$0xB] =	stream.linear.gather @!p0 [hbm4b:s14+s30], $0x50, $0x38;
	[tilespmem:$0x1E400] =	vst v63  }
0x82: {  	s14 =	sadd.s32 @!p0 s24, s19  }
0x83: {  	s15 =	simm.s32 @!p0 $0x300;
	s13 =	sadd.s32 @!p0 $0x138BC, s14  }
0x84: {  	[tilespmem:s15], [sflag:$0xB] =	stream.linear.gather @!p0 [hbm4b:s13+s30], $0x50, $0x38;
	[tilespmem:$0x1E400] =	vst v63  }
0x85: {  	s13 =	simm.s32 @!p0 $0x8  }
0x86: {  	_ =	swait.ge @!p0 [sflag:s13], $0x2800  }
0x87: {  	[sflag:s13] =	ssyncset.done @!p0 $0x0  }
0x88: {  	s15 =	simm.s32 @!p0 $0x180;
	[sflag:s13] =	ssyncadd.s32 @!p0 $0xFFFFD800;
	s13 =	sadd.s32 @!p0 s24, s18  }
0x89: {  	[tilespmem:s15], [sflag:$0xC] =	stream.linear.gather @!p0 [hbm4b:s13+s30], $0x50, $0x38;
	[tilespmem:$0x1E400] =	vst v63  }
0x8a: {  	s13 =	sadd.s32 @!p0 $0x138C6, s14;
	s14 =	simm.s32 @!p0 $0x380  }
0x8b: {  	[tilespmem:s14], [sflag:$0xC] =	stream.linear.gather @!p0 [hbm4b:s13+s30], $0x50, $0x38;
	[tilespmem:$0x1E400] =	vst v63  }
0x8c: {  	_ =	swait.ge [sflag:s1], $0x50  }
0x8d: {  	[sflag:s1] =	ssyncset.done $0x0  }
0x8e: {  	[sflag:s1] =	ssyncadd.s32 $0xFFFFFFB0  }
0x8f: {  	_ =	swait.ge [sflag:s1], $0x50  }
0x90: {  	[sflag:s1] =	ssyncset.done $0x0  }
0x91: {  	[sflag:s1] =	ssyncadd.s32 $0xFFFFFFB0  }
0x92: {  	[tilespmem:s9], [sflag:$0x1] =	stream.indirect.gather [hbm4b:s5+s6], $0x80, s4, s6, $0xb8;
	[tilespmem:$0x1E400] =	vst v63  }
0x93: {  	_ =	swait.ge [sflag:s10], $0x50  }
0x94: {  	[sflag:s10] =	ssyncset.done $0x0  }
0x95: {  	[sflag:s10] =	ssyncadd.s32 $0xFFFFFFB0  }
0x96: {  	_ =	swait.ge [sflag:s10], $0x50  }
0x97: {  	[sflag:s10] =	ssyncset.done $0x0  }
0x98: {  	s13 =	simm.s32 @!p0 $0xB;
	[sflag:s10] =	ssyncadd.s32 $0xFFFFFFB0  }
0x99: {  	[tilespmem:s11], [sflag:$0x2] =	stream.indirect.gather [hbm4b:s5+s6], $0x80, s26, s6, $0xb8;
	[tilespmem:$0x1E400] =	vst v63  }
0x9a: {  	_ =	swait.ge @!p0 [sflag:s13], $0x50  }
0x9b: {  	[sflag:s13] =	ssyncset.done @!p0 $0x0  }
0x9c: {  	[sflag:s13] =	ssyncadd.s32 @!p0 $0xFFFFFFB0  }
0x9d: {  	_ =	swait.ge @!p0 [sflag:s13], $0x50  }
0x9e: {  	[sflag:s13] =	ssyncset.done @!p0 $0x0  }
0x9f: {  	s14 =	simm.s32 @!p0 $0x5400;
	[sflag:s13] =	ssyncadd.s32 @!p0 $0xFFFFFFB0;
	s13 =	simm.s32 @!p0 $0x50  }
0xa0: {  	[tilespmem:s14], [sflag:$0x3] =	stream.indirect.gather @!p0 [hbm4b:s5+s13], $0x80, s0, s13, $0xb8;
	[tilespmem:$0x1E400] =	vst v63  }
0xa1: {  	s0 =	simm.s32 @!p0 $0xC  }
0xa2: {  	_ =	swait.ge @!p0 [sflag:s0], $0x50  }
0xa3: {  	[sflag:s0] =	ssyncset.done @!p0 $0x0  }
0xa4: {  	[sflag:s0] =	ssyncadd.s32 @!p0 $0xFFFFFFB0  }
0xa5: {  	_ =	swait.ge @!p0 [sflag:s0], $0x50  }
0xa6: {  	[sflag:s0] =	ssyncset.done @!p0 $0x0  }
0xa7: {  	s24 =	sadd.s32 $0x28, s24;
	[sflag:s0] =	ssyncadd.s32 @!p0 $0xFFFFFFB0;
	s0 =	simm.s32 @!p0 $0x7C00  }
0xa8: {  	[tilespmem:s0], [sflag:$0x4] =	stream.indirect.gather @!p0 [hbm4b:s5+s13], $0x80, s15, s13, $0xb8;
	[tilespmem:$0x1E400] =	vst v63  }
0xa9: {  	p0 =	sne.s32 s24, $0x9D8  }
.Ltmp3:
0xaa: {  	_ = 	snop;
	(pc) =	sbr.rel @!p0 .LBB2_6-.Ltmp3, $2  }
0xab: {  	_ =	sdelay $0x2  }
0xac: {  	s12 =	sadd.s32 $0x1, s12;
	s23 =	sadd.s32 $0x140, s23  }
.LBB2_2:
0xad: {  	_ =	swait.ge [sflag:s16], $0x2800  }
0xae: {  	[sflag:s16] =	ssyncset.done $0x0  }
0xaf: {  	p0 =	sgt.u32 s12, $0x3D;
	[sflag:s16] =	ssyncadd.s32 $0xFFFFD800  }
0xb0: {  	[spmem:s3] =	stream.indirect.scatter.add.f32 [tilespmem:s9], [sflag:$0x5], $0x80, s25, s6, $0xb8;
	[tilespmem:$0x1E400] =	vst v63  }
.Ltmp4:
0xb1: {  	_ = 	snop;
	(pc) =	sbr.rel @!p0 .LBB2_3-.Ltmp4, $4  }
0xb2: {  	_ =	swait.ge [sflag:s17], $0x2800  }
0xb3: {  	[sflag:s17] =	ssyncset.done $0x0  }
0xb4: {  	[sflag:s17] =	ssyncadd.s32 $0xFFFFD800  }
0xb5: {  	[spmem:s3] =	stream.indirect.scatter.add.f32 [tilespmem:s11], [sflag:$0x6], $0x80, s28, s6, $0xb8;
	[tilespmem:$0x1E400] =	vst v63  }
0xb6: {  	p0 =	seq.s32 s24, $0x9B0  }
.Ltmp5:
0xb7: {  	_ = 	snop;
	(pc) =	sbr.rel @!p0 .LBB2_5-.Ltmp5, $4  }
.Ltmp6:
0xb8: {  	_ = 	snop;
	(pc) =	sbr.rel @p0 .LBB2_6-.Ltmp6, $4  }
0xb9: {  	_ = 	snop  }
0xba: {  	_ = 	snop  }
0xbb: {  	_ = 	snop  }
0xbc: {  	_ = 	snop  }
.LBB2_7:
0xbd: {  	_ =	sfence.sel $0x180000  }
0xbe: {  	[bflag:$0x0] =	sbarrier.arrive $0xFFFF  }
0xbf: {  	_ =	strace $0x9000004A  }
0xc0: {  	s0 =	stileid.u32;
	[bflag:$0x2] =	sbarrier.arrive $0xFFFF  }
0xc1: {  	p0 =	sne.s32 s0, $0x0;
	s0 =	rddreg [dreg:$0x3]  }
0xc2: {  	s0 =	sadd.s32 @!p0 $0x100000, s0  }
0xc3: {  	[sflag:s0] =	ssyncadd.tile.s32 @!p0 $0x1;
	_ =	shalt  }
.Lfunc_end2:
_tile_overlayer_lowered:
.L_overlay_start_2:
0xc4: {  	(tag) =	ssettag $0x2  }
0xc5: {  	s0 =	rddreg [dreg:$0x0];
	s2 =	stileid.u32  }
0xc6: {  	s1 =	rddreg [dreg:$0x1];
	p0 =	sne.s32 s2, $0x0  }
0xc7: {  	s3 =	rddreg [dreg:$0x2];
	[bflag:$0x3] =	sbarrier.arrive $0xFFFF;
	s2 =	simm.s32 @!p0 $0x1C0D  }
0xc8: {  	[timem:s3], [sflag:s2] =	dma.local @!p0 [hbm:s0], s1  }
0xc9: {  	s0 =	simm.s32 @!p0 $0xD  }
0xca: {  	_ =	swait.ge @!p0 [sflag:s0], s1  }
0xcb: {  	s1 =	ssub.s32 @!p0 $0x0, s1;
	[sflag:s0] =	ssyncset.done @!p0 $0x0  }
0xcc: {  	[sflag:s0] =	ssyncadd.s32 @!p0 s1  }
0xcd: {  	[bflag:$0x3] =	sbarrier.arrive $0xFFFF  }
0xce: {  	_ =	shalt  }

// kernel: kernel.14.cloned.1.call-start
scs
__scs_entry_jumppad:
0x0: {  	(pc) =	sbr.rel $0x88, $3  }
0x1: {  	(tag) =	ssettag $0x0;
	lr =	simm.s32 $0x1  }
0x2: {  	[smem:$0x3F9B] =	sst lr;
	_ =	strace $0xD0000000  }
0x3: {  	_ = 	snop  }
0x4: {  	_ = 	snop  }
0x5: {  	_ = 	snop  }
0x6: {  	_ = 	snop  }
0x7: {  	_ = 	snop  }
__scs_overlays_trampoline_lowered:
0x8: {  	[smem:$0x3FAA] =	sst s0  }
0x9: {  	[smem:$0x3FAB] =	sst s1  }
0xa: {  	[smem:$0x3FAC] =	sst s2  }
0xb: {  	[smem:$0x3FAD] =	sst s3  }
0xc: {  	[smem:$0x3FAE] =	sst s4  }
0xd: {  	[smem:$0x3FAF] =	sst s5  }
0xe: {  	[smem:$0x3FB0] =	sst s6  }
0xf: {  	[smem:$0x3FB1] =	sst s7  }
0x10: {  	[smem:$0x3FB2] =	sst s8  }
0x11: {  	[smem:$0x3FB3] =	sst s9;
	s0 =	simm.s32 @!p0 $0x0  }
0x12: {  	s1 =	sld [smem:$0x3F99];
	s0 =	simm.s32 @p0 $0x1  }
0x13: {  	[smem:$0x3FB4] =	sst s0;
	s0 =	simm.s32 @!p1 $0x0  }
0x14: {  	s2 =	sld [smem:$0x3F98];
	s0 =	simm.s32 @p1 $0x1  }
0x15: {  	[smem:$0x3FB5] =	sst s0;
	s0 =	simm.s32 @!p2 $0x0  }
0x16: {  	s3 =	sld [smem:$0x3FDB];
	s0 =	simm.s32 @p2 $0x1  }
0x17: {  	s4 =	simm.s32 $0x1BF5;
	[smem:$0x3FB7] =	sst s0  }
0x18: {  	s0 =	sld [smem:$0x3F9A];
	_ =	swait.ge [sflag:s4], $0x0  }
0x19: {  	s7 =	sld [smem:$0x3F9B]  }
0x1a: {  	s8 =	sadd.s32 $0xFFFFE003, lr  }
0x1b: {  	s9 =	sadd.s32 $0xFFFFFEF7, lr;
	s5 =	simm.s32 $0xFFFFFFFF;
	p2 =	slt.u32 s8, $0xFFFFF086  }
0x1c: {  	p1 =	slt.u32 s9, $0xF7A;
	s5 =	simm.s32 @!p2 $0x0  }
0x1d: {  	s5 =	simm.s32 @p1 $0x1;
	p0 =	seq.s32 s7, s2  }
0x1e: {  	s7 =	smul.u32 @!p0 $0xF7A, s2;
	p2 =	seq.s32 @!p0 s5, $0x0  }
0x1f: {  	s9 =	smul.u32 $0xF7A, s1;
	s8 =	simm.s32 @!p0 $0x1BF5;
	p2 =	por !p2, p0  }
0x20: {  	[sflag:s8] =	ssyncset.s32 @!p0 $0xFFFFF086;
	s6 =	sadd.s32 @!p0 s3, s7;
	s7 =	simm.s32 @!p0 $0x108  }
0x21: {  	s3 =	sadd.s32 s3, s9;
	s6 =	sadd.s32 @!p0 $0x88, s6;
	s7 =	simm.s32 @p2 $0x1082  }
0x22: {  	[simem:s7], [sflag:s8] =	dma.local @!p0 [hbm:s6], $0xF7A  }
0x23: {  	s9 =	sor.u32 $0xD0000000, s2;
	s6 =	simm.s32 $0x108;
	_ =	swait.ge @!p0 [sflag:s8], $0x0  }
0x24: {  	s3 =	sadd.s32 $0x88, s3;
	s6 =	simm.s32 @!p1 $0x1082;
	[sflag:s4] =	ssyncset.s32 $0xFFFFF086  }
0x25: {  	[simem:s6], [sflag:s4] =	dma.local [hbm:s3], $0xF7A  }
0x26: {  	[smem:$0x3F9B] =	sst s1;
	(tag) =	ssettag s2;
	_ =	strace s9  }
0x27: {  	s1 =	sld [smem:$0x3FAB]  }
0x28: {  	s2 =	sld [smem:$0x3FAC]  }
0x29: {  	s4 =	sld [smem:$0x3FAE]  }
0x2a: {  	p0 =	seq.s32 s5, $0x0;
	s5 =	sld [smem:$0x3FAF]  }
0x2b: {  	s6 =	sld [smem:$0x3FB0]  }
0x2c: {  	s7 =	sld [smem:$0x3FB1]  }
0x2d: {  	s3 =	simm.s32 $0x108;
	s8 =	sld [smem:$0x3FB2]  }
0x2e: {  	s3 =	simm.s32 @!p0 $0x1082;
	s9 =	sld [smem:$0x3FB3]  }
0x2f: {  	lr =	sadd.s32 s0, s3;
	s0 =	sld [smem:$0x3FAA]  }
0x30: {  	s3 =	sld [smem:$0x3FAD]  }
0x31: {  	[smem:$0x3FB6] =	sst s10  }
0x32: {  	s10 =	sld [smem:$0x3FB4];
	_ =	sdelay $0x3  }
0x33: {  	p0 =	seq.s32 s10, $0x1;
	s10 =	sld [smem:$0x3FB6];
	_ =	sdelay $0x3  }
0x34: {  	[smem:$0x3FB6] =	sst s10  }
0x35: {  	s10 =	sld [smem:$0x3FB5];
	_ =	sdelay $0x3  }
0x36: {  	p1 =	seq.s32 s10, $0x1;
	s10 =	sld [smem:$0x3FB6];
	_ =	sdelay $0x3  }
0x37: {  	[smem:$0x3FB6] =	sst s10  }
0x38: {  	s10 =	sld [smem:$0x3FB7]  }
0x39: {  	_ = 	snop;
	(pc) =	sbr.ind lr, $3  }
0x3a: {  	_ = 	snop  }
0x3b: {  	_ = 	snop  }
0x3c: {  	p2 =	seq.s32 s10, $0x1;
	s10 =	sld [smem:$0x3FB6]  }
0x3d: {  	_ =	shalt  }
0x3e: {  	_ =	shalt  }
0x3f: {  	_ =	shalt  }
0x40: {  	_ =	shalt  }
0x41: {  	_ =	shalt  }
0x42: {  	_ =	shalt  }
0x43: {  	_ =	shalt  }
0x44: {  	_ =	shalt  }
0x45: {  	_ =	shalt  }
0x46: {  	_ =	shalt  }
0x47: {  	_ =	shalt  }
0x48: {  	_ =	shalt  }
0x49: {  	_ =	shalt  }
0x4a: {  	_ =	shalt  }
0x4b: {  	_ =	shalt  }
0x4c: {  	_ =	shalt  }
0x4d: {  	_ =	shalt  }
0x4e: {  	_ =	shalt  }
0x4f: {  	_ =	shalt  }
0x50: {  	_ =	shalt  }
0x51: {  	_ =	shalt  }
0x52: {  	_ =	shalt  }
0x53: {  	_ =	shalt  }
0x54: {  	_ =	shalt  }
0x55: {  	_ =	shalt  }
0x56: {  	_ =	shalt  }
0x57: {  	_ =	shalt  }
0x58: {  	_ =	shalt  }
0x59: {  	_ =	shalt  }
0x5a: {  	_ =	shalt  }
0x5b: {  	_ =	shalt  }
0x5c: {  	_ =	shalt  }
0x5d: {  	_ =	shalt  }
0x5e: {  	_ =	shalt  }
0x5f: {  	_ =	shalt  }
0x60: {  	_ =	shalt  }
0x61: {  	_ =	shalt  }
0x62: {  	_ =	shalt  }
0x63: {  	_ =	shalt  }
0x64: {  	_ =	shalt  }
0x65: {  	_ =	shalt  }
0x66: {  	_ =	shalt  }
0x67: {  	_ =	shalt  }
0x68: {  	_ =	shalt  }
0x69: {  	_ =	shalt  }
0x6a: {  	_ =	shalt  }
0x6b: {  	_ =	shalt  }
0x6c: {  	_ =	shalt  }
0x6d: {  	_ =	shalt  }
0x6e: {  	_ =	shalt  }
0x6f: {  	_ =	shalt  }
0x70: {  	_ =	shalt  }
0x71: {  	_ =	shalt  }
0x72: {  	_ =	shalt  }
0x73: {  	_ =	shalt  }
0x74: {  	_ =	shalt  }
0x75: {  	_ =	shalt  }
0x76: {  	_ =	shalt  }
0x77: {  	_ =	shalt  }
0x78: {  	_ =	shalt  }
0x79: {  	_ =	shalt  }
0x7a: {  	_ =	shalt  }
0x7b: {  	_ =	shalt  }
0x7c: {  	_ =	shalt  }
0x7d: {  	_ =	shalt  }
0x7e: {  	_ =	shalt  }
0x7f: {  	_ =	shalt  }
0x80: {  	_ =	shalt  }
0x81: {  	_ =	shalt  }
0x82: {  	_ =	shalt  }
0x83: {  	_ =	shalt  }
0x84: {  	_ =	shalt  }
0x85: {  	_ =	shalt  }
0x86: {  	_ =	shalt  }
0x87: {  	_ =	shalt  }
.Lfunc_end0:
.L_simem_size_0:
called_computation.2_lowered:
.L_overlay_start_0:
0x88: {  	s2 =	sld [smem:$0x3FD9]  }
0x89: {  	s3 =	sld [smem:$0x3FFE];
	_ =	sdelay $0x1  }
0x8a: {  	s1 =	srdreg.scid  }
0x8b: {  	s0 =	sand.u32 $0x1, s1  }
0x8c: {  	s17 =	sshll.u32 s0, $0xA;
	s2 =	sadd.s32 s3, s2  }
0x8d: {  	s2 =	sadd.s32 s2, s17  }
0x8e: {  	[smem:$0x3FC2] =	sst s2  }
0x8f: {  	_ = 	snop  }
0x90: {  	s2 =	sld [smem:$0x3FD0];
	(tm) =	ssettm $0x1  }
0x91: {  	s18 =	sld [smem:$0x3FFB];
	_ =	sdelay $0x3  }
0x92: {  	_ =	strace s18  }
0x93: {  	s3 =	sld [smem:$0x3FFC];
	_ =	sdelay $0x3  }
0x94: {  	_ =	strace s3  }
0x95: {  	s3 =	sld [smem:$0x3FFD];
	_ =	sdelay $0x3  }
0x96: {  	_ =	strace s3  }
0x97: {  	_ =	strace $0x8FFFFFFF  }
0x98: {  	s19 =	sld [smem:$0x3FDB];
	_ =	sdelay $0x1  }
0x99: {  	s4 =	simm.s32 $_scs_section_size  }
0x9a: {  	s5 =	simm.s32 $_size__tile_overlayer_lowered;
	s6 =	simm.s32 $_tile_overlayer_lowered  }
0x9b: {  	s22 =	simm.s32 $0x1BFF;
	s21 =	sshll.u32 s6, $0x1;
	s3 =	sadd.s32 s4, s19  }
0x9c: {  	s7 =	simm.s32 $0x0;
	s20 =	sshll.u32 s5, $0x1;
	s5 =	sadd.s32 s21, s3  }
0x9d: {  	[timem:s7], [sflag:s22] =	dma.local [hbm:s5], s20  }
0x9e: {  	_ =	swait.ge [sflag:s22], s20  }
0x9f: {  	s4 =	ssub.s32 $0x0, s20;
	[sflag:s22] =	ssyncset.done $0x0  }
0xa0: {  	[sflag:s22] =	ssyncadd.s32 s4;
	_ =	sdelay $0x1  }
0xa1: {  	s23 =	simm.s32 $0x1B8B  }
0xa2: {  	_ =	swait.ge [sflag:s23], $0x1  }
0xa3: {  	[sflag:s23] =	ssyncset.done $0x0  }
0xa4: {  	s25 =	simm.s32 $0x1B8E;
	s24 =	sld [smem:$0x3FFE];
	[sflag:s23] =	ssyncadd.s32 $0xFFFFFFFF  }
0xa5: {  	s26 =	simm.s32 $execute0_lowered;
	[smem:$0x3FD2] =	sst s25  }
0xa6: {  	s5 =	sshll.u32 s26, $0x1;
	_ =	strace $0x8000004C;
	[dreg:$0x1] =	wrdreg $0xFFFFFFFF  }
0xa7: {  	s28 =	simm.s32 $_size_execute0_lowered;
	s3 =	sadd.s32 s3, s5;
	[dreg:$0x0] =	wrdreg $0x0  }
0xa8: {  	s5 =	sshll.u32 s28, $0x1;
	[dreg:$0x2] =	wrdreg s3  }
0xa9: {  	[dreg:$0x3] =	wrdreg s5  }
0xaa: {  	[dreg:$0x4] =	wrdreg $0xC0  }
0xab: {  	_ =	task [dreg:s7], $0x5FFFF  }
0xac: {  	[dreg:$0x1] =	wrdreg $0xFFFFFFFF  }
0xad: {  	[dreg:$0x0] =	wrdreg $0x60  }
0xae: {  	[dreg:$0x2] =	wrdreg s24  }
0xaf: {  	[dreg:$0x3] =	wrdreg s2  }
0xb0: {  	[dreg:$0x4] =	wrdreg $0xA4000  }
0xb1: {  	[dreg:$0x5] =	wrdreg $0x9  }
0xb2: {  	_ =	task.clear_ibuf [dreg:s7], $0x6FFFF;
	_ =	strace $0x9000004C  }
0xb3: {  	s29 =	simm.s32 $0x9;
	_ =	strace $0x8000004E  }
0xb4: {  	_ =	swait.ge [sflag:s29], $0x1  }
0xb5: {  	[sflag:s29] =	ssyncadd.s32 $0xFFFFFFFF  }
0xb6: {  	_ =	strace $0x9000004E  }
0xb7: {  	_ =	sfence  }
0xb8: {  	s30 =	sld [smem:$0x0];
	_ =	sdelay $0x2  }
0xb9: {  	s31 =	sshll.u32 s1, $0xD;
	s1 =	sshrl.u32 s1, $0x2  }
0xba: {  	s3 =	sand.u32 $0x4000, s31;
	s1 =	sadd.s32 s1, s30  }
0xbb: {  	s0 =	sor.u32 s3, s0;
	s1 =	sshll.u32 s1, $0x11  }
0xbc: {  	s0 =	sor.u32 s1, s0  }
0xbd: {  	s0 =	sadd.s32 $0x8F2B, s0  }
0xbe: {  	[sflag:s0] =	ssyncadd.remote.s32 $0x1  }
0xbf: {  	_ =	sfence.sel $0xFFFF  }
0xc0: {  	[dreg:$0x0] =	wrdreg $0xFFFFFFFF;
	(pc) =	sbr.abs _section_cstart, $3  }
0xc1: {  	[dreg:$0x1] =	wrdreg $0xFFFFFFFF  }
0xc2: {  	_ =	task.clear_ibuf [dreg:s7], $0x2FFFF;
	_ =	strace $0x9FFFFFFF  }
0xc3: {  	(tm) =	ssettm $0x7FFFFFFF  }
tec
execute0_lowered:
.L_overlay_start_1:
0x0: {  	(tag) =	ssettag $0x1  }
0x1: {  	s0 =	rddreg [dreg:$0x0]  }
0x2: {  	s11 =	rddreg [dreg:$0x1]  }
0x3: {  	s3 =	rddreg [dreg:$0x2];
	s10 =	stileid.u32  }
0x4: {  	s1 =	srdreg.scid;
	s4 =	simm.s32 $0x0;
	s2 =	smul.u32 $0x14000, s10  }
0x5: {  	s29 =	simm.s32 $0x200;
	s30 =	simm.s32 $0x80;
	s8 =	smul.u32 $0x50000, s10  }
0x6: {  	s28 =	simm.s32 $0x4;
	s1 =	sand.u32 $0x1, s1;
	s9 =	smul.u32 $0x2710, s10  }
0x7: {  	[smem:$0x7FF] =	sst s4;
	s5 =	sadd.s32 $0x1C00, s0;
	s6 =	smul.u32 $0x140000, s1  }
0x8: {  	s24 =	sshll.u32 s10, $0x6;
	s7 =	smul.u32 $0x27100, s1;
	s1 =	ssub.s32 $0x2, s1  }
0x9: {  	_ =	strace $0x8000004D;
	s21 =	sor.u32 $0x1C0D, s24;
	s22 =	sshrl.u32 s1, $0x1  }
0xa: {  	s8 =	sshrl.u32 s8, $0x2;
	[dreg:$0x6] =	wrdreg s21;
	s6 =	sadd.s32 s2, s6  }
0xb: {  	s1 =	ssub.s32 s1, s22;
	s23 =	sadd.s32 s8, s3;
	s2 =	sshrl.u32 s2, $0x3  }
0xc: {  	s6 =	sshrl.u32 s6, $0x3;
	[dreg:$0x4] =	wrdreg s23;
	s2 =	sadd.s32 s5, s2  }
0xd: {  	s1 =	smax.u32 s1, $0x1;
	s0 =	sadd.s32 s6, s0;
	[dreg:$0x5] =	wrdreg s2  }
0xe: {  	s6 =	sadd.s32 s9, s7;
	[dreg:$0xf] =	wrdreg s1;
	s2 =	simm.s32 $0x5  }
0xf: {  	s25 =	sshrl.u32 s6, $0x3;
	s12 =	sadd.s32 $0x230, s6;
	s0 =	sadd.s32 $0x29C00, s0  }
0x10: {  	s14 =	sadd.s32 $0x9C630, s6;
	s15 =	sadd.s32 $0x1E0, s6;
	s16 =	sadd.s32 $0x9C5E0, s6  }
0x11: {  	s20 =	sadd.s32 $0x190, s6;
	s22 =	sadd.s32 $0x9C590, s6;
	s23 =	sadd.s32 $0x9C540, s6  }
0x12: {  	s7 =	sadd.s32 s11, s25;
	[dreg:$0xe] =	wrdreg s0;
	s13 =	sshrl.u32 s12, $0x3  }
0x13: {  	s17 =	sshrl.u32 s15, $0x3;
	s18 =	sshrl.u32 s16, $0x3;
	s24 =	sshrl.u32 s22, $0x3  }
0x14: {  	s25 =	sshrl.u32 s23, $0x3;
	s22 =	simm.s32 $0xD;
	s12 =	simm.s32 $0x400  }
0x15: {  	s15 =	simm.s32 $0xB;
	s26 =	sadd.s32 $0x13880, s7;
	[dreg:$0x7] =	wrdreg s7  }
0x16: {  	s16 =	simm.s32 $0x5400;
	s31 =	sadd.s32 $0xA, s7;
	[dreg:$0x8] =	wrdreg s26  }
0x17: {  	s23 =	simm.s32 $0x0;
	s8 =	sadd.s32 $0x1388A, s7;
	[dreg:$0x9] =	wrdreg s31  }
0x18: {  	s9 =	sadd.s32 $0x14, s7;
	s10 =	sadd.s32 $0x13894, s7;
	[dreg:$0xa] =	wrdreg s8  }
0x19: {  	s0 =	sadd.s32 s13, s11;
	s19 =	sadd.s32 s18, s11;
	[dreg:$0xb] =	wrdreg s9  }
0x1a: {  	s25 =	sadd.s32 s25, s11;
	s13 =	simm.s32 $0xA;
	[dreg:$0xc] =	wrdreg s10  }
0x1b: {  	s18 =	simm.s32 $0x6;
	s8 =	sadd.s32 $0x1E, s7;
	[dreg:$0x10] =	wrdreg s0  }
0x1c: {  	s0 =	sshrl.u32 s14, $0x3;
	[dreg:$0x13] =	wrdreg s19;
	s26 =	sadd.s32 $0x140, s6  }
0x1d: {  	s31 =	sadd.s32 $0x1389E, s7;
	s6 =	simm.s32 $0x180;
	s7 =	simm.s32 $0x380  }
0x1e: {  	s10 =	simm.s32 $0x9;
	s14 =	simm.s32 $0x2C00;
	[dreg:$0xd] =	wrdreg s8  }
0x1f: {  	s9 =	simm.s32 $0x2;
	s19 =	simm.s32 $0x7;
	[dreg:$0x16] =	wrdreg s26  }
0x20: {  	s0 =	sadd.s32 s0, s11;
	[dreg:$0x17] =	wrdreg s31;
	s26 =	simm.s32 $0x7C00  }
.Ltmp0:
0x21: {  	[dreg:$0x11] =	wrdreg s0;
	s0 =	sadd.s32 s17, s11;
	(pc) =	sbr.rel .LBB2_1-.Ltmp0, $4  }
0x22: {  	s8 =	simm.s32 $0x3;
	[dreg:$0x12] =	wrdreg s0;
	s0 =	sshrl.u32 s20, $0x3  }
0x23: {  	s17 =	simm.s32 $0xC;
	s20 =	simm.s32 $0x8;
	s0 =	sadd.s32 s0, s11  }
0x24: {  	[dreg:$0x14] =	wrdreg s0;
	s0 =	sadd.s32 s24, s11;
	s11 =	simm.s32 $0x50  }
0x25: {  	s24 =	simm.s32 $0x1;
	[dreg:$0x15] =	wrdreg s0;
	s0 =	simm.s32 $0x100  }
.LBB2_9:
0x26: {  	_ =	swait.ge [sflag:s2], $0x2800  }
0x27: {  	[sflag:s2] =	ssyncset.done $0x0  }
0x28: {  	[sflag:s2] =	ssyncadd.s32 $0xFFFFD800  }
0x29: {  	_ =	swait.ge [sflag:s18], $0x2800  }
0x2a: {  	[sflag:s18] =	ssyncset.done $0x0  }
0x2b: {  	[sflag:s18] =	ssyncadd.s32 $0xFFFFD800  }
0x2c: {  	_ =	swait.ge [sflag:s19], $0x2800  }
0x2d: {  	[sflag:s19] =	ssyncset.done $0x0  }
0x2e: {  	[sflag:s19] =	ssyncadd.s32 $0xFFFFD800  }
0x2f: {  	_ =	swait.ge [sflag:s20], $0x2800  }
0x30: {  	[sflag:s20] =	ssyncset.done $0x0  }
0x31: {  	[sflag:s20] =	ssyncadd.s32 $0xFFFFD800  }
0x32: {  	[bflag:$0x0] =	sbarrier.arrive $0xFFFF  }
0x33: {  	s21 =	rddreg [dreg:$0x6]  }
0x34: {  	s1 =	rddreg [dreg:$0xe]  }
0x35: {  	s22 =	rddreg [dreg:$0x19]  }
0x36: {  	[hbm:s1], [sflag:s21] =	dma.local [spmem:s22], $0x2800  }
0x37: {  	s22 =	simm.s32 $0xD  }
0x38: {  	_ =	swait.ge [sflag:s22], $0x2800  }
0x39: {  	s23 =	rddreg [dreg:$0x18]  }
0x3a: {  	s31 =	rddreg [dreg:$0xf];
	s23 =	sadd.s32 $0x1, s23  }
0x3b: {  	p0 =	sne.s32 s23, s31  }
.Ltmp1:
0x3c: {  	_ = 	snop;
	(pc) =	sbr.rel @!p0 .LBB2_10-.Ltmp1, $3  }
0x3d: {  	_ =	sdelay $0x1  }
0x3e: {  	[sflag:s22] =	ssyncset.done $0x0  }
0x3f: {  	[sflag:s22] =	ssyncadd.s32 $0xFFFFD800  }
.LBB2_1:
0x40: {  	[dreg:$0x18] =	wrdreg s23  }
0x41: {  	s1 =	rddreg [dreg:$0x4]  }
0x42: {  	s31 =	rddreg [dreg:$0x5];
	s1 =	sshrl.u32 s1, $0x3  }
0x43: {  	[dreg:$0x19] =	wrdreg s1  }
0x44: {  	[spmem:s1], [sflag:s21] =	dma.local [hbm:s31], $0x2800  }
0x45: {  	_ =	swait.ge [sflag:s22], $0x2800  }
0x46: {  	[sflag:s22] =	ssyncset.done $0x0  }
0x47: {  	[sflag:s22] =	ssyncadd.s32 $0xFFFFD800  }
0x48: {  	[bflag:$0x0] =	sbarrier.arrive $0xFFFF  }
0x49: {  	s23 =	rddreg [dreg:$0x7]  }
0x4a: {  	[tilespmem:s4], [sflag:$0x9] =	stream.linear.gather [hbm4b:s23+s4], $0x50, $0x38;
	[tilespmem:$0x1E400] =	vst v63  }
0x4b: {  	s31 =	rddreg [dreg:$0x8]  }
0x4c: {  	[tilespmem:s29], [sflag:$0x9] =	stream.linear.gather [hbm4b:s31+s4], $0x50, $0x38;
	[tilespmem:$0x1E400] =	vst v63  }
0x4d: {  	s21 =	rddreg [dreg:$0x9]  }
0x4e: {  	[tilespmem:s30], [sflag:$0xA] =	stream.linear.gather [hbm4b:s21+s4], $0x50, $0x38;
	[tilespmem:$0x1E400] =	vst v63  }
0x4f: {  	s22 =	rddreg [dreg:$0xa];
	s23 =	simm.s32 $0x280  }
0x50: {  	[tilespmem:s23], [sflag:$0xA] =	stream.linear.gather [hbm4b:s22+s4], $0x50, $0x38;
	[tilespmem:$0x1E400] =	vst v63  }
0x51: {  	s31 =	rddreg [dreg:$0xb]  }
0x52: {  	[tilespmem:s0], [sflag:$0xB] =	stream.linear.gather [hbm4b:s31+s4], $0x50, $0x38;
	[tilespmem:$0x1E400] =	vst v63  }
0x53: {  	s21 =	rddreg [dreg:$0xc];
	s22 =	simm.s32 $0x300  }
0x54: {  	[tilespmem:s22], [sflag:$0xB] =	stream.linear.gather [hbm4b:s21+s4], $0x50, $0x38;
	[tilespmem:$0x1E400] =	vst v63  }
0x55: {  	s23 =	rddreg [dreg:$0xd]  }
0x56: {  	[tilespmem:s6], [sflag:$0xC] =	stream.linear.gather [hbm4b:s23+s4], $0x50, $0x38;
	[tilespmem:$0x1E400] =	vst v63  }
0x57: {  	s31 =	rddreg [dreg:$0x17]  }
0x58: {  	[tilespmem:s7], [sflag:$0xC] =	stream.linear.gather [hbm4b:s31+s4], $0x50, $0x38;
	[tilespmem:$0x1E400] =	vst v63  }
0x59: {  	_ =	swait.ge [sflag:s10], $0x50  }
0x5a: {  	[sflag:s10] =	ssyncset.done $0x0  }
0x5b: {  	[sflag:s10] =	ssyncadd.s32 $0xFFFFFFB0  }
0x5c: {  	_ =	swait.ge [sflag:s10], $0x50  }
0x5d: {  	[sflag:s10] =	ssyncset.done $0x0  }
0x5e: {  	[sflag:s10] =	ssyncadd.s32 $0xFFFFFFB0  }
0x5f: {  	[tilespmem:s12], [sflag:$0x1] =	stream.indirect.gather [hbm4b:s5+s11], $0x80, s4, s11, $0xb8;
	[tilespmem:$0x1E400] =	vst v63  }
0x60: {  	_ =	swait.ge [sflag:s13], $0x50  }
0x61: {  	[sflag:s13] =	ssyncset.done $0x0  }
0x62: {  	[sflag:s13] =	ssyncadd.s32 $0xFFFFFFB0  }
0x63: {  	_ =	swait.ge [sflag:s13], $0x50  }
0x64: {  	[sflag:s13] =	ssyncset.done $0x0  }
0x65: {  	[sflag:s13] =	ssyncadd.s32 $0xFFFFFFB0  }
0x66: {  	[tilespmem:s14], [sflag:$0x2] =	stream.indirect.gather [hbm4b:s5+s11], $0x80, s30, s11, $0xb8;
	[tilespmem:$0x1E400] =	vst v63  }
0x67: {  	_ =	swait.ge [sflag:s15], $0x50  }
0x68: {  	[sflag:s15] =	ssyncset.done $0x0  }
0x69: {  	[sflag:s15] =	ssyncadd.s32 $0xFFFFFFB0  }
0x6a: {  	_ =	swait.ge [sflag:s15], $0x50  }
0x6b: {  	[sflag:s15] =	ssyncset.done $0x0  }
0x6c: {  	[sflag:s15] =	ssyncadd.s32 $0xFFFFFFB0  }
0x6d: {  	[tilespmem:s16], [sflag:$0x3] =	stream.indirect.gather [hbm4b:s5+s11], $0x80, s0, s11, $0xb8;
	[tilespmem:$0x1E400] =	vst v63  }
0x6e: {  	_ =	swait.ge [sflag:s17], $0x50  }
0x6f: {  	[sflag:s17] =	ssyncset.done $0x0  }
.Ltmp2:
0x70: {  	[sflag:s17] =	ssyncadd.s32 $0xFFFFFFB0;
	(pc) =	sbr.rel .LBB2_2-.Ltmp2, $4  }
0x71: {  	_ =	swait.ge [sflag:s17], $0x50  }
0x72: {  	s22 =	simm.s32 $0x0;
	[sflag:s17] =	ssyncset.done $0x0  }
0x73: {  	s23 =	simm.s32 $0x0;
	s21 =	rddreg [dreg:$0x16];
	[sflag:s17] =	ssyncadd.s32 $0xFFFFFFB0  }
0x74: {  	[tilespmem:s26], [sflag:$0x4] =	stream.indirect.gather [hbm4b:s5+s11], $0x80, s6, s11, $0xb8;
	[tilespmem:$0x1E400] =	vst v63  }
.LBB2_7:
0x75: {  	_ =	swait.ge [sflag:s10], $0x50  }
0x76: {  	[sflag:s10] =	ssyncset.done $0x0  }
0x77: {  	[sflag:s10] =	ssyncadd.s32 $0xFFFFFFB0  }
0x78: {  	_ =	swait.ge [sflag:s10], $0x50  }
0x79: {  	[sflag:s10] =	ssyncset.done $0x0  }
0x7a: {  	[sflag:s10] =	ssyncadd.s32 $0xFFFFFFB0  }
0x7b: {  	[tilespmem:s12], [sflag:$0x1] =	stream.indirect.gather [hbm4b:s5+s11], $0x80, s4, s11, $0xb8;
	[tilespmem:$0x1E400] =	vst v63  }
.LBB2_8:
0x7c: {  	s22 =	sadd.s32 $0x28, s22  }
0x7d: {  	p0 =	sne.s32 s22, $0x500  }
.Ltmp3:
0x7e: {  	_ = 	snop;
	(pc) =	sbr.rel @!p0 .LBB2_9-.Ltmp3, $2  }
0x7f: {  	_ =	sdelay $0x2  }
0x80: {  	s23 =	sadd.s32 $0x1, s23;
	s21 =	sadd.s32 $0x140, s21  }
.LBB2_2:
0x81: {  	p0 =	sgt.u32 s23, $0x1E  }
.Ltmp4:
0x82: {  	_ = 	snop;
	(pc) =	sbr.rel @p0 .LBB2_4-.Ltmp4, $4  }
0x83: {  	_ =	swait.ge [sflag:s24], $0x2800  }
0x84: {  	[sflag:s24] =	ssyncset.done $0x0  }
0x85: {  	[sflag:s24] =	ssyncadd.s32 $0xFFFFD800  }
0x86: {  	[spmem:s3] =	stream.indirect.scatter.add.f32 [tilespmem:s12], [sflag:$0x5], $0x80, s29, s11, $0xb8;
	[tilespmem:$0x1E400] =	vst v63  }
0x87: {  	_ =	swait.ge [sflag:s9], $0x2800  }
0x88: {  	[sflag:s9] =	ssyncset.done $0x0  }
0x89: {  	s1 =	simm.s32 $0x280;
	[sflag:s9] =	ssyncadd.s32 $0xFFFFD800  }
0x8a: {  	[spmem:s3] =	stream.indirect.scatter.add.f32 [tilespmem:s14], [sflag:$0x6], $0x80, s1, s11, $0xb8;
	[tilespmem:$0x1E400] =	vst v63  }
0x8b: {  	_ =	swait.ge [sflag:s8], $0x2800  }
0x8c: {  	[sflag:s8] =	ssyncset.done $0x0  }
0x8d: {  	s31 =	simm.s32 $0x300;
	[sflag:s8] =	ssyncadd.s32 $0xFFFFD800  }
0x8e: {  	[spmem:s3] =	stream.indirect.scatter.add.f32 [tilespmem:s16], [sflag:$0x7], $0x80, s31, s11, $0xb8;
	[tilespmem:$0x1E400] =	vst v63  }
.Ltmp5:
0x8f: {  	_ = 	snop;
	(pc) =	sbr.rel .LBB2_5-.Ltmp5, $4  }
0x90: {  	_ =	swait.ge [sflag:s28], $0x2800  }
0x91: {  	[sflag:s28] =	ssyncset.done $0x0  }
0x92: {  	[sflag:s28] =	ssyncadd.s32 $0xFFFFD800  }
0x93: {  	[spmem:s3] =	stream.indirect.scatter.add.f32 [tilespmem:s26], [sflag:$0x8], $0x80, s7, s11, $0xb8;
	[tilespmem:$0x1E400] =	vst v63  }
.LBB2_4:
0x94: {  	p0 =	seq.s32 s22, $0x4D8  }
.Ltmp6:
0x95: {  	_ = 	snop;
	(pc) =	sbr.rel @p0 .LBB2_9-.Ltmp6, $1  }
0x96: {  	_ =	sdelay $0x3  }
.LBB2_5:
0x97: {  	_ =	swait.ge [sflag:s2], $0x2800  }
0x98: {  	[sflag:s2] =	ssyncset.done $0x0  }
0x99: {  	p0 =	sgt.u32 s23, $0x1D;
	[sflag:s2] =	ssyncadd.s32 $0xFFFFD800  }
.Ltmp7:
0x9a: {  	s31 =	sshrl.u32 s21, $0x3;
	s1 =	rddreg [dreg:$0x1];
	(pc) =	sbr.rel @p0 .LBB2_7-.Ltmp7, $4  }
0x9b: {  	s31 =	sadd.s32 s1, s31  }
0x9c: {  	[tilespmem:s4], [sflag:$0x9] =	stream.linear.gather [hbm4b:s31+s4], $0x50, $0x38;
	[tilespmem:$0x1E400] =	vst v63  }
0x9d: {  	s1 =	sadd.s32 s22, s25  }
0x9e: {  	[tilespmem:s29], [sflag:$0x9] =	stream.linear.gather [hbm4b:s1+s4], $0x50, $0x38;
	[tilespmem:$0x1E400] =	vst v63  }
0x9f: {  	_ =	swait.ge [sflag:s18], $0x2800  }
0xa0: {  	[sflag:s18] =	ssyncset.done $0x0;
	s1 =	rddreg [dreg:$0x14]  }
0xa1: {  	[sflag:s18] =	ssyncadd.s32 $0xFFFFD800;
	s31 =	sadd.s32 s22, s1  }
0xa2: {  	[tilespmem:s30], [sflag:$0xA] =	stream.linear.gather [hbm4b:s31+s4], $0x50, $0x38;
	[tilespmem:$0x1E400] =	vst v63  }
0xa3: {  	s31 =	rddreg [dreg:$0x15]  }
0xa4: {  	s1 =	simm.s32 $0x280;
	s31 =	sadd.s32 s22, s31  }
0xa5: {  	[tilespmem:s1], [sflag:$0xA] =	stream.linear.gather [hbm4b:s31+s4], $0x50, $0x38;
	[tilespmem:$0x1E400] =	vst v63  }
0xa6: {  	_ =	swait.ge [sflag:s19], $0x2800  }
0xa7: {  	[sflag:s19] =	ssyncset.done $0x0;
	s31 =	rddreg [dreg:$0x12]  }
0xa8: {  	[sflag:s19] =	ssyncadd.s32 $0xFFFFD800;
	s1 =	sadd.s32 s22, s31;
	s31 =	rddreg [dreg:$0x13]  }
0xa9: {  	[tilespmem:s0], [sflag:$0xB] =	stream.linear.gather [hbm4b:s1+s4], $0x50, $0x38;
	[tilespmem:$0x1E400] =	vst v63  }
0xaa: {  	s31 =	sadd.s32 s22, s31;
	s1 =	simm.s32 $0x300  }
0xab: {  	[tilespmem:s1], [sflag:$0xB] =	stream.linear.gather [hbm4b:s31+s4], $0x50, $0x38;
	[tilespmem:$0x1E400] =	vst v63  }
0xac: {  	_ =	swait.ge [sflag:s20], $0x2800  }
0xad: {  	[sflag:s20] =	ssyncset.done $0x0;
	s31 =	rddreg [dreg:$0x10]  }
0xae: {  	[sflag:s20] =	ssyncadd.s32 $0xFFFFD800;
	s1 =	sadd.s32 s22, s31;
	s31 =	rddreg [dreg:$0x11]  }
0xaf: {  	[tilespmem:s6], [sflag:$0xC] =	stream.linear.gather [hbm4b:s1+s4], $0x50, $0x38;
	[tilespmem:$0x1E400] =	vst v63  }
0xb0: {  	s1 =	sadd.s32 s22, s31  }
0xb1: {  	[tilespmem:s7], [sflag:$0xC] =	stream.linear.gather [hbm4b:s1+s4], $0x50, $0x38;
	[tilespmem:$0x1E400] =	vst v63  }
0xb2: {  	_ =	swait.ge [sflag:s10], $0x50  }
0xb3: {  	[sflag:s10] =	ssyncset.done $0x0  }
0xb4: {  	[sflag:s10] =	ssyncadd.s32 $0xFFFFFFB0  }
0xb5: {  	_ =	swait.ge [sflag:s10], $0x50  }
0xb6: {  	[sflag:s10] =	ssyncset.done $0x0  }
0xb7: {  	[sflag:s10] =	ssyncadd.s32 $0xFFFFFFB0  }
0xb8: {  	[tilespmem:s12], [sflag:$0x1] =	stream.indirect.gather [hbm4b:s5+s11], $0x80, s4, s11, $0xb8;
	[tilespmem:$0x1E400] =	vst v63  }
0xb9: {  	_ =	swait.ge [sflag:s13], $0x50  }
0xba: {  	[sflag:s13] =	ssyncset.done $0x0  }
0xbb: {  	[sflag:s13] =	ssyncadd.s32 $0xFFFFFFB0  }
0xbc: {  	_ =	swait.ge [sflag:s13], $0x50  }
0xbd: {  	[sflag:s13] =	ssyncset.done $0x0  }
0xbe: {  	[sflag:s13] =	ssyncadd.s32 $0xFFFFFFB0  }
0xbf: {  	[tilespmem:s14], [sflag:$0x2] =	stream.indirect.gather [hbm4b:s5+s11], $0x80, s30, s11, $0xb8;
	[tilespmem:$0x1E400] =	vst v63  }
0xc0: {  	_ =	swait.ge [sflag:s15], $0x50  }
0xc1: {  	[sflag:s15] =	ssyncset.done $0x0  }
0xc2: {  	[sflag:s15] =	ssyncadd.s32 $0xFFFFFFB0  }
0xc3: {  	_ =	swait.ge [sflag:s15], $0x50  }
0xc4: {  	[sflag:s15] =	ssyncset.done $0x0  }
0xc5: {  	[sflag:s15] =	ssyncadd.s32 $0xFFFFFFB0  }
0xc6: {  	[tilespmem:s16], [sflag:$0x3] =	stream.indirect.gather [hbm4b:s5+s11], $0x80, s0, s11, $0xb8;
	[tilespmem:$0x1E400] =	vst v63  }
0xc7: {  	_ =	swait.ge [sflag:s17], $0x50  }
0xc8: {  	[sflag:s17] =	ssyncset.done $0x0  }
.Ltmp8:
0xc9: {  	[sflag:s17] =	ssyncadd.s32 $0xFFFFFFB0;
	(pc) =	sbr.rel .LBB2_8-.Ltmp8, $4  }
0xca: {  	_ =	swait.ge [sflag:s17], $0x50  }
0xcb: {  	[sflag:s17] =	ssyncset.done $0x0  }
0xcc: {  	[sflag:s17] =	ssyncadd.s32 $0xFFFFFFB0  }
0xcd: {  	[tilespmem:s26], [sflag:$0x4] =	stream.indirect.gather [hbm4b:s5+s11], $0x80, s6, s11, $0xb8;
	[tilespmem:$0x1E400] =	vst v63  }
.LBB2_10:
0xce: {  	_ =	sfence.sel $0x180000  }
0xcf: {  	[bflag:$0x0] =	sbarrier.arrive $0xFFFF  }
0xd0: {  	_ =	strace $0x9000004D  }
0xd1: {  	s0 =	stileid.u32;
	[bflag:$0x2] =	sbarrier.arrive $0xFFFF  }
0xd2: {  	p0 =	sne.s32 s0, $0x0;
	s0 =	rddreg [dreg:$0x3]  }
0xd3: {  	s0 =	sadd.s32 @!p0 $0x100000, s0  }
0xd4: {  	[sflag:s0] =	ssyncadd.tile.s32 @!p0 $0x1;
	_ =	shalt  }
.Lfunc_end2:
_tile_overlayer_lowered:
.L_overlay_start_2:
0xd5: {  	(tag) =	ssettag $0x2  }
0xd6: {  	s0 =	rddreg [dreg:$0x0];
	s2 =	stileid.u32  }
0xd7: {  	s1 =	rddreg [dreg:$0x1];
	p0 =	sne.s32 s2, $0x0  }
0xd8: {  	s3 =	rddreg [dreg:$0x2];
	[bflag:$0x3] =	sbarrier.arrive $0xFFFF;
	s2 =	simm.s32 @!p0 $0x1C0D  }
0xd9: {  	[timem:s3], [sflag:s2] =	dma.local @!p0 [hbm:s0], s1  }
0xda: {  	s0 =	simm.s32 @!p0 $0xD  }
0xdb: {  	_ =	swait.ge @!p0 [sflag:s0], s1  }
0xdc: {  	s1 =	ssub.s32 @!p0 $0x0, s1;
	[sflag:s0] =	ssyncset.done @!p0 $0x0  }
0xdd: {  	[sflag:s0] =	ssyncadd.s32 @!p0 s1  }
0xde: {  	[bflag:$0x3] =	sbarrier.arrive $0xFFFF  }
0xdf: {  	_ =	shalt  }

// kernel: kernel.8.cloned.1.call-start
scs
__scs_entry_jumppad:
0x0: {  	(pc) =	sbr.rel $0x88, $3  }
0x1: {  	(tag) =	ssettag $0x0;
	lr =	simm.s32 $0x1  }
0x2: {  	[smem:$0x3F9B] =	sst lr;
	_ =	strace $0xD0000000  }
0x3: {  	_ = 	snop  }
0x4: {  	_ = 	snop  }
0x5: {  	_ = 	snop  }
0x6: {  	_ = 	snop  }
0x7: {  	_ = 	snop  }
__scs_overlays_trampoline_lowered:
0x8: {  	[smem:$0x3FAA] =	sst s0  }
0x9: {  	[smem:$0x3FAB] =	sst s1  }
0xa: {  	[smem:$0x3FAC] =	sst s2  }
0xb: {  	[smem:$0x3FAD] =	sst s3  }
0xc: {  	[smem:$0x3FAE] =	sst s4  }
0xd: {  	[smem:$0x3FAF] =	sst s5  }
0xe: {  	[smem:$0x3FB0] =	sst s6  }
0xf: {  	[smem:$0x3FB1] =	sst s7  }
0x10: {  	[smem:$0x3FB2] =	sst s8  }
0x11: {  	[smem:$0x3FB3] =	sst s9;
	s0 =	simm.s32 @!p0 $0x0  }
0x12: {  	s1 =	sld [smem:$0x3F99];
	s0 =	simm.s32 @p0 $0x1  }
0x13: {  	[smem:$0x3FB4] =	sst s0;
	s0 =	simm.s32 @!p1 $0x0  }
0x14: {  	s2 =	sld [smem:$0x3F98];
	s0 =	simm.s32 @p1 $0x1  }
0x15: {  	[smem:$0x3FB5] =	sst s0;
	s0 =	simm.s32 @!p2 $0x0  }
0x16: {  	s3 =	sld [smem:$0x3FDB];
	s0 =	simm.s32 @p2 $0x1  }
0x17: {  	s4 =	simm.s32 $0x1BF5;
	[smem:$0x3FB7] =	sst s0  }
0x18: {  	s0 =	sld [smem:$0x3F9A];
	_ =	swait.ge [sflag:s4], $0x0  }
0x19: {  	s7 =	sld [smem:$0x3F9B]  }
0x1a: {  	s8 =	sadd.s32 $0xFFFFE003, lr  }
0x1b: {  	s9 =	sadd.s32 $0xFFFFFEF7, lr;
	s5 =	simm.s32 $0xFFFFFFFF;
	p2 =	slt.u32 s8, $0xFFFFF086  }
0x1c: {  	p1 =	slt.u32 s9, $0xF7A;
	s5 =	simm.s32 @!p2 $0x0  }
0x1d: {  	s5 =	simm.s32 @p1 $0x1;
	p0 =	seq.s32 s7, s2  }
0x1e: {  	s7 =	smul.u32 @!p0 $0xF7A, s2;
	p2 =	seq.s32 @!p0 s5, $0x0  }
0x1f: {  	s9 =	smul.u32 $0xF7A, s1;
	s8 =	simm.s32 @!p0 $0x1BF5;
	p2 =	por !p2, p0  }
0x20: {  	[sflag:s8] =	ssyncset.s32 @!p0 $0xFFFFF086;
	s6 =	sadd.s32 @!p0 s3, s7;
	s7 =	simm.s32 @!p0 $0x108  }
0x21: {  	s3 =	sadd.s32 s3, s9;
	s6 =	sadd.s32 @!p0 $0x88, s6;
	s7 =	simm.s32 @p2 $0x1082  }
0x22: {  	[simem:s7], [sflag:s8] =	dma.local @!p0 [hbm:s6], $0xF7A  }
0x23: {  	s9 =	sor.u32 $0xD0000000, s2;
	s6 =	simm.s32 $0x108;
	_ =	swait.ge @!p0 [sflag:s8], $0x0  }
0x24: {  	s3 =	sadd.s32 $0x88, s3;
	s6 =	simm.s32 @!p1 $0x1082;
	[sflag:s4] =	ssyncset.s32 $0xFFFFF086  }
0x25: {  	[simem:s6], [sflag:s4] =	dma.local [hbm:s3], $0xF7A  }
0x26: {  	[smem:$0x3F9B] =	sst s1;
	(tag) =	ssettag s2;
	_ =	strace s9  }
0x27: {  	s1 =	sld [smem:$0x3FAB]  }
0x28: {  	s2 =	sld [smem:$0x3FAC]  }
0x29: {  	s4 =	sld [smem:$0x3FAE]  }
0x2a: {  	p0 =	seq.s32 s5, $0x0;
	s5 =	sld [smem:$0x3FAF]  }
0x2b: {  	s6 =	sld [smem:$0x3FB0]  }
0x2c: {  	s7 =	sld [smem:$0x3FB1]  }
0x2d: {  	s3 =	simm.s32 $0x108;
	s8 =	sld [smem:$0x3FB2]  }
0x2e: {  	s3 =	simm.s32 @!p0 $0x1082;
	s9 =	sld [smem:$0x3FB3]  }
0x2f: {  	lr =	sadd.s32 s0, s3;
	s0 =	sld [smem:$0x3FAA]  }
0x30: {  	s3 =	sld [smem:$0x3FAD]  }
0x31: {  	[smem:$0x3FB6] =	sst s10  }
0x32: {  	s10 =	sld [smem:$0x3FB4];
	_ =	sdelay $0x3  }
0x33: {  	p0 =	seq.s32 s10, $0x1;
	s10 =	sld [smem:$0x3FB6];
	_ =	sdelay $0x3  }
0x34: {  	[smem:$0x3FB6] =	sst s10  }
0x35: {  	s10 =	sld [smem:$0x3FB5];
	_ =	sdelay $0x3  }
0x36: {  	p1 =	seq.s32 s10, $0x1;
	s10 =	sld [smem:$0x3FB6];
	_ =	sdelay $0x3  }
0x37: {  	[smem:$0x3FB6] =	sst s10  }
0x38: {  	s10 =	sld [smem:$0x3FB7]  }
0x39: {  	_ = 	snop;
	(pc) =	sbr.ind lr, $3  }
0x3a: {  	_ = 	snop  }
0x3b: {  	_ = 	snop  }
0x3c: {  	p2 =	seq.s32 s10, $0x1;
	s10 =	sld [smem:$0x3FB6]  }
0x3d: {  	_ =	shalt  }
0x3e: {  	_ =	shalt  }
0x3f: {  	_ =	shalt  }
0x40: {  	_ =	shalt  }
0x41: {  	_ =	shalt  }
0x42: {  	_ =	shalt  }
0x43: {  	_ =	shalt  }
0x44: {  	_ =	shalt  }
0x45: {  	_ =	shalt  }
0x46: {  	_ =	shalt  }
0x47: {  	_ =	shalt  }
0x48: {  	_ =	shalt  }
0x49: {  	_ =	shalt  }
0x4a: {  	_ =	shalt  }
0x4b: {  	_ =	shalt  }
0x4c: {  	_ =	shalt  }
0x4d: {  	_ =	shalt  }
0x4e: {  	_ =	shalt  }
0x4f: {  	_ =	shalt  }
0x50: {  	_ =	shalt  }
0x51: {  	_ =	shalt  }
0x52: {  	_ =	shalt  }
0x53: {  	_ =	shalt  }
0x54: {  	_ =	shalt  }
0x55: {  	_ =	shalt  }
0x56: {  	_ =	shalt  }
0x57: {  	_ =	shalt  }
0x58: {  	_ =	shalt  }
0x59: {  	_ =	shalt  }
0x5a: {  	_ =	shalt  }
0x5b: {  	_ =	shalt  }
0x5c: {  	_ =	shalt  }
0x5d: {  	_ =	shalt  }
0x5e: {  	_ =	shalt  }
0x5f: {  	_ =	shalt  }
0x60: {  	_ =	shalt  }
0x61: {  	_ =	shalt  }
0x62: {  	_ =	shalt  }
0x63: {  	_ =	shalt  }
0x64: {  	_ =	shalt  }
0x65: {  	_ =	shalt  }
0x66: {  	_ =	shalt  }
0x67: {  	_ =	shalt  }
0x68: {  	_ =	shalt  }
0x69: {  	_ =	shalt  }
0x6a: {  	_ =	shalt  }
0x6b: {  	_ =	shalt  }
0x6c: {  	_ =	shalt  }
0x6d: {  	_ =	shalt  }
0x6e: {  	_ =	shalt  }
0x6f: {  	_ =	shalt  }
0x70: {  	_ =	shalt  }
0x71: {  	_ =	shalt  }
0x72: {  	_ =	shalt  }
0x73: {  	_ =	shalt  }
0x74: {  	_ =	shalt  }
0x75: {  	_ =	shalt  }
0x76: {  	_ =	shalt  }
0x77: {  	_ =	shalt  }
0x78: {  	_ =	shalt  }
0x79: {  	_ =	shalt  }
0x7a: {  	_ =	shalt  }
0x7b: {  	_ =	shalt  }
0x7c: {  	_ =	shalt  }
0x7d: {  	_ =	shalt  }
0x7e: {  	_ =	shalt  }
0x7f: {  	_ =	shalt  }
0x80: {  	_ =	shalt  }
0x81: {  	_ =	shalt  }
0x82: {  	_ =	shalt  }
0x83: {  	_ =	shalt  }
0x84: {  	_ =	shalt  }
0x85: {  	_ =	shalt  }
0x86: {  	_ =	shalt  }
0x87: {  	_ =	shalt  }
.Lfunc_end0:
.L_simem_size_0:
called_computation_lowered:
.L_overlay_start_0:
0x88: {  	s2 =	sld [smem:$0x3FD9]  }
0x89: {  	s3 =	sld [smem:$0x3FFE];
	_ =	sdelay $0x1  }
0x8a: {  	s1 =	srdreg.scid  }
0x8b: {  	s0 =	sand.u32 $0x1, s1  }
0x8c: {  	s17 =	sshll.u32 s0, $0xA;
	s2 =	sadd.s32 s3, s2  }
0x8d: {  	s2 =	sadd.s32 s2, s17  }
0x8e: {  	[smem:$0x3FC2] =	sst s2  }
0x8f: {  	_ = 	snop  }
0x90: {  	s2 =	sld [smem:$0x3FD0];
	(tm) =	ssettm $0x1  }
0x91: {  	s18 =	sld [smem:$0x3FFB];
	_ =	sdelay $0x3  }
0x92: {  	_ =	strace s18  }
0x93: {  	s3 =	sld [smem:$0x3FFC];
	_ =	sdelay $0x3  }
0x94: {  	_ =	strace s3  }
0x95: {  	s3 =	sld [smem:$0x3FFD];
	_ =	sdelay $0x3  }
0x96: {  	_ =	strace s3  }
0x97: {  	_ =	strace $0x8FFFFFFF  }
0x98: {  	s19 =	sld [smem:$0x3FDB];
	_ =	sdelay $0x1  }
0x99: {  	s4 =	simm.s32 $_scs_section_size  }
0x9a: {  	s5 =	simm.s32 $_size__tile_overlayer_lowered;
	s6 =	simm.s32 $_tile_overlayer_lowered  }
0x9b: {  	s22 =	simm.s32 $0x1BFF;
	s21 =	sshll.u32 s6, $0x1;
	s3 =	sadd.s32 s4, s19  }
0x9c: {  	s7 =	simm.s32 $0x0;
	s20 =	sshll.u32 s5, $0x1;
	s5 =	sadd.s32 s21, s3  }
0x9d: {  	[timem:s7], [sflag:s22] =	dma.local [hbm:s5], s20  }
0x9e: {  	_ =	swait.ge [sflag:s22], s20  }
0x9f: {  	s4 =	ssub.s32 $0x0, s20;
	[sflag:s22] =	ssyncset.done $0x0  }
0xa0: {  	[sflag:s22] =	ssyncadd.s32 s4;
	_ =	sdelay $0x1  }
0xa1: {  	s23 =	simm.s32 $0x1B8B  }
0xa2: {  	_ =	swait.ge [sflag:s23], $0x1  }
0xa3: {  	[sflag:s23] =	ssyncset.done $0x0  }
0xa4: {  	s25 =	simm.s32 $0x1B8E;
	s24 =	sld [smem:$0x3FFE];
	[sflag:s23] =	ssyncadd.s32 $0xFFFFFFFF  }
0xa5: {  	s26 =	simm.s32 $execute0_lowered;
	[smem:$0x3FD2] =	sst s25  }
0xa6: {  	s5 =	sshll.u32 s26, $0x1;
	_ =	strace $0x80000046;
	[dreg:$0x1] =	wrdreg $0xFFFFFFFF  }
0xa7: {  	s28 =	simm.s32 $_size_execute0_lowered;
	s3 =	sadd.s32 s3, s5;
	[dreg:$0x0] =	wrdreg $0x0  }
0xa8: {  	s5 =	sshll.u32 s28, $0x1;
	[dreg:$0x2] =	wrdreg s3  }
0xa9: {  	[dreg:$0x3] =	wrdreg s5  }
0xaa: {  	[dreg:$0x4] =	wrdreg $0xC0  }
0xab: {  	_ =	task [dreg:s7], $0x5FFFF  }
0xac: {  	[dreg:$0x1] =	wrdreg $0xFFFFFFFF  }
0xad: {  	[dreg:$0x0] =	wrdreg $0x60  }
0xae: {  	[dreg:$0x2] =	wrdreg s2  }
0xaf: {  	[dreg:$0x3] =	wrdreg s24  }
0xb0: {  	[dreg:$0x4] =	wrdreg $0x2A000  }
0xb1: {  	[dreg:$0x5] =	wrdreg $0x9  }
0xb2: {  	_ =	task.clear_ibuf [dreg:s7], $0x6FFFF;
	_ =	strace $0x90000046  }
0xb3: {  	s29 =	simm.s32 $0x9;
	_ =	strace $0x80000048  }
0xb4: {  	_ =	swait.ge [sflag:s29], $0x1  }
0xb5: {  	[sflag:s29] =	ssyncadd.s32 $0xFFFFFFFF  }
0xb6: {  	_ =	strace $0x90000048  }
0xb7: {  	_ =	sfence  }
0xb8: {  	s30 =	sld [smem:$0x0];
	_ =	sdelay $0x2  }
0xb9: {  	s31 =	sshll.u32 s1, $0xD;
	s1 =	sshrl.u32 s1, $0x2  }
0xba: {  	s3 =	sand.u32 $0x4000, s31;
	s1 =	sadd.s32 s1, s30  }
0xbb: {  	s0 =	sor.u32 s3, s0;
	s1 =	sshll.u32 s1, $0x11  }
0xbc: {  	s0 =	sor.u32 s1, s0  }
0xbd: {  	s0 =	sadd.s32 $0x8F2B, s0  }
0xbe: {  	[sflag:s0] =	ssyncadd.remote.s32 $0x1  }
0xbf: {  	_ =	sfence.sel $0xFFFF  }
0xc0: {  	[dreg:$0x0] =	wrdreg $0xFFFFFFFF;
	(pc) =	sbr.abs _section_cstart, $3  }
0xc1: {  	[dreg:$0x1] =	wrdreg $0xFFFFFFFF  }
0xc2: {  	_ =	task.clear_ibuf [dreg:s7], $0x2FFFF;
	_ =	strace $0x9FFFFFFF  }
0xc3: {  	(tm) =	ssettm $0x7FFFFFFF  }
tec
execute0_lowered:
.L_overlay_start_1:
0x0: {  	(tag) =	ssettag $0x1  }
0x1: {  	s0 =	rddreg [dreg:$0x0]  }
0x2: {  	s1 =	rddreg [dreg:$0x1]  }
0x3: {  	s2 =	rddreg [dreg:$0x2];
	s19 =	stileid.u32  }
0x4: {  	s3 =	simm.s32 $0x0;
	s5 =	srdreg.scid;
	s28 =	simm.s32 $0x7  }
0x5: {  	s29 =	simm.s32 $0x8;
	s30 =	simm.s32 $0x1;
	s31 =	simm.s32 $0x2  }
0x6: {  	s4 =	smul.u32 $0x14000, s19;
	[smem:$0x7FF] =	sst s3;
	s5 =	sand.u32 $0x1, s5  }
0x7: {  	s8 =	sadd.s32 $0x1C00, s1;
	s15 =	sshll.u32 s19, $0x1;
	s16 =	smul.u32 $0x50000, s19  }
0x8: {  	s10 =	smul.u32 $0x4E20, s19;
	s26 =	sshll.u32 s19, $0x6;
	_ =	strace $0x80000047  }
0x9: {  	s7 =	smul.u32 $0x140000, s5;
	[dreg:$0x4] =	wrdreg s8;
	s8 =	sor.u32 s5, s15  }
0xa: {  	s9 =	ssub.s32 $0x2, s5;
	s5 =	smul.u32 $0x2710, s5;
	s19 =	sor.u32 $0x1C09, s26  }
0xb: {  	s26 =	simm.s32 $0x6;
	s6 =	sshrl.u32 s4, $0x3;
	s8 =	smul.u32 $0x2710, s8  }
0xc: {  	s17 =	sshrl.u32 s9, $0x1;
	s6 =	sadd.s32 s6, s1;
	s4 =	sadd.s32 s4, s7  }
0xd: {  	s7 =	sshrl.u32 s16, $0x2;
	s5 =	sadd.s32 s5, s10;
	s4 =	sshrl.u32 s4, $0x3  }
0xe: {  	s8 =	sshrl.u32 s8, $0x3;
	s20 =	sadd.s32 s7, s2;
	s6 =	sadd.s32 $0x2200, s6  }
0xf: {  	s22 =	sadd.s32 $0x9C630, s5;
	s24 =	sadd.s32 $0x9C5E0, s5;
	s25 =	sadd.s32 $0x9C590, s5  }
0x10: {  	s5 =	sadd.s32 $0x9C540, s5;
	s1 =	sadd.s32 s4, s1;
	s4 =	ssub.s32 s9, s17  }
0x11: {  	s12 =	sadd.s32 s0, s8;
	[dreg:$0x5] =	wrdreg s6;
	s23 =	sshrl.u32 s22, $0x3  }
0x12: {  	s5 =	sshrl.u32 s5, $0x3;
	s17 =	simm.s32 $0x200;
	s20 =	sshrl.u32 s20, $0x3  }
0x13: {  	s22 =	simm.s32 $0x100;
	s18 =	sadd.s32 $0x13880, s12;
	s21 =	sadd.s32 $0x1388A, s12  }
0x14: {  	s8 =	sadd.s32 $0x13894, s12;
	s9 =	sadd.s32 $0x1389E, s12;
	s10 =	sadd.s32 $0x2A200, s1  }
0x15: {  	s11 =	smax.u32 s4, $0x1;
	s12 =	sadd.s32 $0x13D58, s12;
	s13 =	sadd.s32 s23, s0  }
0x16: {  	s1 =	sshrl.u32 s24, $0x3;
	s4 =	sshrl.u32 s25, $0x3;
	s16 =	sadd.s32 s5, s0  }
0x17: {  	s23 =	simm.s32 $0x180;
	s24 =	simm.s32 $0x5;
	[dreg:$0x6] =	wrdreg s18  }
0x18: {  	s25 =	simm.s32 $0x50;
	[dreg:$0x7] =	wrdreg s21;
	s14 =	sadd.s32 s1, s0  }
0x19: {  	s15 =	sadd.s32 s4, s0;
	s18 =	simm.s32 $0x9;
	s21 =	simm.s32 $0x80  }
0x1a: {  	s0 =	simm.s32 $0x3;
	s1 =	simm.s32 $0x4;
	s4 =	simm.s32 $0x0  }
.LBB2_1:
0x1b: {  	s5 =	rddreg [dreg:$0x4]  }
0x1c: {  	[tilespmem:s17], [sflag:$0x9] =	stream.linear.gather [hbm4b:s5+s3], $0x2800, $0x38;
	[tilespmem:$0x16A00] =	vst v63  }
0x1d: {  	_ =	swait.ge [sflag:s18], $0x2800  }
0x1e: {  	[sflag:s18] =	ssyncset.done $0x0  }
0x1f: {  	s6 =	rddreg [dreg:$0x5];
	[sflag:s18] =	ssyncadd.s32 $0xFFFFD800  }
0x20: {  	[spmem:s20], [sflag:s19] =	dma.local [hbm:s6], $0x2800  }
0x21: {  	_ =	swait.ge [sflag:s18], $0x2800  }
0x22: {  	[sflag:s18] =	ssyncset.done $0x0  }
0x23: {  	[sflag:s18] =	ssyncadd.s32 $0xFFFFD800  }
0x24: {  	[bflag:$0x0] =	sbarrier.arrive $0xFFFF  }
0x25: {  	s7 =	rddreg [dreg:$0x6]  }
0x26: {  	[tilespmem:s3], [sflag:$0x5] =	stream.linear.gather [hbm4b:s7+s3], $0x50, $0x38;
	[tilespmem:$0x16A00] =	vst v63  }
0x27: {  	s6 =	rddreg [dreg:$0x7]  }
0x28: {  	[tilespmem:s21], [sflag:$0x6] =	stream.linear.gather [hbm4b:s6+s3], $0x50, $0x38;
	[tilespmem:$0x16A00] =	vst v63  }
0x29: {  	_ = 	snop  }
0x2a: {  	[tilespmem:s22], [sflag:$0x7] =	stream.linear.gather [hbm4b:s8+s3], $0x50, $0x38;
	[tilespmem:$0x16A00] =	vst v63  }
0x2b: {  	_ = 	snop  }
0x2c: {  	[tilespmem:s23], [sflag:$0x8] =	stream.linear.gather [hbm4b:s9+s3], $0x50, $0x38;
	[tilespmem:$0x16A00] =	vst v63  }
0x2d: {  	_ =	swait.ge [sflag:s24], $0x50  }
0x2e: {  	[sflag:s24] =	ssyncset.done $0x0  }
0x2f: {  	[sflag:s24] =	ssyncadd.s32 $0xFFFFFFB0  }
0x30: {  	[spmem:s2] =	stream.indirect.scatter.add.f32 [tilespmem:s17], [sflag:$0x1], $0x80, s3, s25, $0xb8;
	[tilespmem:$0x16A00] =	vst v63  }
0x31: {  	_ =	swait.ge [sflag:s26], $0x50  }
0x32: {  	[sflag:s26] =	ssyncset.done $0x0  }
0x33: {  	[sflag:s26] =	ssyncadd.s32 $0xFFFFFFB0  }
0x34: {  	[spmem:s2] =	stream.indirect.scatter.add.f32 [tilespmem:s17], [sflag:$0x2], $0x80, s21, s25, $0xb8;
	[tilespmem:$0x16A00] =	vst v63  }
0x35: {  	_ =	swait.ge [sflag:s28], $0x50  }
0x36: {  	[sflag:s28] =	ssyncset.done $0x0  }
0x37: {  	[sflag:s28] =	ssyncadd.s32 $0xFFFFFFB0  }
0x38: {  	[spmem:s2] =	stream.indirect.scatter.add.f32 [tilespmem:s17], [sflag:$0x3], $0x80, s22, s25, $0xb8;
	[tilespmem:$0x16A00] =	vst v63  }
0x39: {  	_ =	swait.ge [sflag:s29], $0x50  }
0x3a: {  	[sflag:s29] =	ssyncset.done $0x0  }
0x3b: {  	[sflag:s29] =	ssyncadd.s32 $0xFFFFFFB0  }
0x3c: {  	[spmem:s2] =	stream.indirect.scatter.add.f32 [tilespmem:s17], [sflag:$0x4], $0x80, s23, s25, $0xb8;
	[tilespmem:$0x16A00] =	vst v63  }
0x3d: {  	_ =	swait.ge [sflag:s30], $0x2800  }
0x3e: {  	[sflag:s30] =	ssyncset.done $0x0  }
0x3f: {  	s7 =	sadd.s32 $0x0, s16;
	[sflag:s30] =	ssyncadd.s32 $0xFFFFD800  }
0x40: {  	[tilespmem:s3], [sflag:$0x5] =	stream.linear.gather [hbm4b:s7+s3], $0x50, $0x38;
	[tilespmem:$0x16A00] =	vst v63  }
0x41: {  	_ =	swait.ge [sflag:s31], $0x2800  }
0x42: {  	[sflag:s31] =	ssyncset.done $0x0  }
0x43: {  	s6 =	sadd.s32 $0x0, s15;
	[sflag:s31] =	ssyncadd.s32 $0xFFFFD800  }
0x44: {  	[tilespmem:s21], [sflag:$0x6] =	stream.linear.gather [hbm4b:s6+s3], $0x50, $0x38;
	[tilespmem:$0x16A00] =	vst v63  }
0x45: {  	_ =	swait.ge [sflag:s0], $0x2800  }
0x46: {  	[sflag:s0] =	ssyncset.done $0x0  }
0x47: {  	s7 =	sadd.s32 $0x0, s14;
	[sflag:s0] =	ssyncadd.s32 $0xFFFFD800  }
0x48: {  	[tilespmem:s22], [sflag:$0x7] =	stream.linear.gather [hbm4b:s7+s3], $0x50, $0x38;
	[tilespmem:$0x16A00] =	vst v63  }
0x49: {  	_ =	swait.ge [sflag:s1], $0x2800  }
0x4a: {  	[sflag:s1] =	ssyncset.done $0x0  }
0x4b: {  	s5 =	simm.s32 $0x28;
	s6 =	sadd.s32 $0x0, s13;
	[sflag:s1] =	ssyncadd.s32 $0xFFFFD800  }
.LBB2_2:
0x4c: {  	[tilespmem:s23], [sflag:$0x8] =	stream.linear.gather [hbm4b:s6+s3], $0x50, $0x38;
	[tilespmem:$0x16A00] =	vst v63  }
0x4d: {  	s6 =	smov.u32 s5  }
0x4e: {  	p0 =	sne.s32 s5, $0x488;
	s5 =	sadd.s32 $0x28, s5;
	_ =	swait.ge [sflag:s24], $0x50  }
0x4f: {  	[sflag:s24] =	ssyncset.done $0x0  }
0x50: {  	[sflag:s24] =	ssyncadd.s32 $0xFFFFFFB0  }
0x51: {  	[spmem:s2] =	stream.indirect.scatter.add.f32 [tilespmem:s17], [sflag:$0x1], $0x80, s3, s25, $0xb8;
	[tilespmem:$0x16A00] =	vst v63  }
0x52: {  	_ =	swait.ge [sflag:s26], $0x50  }
0x53: {  	[sflag:s26] =	ssyncset.done $0x0  }
0x54: {  	[sflag:s26] =	ssyncadd.s32 $0xFFFFFFB0  }
0x55: {  	[spmem:s2] =	stream.indirect.scatter.add.f32 [tilespmem:s17], [sflag:$0x2], $0x80, s21, s25, $0xb8;
	[tilespmem:$0x16A00] =	vst v63  }
0x56: {  	_ =	swait.ge [sflag:s28], $0x50  }
0x57: {  	[sflag:s28] =	ssyncset.done $0x0  }
0x58: {  	[sflag:s28] =	ssyncadd.s32 $0xFFFFFFB0  }
0x59: {  	[spmem:s2] =	stream.indirect.scatter.add.f32 [tilespmem:s17], [sflag:$0x3], $0x80, s22, s25, $0xb8;
	[tilespmem:$0x16A00] =	vst v63  }
0x5a: {  	_ =	swait.ge [sflag:s29], $0x50  }
0x5b: {  	[sflag:s29] =	ssyncset.done $0x0  }
0x5c: {  	[sflag:s29] =	ssyncadd.s32 $0xFFFFFFB0  }
0x5d: {  	[spmem:s2] =	stream.indirect.scatter.add.f32 [tilespmem:s17], [sflag:$0x4], $0x80, s23, s25, $0xb8;
	[tilespmem:$0x16A00] =	vst v63  }
0x5e: {  	_ =	swait.ge [sflag:s30], $0x2800  }
0x5f: {  	[sflag:s30] =	ssyncset.done $0x0  }
0x60: {  	s7 =	sadd.s32 s6, s16;
	[sflag:s30] =	ssyncadd.s32 $0xFFFFD800  }
0x61: {  	[tilespmem:s3], [sflag:$0x5] =	stream.linear.gather [hbm4b:s7+s3], $0x50, $0x38;
	[tilespmem:$0x16A00] =	vst v63  }
0x62: {  	_ =	swait.ge [sflag:s31], $0x2800  }
0x63: {  	[sflag:s31] =	ssyncset.done $0x0  }
0x64: {  	s7 =	sadd.s32 s6, s15;
	[sflag:s31] =	ssyncadd.s32 $0xFFFFD800  }
0x65: {  	[tilespmem:s21], [sflag:$0x6] =	stream.linear.gather [hbm4b:s7+s3], $0x50, $0x38;
	[tilespmem:$0x16A00] =	vst v63  }
0x66: {  	_ =	swait.ge [sflag:s0], $0x2800  }
0x67: {  	[sflag:s0] =	ssyncset.done $0x0  }
.Ltmp0:
0x68: {  	s7 =	sadd.s32 s6, s14;
	[sflag:s0] =	ssyncadd.s32 $0xFFFFD800;
	(pc) =	sbr.rel @p0 .LBB2_2-.Ltmp0, $4  }
0x69: {  	[tilespmem:s22], [sflag:$0x7] =	stream.linear.gather [hbm4b:s7+s3], $0x50, $0x38;
	[tilespmem:$0x16A00] =	vst v63  }
0x6a: {  	_ =	swait.ge [sflag:s1], $0x2800  }
0x6b: {  	[sflag:s1] =	ssyncset.done $0x0  }
0x6c: {  	s6 =	sadd.s32 s6, s13;
	[sflag:s1] =	ssyncadd.s32 $0xFFFFD800  }
0x6d: {  	[tilespmem:s23], [sflag:$0x8] =	stream.linear.gather [hbm4b:s6+s3], $0x50, $0x38;
	[tilespmem:$0x16A00] =	vst v63  }
0x6e: {  	_ =	swait.ge [sflag:s24], $0x50  }
0x6f: {  	[sflag:s24] =	ssyncset.done $0x0  }
0x70: {  	[sflag:s24] =	ssyncadd.s32 $0xFFFFFFB0  }
0x71: {  	[spmem:s2] =	stream.indirect.scatter.add.f32 [tilespmem:s17], [sflag:$0x1], $0x80, s3, s25, $0xb8;
	[tilespmem:$0x16A00] =	vst v63  }
0x72: {  	_ =	swait.ge [sflag:s26], $0x50  }
0x73: {  	[sflag:s26] =	ssyncset.done $0x0  }
0x74: {  	[sflag:s26] =	ssyncadd.s32 $0xFFFFFFB0  }
0x75: {  	[spmem:s2] =	stream.indirect.scatter.add.f32 [tilespmem:s17], [sflag:$0x2], $0x80, s21, s25, $0xb8;
	[tilespmem:$0x16A00] =	vst v63  }
0x76: {  	_ =	swait.ge [sflag:s28], $0x50  }
0x77: {  	[sflag:s28] =	ssyncset.done $0x0  }
0x78: {  	[sflag:s28] =	ssyncadd.s32 $0xFFFFFFB0  }
0x79: {  	[spmem:s2] =	stream.indirect.scatter.add.f32 [tilespmem:s17], [sflag:$0x3], $0x80, s22, s25, $0xb8;
	[tilespmem:$0x16A00] =	vst v63  }
0x7a: {  	_ =	swait.ge [sflag:s29], $0x50  }
0x7b: {  	[sflag:s29] =	ssyncset.done $0x0  }
0x7c: {  	[sflag:s29] =	ssyncadd.s32 $0xFFFFFFB0  }
0x7d: {  	[spmem:s2] =	stream.indirect.scatter.add.f32 [tilespmem:s17], [sflag:$0x4], $0x80, s23, s25, $0xb8;
	[tilespmem:$0x16A00] =	vst v63  }
0x7e: {  	_ =	swait.ge [sflag:s30], $0x2800  }
0x7f: {  	[sflag:s30] =	ssyncset.done $0x0  }
0x80: {  	[sflag:s30] =	ssyncadd.s32 $0xFFFFD800  }
0x81: {  	[tilespmem:s3], [sflag:$0x5] =	stream.linear.gather [hbm4b:s12+s3], $0x50, $0x38;
	[tilespmem:$0x16A00] =	vst v63  }
0x82: {  	_ =	swait.ge [sflag:s24], $0x50  }
0x83: {  	[sflag:s24] =	ssyncset.done $0x0  }
0x84: {  	[sflag:s24] =	ssyncadd.s32 $0xFFFFFFB0  }
0x85: {  	[spmem:s2] =	stream.indirect.scatter.add.f32 [tilespmem:s17], [sflag:$0x1], $0x80, s3, s25, $0xb8;
	[tilespmem:$0x16A00] =	vst v63  }
0x86: {  	_ =	swait.ge [sflag:s30], $0x2800  }
0x87: {  	[sflag:s30] =	ssyncset.done $0x0  }
0x88: {  	[sflag:s30] =	ssyncadd.s32 $0xFFFFD800  }
0x89: {  	_ =	swait.ge [sflag:s31], $0x2800  }
0x8a: {  	[sflag:s31] =	ssyncset.done $0x0  }
0x8b: {  	[sflag:s31] =	ssyncadd.s32 $0xFFFFD800  }
0x8c: {  	_ =	swait.ge [sflag:s0], $0x2800  }
0x8d: {  	[sflag:s0] =	ssyncset.done $0x0  }
0x8e: {  	[sflag:s0] =	ssyncadd.s32 $0xFFFFD800  }
0x8f: {  	_ =	swait.ge [sflag:s1], $0x2800  }
0x90: {  	s4 =	sadd.s32 $0x1, s4;
	[sflag:s1] =	ssyncset.done $0x0  }
0x91: {  	p0 =	sne.s32 s4, s11;
	[sflag:s1] =	ssyncadd.s32 $0xFFFFD800  }
.Ltmp1:
0x92: {  	[bflag:$0x0] =	sbarrier.arrive $0xFFFF;
	(pc) =	sbr.rel @p0 .LBB2_1-.Ltmp1, $4  }
0x93: {  	[hbm:s10], [sflag:s19] =	dma.local [spmem:s20], $0x2800  }
0x94: {  	_ =	swait.ge [sflag:s18], $0x2800  }
0x95: {  	[sflag:s18] =	ssyncset.done $0x0  }
0x96: {  	[sflag:s18] =	ssyncadd.s32 $0xFFFFD800  }
0x97: {  	_ =	sfence.sel $0x180000  }
0x98: {  	[bflag:$0x0] =	sbarrier.arrive $0xFFFF  }
0x99: {  	_ =	strace $0x90000047  }
0x9a: {  	s0 =	stileid.u32;
	[bflag:$0x2] =	sbarrier.arrive $0xFFFF  }
0x9b: {  	p0 =	sne.s32 s0, $0x0;
	s0 =	rddreg [dreg:$0x3]  }
0x9c: {  	s0 =	sadd.s32 @!p0 $0x100000, s0  }
0x9d: {  	[sflag:s0] =	ssyncadd.tile.s32 @!p0 $0x1;
	_ =	shalt  }
.Lfunc_end2:
_tile_overlayer_lowered:
.L_overlay_start_2:
0x9e: {  	(tag) =	ssettag $0x2  }
0x9f: {  	s0 =	rddreg [dreg:$0x0];
	s2 =	stileid.u32  }
0xa0: {  	s1 =	rddreg [dreg:$0x1];
	p0 =	sne.s32 s2, $0x0  }
0xa1: {  	s3 =	rddreg [dreg:$0x2];
	[bflag:$0x3] =	sbarrier.arrive $0xFFFF;
	s2 =	simm.s32 @!p0 $0x1C09  }
0xa2: {  	[timem:s3], [sflag:s2] =	dma.local @!p0 [hbm:s0], s1  }
0xa3: {  	s0 =	simm.s32 @!p0 $0x9  }
0xa4: {  	_ =	swait.ge @!p0 [sflag:s0], s1  }
0xa5: {  	s1 =	ssub.s32 @!p0 $0x0, s1;
	[sflag:s0] =	ssyncset.done @!p0 $0x0  }
0xa6: {  	[sflag:s0] =	ssyncadd.s32 @!p0 s1  }
0xa7: {  	[bflag:$0x3] =	sbarrier.arrive $0xFFFF  }
0xa8: {  	_ =	shalt  }

</sc_bundles>
